<compile_context>
chip_gen: v7x
topology: tpu7x:2x2x1
jax: 0.10.2.dev20260603
libtpu: 0.0.44.dev20260713+nightly
codegen_flags: <defaults>
</compile_context>

<pallas_src>
import functools

import jax
import jax.numpy as jnp
from jax.experimental.layout import Layout, with_layout_constraint
from jax import lax
from jax.experimental import pallas as pl
from jax.experimental.pallas import tpu as pltpu
from jax.experimental.pallas import tpu_sc as plsc

B = 4096
F = 26
V = 100000
NC = 2
NS = 16
NW = NC * NS
RPW = B // NW
L = 16
EPW = RPW * F


def _lr_body(x_hbm, w_hbm, bias_hbm, out_hbm, xr_v, idx_v, gath_v, acc_v,
             bias_v, sem):
    wid = lax.axis_index("s") * NC + lax.axis_index("c")
    base = wid * RPW

    pltpu.sync_copy(x_hbm.at[pl.ds(base * F, EPW)], xr_v)
    pltpu.sync_copy(bias_hbm, bias_v)

    iota = lax.iota(jnp.int32, L)
    iF = iota * F
    copies = []
    for f in range(F):
        for c in range(RPW // L):
            src = iF + (c * L * F + f)
            idx_v[f, pl.ds(c * L, L)] = plsc.load_gather(xr_v, [src]) + f * V
        copies.append(
            pltpu.async_copy(w_hbm.at[idx_v.at[f]], gath_v.at[f], sem)
        )
    for cp in copies:
        cp.wait()

    bias_r = bias_v[...]
    for c in range(RPW // L):
        sl = pl.ds(c * L, L)
        acc = bias_r
        for f in range(F):
            acc = acc + gath_v[f, sl]
        acc_v[sl] = 1.0 / (1.0 + jnp.exp(-acc))

    pltpu.sync_copy(acc_v, out_hbm.at[pl.ds(base, RPW)])


@jax.jit
def _lr_sc(xflat, wflat, bias16):
    call = functools.partial(
        pl.kernel,
        out_type=jax.ShapeDtypeStruct((B,), jnp.float32),
        mesh=plsc.VectorSubcoreMesh(core_axis_name="c", subcore_axis_name="s"),
        compiler_params=pltpu.CompilerParams(needs_layout_passes=False),
        scratch_types=[
            pltpu.VMEM((EPW,), jnp.int32),
            pltpu.VMEM((F, RPW), jnp.int32),
            pltpu.VMEM((F, RPW), jnp.float32),
            pltpu.VMEM((RPW,), jnp.float32),
            pltpu.VMEM((L,), jnp.float32),
            pltpu.SemaphoreType.DMA,
        ],
    )(_lr_body)
    return call(xflat, wflat, bias16)


def kernel(X, W, bias):
    bias16 = jnp.broadcast_to(bias, (L,))
    wtiled = with_layout_constraint(
        W, Layout(major_to_minor=(2, 0, 1), tiling=((8, 128),))
    )
    wtiled = lax.optimization_barrier(wtiled)
    out = _lr_sc(X.reshape(B * F), wtiled.reshape(F * V), bias16)
    return out.reshape(B, 1)

# --- scband reference (transcript-rebuilt; emitter-appended) ---
"""Pipeline reference for scband-lr-layer-29446295781963 (READ-ONLY COPY).

The authoritative reference and input builder live on the scoring server;
editing this copy changes nothing except your own understanding.
"""

import jax, jax.numpy as jnp
import numpy as np

B = 4096
F = 26
V = 100000

def setup_inputs(seed: int = 0) -> dict:
    key = jax.random.key(seed)
    k1, k2 = jax.random.split(key, 2)
    X = jax.random.randint(k1, (B, F), 0, V).astype(jnp.int32)
    # Per-field scalar weight tables (embedding_dim = 1), one table per sparse field
    W = jax.random.normal(k2, (F, V, 1), dtype=jnp.float32) * 0.01
    bias = jnp.zeros((1,), dtype=jnp.float32)
    return {"X": X, "W": W, "bias": bias}

def reference(X, W, bias):
    # EmbeddingLayer: per-field gather of scalar weights -> list of [B, 1] tensors
    # gathered[b, f, :] = W[f, X[b, f], :]
    field_ids = jnp.arange(W.shape[0])[None, :]  # [1, F]
    gathered = W[field_ids, X]  # [B, F, 1]
    # torch.stack(embed_weights).sum(dim=0) == sum over fields
    output = gathered.sum(axis=1)  # [B, 1]
    output = output + bias
    output = jax.nn.sigmoid(output)  # final_activation = Sigmoid
    return output

if __name__ == "__main__":
    import jax
    _d = setup_inputs()
    print(jax.jit(kernel)(*tuple(_d.values())))

</pallas_src>

<mosaic_0001>
#map = affine_map<(d0, d1) -> (0)>
module attributes {stable_mosaic.version = 14 : i64} {
  func.func @_lr_body(%arg0: i32, %arg1: i32, %arg2: memref<106496xi32, #tpu.memory_space<hbm>>, %arg3: memref<2600000xf32, #tpu.memory_space<hbm>>, %arg4: memref<16xf32, #tpu.memory_space<hbm>>, %arg5: memref<4096xf32, #tpu.memory_space<hbm>>, %arg6: memref<3328xi32, #tpu.memory_space<vmem>>, %arg7: memref<26x128xi32, #tpu.memory_space<vmem>>, %arg8: memref<26x128xf32, #tpu.memory_space<vmem>>, %arg9: memref<128xf32, #tpu.memory_space<vmem>>, %arg10: memref<16xf32, #tpu.memory_space<vmem>>, %arg11: memref<!tpu.dma_semaphore, #tpu.memory_space<semaphore_mem>>) attributes {dimension_semantics = [#tpu.dimension_semantics<core_parallel>, #tpu.dimension_semantics<subcore_parallel>], iteration_bounds = array<i64: 2, 16>, scalar_prefetch = 0 : i64, scratch_operands = 6 : i64, tpu.core_type = #tpu.core_type<sc_vector_subcore>, window_params = [{transform_indices = #map}, {transform_indices = #map}, {transform_indices = #map}, {transform_indices = #map}]} {
    %mul3A = arith.constant 2 : i32
    %mul3A_0 = arith.muli %arg1, %mul3A : i32
    %add3A = arith.addi %mul3A_0, %arg0 : i32
    %mul3A_1 = arith.constant 128 : i32
    %mul3A_2 = arith.muli %add3A, %mul3A_1 : i32
    %mul3A_3 = arith.constant 26 : i32
    %mul3A_4 = arith.muli %mul3A_2, %mul3A_3 : i32
    "tpu.region"() ({
      %run_scoped3A = tpu.sem_alloc : memref<!tpu.dma_semaphore, #tpu.memory_space<semaphore_mem>>
      %dma_start3A_3946 = tpu.memref_slice %arg2[%mul3A_4] : memref<106496xi32, #tpu.memory_space<hbm>> -> memref<3328xi32, #tpu.memory_space<hbm>>
      %dma_start3A_3947 = tpu.memref_slice %arg2[%mul3A_4] : memref<106496xi32, #tpu.memory_space<hbm>> -> memref<3328xi32, #tpu.memory_space<hbm>>
      tpu.enqueue_dma source(%dma_start3A_3947 : memref<3328xi32, #tpu.memory_space<hbm>>) target(%arg6 : memref<3328xi32, #tpu.memory_space<vmem>>) target_semaphore(%run_scoped3A : memref<!tpu.dma_semaphore, #tpu.memory_space<semaphore_mem>>)
      %dma_wait3A_3948 = tpu.memref_slice %arg2[%mul3A_4] : memref<106496xi32, #tpu.memory_space<hbm>> -> memref<3328xi32, #tpu.memory_space<hbm>>
      %dma_wait3A_3949 = tpu.memref_slice %arg2[%mul3A_4] : memref<106496xi32, #tpu.memory_space<hbm>> -> memref<3328xi32, #tpu.memory_space<hbm>>
      tpu.wait_dma2 semaphore(%run_scoped3A : memref<!tpu.dma_semaphore, #tpu.memory_space<semaphore_mem>>) src(%dma_wait3A_3949 : memref<3328xi32, #tpu.memory_space<hbm>>) dst(%arg6 : memref<3328xi32, #tpu.memory_space<vmem>>)
      tpu.yield
    }) : () -> ()
    "tpu.region"() ({
      %run_scoped3A = tpu.sem_alloc : memref<!tpu.dma_semaphore, #tpu.memory_space<semaphore_mem>>
      tpu.enqueue_dma source(%arg4 : memref<16xf32, #tpu.memory_space<hbm>>) target(%arg10 : memref<16xf32, #tpu.memory_space<vmem>>) target_semaphore(%run_scoped3A : memref<!tpu.dma_semaphore, #tpu.memory_space<semaphore_mem>>)
      tpu.wait_dma2 semaphore(%run_scoped3A : memref<!tpu.dma_semaphore, #tpu.memory_space<semaphore_mem>>) src(%arg4 : memref<16xf32, #tpu.memory_space<hbm>>) dst(%arg10 : memref<16xf32, #tpu.memory_space<vmem>>)
      tpu.yield
    }) : () -> ()
    %iota3A = tpu.iota {dimensions = array<i32: 0>} : vector<16xi32>
    %mul3A_5 = arith.constant 26 : i32
    %mul3A_6 = vector.broadcast %mul3A_5 : i32 to vector<16xi32>
    %mul3A_7 = arith.muli %iota3A, %mul3A_6 : vector<16xi32>
    %add3A_8 = arith.constant 0 : i32
    %add3A_9 = vector.broadcast %add3A_8 : i32 to vector<16xi32>
    %add3A_10 = arith.addi %mul3A_7, %add3A_9 : vector<16xi32>
    %gather3A = tpu.vector_load_idx %arg6[%add3A_10] : memref<3328xi32, #tpu.memory_space<vmem>>[vector<16xi32>], vector<16xi32>,
    %add3A_11 = arith.constant 0 : i32
    %add3A_12 = vector.broadcast %add3A_11 : i32 to vector<16xi32>
    %add3A_13 = arith.addi %gather3A, %add3A_12 : vector<16xi32>
    %swap3A = arith.constant 0 : i32
    %swap3A_14 = arith.index_cast %swap3A : i32 to index
    %swap3A_15 = arith.constant 0 : index
    %swap3A_16 = tpu.vector_load %arg7[%swap3A_14, %swap3A_15] {strides = array<i32>} : memref<26x128xi32, #tpu.memory_space<vmem>>, vector<16xi32>,
    tpu.vector_store %arg7[%swap3A_14, %swap3A_15], %add3A_13 {strides = array<i32>} : memref<26x128xi32, #tpu.memory_space<vmem>>, vector<16xi32>,
    %add3A_17 = arith.constant 416 : i32
    %add3A_18 = vector.broadcast %add3A_17 : i32 to vector<16xi32>
    %add3A_19 = arith.addi %mul3A_7, %add3A_18 : vector<16xi32>
    %gather3A_20 = tpu.vector_load_idx %arg6[%add3A_19] : memref<3328xi32, #tpu.memory_space<vmem>>[vector<16xi32>], vector<16xi32>,
    %add3A_21 = arith.constant 0 : i32
    %add3A_22 = vector.broadcast %add3A_21 : i32 to vector<16xi32>
    %add3A_23 = arith.addi %gather3A_20, %add3A_22 : vector<16xi32>
    %swap3A_24 = arith.constant 0 : i32
    %swap3A_25 = arith.index_cast %swap3A_24 : i32 to index
    %swap3A_26 = arith.constant 16 : index
    %swap3A_27 = tpu.vector_load %arg7[%swap3A_25, %swap3A_26] {strides = array<i32>} : memref<26x128xi32, #tpu.memory_space<vmem>>, vector<16xi32>,
    tpu.vector_store %arg7[%swap3A_25, %swap3A_26], %add3A_23 {strides = array<i32>} : memref<26x128xi32, #tpu.memory_space<vmem>>, vector<16xi32>,
    %add3A_28 = arith.constant 832 : i32
    %add3A_29 = vector.broadcast %add3A_28 : i32 to vector<16xi32>
    %add3A_30 = arith.addi %mul3A_7, %add3A_29 : vector<16xi32>
    %gather3A_31 = tpu.vector_load_idx %arg6[%add3A_30] : memref<3328xi32, #tpu.memory_space<vmem>>[vector<16xi32>], vector<16xi32>,
    %add3A_32 = arith.constant 0 : i32
    %add3A_33 = vector.broadcast %add3A_32 : i32 to vector<16xi32>
    %add3A_34 = arith.addi %gather3A_31, %add3A_33 : vector<16xi32>
    %swap3A_35 = arith.constant 0 : i32
    %swap3A_36 = arith.index_cast %swap3A_35 : i32 to index
    %swap3A_37 = arith.constant 32 : index
    %swap3A_38 = tpu.vector_load %arg7[%swap3A_36, %swap3A_37] {strides = array<i32>} : memref<26x128xi32, #tpu.memory_space<vmem>>, vector<16xi32>,
    tpu.vector_store %arg7[%swap3A_36, %swap3A_37], %add3A_34 {strides = array<i32>} : memref<26x128xi32, #tpu.memory_space<vmem>>, vector<16xi32>,
    %add3A_39 = arith.constant 1248 : i32
    %add3A_40 = vector.broadcast %add3A_39 : i32 to vector<16xi32>
    %add3A_41 = arith.addi %mul3A_7, %add3A_40 : vector<16xi32>
    %gather3A_42 = tpu.vector_load_idx %arg6[%add3A_41] : memref<3328xi32, #tpu.memory_space<vmem>>[vector<16xi32>], vector<16xi32>,
    %add3A_43 = arith.constant 0 : i32
    %add3A_44 = vector.broadcast %add3A_43 : i32 to vector<16xi32>
    %add3A_45 = arith.addi %gather3A_42, %add3A_44 : vector<16xi32>
    %swap3A_46 = arith.constant 0 : i32
    %swap3A_47 = arith.index_cast %swap3A_46 : i32 to index
    %swap3A_48 = arith.constant 48 : index
    %swap3A_49 = tpu.vector_load %arg7[%swap3A_47, %swap3A_48] {strides = array<i32>} : memref<26x128xi32, #tpu.memory_space<vmem>>, vector<16xi32>,
    tpu.vector_store %arg7[%swap3A_47, %swap3A_48], %add3A_45 {strides = array<i32>} : memref<26x128xi32, #tpu.memory_space<vmem>>, vector<16xi32>,
    %add3A_50 = arith.constant 1664 : i32
    %add3A_51 = vector.broadcast %add3A_50 : i32 to vector<16xi32>
    %add3A_52 = arith.addi %mul3A_7, %add3A_51 : vector<16xi32>
    %gather3A_53 = tpu.vector_load_idx %arg6[%add3A_52] : memref<3328xi32, #tpu.memory_space<vmem>>[vector<16xi32>], vector<16xi32>,
    %add3A_54 = arith.constant 0 : i32
    %add3A_55 = vector.broadcast %add3A_54 : i32 to vector<16xi32>
    %add3A_56 = arith.addi %gather3A_53, %add3A_55 : vector<16xi32>
    %swap3A_57 = arith.constant 0 : i32
    %swap3A_58 = arith.index_cast %swap3A_57 : i32 to index
    %swap3A_59 = arith.constant 64 : index
    %swap3A_60 = tpu.vector_load %arg7[%swap3A_58, %swap3A_59] {strides = array<i32>} : memref<26x128xi32, #tpu.memory_space<vmem>>, vector<16xi32>,
    tpu.vector_store %arg7[%swap3A_58, %swap3A_59], %add3A_56 {strides = array<i32>} : memref<26x128xi32, #tpu.memory_space<vmem>>, vector<16xi32>,
    %add3A_61 = arith.constant 2080 : i32
    %add3A_62 = vector.broadcast %add3A_61 : i32 to vector<16xi32>
    %add3A_63 = arith.addi %mul3A_7, %add3A_62 : vector<16xi32>
    %gather3A_64 = tpu.vector_load_idx %arg6[%add3A_63] : memref<3328xi32, #tpu.memory_space<vmem>>[vector<16xi32>], vector<16xi32>,
    %add3A_65 = arith.constant 0 : i32
    %add3A_66 = vector.broadcast %add3A_65 : i32 to vector<16xi32>
    %add3A_67 = arith.addi %gather3A_64, %add3A_66 : vector<16xi32>
    %swap3A_68 = arith.constant 0 : i32
    %swap3A_69 = arith.index_cast %swap3A_68 : i32 to index
    %swap3A_70 = arith.constant 80 : index
    %swap3A_71 = tpu.vector_load %arg7[%swap3A_69, %swap3A_70] {strides = array<i32>} : memref<26x128xi32, #tpu.memory_space<vmem>>, vector<16xi32>,
    tpu.vector_store %arg7[%swap3A_69, %swap3A_70], %add3A_67 {strides = array<i32>} : memref<26x128xi32, #tpu.memory_space<vmem>>, vector<16xi32>,
    %add3A_72 = arith.constant 2496 : i32
    %add3A_73 = vector.broadcast %add3A_72 : i32 to vector<16xi32>
    %add3A_74 = arith.addi %mul3A_7, %add3A_73 : vector<16xi32>
    %gather3A_75 = tpu.vector_load_idx %arg6[%add3A_74] : memref<3328xi32, #tpu.memory_space<vmem>>[vector<16xi32>], vector<16xi32>,
    %add3A_76 = arith.constant 0 : i32
    %add3A_77 = vector.broadcast %add3A_76 : i32 to vector<16xi32>
    %add3A_78 = arith.addi %gather3A_75, %add3A_77 : vector<16xi32>
    %swap3A_79 = arith.constant 0 : i32
    %swap3A_80 = arith.index_cast %swap3A_79 : i32 to index
    %swap3A_81 = arith.constant 96 : index
    %swap3A_82 = tpu.vector_load %arg7[%swap3A_80, %swap3A_81] {strides = array<i32>} : memref<26x128xi32, #tpu.memory_space<vmem>>, vector<16xi32>,
    tpu.vector_store %arg7[%swap3A_80, %swap3A_81], %add3A_78 {strides = array<i32>} : memref<26x128xi32, #tpu.memory_space<vmem>>, vector<16xi32>,
    %add3A_83 = arith.constant 2912 : i32
    %add3A_84 = vector.broadcast %add3A_83 : i32 to vector<16xi32>
    %add3A_85 = arith.addi %mul3A_7, %add3A_84 : vector<16xi32>
    %gather3A_86 = tpu.vector_load_idx %arg6[%add3A_85] : memref<3328xi32, #tpu.memory_space<vmem>>[vector<16xi32>], vector<16xi32>,
    %add3A_87 = arith.constant 0 : i32
    %add3A_88 = vector.broadcast %add3A_87 : i32 to vector<16xi32>
    %add3A_89 = arith.addi %gather3A_86, %add3A_88 : vector<16xi32>
    %swap3A_90 = arith.constant 0 : i32
    %swap3A_91 = arith.index_cast %swap3A_90 : i32 to index
    %swap3A_92 = arith.constant 112 : index
    %swap3A_93 = tpu.vector_load %arg7[%swap3A_91, %swap3A_92] {strides = array<i32>} : memref<26x128xi32, #tpu.memory_space<vmem>>, vector<16xi32>,
    tpu.vector_store %arg7[%swap3A_91, %swap3A_92], %add3A_89 {strides = array<i32>} : memref<26x128xi32, #tpu.memory_space<vmem>>, vector<16xi32>,
    %dma_start3A = arith.constant 0 : i32
    %dma_start3A_94 = arith.constant 0 : i32
    %dma_start3A_95 = arith.constant 0 : i32
    %dma_start3A_96 = tpu.memref_slice %arg8[%dma_start3A_94, %dma_start3A_95] : memref<26x128xf32, #tpu.memory_space<vmem>> -> memref<1x128xf32, #tpu.memory_space<vmem>>
    %dma_start3A_97 = tpu.memref_squeeze %dma_start3A_96 : memref<1x128xf32, #tpu.memory_space<vmem>> -> memref<128xf32, #tpu.memory_space<vmem>>
    %dma_start3A_98 = arith.constant 0 : i32
    %dma_start3A_99 = tpu.memref_slice %arg7[%dma_start3A, %dma_start3A_98] : memref<26x128xi32, #tpu.memory_space<vmem>> -> memref<1x128xi32, #tpu.memory_space<vmem>>
    %dma_start3A_100 = tpu.memref_squeeze %dma_start3A_99 : memref<1x128xi32, #tpu.memory_space<vmem>> -> memref<128xi32, #tpu.memory_space<vmem>>
    %dma_start3A_101 = arith.constant 0 : i32
    %dma_start3A_102 = tpu.memref_slice %arg3[%dma_start3A_101] : memref<2600000xf32, #tpu.memory_space<hbm>> -> memref<2600000xf32, #tpu.memory_space<hbm>>
    tpu.enqueue_indirect_dma source(%dma_start3A_102 : memref<2600000xf32, #tpu.memory_space<hbm>>) target(%dma_start3A_97 : memref<128xf32, #tpu.memory_space<vmem>>) offsets(%dma_start3A_100 : memref<128xi32, #tpu.memory_space<vmem>>) semaphore(%arg11 : memref<!tpu.dma_semaphore, #tpu.memory_space<semaphore_mem>>)
    %add3A_103 = arith.constant 1 : i32
    %add3A_104 = vector.broadcast %add3A_103 : i32 to vector<16xi32>
    %add3A_105 = arith.addi %mul3A_7, %add3A_104 : vector<16xi32>
    %gather3A_106 = tpu.vector_load_idx %arg6[%add3A_105] : memref<3328xi32, #tpu.memory_space<vmem>>[vector<16xi32>], vector<16xi32>,
    %add3A_107 = arith.constant 100000 : i32
    %add3A_108 = vector.broadcast %add3A_107 : i32 to vector<16xi32>
    %add3A_109 = arith.addi %gather3A_106, %add3A_108 : vector<16xi32>
    %swap3A_110 = arith.constant 1 : i32
    %swap3A_111 = arith.index_cast %swap3A_110 : i32 to index
    %swap3A_112 = arith.constant 0 : index
    %swap3A_113 = tpu.vector_load %arg7[%swap3A_111, %swap3A_112] {strides = array<i32>} : memref<26x128xi32, #tpu.memory_space<vmem>>, vector<16xi32>,
    tpu.vector_store %arg7[%swap3A_111, %swap3A_112], %add3A_109 {strides = array<i32>} : memref<26x128xi32, #tpu.memory_space<vmem>>, vector<16xi32>,
    %add3A_114 = arith.constant 417 : i32
    %add3A_115 = vector.broadcast %add3A_114 : i32 to vector<16xi32>
    %add3A_116 = arith.addi %mul3A_7, %add3A_115 : vector<16xi32>
    %gather3A_117 = tpu.vector_load_idx %arg6[%add3A_116] : memref<3328xi32, #tpu.memory_space<vmem>>[vector<16xi32>], vector<16xi32>,
    %add3A_118 = arith.constant 100000 : i32
    %add3A_119 = vector.broadcast %add3A_118 : i32 to vector<16xi32>
    %add3A_120 = arith.addi %gather3A_117, %add3A_119 : vector<16xi32>
    %swap3A_121 = arith.constant 1 : i32
    %swap3A_122 = arith.index_cast %swap3A_121 : i32 to index
    %swap3A_123 = arith.constant 16 : index
    %swap3A_124 = tpu.vector_load %arg7[%swap3A_122, %swap3A_123] {strides = array<i32>} : memref<26x128xi32, #tpu.memory_space<vmem>>, vector<16xi32>,
    tpu.vector_store %arg7[%swap3A_122, %swap3A_123], %add3A_120 {strides = array<i32>} : memref<26x128xi32, #tpu.memory_space<vmem>>, vector<16xi32>,
    %add3A_125 = arith.constant 833 : i32
    %add3A_126 = vector.broadcast %add3A_125 : i32 to vector<16xi32>
    %add3A_127 = arith.addi %mul3A_7, %add3A_126 : vector<16xi32>
    %gather3A_128 = tpu.vector_load_idx %arg6[%add3A_127] : memref<3328xi32, #tpu.memory_space<vmem>>[vector<16xi32>], vector<16xi32>,
    %add3A_129 = arith.constant 100000 : i32
    %add3A_130 = vector.broadcast %add3A_129 : i32 to vector<16xi32>
    %add3A_131 = arith.addi %gather3A_128, %add3A_130 : vector<16xi32>
    %swap3A_132 = arith.constant 1 : i32
    %swap3A_133 = arith.index_cast %swap3A_132 : i32 to index
    %swap3A_134 = arith.constant 32 : index
    %swap3A_135 = tpu.vector_load %arg7[%swap3A_133, %swap3A_134] {strides = array<i32>} : memref<26x128xi32, #tpu.memory_space<vmem>>, vector<16xi32>,
    tpu.vector_store %arg7[%swap3A_133, %swap3A_134], %add3A_131 {strides = array<i32>} : memref<26x128xi32, #tpu.memory_space<vmem>>, vector<16xi32>,
    %add3A_136 = arith.constant 1249 : i32
    %add3A_137 = vector.broadcast %add3A_136 : i32 to vector<16xi32>
    %add3A_138 = arith.addi %mul3A_7, %add3A_137 : vector<16xi32>
    %gather3A_139 = tpu.vector_load_idx %arg6[%add3A_138] : memref<3328xi32, #tpu.memory_space<vmem>>[vector<16xi32>], vector<16xi32>,
    %add3A_140 = arith.constant 100000 : i32
    %add3A_141 = vector.broadcast %add3A_140 : i32 to vector<16xi32>
    %add3A_142 = arith.addi %gather3A_139, %add3A_141 : vector<16xi32>
    %swap3A_143 = arith.constant 1 : i32
    %swap3A_144 = arith.index_cast %swap3A_143 : i32 to index
    %swap3A_145 = arith.constant 48 : index
    %swap3A_146 = tpu.vector_load %arg7[%swap3A_144, %swap3A_145] {strides = array<i32>} : memref<26x128xi32, #tpu.memory_space<vmem>>, vector<16xi32>,
    tpu.vector_store %arg7[%swap3A_144, %swap3A_145], %add3A_142 {strides = array<i32>} : memref<26x128xi32, #tpu.memory_space<vmem>>, vector<16xi32>,
    %add3A_147 = arith.constant 1665 : i32
    %add3A_148 = vector.broadcast %add3A_147 : i32 to vector<16xi32>
    %add3A_149 = arith.addi %mul3A_7, %add3A_148 : vector<16xi32>
    %gather3A_150 = tpu.vector_load_idx %arg6[%add3A_149] : memref<3328xi32, #tpu.memory_space<vmem>>[vector<16xi32>], vector<16xi32>,
    %add3A_151 = arith.constant 100000 : i32
    %add3A_152 = vector.broadcast %add3A_151 : i32 to vector<16xi32>
    %add3A_153 = arith.addi %gather3A_150, %add3A_152 : vector<16xi32>
    %swap3A_154 = arith.constant 1 : i32
    %swap3A_155 = arith.index_cast %swap3A_154 : i32 to index
    %swap3A_156 = arith.constant 64 : index
    %swap3A_157 = tpu.vector_load %arg7[%swap3A_155, %swap3A_156] {strides = array<i32>} : memref<26x128xi32, #tpu.memory_space<vmem>>, vector<16xi32>,
    tpu.vector_store %arg7[%swap3A_155, %swap3A_156], %add3A_153 {strides = array<i32>} : memref<26x128xi32, #tpu.memory_space<vmem>>, vector<16xi32>,
    %add3A_158 = arith.constant 2081 : i32
    %add3A_159 = vector.broadcast %add3A_158 : i32 to vector<16xi32>
    %add3A_160 = arith.addi %mul3A_7, %add3A_159 : vector<16xi32>
    %gather3A_161 = tpu.vector_load_idx %arg6[%add3A_160] : memref<3328xi32, #tpu.memory_space<vmem>>[vector<16xi32>], vector<16xi32>,
    %add3A_162 = arith.constant 100000 : i32
    %add3A_163 = vector.broadcast %add3A_162 : i32 to vector<16xi32>
    %add3A_164 = arith.addi %gather3A_161, %add3A_163 : vector<16xi32>
    %swap3A_165 = arith.constant 1 : i32
    %swap3A_166 = arith.index_cast %swap3A_165 : i32 to index
    %swap3A_167 = arith.constant 80 : index
    %swap3A_168 = tpu.vector_load %arg7[%swap3A_166, %swap3A_167] {strides = array<i32>} : memref<26x128xi32, #tpu.memory_space<vmem>>, vector<16xi32>,
    tpu.vector_store %arg7[%swap3A_166, %swap3A_167], %add3A_164 {strides = array<i32>} : memref<26x128xi32, #tpu.memory_space<vmem>>, vector<16xi32>,
    %add3A_169 = arith.constant 2497 : i32
    %add3A_170 = vector.broadcast %add3A_169 : i32 to vector<16xi32>
    %add3A_171 = arith.addi %mul3A_7, %add3A_170 : vector<16xi32>
    %gather3A_172 = tpu.vector_load_idx %arg6[%add3A_171] : memref<3328xi32, #tpu.memory_space<vmem>>[vector<16xi32>], vector<16xi32>,
    %add3A_173 = arith.constant 100000 : i32
    %add3A_174 = vector.broadcast %add3A_173 : i32 to vector<16xi32>
    %add3A_175 = arith.addi %gather3A_172, %add3A_174 : vector<16xi32>
    %swap3A_176 = arith.constant 1 : i32
    %swap3A_177 = arith.index_cast %swap3A_176 : i32 to index
    %swap3A_178 = arith.constant 96 : index
    %swap3A_179 = tpu.vector_load %arg7[%swap3A_177, %swap3A_178] {strides = array<i32>} : memref<26x128xi32, #tpu.memory_space<vmem>>, vector<16xi32>,
    tpu.vector_store %arg7[%swap3A_177, %swap3A_178], %add3A_175 {strides = array<i32>} : memref<26x128xi32, #tpu.memory_space<vmem>>, vector<16xi32>,
    %add3A_180 = arith.constant 2913 : i32
    %add3A_181 = vector.broadcast %add3A_180 : i32 to vector<16xi32>
    %add3A_182 = arith.addi %mul3A_7, %add3A_181 : vector<16xi32>
    %gather3A_183 = tpu.vector_load_idx %arg6[%add3A_182] : memref<3328xi32, #tpu.memory_space<vmem>>[vector<16xi32>], vector<16xi32>,
    %add3A_184 = arith.constant 100000 : i32
    %add3A_185 = vector.broadcast %add3A_184 : i32 to vector<16xi32>
    %add3A_186 = arith.addi %gather3A_183, %add3A_185 : vector<16xi32>
    %swap3A_187 = arith.constant 1 : i32
    %swap3A_188 = arith.index_cast %swap3A_187 : i32 to index
    %swap3A_189 = arith.constant 112 : index
    %swap3A_190 = tpu.vector_load %arg7[%swap3A_188, %swap3A_189] {strides = array<i32>} : memref<26x128xi32, #tpu.memory_space<vmem>>, vector<16xi32>,
    tpu.vector_store %arg7[%swap3A_188, %swap3A_189], %add3A_186 {strides = array<i32>} : memref<26x128xi32, #tpu.memory_space<vmem>>, vector<16xi32>,
    %dma_start3A_191 = arith.constant 1 : i32
    %dma_start3A_192 = arith.constant 1 : i32
    %dma_start3A_193 = arith.constant 0 : i32
    %dma_start3A_194 = tpu.memref_slice %arg8[%dma_start3A_192, %dma_start3A_193] : memref<26x128xf32, #tpu.memory_space<vmem>> -> memref<1x128xf32, #tpu.memory_space<vmem>>
    %dma_start3A_195 = tpu.memref_squeeze %dma_start3A_194 : memref<1x128xf32, #tpu.memory_space<vmem>> -> memref<128xf32, #tpu.memory_space<vmem>>
    %dma_start3A_196 = arith.constant 0 : i32
    %dma_start3A_197 = tpu.memref_slice %arg7[%dma_start3A_191, %dma_start3A_196] : memref<26x128xi32, #tpu.memory_space<vmem>> -> memref<1x128xi32, #tpu.memory_space<vmem>>
    %dma_start3A_198 = tpu.memref_squeeze %dma_start3A_197 : memref<1x128xi32, #tpu.memory_space<vmem>> -> memref<128xi32, #tpu.memory_space<vmem>>
    %dma_start3A_199 = arith.constant 0 : i32
    %dma_start3A_200 = tpu.memref_slice %arg3[%dma_start3A_199] : memref<2600000xf32, #tpu.memory_space<hbm>> -> memref<2600000xf32, #tpu.memory_space<hbm>>
    tpu.enqueue_indirect_dma source(%dma_start3A_200 : memref<2600000xf32, #tpu.memory_space<hbm>>) target(%dma_start3A_195 : memref<128xf32, #tpu.memory_space<vmem>>) offsets(%dma_start3A_198 : memref<128xi32, #tpu.memory_space<vmem>>) semaphore(%arg11 : memref<!tpu.dma_semaphore, #tpu.memory_space<semaphore_mem>>)
    %add3A_201 = arith.constant 2 : i32
    %add3A_202 = vector.broadcast %add3A_201 : i32 to vector<16xi32>
    %add3A_203 = arith.addi %mul3A_7, %add3A_202 : vector<16xi32>
    %gather3A_204 = tpu.vector_load_idx %arg6[%add3A_203] : memref<3328xi32, #tpu.memory_space<vmem>>[vector<16xi32>], vector<16xi32>,
    %add3A_205 = arith.constant 200000 : i32
    %add3A_206 = vector.broadcast %add3A_205 : i32 to vector<16xi32>
    %add3A_207 = arith.addi %gather3A_204, %add3A_206 : vector<16xi32>
    %swap3A_208 = arith.constant 2 : i32
    %swap3A_209 = arith.index_cast %swap3A_208 : i32 to index
    %swap3A_210 = arith.constant 0 : index
    %swap3A_211 = tpu.vector_load %arg7[%swap3A_209, %swap3A_210] {strides = array<i32>} : memref<26x128xi32, #tpu.memory_space<vmem>>, vector<16xi32>,
    tpu.vector_store %arg7[%swap3A_209, %swap3A_210], %add3A_207 {strides = array<i32>} : memref<26x128xi32, #tpu.memory_space<vmem>>, vector<16xi32>,
    %add3A_212 = arith.constant 418 : i32
    %add3A_213 = vector.broadcast %add3A_212 : i32 to vector<16xi32>
    %add3A_214 = arith.addi %mul3A_7, %add3A_213 : vector<16xi32>
    %gather3A_215 = tpu.vector_load_idx %arg6[%add3A_214] : memref<3328xi32, #tpu.memory_space<vmem>>[vector<16xi32>], vector<16xi32>,
    %add3A_216 = arith.constant 200000 : i32
    %add3A_217 = vector.broadcast %add3A_216 : i32 to vector<16xi32>
    %add3A_218 = arith.addi %gather3A_215, %add3A_217 : vector<16xi32>
    %swap3A_219 = arith.constant 2 : i32
    %swap3A_220 = arith.index_cast %swap3A_219 : i32 to index
    %swap3A_221 = arith.constant 16 : index
    %swap3A_222 = tpu.vector_load %arg7[%swap3A_220, %swap3A_221] {strides = array<i32>} : memref<26x128xi32, #tpu.memory_space<vmem>>, vector<16xi32>,
    tpu.vector_store %arg7[%swap3A_220, %swap3A_221], %add3A_218 {strides = array<i32>} : memref<26x128xi32, #tpu.memory_space<vmem>>, vector<16xi32>,
    %add3A_223 = arith.constant 834 : i32
    %add3A_224 = vector.broadcast %add3A_223 : i32 to vector<16xi32>
    %add3A_225 = arith.addi %mul3A_7, %add3A_224 : vector<16xi32>
    %gather3A_226 = tpu.vector_load_idx %arg6[%add3A_225] : memref<3328xi32, #tpu.memory_space<vmem>>[vector<16xi32>], vector<16xi32>,
    %add3A_227 = arith.constant 200000 : i32
    %add3A_228 = vector.broadcast %add3A_227 : i32 to vector<16xi32>
    %add3A_229 = arith.addi %gather3A_226, %add3A_228 : vector<16xi32>
    %swap3A_230 = arith.constant 2 : i32
    %swap3A_231 = arith.index_cast %swap3A_230 : i32 to index
    %swap3A_232 = arith.constant 32 : index
    %swap3A_233 = tpu.vector_load %arg7[%swap3A_231, %swap3A_232] {strides = array<i32>} : memref<26x128xi32, #tpu.memory_space<vmem>>, vector<16xi32>,
    tpu.vector_store %arg7[%swap3A_231, %swap3A_232], %add3A_229 {strides = array<i32>} : memref<26x128xi32, #tpu.memory_space<vmem>>, vector<16xi32>,
    %add3A_234 = arith.constant 1250 : i32
    %add3A_235 = vector.broadcast %add3A_234 : i32 to vector<16xi32>
    %add3A_236 = arith.addi %mul3A_7, %add3A_235 : vector<16xi32>
    %gather3A_237 = tpu.vector_load_idx %arg6[%add3A_236] : memref<3328xi32, #tpu.memory_space<vmem>>[vector<16xi32>], vector<16xi32>,
    %add3A_238 = arith.constant 200000 : i32
    %add3A_239 = vector.broadcast %add3A_238 : i32 to vector<16xi32>
    %add3A_240 = arith.addi %gather3A_237, %add3A_239 : vector<16xi32>
    %swap3A_241 = arith.constant 2 : i32
    %swap3A_242 = arith.index_cast %swap3A_241 : i32 to index
    %swap3A_243 = arith.constant 48 : index
    %swap3A_244 = tpu.vector_load %arg7[%swap3A_242, %swap3A_243] {strides = array<i32>} : memref<26x128xi32, #tpu.memory_space<vmem>>, vector<16xi32>,
    tpu.vector_store %arg7[%swap3A_242, %swap3A_243], %add3A_240 {strides = array<i32>} : memref<26x128xi32, #tpu.memory_space<vmem>>, vector<16xi32>,
    %add3A_245 = arith.constant 1666 : i32
    %add3A_246 = vector.broadcast %add3A_245 : i32 to vector<16xi32>
    %add3A_247 = arith.addi %mul3A_7, %add3A_246 : vector<16xi32>
    %gather3A_248 = tpu.vector_load_idx %arg6[%add3A_247] : memref<3328xi32, #tpu.memory_space<vmem>>[vector<16xi32>], vector<16xi32>,
    %add3A_249 = arith.constant 200000 : i32
    %add3A_250 = vector.broadcast %add3A_249 : i32 to vector<16xi32>
    %add3A_251 = arith.addi %gather3A_248, %add3A_250 : vector<16xi32>
    %swap3A_252 = arith.constant 2 : i32
    %swap3A_253 = arith.index_cast %swap3A_252 : i32 to index
    %swap3A_254 = arith.constant 64 : index
    %swap3A_255 = tpu.vector_load %arg7[%swap3A_253, %swap3A_254] {strides = array<i32>} : memref<26x128xi32, #tpu.memory_space<vmem>>, vector<16xi32>,
    tpu.vector_store %arg7[%swap3A_253, %swap3A_254], %add3A_251 {strides = array<i32>} : memref<26x128xi32, #tpu.memory_space<vmem>>, vector<16xi32>,
    %add3A_256 = arith.constant 2082 : i32
    %add3A_257 = vector.broadcast %add3A_256 : i32 to vector<16xi32>
    %add3A_258 = arith.addi %mul3A_7, %add3A_257 : vector<16xi32>
    %gather3A_259 = tpu.vector_load_idx %arg6[%add3A_258] : memref<3328xi32, #tpu.memory_space<vmem>>[vector<16xi32>], vector<16xi32>,
    %add3A_260 = arith.constant 200000 : i32
    %add3A_261 = vector.broadcast %add3A_260 : i32 to vector<16xi32>
    %add3A_262 = arith.addi %gather3A_259, %add3A_261 : vector<16xi32>
    %swap3A_263 = arith.constant 2 : i32
    %swap3A_264 = arith.index_cast %swap3A_263 : i32 to index
    %swap3A_265 = arith.constant 80 : index
    %swap3A_266 = tpu.vector_load %arg7[%swap3A_264, %swap3A_265] {strides = array<i32>} : memref<26x128xi32, #tpu.memory_space<vmem>>, vector<16xi32>,
    tpu.vector_store %arg7[%swap3A_264, %swap3A_265], %add3A_262 {strides = array<i32>} : memref<26x128xi32, #tpu.memory_space<vmem>>, vector<16xi32>,
    %add3A_267 = arith.constant 2498 : i32
    %add3A_268 = vector.broadcast %add3A_267 : i32 to vector<16xi32>
    %add3A_269 = arith.addi %mul3A_7, %add3A_268 : vector<16xi32>
    %gather3A_270 = tpu.vector_load_idx %arg6[%add3A_269] : memref<3328xi32, #tpu.memory_space<vmem>>[vector<16xi32>], vector<16xi32>,
    %add3A_271 = arith.constant 200000 : i32
    %add3A_272 = vector.broadcast %add3A_271 : i32 to vector<16xi32>
    %add3A_273 = arith.addi %gather3A_270, %add3A_272 : vector<16xi32>
    %swap3A_274 = arith.constant 2 : i32
    %swap3A_275 = arith.index_cast %swap3A_274 : i32 to index
    %swap3A_276 = arith.constant 96 : index
    %swap3A_277 = tpu.vector_load %arg7[%swap3A_275, %swap3A_276] {strides = array<i32>} : memref<26x128xi32, #tpu.memory_space<vmem>>, vector<16xi32>,
    tpu.vector_store %arg7[%swap3A_275, %swap3A_276], %add3A_273 {strides = array<i32>} : memref<26x128xi32, #tpu.memory_space<vmem>>, vector<16xi32>,
    %add3A_278 = arith.constant 2914 : i32
    %add3A_279 = vector.broadcast %add3A_278 : i32 to vector<16xi32>
    %add3A_280 = arith.addi %mul3A_7, %add3A_279 : vector<16xi32>
    %gather3A_281 = tpu.vector_load_idx %arg6[%add3A_280] : memref<3328xi32, #tpu.memory_space<vmem>>[vector<16xi32>], vector<16xi32>,
    %add3A_282 = arith.constant 200000 : i32
    %add3A_283 = vector.broadcast %add3A_282 : i32 to vector<16xi32>
    %add3A_284 = arith.addi %gather3A_281, %add3A_283 : vector<16xi32>
    %swap3A_285 = arith.constant 2 : i32
    %swap3A_286 = arith.index_cast %swap3A_285 : i32 to index
    %swap3A_287 = arith.constant 112 : index
    %swap3A_288 = tpu.vector_load %arg7[%swap3A_286, %swap3A_287] {strides = array<i32>} : memref<26x128xi32, #tpu.memory_space<vmem>>, vector<16xi32>,
    tpu.vector_store %arg7[%swap3A_286, %swap3A_287], %add3A_284 {strides = array<i32>} : memref<26x128xi32, #tpu.memory_space<vmem>>, vector<16xi32>,
    %dma_start3A_289 = arith.constant 2 : i32
    %dma_start3A_290 = arith.constant 2 : i32
    %dma_start3A_291 = arith.constant 0 : i32
    %dma_start3A_292 = tpu.memref_slice %arg8[%dma_start3A_290, %dma_start3A_291] : memref<26x128xf32, #tpu.memory_space<vmem>> -> memref<1x128xf32, #tpu.memory_space<vmem>>
    %dma_start3A_293 = tpu.memref_squeeze %dma_start3A_292 : memref<1x128xf32, #tpu.memory_space<vmem>> -> memref<128xf32, #tpu.memory_space<vmem>>
    %dma_start3A_294 = arith.constant 0 : i32
    %dma_start3A_295 = tpu.memref_slice %arg7[%dma_start3A_289, %dma_start3A_294] : memref<26x128xi32, #tpu.memory_space<vmem>> -> memref<1x128xi32, #tpu.memory_space<vmem>>
    %dma_start3A_296 = tpu.memref_squeeze %dma_start3A_295 : memref<1x128xi32, #tpu.memory_space<vmem>> -> memref<128xi32, #tpu.memory_space<vmem>>
    %dma_start3A_297 = arith.constant 0 : i32
    %dma_start3A_298 = tpu.memref_slice %arg3[%dma_start3A_297] : memref<2600000xf32, #tpu.memory_space<hbm>> -> memref<2600000xf32, #tpu.memory_space<hbm>>
    tpu.enqueue_indirect_dma source(%dma_start3A_298 : memref<2600000xf32, #tpu.memory_space<hbm>>) target(%dma_start3A_293 : memref<128xf32, #tpu.memory_space<vmem>>) offsets(%dma_start3A_296 : memref<128xi32, #tpu.memory_space<vmem>>) semaphore(%arg11 : memref<!tpu.dma_semaphore, #tpu.memory_space<semaphore_mem>>)
    %add3A_299 = arith.constant 3 : i32
    %add3A_300 = vector.broadcast %add3A_299 : i32 to vector<16xi32>
    %add3A_301 = arith.addi %mul3A_7, %add3A_300 : vector<16xi32>
    %gather3A_302 = tpu.vector_load_idx %arg6[%add3A_301] : memref<3328xi32, #tpu.memory_space<vmem>>[vector<16xi32>], vector<16xi32>,
    %add3A_303 = arith.constant 300000 : i32
    %add3A_304 = vector.broadcast %add3A_303 : i32 to vector<16xi32>
    %add3A_305 = arith.addi %gather3A_302, %add3A_304 : vector<16xi32>
    %swap3A_306 = arith.constant 3 : i32
    %swap3A_307 = arith.index_cast %swap3A_306 : i32 to index
    %swap3A_308 = arith.constant 0 : index
    %swap3A_309 = tpu.vector_load %arg7[%swap3A_307, %swap3A_308] {strides = array<i32>} : memref<26x128xi32, #tpu.memory_space<vmem>>, vector<16xi32>,
    tpu.vector_store %arg7[%swap3A_307, %swap3A_308], %add3A_305 {strides = array<i32>} : memref<26x128xi32, #tpu.memory_space<vmem>>, vector<16xi32>,
    %add3A_310 = arith.constant 419 : i32
    %add3A_311 = vector.broadcast %add3A_310 : i32 to vector<16xi32>
    %add3A_312 = arith.addi %mul3A_7, %add3A_311 : vector<16xi32>
    %gather3A_313 = tpu.vector_load_idx %arg6[%add3A_312] : memref<3328xi32, #tpu.memory_space<vmem>>[vector<16xi32>], vector<16xi32>,
    %add3A_314 = arith.constant 300000 : i32
    %add3A_315 = vector.broadcast %add3A_314 : i32 to vector<16xi32>
    %add3A_316 = arith.addi %gather3A_313, %add3A_315 : vector<16xi32>
    %swap3A_317 = arith.constant 3 : i32
    %swap3A_318 = arith.index_cast %swap3A_317 : i32 to index
    %swap3A_319 = arith.constant 16 : index
    %swap3A_320 = tpu.vector_load %arg7[%swap3A_318, %swap3A_319] {strides = array<i32>} : memref<26x128xi32, #tpu.memory_space<vmem>>, vector<16xi32>,
    tpu.vector_store %arg7[%swap3A_318, %swap3A_319], %add3A_316 {strides = array<i32>} : memref<26x128xi32, #tpu.memory_space<vmem>>, vector<16xi32>,
    %add3A_321 = arith.constant 835 : i32
    %add3A_322 = vector.broadcast %add3A_321 : i32 to vector<16xi32>
    %add3A_323 = arith.addi %mul3A_7, %add3A_322 : vector<16xi32>
    %gather3A_324 = tpu.vector_load_idx %arg6[%add3A_323] : memref<3328xi32, #tpu.memory_space<vmem>>[vector<16xi32>], vector<16xi32>,
    %add3A_325 = arith.constant 300000 : i32
    %add3A_326 = vector.broadcast %add3A_325 : i32 to vector<16xi32>
    %add3A_327 = arith.addi %gather3A_324, %add3A_326 : vector<16xi32>
    %swap3A_328 = arith.constant 3 : i32
    %swap3A_329 = arith.index_cast %swap3A_328 : i32 to index
    %swap3A_330 = arith.constant 32 : index
    %swap3A_331 = tpu.vector_load %arg7[%swap3A_329, %swap3A_330] {strides = array<i32>} : memref<26x128xi32, #tpu.memory_space<vmem>>, vector<16xi32>,
    tpu.vector_store %arg7[%swap3A_329, %swap3A_330], %add3A_327 {strides = array<i32>} : memref<26x128xi32, #tpu.memory_space<vmem>>, vector<16xi32>,
    %add3A_332 = arith.constant 1251 : i32
    %add3A_333 = vector.broadcast %add3A_332 : i32 to vector<16xi32>
    %add3A_334 = arith.addi %mul3A_7, %add3A_333 : vector<16xi32>
    %gather3A_335 = tpu.vector_load_idx %arg6[%add3A_334] : memref<3328xi32, #tpu.memory_space<vmem>>[vector<16xi32>], vector<16xi32>,
    %add3A_336 = arith.constant 300000 : i32
    %add3A_337 = vector.broadcast %add3A_336 : i32 to vector<16xi32>
    %add3A_338 = arith.addi %gather3A_335, %add3A_337 : vector<16xi32>
    %swap3A_339 = arith.constant 3 : i32
    %swap3A_340 = arith.index_cast %swap3A_339 : i32 to index
    %swap3A_341 = arith.constant 48 : index
    %swap3A_342 = tpu.vector_load %arg7[%swap3A_340, %swap3A_341] {strides = array<i32>} : memref<26x128xi32, #tpu.memory_space<vmem>>, vector<16xi32>,
    tpu.vector_store %arg7[%swap3A_340, %swap3A_341], %add3A_338 {strides = array<i32>} : memref<26x128xi32, #tpu.memory_space<vmem>>, vector<16xi32>,
    %add3A_343 = arith.constant 1667 : i32
    %add3A_344 = vector.broadcast %add3A_343 : i32 to vector<16xi32>
    %add3A_345 = arith.addi %mul3A_7, %add3A_344 : vector<16xi32>
    %gather3A_346 = tpu.vector_load_idx %arg6[%add3A_345] : memref<3328xi32, #tpu.memory_space<vmem>>[vector<16xi32>], vector<16xi32>,
    %add3A_347 = arith.constant 300000 : i32
    %add3A_348 = vector.broadcast %add3A_347 : i32 to vector<16xi32>
    %add3A_349 = arith.addi %gather3A_346, %add3A_348 : vector<16xi32>
    %swap3A_350 = arith.constant 3 : i32
    %swap3A_351 = arith.index_cast %swap3A_350 : i32 to index
    %swap3A_352 = arith.constant 64 : index
    %swap3A_353 = tpu.vector_load %arg7[%swap3A_351, %swap3A_352] {strides = array<i32>} : memref<26x128xi32, #tpu.memory_space<vmem>>, vector<16xi32>,
    tpu.vector_store %arg7[%swap3A_351, %swap3A_352], %add3A_349 {strides = array<i32>} : memref<26x128xi32, #tpu.memory_space<vmem>>, vector<16xi32>,
    %add3A_354 = arith.constant 2083 : i32
    %add3A_355 = vector.broadcast %add3A_354 : i32 to vector<16xi32>
    %add3A_356 = arith.addi %mul3A_7, %add3A_355 : vector<16xi32>
    %gather3A_357 = tpu.vector_load_idx %arg6[%add3A_356] : memref<3328xi32, #tpu.memory_space<vmem>>[vector<16xi32>], vector<16xi32>,
    %add3A_358 = arith.constant 300000 : i32
    %add3A_359 = vector.broadcast %add3A_358 : i32 to vector<16xi32>
    %add3A_360 = arith.addi %gather3A_357, %add3A_359 : vector<16xi32>
    %swap3A_361 = arith.constant 3 : i32
    %swap3A_362 = arith.index_cast %swap3A_361 : i32 to index
    %swap3A_363 = arith.constant 80 : index
    %swap3A_364 = tpu.vector_load %arg7[%swap3A_362, %swap3A_363] {strides = array<i32>} : memref<26x128xi32, #tpu.memory_space<vmem>>, vector<16xi32>,
    tpu.vector_store %arg7[%swap3A_362, %swap3A_363], %add3A_360 {strides = array<i32>} : memref<26x128xi32, #tpu.memory_space<vmem>>, vector<16xi32>,
    %add3A_365 = arith.constant 2499 : i32
    %add3A_366 = vector.broadcast %add3A_365 : i32 to vector<16xi32>
    %add3A_367 = arith.addi %mul3A_7, %add3A_366 : vector<16xi32>
    %gather3A_368 = tpu.vector_load_idx %arg6[%add3A_367] : memref<3328xi32, #tpu.memory_space<vmem>>[vector<16xi32>], vector<16xi32>,
    %add3A_369 = arith.constant 300000 : i32
    %add3A_370 = vector.broadcast %add3A_369 : i32 to vector<16xi32>
    %add3A_371 = arith.addi %gather3A_368, %add3A_370 : vector<16xi32>
    %swap3A_372 = arith.constant 3 : i32
    %swap3A_373 = arith.index_cast %swap3A_372 : i32 to index
    %swap3A_374 = arith.constant 96 : index
    %swap3A_375 = tpu.vector_load %arg7[%swap3A_373, %swap3A_374] {strides = array<i32>} : memref<26x128xi32, #tpu.memory_space<vmem>>, vector<16xi32>,
    tpu.vector_store %arg7[%swap3A_373, %swap3A_374], %add3A_371 {strides = array<i32>} : memref<26x128xi32, #tpu.memory_space<vmem>>, vector<16xi32>,
    %add3A_376 = arith.constant 2915 : i32
    %add3A_377 = vector.broadcast %add3A_376 : i32 to vector<16xi32>
    %add3A_378 = arith.addi %mul3A_7, %add3A_377 : vector<16xi32>
    %gather3A_379 = tpu.vector_load_idx %arg6[%add3A_378] : memref<3328xi32, #tpu.memory_space<vmem>>[vector<16xi32>], vector<16xi32>,
    %add3A_380 = arith.constant 300000 : i32
    %add3A_381 = vector.broadcast %add3A_380 : i32 to vector<16xi32>
    %add3A_382 = arith.addi %gather3A_379, %add3A_381 : vector<16xi32>
    %swap3A_383 = arith.constant 3 : i32
    %swap3A_384 = arith.index_cast %swap3A_383 : i32 to index
    %swap3A_385 = arith.constant 112 : index
    %swap3A_386 = tpu.vector_load %arg7[%swap3A_384, %swap3A_385] {strides = array<i32>} : memref<26x128xi32, #tpu.memory_space<vmem>>, vector<16xi32>,
    tpu.vector_store %arg7[%swap3A_384, %swap3A_385], %add3A_382 {strides = array<i32>} : memref<26x128xi32, #tpu.memory_space<vmem>>, vector<16xi32>,
    %dma_start3A_387 = arith.constant 3 : i32
    %dma_start3A_388 = arith.constant 3 : i32
    %dma_start3A_389 = arith.constant 0 : i32
    %dma_start3A_390 = tpu.memref_slice %arg8[%dma_start3A_388, %dma_start3A_389] : memref<26x128xf32, #tpu.memory_space<vmem>> -> memref<1x128xf32, #tpu.memory_space<vmem>>
    %dma_start3A_391 = tpu.memref_squeeze %dma_start3A_390 : memref<1x128xf32, #tpu.memory_space<vmem>> -> memref<128xf32, #tpu.memory_space<vmem>>
    %dma_start3A_392 = arith.constant 0 : i32
    %dma_start3A_393 = tpu.memref_slice %arg7[%dma_start3A_387, %dma_start3A_392] : memref<26x128xi32, #tpu.memory_space<vmem>> -> memref<1x128xi32, #tpu.memory_space<vmem>>
    %dma_start3A_394 = tpu.memref_squeeze %dma_start3A_393 : memref<1x128xi32, #tpu.memory_space<vmem>> -> memref<128xi32, #tpu.memory_space<vmem>>
    %dma_start3A_395 = arith.constant 0 : i32
    %dma_start3A_396 = tpu.memref_slice %arg3[%dma_start3A_395] : memref<2600000xf32, #tpu.memory_space<hbm>> -> memref<2600000xf32, #tpu.memory_space<hbm>>
    tpu.enqueue_indirect_dma source(%dma_start3A_396 : memref<2600000xf32, #tpu.memory_space<hbm>>) target(%dma_start3A_391 : memref<128xf32, #tpu.memory_space<vmem>>) offsets(%dma_start3A_394 : memref<128xi32, #tpu.memory_space<vmem>>) semaphore(%arg11 : memref<!tpu.dma_semaphore, #tpu.memory_space<semaphore_mem>>)
    %add3A_397 = arith.constant 4 : i32
    %add3A_398 = vector.broadcast %add3A_397 : i32 to vector<16xi32>
    %add3A_399 = arith.addi %mul3A_7, %add3A_398 : vector<16xi32>
    %gather3A_400 = tpu.vector_load_idx %arg6[%add3A_399] : memref<3328xi32, #tpu.memory_space<vmem>>[vector<16xi32>], vector<16xi32>,
    %add3A_401 = arith.constant 400000 : i32
    %add3A_402 = vector.broadcast %add3A_401 : i32 to vector<16xi32>
    %add3A_403 = arith.addi %gather3A_400, %add3A_402 : vector<16xi32>
    %swap3A_404 = arith.constant 4 : i32
    %swap3A_405 = arith.index_cast %swap3A_404 : i32 to index
    %swap3A_406 = arith.constant 0 : index
    %swap3A_407 = tpu.vector_load %arg7[%swap3A_405, %swap3A_406] {strides = array<i32>} : memref<26x128xi32, #tpu.memory_space<vmem>>, vector<16xi32>,
    tpu.vector_store %arg7[%swap3A_405, %swap3A_406], %add3A_403 {strides = array<i32>} : memref<26x128xi32, #tpu.memory_space<vmem>>, vector<16xi32>,
    %add3A_408 = arith.constant 420 : i32
    %add3A_409 = vector.broadcast %add3A_408 : i32 to vector<16xi32>
    %add3A_410 = arith.addi %mul3A_7, %add3A_409 : vector<16xi32>
    %gather3A_411 = tpu.vector_load_idx %arg6[%add3A_410] : memref<3328xi32, #tpu.memory_space<vmem>>[vector<16xi32>], vector<16xi32>,
    %add3A_412 = arith.constant 400000 : i32
    %add3A_413 = vector.broadcast %add3A_412 : i32 to vector<16xi32>
    %add3A_414 = arith.addi %gather3A_411, %add3A_413 : vector<16xi32>
    %swap3A_415 = arith.constant 4 : i32
    %swap3A_416 = arith.index_cast %swap3A_415 : i32 to index
    %swap3A_417 = arith.constant 16 : index
    %swap3A_418 = tpu.vector_load %arg7[%swap3A_416, %swap3A_417] {strides = array<i32>} : memref<26x128xi32, #tpu.memory_space<vmem>>, vector<16xi32>,
    tpu.vector_store %arg7[%swap3A_416, %swap3A_417], %add3A_414 {strides = array<i32>} : memref<26x128xi32, #tpu.memory_space<vmem>>, vector<16xi32>,
    %add3A_419 = arith.constant 836 : i32
    %add3A_420 = vector.broadcast %add3A_419 : i32 to vector<16xi32>
    %add3A_421 = arith.addi %mul3A_7, %add3A_420 : vector<16xi32>
    %gather3A_422 = tpu.vector_load_idx %arg6[%add3A_421] : memref<3328xi32, #tpu.memory_space<vmem>>[vector<16xi32>], vector<16xi32>,
    %add3A_423 = arith.constant 400000 : i32
    %add3A_424 = vector.broadcast %add3A_423 : i32 to vector<16xi32>
    %add3A_425 = arith.addi %gather3A_422, %add3A_424 : vector<16xi32>
    %swap3A_426 = arith.constant 4 : i32
    %swap3A_427 = arith.index_cast %swap3A_426 : i32 to index
    %swap3A_428 = arith.constant 32 : index
    %swap3A_429 = tpu.vector_load %arg7[%swap3A_427, %swap3A_428] {strides = array<i32>} : memref<26x128xi32, #tpu.memory_space<vmem>>, vector<16xi32>,
    tpu.vector_store %arg7[%swap3A_427, %swap3A_428], %add3A_425 {strides = array<i32>} : memref<26x128xi32, #tpu.memory_space<vmem>>, vector<16xi32>,
    %add3A_430 = arith.constant 1252 : i32
    %add3A_431 = vector.broadcast %add3A_430 : i32 to vector<16xi32>
    %add3A_432 = arith.addi %mul3A_7, %add3A_431 : vector<16xi32>
    %gather3A_433 = tpu.vector_load_idx %arg6[%add3A_432] : memref<3328xi32, #tpu.memory_space<vmem>>[vector<16xi32>], vector<16xi32>,
    %add3A_434 = arith.constant 400000 : i32
    %add3A_435 = vector.broadcast %add3A_434 : i32 to vector<16xi32>
    %add3A_436 = arith.addi %gather3A_433, %add3A_435 : vector<16xi32>
    %swap3A_437 = arith.constant 4 : i32
    %swap3A_438 = arith.index_cast %swap3A_437 : i32 to index
    %swap3A_439 = arith.constant 48 : index
    %swap3A_440 = tpu.vector_load %arg7[%swap3A_438, %swap3A_439] {strides = array<i32>} : memref<26x128xi32, #tpu.memory_space<vmem>>, vector<16xi32>,
    tpu.vector_store %arg7[%swap3A_438, %swap3A_439], %add3A_436 {strides = array<i32>} : memref<26x128xi32, #tpu.memory_space<vmem>>, vector<16xi32>,
    %add3A_441 = arith.constant 1668 : i32
    %add3A_442 = vector.broadcast %add3A_441 : i32 to vector<16xi32>
    %add3A_443 = arith.addi %mul3A_7, %add3A_442 : vector<16xi32>
    %gather3A_444 = tpu.vector_load_idx %arg6[%add3A_443] : memref<3328xi32, #tpu.memory_space<vmem>>[vector<16xi32>], vector<16xi32>,
    %add3A_445 = arith.constant 400000 : i32
    %add3A_446 = vector.broadcast %add3A_445 : i32 to vector<16xi32>
    %add3A_447 = arith.addi %gather3A_444, %add3A_446 : vector<16xi32>
    %swap3A_448 = arith.constant 4 : i32
    %swap3A_449 = arith.index_cast %swap3A_448 : i32 to index
    %swap3A_450 = arith.constant 64 : index
    %swap3A_451 = tpu.vector_load %arg7[%swap3A_449, %swap3A_450] {strides = array<i32>} : memref<26x128xi32, #tpu.memory_space<vmem>>, vector<16xi32>,
    tpu.vector_store %arg7[%swap3A_449, %swap3A_450], %add3A_447 {strides = array<i32>} : memref<26x128xi32, #tpu.memory_space<vmem>>, vector<16xi32>,
    %add3A_452 = arith.constant 2084 : i32
    %add3A_453 = vector.broadcast %add3A_452 : i32 to vector<16xi32>
    %add3A_454 = arith.addi %mul3A_7, %add3A_453 : vector<16xi32>
    %gather3A_455 = tpu.vector_load_idx %arg6[%add3A_454] : memref<3328xi32, #tpu.memory_space<vmem>>[vector<16xi32>], vector<16xi32>,
    %add3A_456 = arith.constant 400000 : i32
    %add3A_457 = vector.broadcast %add3A_456 : i32 to vector<16xi32>
    %add3A_458 = arith.addi %gather3A_455, %add3A_457 : vector<16xi32>
    %swap3A_459 = arith.constant 4 : i32
    %swap3A_460 = arith.index_cast %swap3A_459 : i32 to index
    %swap3A_461 = arith.constant 80 : index
    %swap3A_462 = tpu.vector_load %arg7[%swap3A_460, %swap3A_461] {strides = array<i32>} : memref<26x128xi32, #tpu.memory_space<vmem>>, vector<16xi32>,
    tpu.vector_store %arg7[%swap3A_460, %swap3A_461], %add3A_458 {strides = array<i32>} : memref<26x128xi32, #tpu.memory_space<vmem>>, vector<16xi32>,
    %add3A_463 = arith.constant 2500 : i32
    %add3A_464 = vector.broadcast %add3A_463 : i32 to vector<16xi32>
    %add3A_465 = arith.addi %mul3A_7, %add3A_464 : vector<16xi32>
    %gather3A_466 = tpu.vector_load_idx %arg6[%add3A_465] : memref<3328xi32, #tpu.memory_space<vmem>>[vector<16xi32>], vector<16xi32>,
    %add3A_467 = arith.constant 400000 : i32
    %add3A_468 = vector.broadcast %add3A_467 : i32 to vector<16xi32>
    %add3A_469 = arith.addi %gather3A_466, %add3A_468 : vector<16xi32>
    %swap3A_470 = arith.constant 4 : i32
    %swap3A_471 = arith.index_cast %swap3A_470 : i32 to index
    %swap3A_472 = arith.constant 96 : index
    %swap3A_473 = tpu.vector_load %arg7[%swap3A_471, %swap3A_472] {strides = array<i32>} : memref<26x128xi32, #tpu.memory_space<vmem>>, vector<16xi32>,
    tpu.vector_store %arg7[%swap3A_471, %swap3A_472], %add3A_469 {strides = array<i32>} : memref<26x128xi32, #tpu.memory_space<vmem>>, vector<16xi32>,
    %add3A_474 = arith.constant 2916 : i32
    %add3A_475 = vector.broadcast %add3A_474 : i32 to vector<16xi32>
    %add3A_476 = arith.addi %mul3A_7, %add3A_475 : vector<16xi32>
    %gather3A_477 = tpu.vector_load_idx %arg6[%add3A_476] : memref<3328xi32, #tpu.memory_space<vmem>>[vector<16xi32>], vector<16xi32>,
    %add3A_478 = arith.constant 400000 : i32
    %add3A_479 = vector.broadcast %add3A_478 : i32 to vector<16xi32>
    %add3A_480 = arith.addi %gather3A_477, %add3A_479 : vector<16xi32>
    %swap3A_481 = arith.constant 4 : i32
    %swap3A_482 = arith.index_cast %swap3A_481 : i32 to index
    %swap3A_483 = arith.constant 112 : index
    %swap3A_484 = tpu.vector_load %arg7[%swap3A_482, %swap3A_483] {strides = array<i32>} : memref<26x128xi32, #tpu.memory_space<vmem>>, vector<16xi32>,
    tpu.vector_store %arg7[%swap3A_482, %swap3A_483], %add3A_480 {strides = array<i32>} : memref<26x128xi32, #tpu.memory_space<vmem>>, vector<16xi32>,
    %dma_start3A_485 = arith.constant 4 : i32
    %dma_start3A_486 = arith.constant 4 : i32
    %dma_start3A_487 = arith.constant 0 : i32
    %dma_start3A_488 = tpu.memref_slice %arg8[%dma_start3A_486, %dma_start3A_487] : memref<26x128xf32, #tpu.memory_space<vmem>> -> memref<1x128xf32, #tpu.memory_space<vmem>>
    %dma_start3A_489 = tpu.memref_squeeze %dma_start3A_488 : memref<1x128xf32, #tpu.memory_space<vmem>> -> memref<128xf32, #tpu.memory_space<vmem>>
    %dma_start3A_490 = arith.constant 0 : i32
    %dma_start3A_491 = tpu.memref_slice %arg7[%dma_start3A_485, %dma_start3A_490] : memref<26x128xi32, #tpu.memory_space<vmem>> -> memref<1x128xi32, #tpu.memory_space<vmem>>
    %dma_start3A_492 = tpu.memref_squeeze %dma_start3A_491 : memref<1x128xi32, #tpu.memory_space<vmem>> -> memref<128xi32, #tpu.memory_space<vmem>>
    %dma_start3A_493 = arith.constant 0 : i32
    %dma_start3A_494 = tpu.memref_slice %arg3[%dma_start3A_493] : memref<2600000xf32, #tpu.memory_space<hbm>> -> memref<2600000xf32, #tpu.memory_space<hbm>>
    tpu.enqueue_indirect_dma source(%dma_start3A_494 : memref<2600000xf32, #tpu.memory_space<hbm>>) target(%dma_start3A_489 : memref<128xf32, #tpu.memory_space<vmem>>) offsets(%dma_start3A_492 : memref<128xi32, #tpu.memory_space<vmem>>) semaphore(%arg11 : memref<!tpu.dma_semaphore, #tpu.memory_space<semaphore_mem>>)
    %add3A_495 = arith.constant 5 : i32
    %add3A_496 = vector.broadcast %add3A_495 : i32 to vector<16xi32>
    %add3A_497 = arith.addi %mul3A_7, %add3A_496 : vector<16xi32>
    %gather3A_498 = tpu.vector_load_idx %arg6[%add3A_497] : memref<3328xi32, #tpu.memory_space<vmem>>[vector<16xi32>], vector<16xi32>,
    %add3A_499 = arith.constant 500000 : i32
    %add3A_500 = vector.broadcast %add3A_499 : i32 to vector<16xi32>
    %add3A_501 = arith.addi %gather3A_498, %add3A_500 : vector<16xi32>
    %swap3A_502 = arith.constant 5 : i32
    %swap3A_503 = arith.index_cast %swap3A_502 : i32 to index
    %swap3A_504 = arith.constant 0 : index
    %swap3A_505 = tpu.vector_load %arg7[%swap3A_503, %swap3A_504] {strides = array<i32>} : memref<26x128xi32, #tpu.memory_space<vmem>>, vector<16xi32>,
    tpu.vector_store %arg7[%swap3A_503, %swap3A_504], %add3A_501 {strides = array<i32>} : memref<26x128xi32, #tpu.memory_space<vmem>>, vector<16xi32>,
    %add3A_506 = arith.constant 421 : i32
    %add3A_507 = vector.broadcast %add3A_506 : i32 to vector<16xi32>
    %add3A_508 = arith.addi %mul3A_7, %add3A_507 : vector<16xi32>
    %gather3A_509 = tpu.vector_load_idx %arg6[%add3A_508] : memref<3328xi32, #tpu.memory_space<vmem>>[vector<16xi32>], vector<16xi32>,
    %add3A_510 = arith.constant 500000 : i32
    %add3A_511 = vector.broadcast %add3A_510 : i32 to vector<16xi32>
    %add3A_512 = arith.addi %gather3A_509, %add3A_511 : vector<16xi32>
    %swap3A_513 = arith.constant 5 : i32
    %swap3A_514 = arith.index_cast %swap3A_513 : i32 to index
    %swap3A_515 = arith.constant 16 : index
    %swap3A_516 = tpu.vector_load %arg7[%swap3A_514, %swap3A_515] {strides = array<i32>} : memref<26x128xi32, #tpu.memory_space<vmem>>, vector<16xi32>,
    tpu.vector_store %arg7[%swap3A_514, %swap3A_515], %add3A_512 {strides = array<i32>} : memref<26x128xi32, #tpu.memory_space<vmem>>, vector<16xi32>,
    %add3A_517 = arith.constant 837 : i32
    %add3A_518 = vector.broadcast %add3A_517 : i32 to vector<16xi32>
    %add3A_519 = arith.addi %mul3A_7, %add3A_518 : vector<16xi32>
    %gather3A_520 = tpu.vector_load_idx %arg6[%add3A_519] : memref<3328xi32, #tpu.memory_space<vmem>>[vector<16xi32>], vector<16xi32>,
    %add3A_521 = arith.constant 500000 : i32
    %add3A_522 = vector.broadcast %add3A_521 : i32 to vector<16xi32>
    %add3A_523 = arith.addi %gather3A_520, %add3A_522 : vector<16xi32>
    %swap3A_524 = arith.constant 5 : i32
    %swap3A_525 = arith.index_cast %swap3A_524 : i32 to index
    %swap3A_526 = arith.constant 32 : index
    %swap3A_527 = tpu.vector_load %arg7[%swap3A_525, %swap3A_526] {strides = array<i32>} : memref<26x128xi32, #tpu.memory_space<vmem>>, vector<16xi32>,
    tpu.vector_store %arg7[%swap3A_525, %swap3A_526], %add3A_523 {strides = array<i32>} : memref<26x128xi32, #tpu.memory_space<vmem>>, vector<16xi32>,
    %add3A_528 = arith.constant 1253 : i32
    %add3A_529 = vector.broadcast %add3A_528 : i32 to vector<16xi32>
    %add3A_530 = arith.addi %mul3A_7, %add3A_529 : vector<16xi32>
    %gather3A_531 = tpu.vector_load_idx %arg6[%add3A_530] : memref<3328xi32, #tpu.memory_space<vmem>>[vector<16xi32>], vector<16xi32>,
    %add3A_532 = arith.constant 500000 : i32
    %add3A_533 = vector.broadcast %add3A_532 : i32 to vector<16xi32>
    %add3A_534 = arith.addi %gather3A_531, %add3A_533 : vector<16xi32>
    %swap3A_535 = arith.constant 5 : i32
    %swap3A_536 = arith.index_cast %swap3A_535 : i32 to index
    %swap3A_537 = arith.constant 48 : index
    %swap3A_538 = tpu.vector_load %arg7[%swap3A_536, %swap3A_537] {strides = array<i32>} : memref<26x128xi32, #tpu.memory_space<vmem>>, vector<16xi32>,
    tpu.vector_store %arg7[%swap3A_536, %swap3A_537], %add3A_534 {strides = array<i32>} : memref<26x128xi32, #tpu.memory_space<vmem>>, vector<16xi32>,
    %add3A_539 = arith.constant 1669 : i32
    %add3A_540 = vector.broadcast %add3A_539 : i32 to vector<16xi32>
    %add3A_541 = arith.addi %mul3A_7, %add3A_540 : vector<16xi32>
    %gather3A_542 = tpu.vector_load_idx %arg6[%add3A_541] : memref<3328xi32, #tpu.memory_space<vmem>>[vector<16xi32>], vector<16xi32>,
    %add3A_543 = arith.constant 500000 : i32
    %add3A_544 = vector.broadcast %add3A_543 : i32 to vector<16xi32>
    %add3A_545 = arith.addi %gather3A_542, %add3A_544 : vector<16xi32>
    %swap3A_546 = arith.constant 5 : i32
    %swap3A_547 = arith.index_cast %swap3A_546 : i32 to index
    %swap3A_548 = arith.constant 64 : index
    %swap3A_549 = tpu.vector_load %arg7[%swap3A_547, %swap3A_548] {strides = array<i32>} : memref<26x128xi32, #tpu.memory_space<vmem>>, vector<16xi32>,
    tpu.vector_store %arg7[%swap3A_547, %swap3A_548], %add3A_545 {strides = array<i32>} : memref<26x128xi32, #tpu.memory_space<vmem>>, vector<16xi32>,
    %add3A_550 = arith.constant 2085 : i32
    %add3A_551 = vector.broadcast %add3A_550 : i32 to vector<16xi32>
    %add3A_552 = arith.addi %mul3A_7, %add3A_551 : vector<16xi32>
    %gather3A_553 = tpu.vector_load_idx %arg6[%add3A_552] : memref<3328xi32, #tpu.memory_space<vmem>>[vector<16xi32>], vector<16xi32>,
    %add3A_554 = arith.constant 500000 : i32
    %add3A_555 = vector.broadcast %add3A_554 : i32 to vector<16xi32>
    %add3A_556 = arith.addi %gather3A_553, %add3A_555 : vector<16xi32>
    %swap3A_557 = arith.constant 5 : i32
    %swap3A_558 = arith.index_cast %swap3A_557 : i32 to index
    %swap3A_559 = arith.constant 80 : index
    %swap3A_560 = tpu.vector_load %arg7[%swap3A_558, %swap3A_559] {strides = array<i32>} : memref<26x128xi32, #tpu.memory_space<vmem>>, vector<16xi32>,
    tpu.vector_store %arg7[%swap3A_558, %swap3A_559], %add3A_556 {strides = array<i32>} : memref<26x128xi32, #tpu.memory_space<vmem>>, vector<16xi32>,
    %add3A_561 = arith.constant 2501 : i32
    %add3A_562 = vector.broadcast %add3A_561 : i32 to vector<16xi32>
    %add3A_563 = arith.addi %mul3A_7, %add3A_562 : vector<16xi32>
    %gather3A_564 = tpu.vector_load_idx %arg6[%add3A_563] : memref<3328xi32, #tpu.memory_space<vmem>>[vector<16xi32>], vector<16xi32>,
    %add3A_565 = arith.constant 500000 : i32
    %add3A_566 = vector.broadcast %add3A_565 : i32 to vector<16xi32>
    %add3A_567 = arith.addi %gather3A_564, %add3A_566 : vector<16xi32>
    %swap3A_568 = arith.constant 5 : i32
    %swap3A_569 = arith.index_cast %swap3A_568 : i32 to index
    %swap3A_570 = arith.constant 96 : index
    %swap3A_571 = tpu.vector_load %arg7[%swap3A_569, %swap3A_570] {strides = array<i32>} : memref<26x128xi32, #tpu.memory_space<vmem>>, vector<16xi32>,
    tpu.vector_store %arg7[%swap3A_569, %swap3A_570], %add3A_567 {strides = array<i32>} : memref<26x128xi32, #tpu.memory_space<vmem>>, vector<16xi32>,
    %add3A_572 = arith.constant 2917 : i32
    %add3A_573 = vector.broadcast %add3A_572 : i32 to vector<16xi32>
    %add3A_574 = arith.addi %mul3A_7, %add3A_573 : vector<16xi32>
    %gather3A_575 = tpu.vector_load_idx %arg6[%add3A_574] : memref<3328xi32, #tpu.memory_space<vmem>>[vector<16xi32>], vector<16xi32>,
    %add3A_576 = arith.constant 500000 : i32
    %add3A_577 = vector.broadcast %add3A_576 : i32 to vector<16xi32>
    %add3A_578 = arith.addi %gather3A_575, %add3A_577 : vector<16xi32>
    %swap3A_579 = arith.constant 5 : i32
    %swap3A_580 = arith.index_cast %swap3A_579 : i32 to index
    %swap3A_581 = arith.constant 112 : index
    %swap3A_582 = tpu.vector_load %arg7[%swap3A_580, %swap3A_581] {strides = array<i32>} : memref<26x128xi32, #tpu.memory_space<vmem>>, vector<16xi32>,
    tpu.vector_store %arg7[%swap3A_580, %swap3A_581], %add3A_578 {strides = array<i32>} : memref<26x128xi32, #tpu.memory_space<vmem>>, vector<16xi32>,
    %dma_start3A_583 = arith.constant 5 : i32
    %dma_start3A_584 = arith.constant 5 : i32
    %dma_start3A_585 = arith.constant 0 : i32
    %dma_start3A_586 = tpu.memref_slice %arg8[%dma_start3A_584, %dma_start3A_585] : memref<26x128xf32, #tpu.memory_space<vmem>> -> memref<1x128xf32, #tpu.memory_space<vmem>>
    %dma_start3A_587 = tpu.memref_squeeze %dma_start3A_586 : memref<1x128xf32, #tpu.memory_space<vmem>> -> memref<128xf32, #tpu.memory_space<vmem>>
    %dma_start3A_588 = arith.constant 0 : i32
    %dma_start3A_589 = tpu.memref_slice %arg7[%dma_start3A_583, %dma_start3A_588] : memref<26x128xi32, #tpu.memory_space<vmem>> -> memref<1x128xi32, #tpu.memory_space<vmem>>
    %dma_start3A_590 = tpu.memref_squeeze %dma_start3A_589 : memref<1x128xi32, #tpu.memory_space<vmem>> -> memref<128xi32, #tpu.memory_space<vmem>>
    %dma_start3A_591 = arith.constant 0 : i32
    %dma_start3A_592 = tpu.memref_slice %arg3[%dma_start3A_591] : memref<2600000xf32, #tpu.memory_space<hbm>> -> memref<2600000xf32, #tpu.memory_space<hbm>>
    tpu.enqueue_indirect_dma source(%dma_start3A_592 : memref<2600000xf32, #tpu.memory_space<hbm>>) target(%dma_start3A_587 : memref<128xf32, #tpu.memory_space<vmem>>) offsets(%dma_start3A_590 : memref<128xi32, #tpu.memory_space<vmem>>) semaphore(%arg11 : memref<!tpu.dma_semaphore, #tpu.memory_space<semaphore_mem>>)
    %add3A_593 = arith.constant 6 : i32
    %add3A_594 = vector.broadcast %add3A_593 : i32 to vector<16xi32>
    %add3A_595 = arith.addi %mul3A_7, %add3A_594 : vector<16xi32>
    %gather3A_596 = tpu.vector_load_idx %arg6[%add3A_595] : memref<3328xi32, #tpu.memory_space<vmem>>[vector<16xi32>], vector<16xi32>,
    %add3A_597 = arith.constant 600000 : i32
    %add3A_598 = vector.broadcast %add3A_597 : i32 to vector<16xi32>
    %add3A_599 = arith.addi %gather3A_596, %add3A_598 : vector<16xi32>
    %swap3A_600 = arith.constant 6 : i32
    %swap3A_601 = arith.index_cast %swap3A_600 : i32 to index
    %swap3A_602 = arith.constant 0 : index
    %swap3A_603 = tpu.vector_load %arg7[%swap3A_601, %swap3A_602] {strides = array<i32>} : memref<26x128xi32, #tpu.memory_space<vmem>>, vector<16xi32>,
    tpu.vector_store %arg7[%swap3A_601, %swap3A_602], %add3A_599 {strides = array<i32>} : memref<26x128xi32, #tpu.memory_space<vmem>>, vector<16xi32>,
    %add3A_604 = arith.constant 422 : i32
    %add3A_605 = vector.broadcast %add3A_604 : i32 to vector<16xi32>
    %add3A_606 = arith.addi %mul3A_7, %add3A_605 : vector<16xi32>
    %gather3A_607 = tpu.vector_load_idx %arg6[%add3A_606] : memref<3328xi32, #tpu.memory_space<vmem>>[vector<16xi32>], vector<16xi32>,
    %add3A_608 = arith.constant 600000 : i32
    %add3A_609 = vector.broadcast %add3A_608 : i32 to vector<16xi32>
    %add3A_610 = arith.addi %gather3A_607, %add3A_609 : vector<16xi32>
    %swap3A_611 = arith.constant 6 : i32
    %swap3A_612 = arith.index_cast %swap3A_611 : i32 to index
    %swap3A_613 = arith.constant 16 : index
    %swap3A_614 = tpu.vector_load %arg7[%swap3A_612, %swap3A_613] {strides = array<i32>} : memref<26x128xi32, #tpu.memory_space<vmem>>, vector<16xi32>,
    tpu.vector_store %arg7[%swap3A_612, %swap3A_613], %add3A_610 {strides = array<i32>} : memref<26x128xi32, #tpu.memory_space<vmem>>, vector<16xi32>,
    %add3A_615 = arith.constant 838 : i32
    %add3A_616 = vector.broadcast %add3A_615 : i32 to vector<16xi32>
    %add3A_617 = arith.addi %mul3A_7, %add3A_616 : vector<16xi32>
    %gather3A_618 = tpu.vector_load_idx %arg6[%add3A_617] : memref<3328xi32, #tpu.memory_space<vmem>>[vector<16xi32>], vector<16xi32>,
    %add3A_619 = arith.constant 600000 : i32
    %add3A_620 = vector.broadcast %add3A_619 : i32 to vector<16xi32>
    %add3A_621 = arith.addi %gather3A_618, %add3A_620 : vector<16xi32>
    %swap3A_622 = arith.constant 6 : i32
    %swap3A_623 = arith.index_cast %swap3A_622 : i32 to index
    %swap3A_624 = arith.constant 32 : index
    %swap3A_625 = tpu.vector_load %arg7[%swap3A_623, %swap3A_624] {strides = array<i32>} : memref<26x128xi32, #tpu.memory_space<vmem>>, vector<16xi32>,
    tpu.vector_store %arg7[%swap3A_623, %swap3A_624], %add3A_621 {strides = array<i32>} : memref<26x128xi32, #tpu.memory_space<vmem>>, vector<16xi32>,
    %add3A_626 = arith.constant 1254 : i32
    %add3A_627 = vector.broadcast %add3A_626 : i32 to vector<16xi32>
    %add3A_628 = arith.addi %mul3A_7, %add3A_627 : vector<16xi32>
    %gather3A_629 = tpu.vector_load_idx %arg6[%add3A_628] : memref<3328xi32, #tpu.memory_space<vmem>>[vector<16xi32>], vector<16xi32>,
    %add3A_630 = arith.constant 600000 : i32
    %add3A_631 = vector.broadcast %add3A_630 : i32 to vector<16xi32>
    %add3A_632 = arith.addi %gather3A_629, %add3A_631 : vector<16xi32>
    %swap3A_633 = arith.constant 6 : i32
    %swap3A_634 = arith.index_cast %swap3A_633 : i32 to index
    %swap3A_635 = arith.constant 48 : index
    %swap3A_636 = tpu.vector_load %arg7[%swap3A_634, %swap3A_635] {strides = array<i32>} : memref<26x128xi32, #tpu.memory_space<vmem>>, vector<16xi32>,
    tpu.vector_store %arg7[%swap3A_634, %swap3A_635], %add3A_632 {strides = array<i32>} : memref<26x128xi32, #tpu.memory_space<vmem>>, vector<16xi32>,
    %add3A_637 = arith.constant 1670 : i32
    %add3A_638 = vector.broadcast %add3A_637 : i32 to vector<16xi32>
    %add3A_639 = arith.addi %mul3A_7, %add3A_638 : vector<16xi32>
    %gather3A_640 = tpu.vector_load_idx %arg6[%add3A_639] : memref<3328xi32, #tpu.memory_space<vmem>>[vector<16xi32>], vector<16xi32>,
    %add3A_641 = arith.constant 600000 : i32
    %add3A_642 = vector.broadcast %add3A_641 : i32 to vector<16xi32>
    %add3A_643 = arith.addi %gather3A_640, %add3A_642 : vector<16xi32>
    %swap3A_644 = arith.constant 6 : i32
    %swap3A_645 = arith.index_cast %swap3A_644 : i32 to index
    %swap3A_646 = arith.constant 64 : index
    %swap3A_647 = tpu.vector_load %arg7[%swap3A_645, %swap3A_646] {strides = array<i32>} : memref<26x128xi32, #tpu.memory_space<vmem>>, vector<16xi32>,
    tpu.vector_store %arg7[%swap3A_645, %swap3A_646], %add3A_643 {strides = array<i32>} : memref<26x128xi32, #tpu.memory_space<vmem>>, vector<16xi32>,
    %add3A_648 = arith.constant 2086 : i32
    %add3A_649 = vector.broadcast %add3A_648 : i32 to vector<16xi32>
    %add3A_650 = arith.addi %mul3A_7, %add3A_649 : vector<16xi32>
    %gather3A_651 = tpu.vector_load_idx %arg6[%add3A_650] : memref<3328xi32, #tpu.memory_space<vmem>>[vector<16xi32>], vector<16xi32>,
    %add3A_652 = arith.constant 600000 : i32
    %add3A_653 = vector.broadcast %add3A_652 : i32 to vector<16xi32>
    %add3A_654 = arith.addi %gather3A_651, %add3A_653 : vector<16xi32>
    %swap3A_655 = arith.constant 6 : i32
    %swap3A_656 = arith.index_cast %swap3A_655 : i32 to index
    %swap3A_657 = arith.constant 80 : index
    %swap3A_658 = tpu.vector_load %arg7[%swap3A_656, %swap3A_657] {strides = array<i32>} : memref<26x128xi32, #tpu.memory_space<vmem>>, vector<16xi32>,
    tpu.vector_store %arg7[%swap3A_656, %swap3A_657], %add3A_654 {strides = array<i32>} : memref<26x128xi32, #tpu.memory_space<vmem>>, vector<16xi32>,
    %add3A_659 = arith.constant 2502 : i32
    %add3A_660 = vector.broadcast %add3A_659 : i32 to vector<16xi32>
    %add3A_661 = arith.addi %mul3A_7, %add3A_660 : vector<16xi32>
    %gather3A_662 = tpu.vector_load_idx %arg6[%add3A_661] : memref<3328xi32, #tpu.memory_space<vmem>>[vector<16xi32>], vector<16xi32>,
    %add3A_663 = arith.constant 600000 : i32
    %add3A_664 = vector.broadcast %add3A_663 : i32 to vector<16xi32>
    %add3A_665 = arith.addi %gather3A_662, %add3A_664 : vector<16xi32>
    %swap3A_666 = arith.constant 6 : i32
    %swap3A_667 = arith.index_cast %swap3A_666 : i32 to index
    %swap3A_668 = arith.constant 96 : index
    %swap3A_669 = tpu.vector_load %arg7[%swap3A_667, %swap3A_668] {strides = array<i32>} : memref<26x128xi32, #tpu.memory_space<vmem>>, vector<16xi32>,
    tpu.vector_store %arg7[%swap3A_667, %swap3A_668], %add3A_665 {strides = array<i32>} : memref<26x128xi32, #tpu.memory_space<vmem>>, vector<16xi32>,
    %add3A_670 = arith.constant 2918 : i32
    %add3A_671 = vector.broadcast %add3A_670 : i32 to vector<16xi32>
    %add3A_672 = arith.addi %mul3A_7, %add3A_671 : vector<16xi32>
    %gather3A_673 = tpu.vector_load_idx %arg6[%add3A_672] : memref<3328xi32, #tpu.memory_space<vmem>>[vector<16xi32>], vector<16xi32>,
    %add3A_674 = arith.constant 600000 : i32
    %add3A_675 = vector.broadcast %add3A_674 : i32 to vector<16xi32>
    %add3A_676 = arith.addi %gather3A_673, %add3A_675 : vector<16xi32>
    %swap3A_677 = arith.constant 6 : i32
    %swap3A_678 = arith.index_cast %swap3A_677 : i32 to index
    %swap3A_679 = arith.constant 112 : index
    %swap3A_680 = tpu.vector_load %arg7[%swap3A_678, %swap3A_679] {strides = array<i32>} : memref<26x128xi32, #tpu.memory_space<vmem>>, vector<16xi32>,
    tpu.vector_store %arg7[%swap3A_678, %swap3A_679], %add3A_676 {strides = array<i32>} : memref<26x128xi32, #tpu.memory_space<vmem>>, vector<16xi32>,
    %dma_start3A_681 = arith.constant 6 : i32
    %dma_start3A_682 = arith.constant 6 : i32
    %dma_start3A_683 = arith.constant 0 : i32
    %dma_start3A_684 = tpu.memref_slice %arg8[%dma_start3A_682, %dma_start3A_683] : memref<26x128xf32, #tpu.memory_space<vmem>> -> memref<1x128xf32, #tpu.memory_space<vmem>>
    %dma_start3A_685 = tpu.memref_squeeze %dma_start3A_684 : memref<1x128xf32, #tpu.memory_space<vmem>> -> memref<128xf32, #tpu.memory_space<vmem>>
    %dma_start3A_686 = arith.constant 0 : i32
    %dma_start3A_687 = tpu.memref_slice %arg7[%dma_start3A_681, %dma_start3A_686] : memref<26x128xi32, #tpu.memory_space<vmem>> -> memref<1x128xi32, #tpu.memory_space<vmem>>
    %dma_start3A_688 = tpu.memref_squeeze %dma_start3A_687 : memref<1x128xi32, #tpu.memory_space<vmem>> -> memref<128xi32, #tpu.memory_space<vmem>>
    %dma_start3A_689 = arith.constant 0 : i32
    %dma_start3A_690 = tpu.memref_slice %arg3[%dma_start3A_689] : memref<2600000xf32, #tpu.memory_space<hbm>> -> memref<2600000xf32, #tpu.memory_space<hbm>>
    tpu.enqueue_indirect_dma source(%dma_start3A_690 : memref<2600000xf32, #tpu.memory_space<hbm>>) target(%dma_start3A_685 : memref<128xf32, #tpu.memory_space<vmem>>) offsets(%dma_start3A_688 : memref<128xi32, #tpu.memory_space<vmem>>) semaphore(%arg11 : memref<!tpu.dma_semaphore, #tpu.memory_space<semaphore_mem>>)
    %add3A_691 = arith.constant 7 : i32
    %add3A_692 = vector.broadcast %add3A_691 : i32 to vector<16xi32>
    %add3A_693 = arith.addi %mul3A_7, %add3A_692 : vector<16xi32>
    %gather3A_694 = tpu.vector_load_idx %arg6[%add3A_693] : memref<3328xi32, #tpu.memory_space<vmem>>[vector<16xi32>], vector<16xi32>,
    %add3A_695 = arith.constant 700000 : i32
    %add3A_696 = vector.broadcast %add3A_695 : i32 to vector<16xi32>
    %add3A_697 = arith.addi %gather3A_694, %add3A_696 : vector<16xi32>
    %swap3A_698 = arith.constant 7 : i32
    %swap3A_699 = arith.index_cast %swap3A_698 : i32 to index
    %swap3A_700 = arith.constant 0 : index
    %swap3A_701 = tpu.vector_load %arg7[%swap3A_699, %swap3A_700] {strides = array<i32>} : memref<26x128xi32, #tpu.memory_space<vmem>>, vector<16xi32>,
    tpu.vector_store %arg7[%swap3A_699, %swap3A_700], %add3A_697 {strides = array<i32>} : memref<26x128xi32, #tpu.memory_space<vmem>>, vector<16xi32>,
    %add3A_702 = arith.constant 423 : i32
    %add3A_703 = vector.broadcast %add3A_702 : i32 to vector<16xi32>
    %add3A_704 = arith.addi %mul3A_7, %add3A_703 : vector<16xi32>
    %gather3A_705 = tpu.vector_load_idx %arg6[%add3A_704] : memref<3328xi32, #tpu.memory_space<vmem>>[vector<16xi32>], vector<16xi32>,
    %add3A_706 = arith.constant 700000 : i32
    %add3A_707 = vector.broadcast %add3A_706 : i32 to vector<16xi32>
    %add3A_708 = arith.addi %gather3A_705, %add3A_707 : vector<16xi32>
    %swap3A_709 = arith.constant 7 : i32
    %swap3A_710 = arith.index_cast %swap3A_709 : i32 to index
    %swap3A_711 = arith.constant 16 : index
    %swap3A_712 = tpu.vector_load %arg7[%swap3A_710, %swap3A_711] {strides = array<i32>} : memref<26x128xi32, #tpu.memory_space<vmem>>, vector<16xi32>,
    tpu.vector_store %arg7[%swap3A_710, %swap3A_711], %add3A_708 {strides = array<i32>} : memref<26x128xi32, #tpu.memory_space<vmem>>, vector<16xi32>,
    %add3A_713 = arith.constant 839 : i32
    %add3A_714 = vector.broadcast %add3A_713 : i32 to vector<16xi32>
    %add3A_715 = arith.addi %mul3A_7, %add3A_714 : vector<16xi32>
    %gather3A_716 = tpu.vector_load_idx %arg6[%add3A_715] : memref<3328xi32, #tpu.memory_space<vmem>>[vector<16xi32>], vector<16xi32>,
    %add3A_717 = arith.constant 700000 : i32
    %add3A_718 = vector.broadcast %add3A_717 : i32 to vector<16xi32>
    %add3A_719 = arith.addi %gather3A_716, %add3A_718 : vector<16xi32>
    %swap3A_720 = arith.constant 7 : i32
    %swap3A_721 = arith.index_cast %swap3A_720 : i32 to index
    %swap3A_722 = arith.constant 32 : index
    %swap3A_723 = tpu.vector_load %arg7[%swap3A_721, %swap3A_722] {strides = array<i32>} : memref<26x128xi32, #tpu.memory_space<vmem>>, vector<16xi32>,
    tpu.vector_store %arg7[%swap3A_721, %swap3A_722], %add3A_719 {strides = array<i32>} : memref<26x128xi32, #tpu.memory_space<vmem>>, vector<16xi32>,
    %add3A_724 = arith.constant 1255 : i32
    %add3A_725 = vector.broadcast %add3A_724 : i32 to vector<16xi32>
    %add3A_726 = arith.addi %mul3A_7, %add3A_725 : vector<16xi32>
    %gather3A_727 = tpu.vector_load_idx %arg6[%add3A_726] : memref<3328xi32, #tpu.memory_space<vmem>>[vector<16xi32>], vector<16xi32>,
    %add3A_728 = arith.constant 700000 : i32
    %add3A_729 = vector.broadcast %add3A_728 : i32 to vector<16xi32>
    %add3A_730 = arith.addi %gather3A_727, %add3A_729 : vector<16xi32>
    %swap3A_731 = arith.constant 7 : i32
    %swap3A_732 = arith.index_cast %swap3A_731 : i32 to index
    %swap3A_733 = arith.constant 48 : index
    %swap3A_734 = tpu.vector_load %arg7[%swap3A_732, %swap3A_733] {strides = array<i32>} : memref<26x128xi32, #tpu.memory_space<vmem>>, vector<16xi32>,
    tpu.vector_store %arg7[%swap3A_732, %swap3A_733], %add3A_730 {strides = array<i32>} : memref<26x128xi32, #tpu.memory_space<vmem>>, vector<16xi32>,
    %add3A_735 = arith.constant 1671 : i32
    %add3A_736 = vector.broadcast %add3A_735 : i32 to vector<16xi32>
    %add3A_737 = arith.addi %mul3A_7, %add3A_736 : vector<16xi32>
    %gather3A_738 = tpu.vector_load_idx %arg6[%add3A_737] : memref<3328xi32, #tpu.memory_space<vmem>>[vector<16xi32>], vector<16xi32>,
    %add3A_739 = arith.constant 700000 : i32
    %add3A_740 = vector.broadcast %add3A_739 : i32 to vector<16xi32>
    %add3A_741 = arith.addi %gather3A_738, %add3A_740 : vector<16xi32>
    %swap3A_742 = arith.constant 7 : i32
    %swap3A_743 = arith.index_cast %swap3A_742 : i32 to index
    %swap3A_744 = arith.constant 64 : index
    %swap3A_745 = tpu.vector_load %arg7[%swap3A_743, %swap3A_744] {strides = array<i32>} : memref<26x128xi32, #tpu.memory_space<vmem>>, vector<16xi32>,
    tpu.vector_store %arg7[%swap3A_743, %swap3A_744], %add3A_741 {strides = array<i32>} : memref<26x128xi32, #tpu.memory_space<vmem>>, vector<16xi32>,
    %add3A_746 = arith.constant 2087 : i32
    %add3A_747 = vector.broadcast %add3A_746 : i32 to vector<16xi32>
    %add3A_748 = arith.addi %mul3A_7, %add3A_747 : vector<16xi32>
    %gather3A_749 = tpu.vector_load_idx %arg6[%add3A_748] : memref<3328xi32, #tpu.memory_space<vmem>>[vector<16xi32>], vector<16xi32>,
    %add3A_750 = arith.constant 700000 : i32
    %add3A_751 = vector.broadcast %add3A_750 : i32 to vector<16xi32>
    %add3A_752 = arith.addi %gather3A_749, %add3A_751 : vector<16xi32>
    %swap3A_753 = arith.constant 7 : i32
    %swap3A_754 = arith.index_cast %swap3A_753 : i32 to index
    %swap3A_755 = arith.constant 80 : index
    %swap3A_756 = tpu.vector_load %arg7[%swap3A_754, %swap3A_755] {strides = array<i32>} : memref<26x128xi32, #tpu.memory_space<vmem>>, vector<16xi32>,
    tpu.vector_store %arg7[%swap3A_754, %swap3A_755], %add3A_752 {strides = array<i32>} : memref<26x128xi32, #tpu.memory_space<vmem>>, vector<16xi32>,
    %add3A_757 = arith.constant 2503 : i32
    %add3A_758 = vector.broadcast %add3A_757 : i32 to vector<16xi32>
    %add3A_759 = arith.addi %mul3A_7, %add3A_758 : vector<16xi32>
    %gather3A_760 = tpu.vector_load_idx %arg6[%add3A_759] : memref<3328xi32, #tpu.memory_space<vmem>>[vector<16xi32>], vector<16xi32>,
    %add3A_761 = arith.constant 700000 : i32
    %add3A_762 = vector.broadcast %add3A_761 : i32 to vector<16xi32>
    %add3A_763 = arith.addi %gather3A_760, %add3A_762 : vector<16xi32>
    %swap3A_764 = arith.constant 7 : i32
    %swap3A_765 = arith.index_cast %swap3A_764 : i32 to index
    %swap3A_766 = arith.constant 96 : index
    %swap3A_767 = tpu.vector_load %arg7[%swap3A_765, %swap3A_766] {strides = array<i32>} : memref<26x128xi32, #tpu.memory_space<vmem>>, vector<16xi32>,
    tpu.vector_store %arg7[%swap3A_765, %swap3A_766], %add3A_763 {strides = array<i32>} : memref<26x128xi32, #tpu.memory_space<vmem>>, vector<16xi32>,
    %add3A_768 = arith.constant 2919 : i32
    %add3A_769 = vector.broadcast %add3A_768 : i32 to vector<16xi32>
    %add3A_770 = arith.addi %mul3A_7, %add3A_769 : vector<16xi32>
    %gather3A_771 = tpu.vector_load_idx %arg6[%add3A_770] : memref<3328xi32, #tpu.memory_space<vmem>>[vector<16xi32>], vector<16xi32>,
    %add3A_772 = arith.constant 700000 : i32
    %add3A_773 = vector.broadcast %add3A_772 : i32 to vector<16xi32>
    %add3A_774 = arith.addi %gather3A_771, %add3A_773 : vector<16xi32>
    %swap3A_775 = arith.constant 7 : i32
    %swap3A_776 = arith.index_cast %swap3A_775 : i32 to index
    %swap3A_777 = arith.constant 112 : index
    %swap3A_778 = tpu.vector_load %arg7[%swap3A_776, %swap3A_777] {strides = array<i32>} : memref<26x128xi32, #tpu.memory_space<vmem>>, vector<16xi32>,
    tpu.vector_store %arg7[%swap3A_776, %swap3A_777], %add3A_774 {strides = array<i32>} : memref<26x128xi32, #tpu.memory_space<vmem>>, vector<16xi32>,
    %dma_start3A_779 = arith.constant 7 : i32
    %dma_start3A_780 = arith.constant 7 : i32
    %dma_start3A_781 = arith.constant 0 : i32
    %dma_start3A_782 = tpu.memref_slice %arg8[%dma_start3A_780, %dma_start3A_781] : memref<26x128xf32, #tpu.memory_space<vmem>> -> memref<1x128xf32, #tpu.memory_space<vmem>>
    %dma_start3A_783 = tpu.memref_squeeze %dma_start3A_782 : memref<1x128xf32, #tpu.memory_space<vmem>> -> memref<128xf32, #tpu.memory_space<vmem>>
    %dma_start3A_784 = arith.constant 0 : i32
    %dma_start3A_785 = tpu.memref_slice %arg7[%dma_start3A_779, %dma_start3A_784] : memref<26x128xi32, #tpu.memory_space<vmem>> -> memref<1x128xi32, #tpu.memory_space<vmem>>
    %dma_start3A_786 = tpu.memref_squeeze %dma_start3A_785 : memref<1x128xi32, #tpu.memory_space<vmem>> -> memref<128xi32, #tpu.memory_space<vmem>>
    %dma_start3A_787 = arith.constant 0 : i32
    %dma_start3A_788 = tpu.memref_slice %arg3[%dma_start3A_787] : memref<2600000xf32, #tpu.memory_space<hbm>> -> memref<2600000xf32, #tpu.memory_space<hbm>>
    tpu.enqueue_indirect_dma source(%dma_start3A_788 : memref<2600000xf32, #tpu.memory_space<hbm>>) target(%dma_start3A_783 : memref<128xf32, #tpu.memory_space<vmem>>) offsets(%dma_start3A_786 : memref<128xi32, #tpu.memory_space<vmem>>) semaphore(%arg11 : memref<!tpu.dma_semaphore, #tpu.memory_space<semaphore_mem>>)
    %add3A_789 = arith.constant 8 : i32
    %add3A_790 = vector.broadcast %add3A_789 : i32 to vector<16xi32>
    %add3A_791 = arith.addi %mul3A_7, %add3A_790 : vector<16xi32>
    %gather3A_792 = tpu.vector_load_idx %arg6[%add3A_791] : memref<3328xi32, #tpu.memory_space<vmem>>[vector<16xi32>], vector<16xi32>,
    %add3A_793 = arith.constant 800000 : i32
    %add3A_794 = vector.broadcast %add3A_793 : i32 to vector<16xi32>
    %add3A_795 = arith.addi %gather3A_792, %add3A_794 : vector<16xi32>
    %swap3A_796 = arith.constant 8 : i32
    %swap3A_797 = arith.index_cast %swap3A_796 : i32 to index
    %swap3A_798 = arith.constant 0 : index
    %swap3A_799 = tpu.vector_load %arg7[%swap3A_797, %swap3A_798] {strides = array<i32>} : memref<26x128xi32, #tpu.memory_space<vmem>>, vector<16xi32>,
    tpu.vector_store %arg7[%swap3A_797, %swap3A_798], %add3A_795 {strides = array<i32>} : memref<26x128xi32, #tpu.memory_space<vmem>>, vector<16xi32>,
    %add3A_800 = arith.constant 424 : i32
    %add3A_801 = vector.broadcast %add3A_800 : i32 to vector<16xi32>
    %add3A_802 = arith.addi %mul3A_7, %add3A_801 : vector<16xi32>
    %gather3A_803 = tpu.vector_load_idx %arg6[%add3A_802] : memref<3328xi32, #tpu.memory_space<vmem>>[vector<16xi32>], vector<16xi32>,
    %add3A_804 = arith.constant 800000 : i32
    %add3A_805 = vector.broadcast %add3A_804 : i32 to vector<16xi32>
    %add3A_806 = arith.addi %gather3A_803, %add3A_805 : vector<16xi32>
    %swap3A_807 = arith.constant 8 : i32
    %swap3A_808 = arith.index_cast %swap3A_807 : i32 to index
    %swap3A_809 = arith.constant 16 : index
    %swap3A_810 = tpu.vector_load %arg7[%swap3A_808, %swap3A_809] {strides = array<i32>} : memref<26x128xi32, #tpu.memory_space<vmem>>, vector<16xi32>,
    tpu.vector_store %arg7[%swap3A_808, %swap3A_809], %add3A_806 {strides = array<i32>} : memref<26x128xi32, #tpu.memory_space<vmem>>, vector<16xi32>,
    %add3A_811 = arith.constant 840 : i32
    %add3A_812 = vector.broadcast %add3A_811 : i32 to vector<16xi32>
    %add3A_813 = arith.addi %mul3A_7, %add3A_812 : vector<16xi32>
    %gather3A_814 = tpu.vector_load_idx %arg6[%add3A_813] : memref<3328xi32, #tpu.memory_space<vmem>>[vector<16xi32>], vector<16xi32>,
    %add3A_815 = arith.constant 800000 : i32
    %add3A_816 = vector.broadcast %add3A_815 : i32 to vector<16xi32>
    %add3A_817 = arith.addi %gather3A_814, %add3A_816 : vector<16xi32>
    %swap3A_818 = arith.constant 8 : i32
    %swap3A_819 = arith.index_cast %swap3A_818 : i32 to index
    %swap3A_820 = arith.constant 32 : index
    %swap3A_821 = tpu.vector_load %arg7[%swap3A_819, %swap3A_820] {strides = array<i32>} : memref<26x128xi32, #tpu.memory_space<vmem>>, vector<16xi32>,
    tpu.vector_store %arg7[%swap3A_819, %swap3A_820], %add3A_817 {strides = array<i32>} : memref<26x128xi32, #tpu.memory_space<vmem>>, vector<16xi32>,
    %add3A_822 = arith.constant 1256 : i32
    %add3A_823 = vector.broadcast %add3A_822 : i32 to vector<16xi32>
    %add3A_824 = arith.addi %mul3A_7, %add3A_823 : vector<16xi32>
    %gather3A_825 = tpu.vector_load_idx %arg6[%add3A_824] : memref<3328xi32, #tpu.memory_space<vmem>>[vector<16xi32>], vector<16xi32>,
    %add3A_826 = arith.constant 800000 : i32
    %add3A_827 = vector.broadcast %add3A_826 : i32 to vector<16xi32>
    %add3A_828 = arith.addi %gather3A_825, %add3A_827 : vector<16xi32>
    %swap3A_829 = arith.constant 8 : i32
    %swap3A_830 = arith.index_cast %swap3A_829 : i32 to index
    %swap3A_831 = arith.constant 48 : index
    %swap3A_832 = tpu.vector_load %arg7[%swap3A_830, %swap3A_831] {strides = array<i32>} : memref<26x128xi32, #tpu.memory_space<vmem>>, vector<16xi32>,
    tpu.vector_store %arg7[%swap3A_830, %swap3A_831], %add3A_828 {strides = array<i32>} : memref<26x128xi32, #tpu.memory_space<vmem>>, vector<16xi32>,
    %add3A_833 = arith.constant 1672 : i32
    %add3A_834 = vector.broadcast %add3A_833 : i32 to vector<16xi32>
    %add3A_835 = arith.addi %mul3A_7, %add3A_834 : vector<16xi32>
    %gather3A_836 = tpu.vector_load_idx %arg6[%add3A_835] : memref<3328xi32, #tpu.memory_space<vmem>>[vector<16xi32>], vector<16xi32>,
    %add3A_837 = arith.constant 800000 : i32
    %add3A_838 = vector.broadcast %add3A_837 : i32 to vector<16xi32>
    %add3A_839 = arith.addi %gather3A_836, %add3A_838 : vector<16xi32>
    %swap3A_840 = arith.constant 8 : i32
    %swap3A_841 = arith.index_cast %swap3A_840 : i32 to index
    %swap3A_842 = arith.constant 64 : index
    %swap3A_843 = tpu.vector_load %arg7[%swap3A_841, %swap3A_842] {strides = array<i32>} : memref<26x128xi32, #tpu.memory_space<vmem>>, vector<16xi32>,
    tpu.vector_store %arg7[%swap3A_841, %swap3A_842], %add3A_839 {strides = array<i32>} : memref<26x128xi32, #tpu.memory_space<vmem>>, vector<16xi32>,
    %add3A_844 = arith.constant 2088 : i32
    %add3A_845 = vector.broadcast %add3A_844 : i32 to vector<16xi32>
    %add3A_846 = arith.addi %mul3A_7, %add3A_845 : vector<16xi32>
    %gather3A_847 = tpu.vector_load_idx %arg6[%add3A_846] : memref<3328xi32, #tpu.memory_space<vmem>>[vector<16xi32>], vector<16xi32>,
    %add3A_848 = arith.constant 800000 : i32
    %add3A_849 = vector.broadcast %add3A_848 : i32 to vector<16xi32>
    %add3A_850 = arith.addi %gather3A_847, %add3A_849 : vector<16xi32>
    %swap3A_851 = arith.constant 8 : i32
    %swap3A_852 = arith.index_cast %swap3A_851 : i32 to index
    %swap3A_853 = arith.constant 80 : index
    %swap3A_854 = tpu.vector_load %arg7[%swap3A_852, %swap3A_853] {strides = array<i32>} : memref<26x128xi32, #tpu.memory_space<vmem>>, vector<16xi32>,
    tpu.vector_store %arg7[%swap3A_852, %swap3A_853], %add3A_850 {strides = array<i32>} : memref<26x128xi32, #tpu.memory_space<vmem>>, vector<16xi32>,
    %add3A_855 = arith.constant 2504 : i32
    %add3A_856 = vector.broadcast %add3A_855 : i32 to vector<16xi32>
    %add3A_857 = arith.addi %mul3A_7, %add3A_856 : vector<16xi32>
    %gather3A_858 = tpu.vector_load_idx %arg6[%add3A_857] : memref<3328xi32, #tpu.memory_space<vmem>>[vector<16xi32>], vector<16xi32>,
    %add3A_859 = arith.constant 800000 : i32
    %add3A_860 = vector.broadcast %add3A_859 : i32 to vector<16xi32>
    %add3A_861 = arith.addi %gather3A_858, %add3A_860 : vector<16xi32>
    %swap3A_862 = arith.constant 8 : i32
    %swap3A_863 = arith.index_cast %swap3A_862 : i32 to index
    %swap3A_864 = arith.constant 96 : index
    %swap3A_865 = tpu.vector_load %arg7[%swap3A_863, %swap3A_864] {strides = array<i32>} : memref<26x128xi32, #tpu.memory_space<vmem>>, vector<16xi32>,
    tpu.vector_store %arg7[%swap3A_863, %swap3A_864], %add3A_861 {strides = array<i32>} : memref<26x128xi32, #tpu.memory_space<vmem>>, vector<16xi32>,
    %add3A_866 = arith.constant 2920 : i32
    %add3A_867 = vector.broadcast %add3A_866 : i32 to vector<16xi32>
    %add3A_868 = arith.addi %mul3A_7, %add3A_867 : vector<16xi32>
    %gather3A_869 = tpu.vector_load_idx %arg6[%add3A_868] : memref<3328xi32, #tpu.memory_space<vmem>>[vector<16xi32>], vector<16xi32>,
    %add3A_870 = arith.constant 800000 : i32
    %add3A_871 = vector.broadcast %add3A_870 : i32 to vector<16xi32>
    %add3A_872 = arith.addi %gather3A_869, %add3A_871 : vector<16xi32>
    %swap3A_873 = arith.constant 8 : i32
    %swap3A_874 = arith.index_cast %swap3A_873 : i32 to index
    %swap3A_875 = arith.constant 112 : index
    %swap3A_876 = tpu.vector_load %arg7[%swap3A_874, %swap3A_875] {strides = array<i32>} : memref<26x128xi32, #tpu.memory_space<vmem>>, vector<16xi32>,
    tpu.vector_store %arg7[%swap3A_874, %swap3A_875], %add3A_872 {strides = array<i32>} : memref<26x128xi32, #tpu.memory_space<vmem>>, vector<16xi32>,
    %dma_start3A_877 = arith.constant 8 : i32
    %dma_start3A_878 = arith.constant 8 : i32
    %dma_start3A_879 = arith.constant 0 : i32
    %dma_start3A_880 = tpu.memref_slice %arg8[%dma_start3A_878, %dma_start3A_879] : memref<26x128xf32, #tpu.memory_space<vmem>> -> memref<1x128xf32, #tpu.memory_space<vmem>>
    %dma_start3A_881 = tpu.memref_squeeze %dma_start3A_880 : memref<1x128xf32, #tpu.memory_space<vmem>> -> memref<128xf32, #tpu.memory_space<vmem>>
    %dma_start3A_882 = arith.constant 0 : i32
    %dma_start3A_883 = tpu.memref_slice %arg7[%dma_start3A_877, %dma_start3A_882] : memref<26x128xi32, #tpu.memory_space<vmem>> -> memref<1x128xi32, #tpu.memory_space<vmem>>
    %dma_start3A_884 = tpu.memref_squeeze %dma_start3A_883 : memref<1x128xi32, #tpu.memory_space<vmem>> -> memref<128xi32, #tpu.memory_space<vmem>>
    %dma_start3A_885 = arith.constant 0 : i32
    %dma_start3A_886 = tpu.memref_slice %arg3[%dma_start3A_885] : memref<2600000xf32, #tpu.memory_space<hbm>> -> memref<2600000xf32, #tpu.memory_space<hbm>>
    tpu.enqueue_indirect_dma source(%dma_start3A_886 : memref<2600000xf32, #tpu.memory_space<hbm>>) target(%dma_start3A_881 : memref<128xf32, #tpu.memory_space<vmem>>) offsets(%dma_start3A_884 : memref<128xi32, #tpu.memory_space<vmem>>) semaphore(%arg11 : memref<!tpu.dma_semaphore, #tpu.memory_space<semaphore_mem>>)
    %add3A_887 = arith.constant 9 : i32
    %add3A_888 = vector.broadcast %add3A_887 : i32 to vector<16xi32>
    %add3A_889 = arith.addi %mul3A_7, %add3A_888 : vector<16xi32>
    %gather3A_890 = tpu.vector_load_idx %arg6[%add3A_889] : memref<3328xi32, #tpu.memory_space<vmem>>[vector<16xi32>], vector<16xi32>,
    %add3A_891 = arith.constant 900000 : i32
    %add3A_892 = vector.broadcast %add3A_891 : i32 to vector<16xi32>
    %add3A_893 = arith.addi %gather3A_890, %add3A_892 : vector<16xi32>
    %swap3A_894 = arith.constant 9 : i32
    %swap3A_895 = arith.index_cast %swap3A_894 : i32 to index
    %swap3A_896 = arith.constant 0 : index
    %swap3A_897 = tpu.vector_load %arg7[%swap3A_895, %swap3A_896] {strides = array<i32>} : memref<26x128xi32, #tpu.memory_space<vmem>>, vector<16xi32>,
    tpu.vector_store %arg7[%swap3A_895, %swap3A_896], %add3A_893 {strides = array<i32>} : memref<26x128xi32, #tpu.memory_space<vmem>>, vector<16xi32>,
    %add3A_898 = arith.constant 425 : i32
    %add3A_899 = vector.broadcast %add3A_898 : i32 to vector<16xi32>
    %add3A_900 = arith.addi %mul3A_7, %add3A_899 : vector<16xi32>
    %gather3A_901 = tpu.vector_load_idx %arg6[%add3A_900] : memref<3328xi32, #tpu.memory_space<vmem>>[vector<16xi32>], vector<16xi32>,
    %add3A_902 = arith.constant 900000 : i32
    %add3A_903 = vector.broadcast %add3A_902 : i32 to vector<16xi32>
    %add3A_904 = arith.addi %gather3A_901, %add3A_903 : vector<16xi32>
    %swap3A_905 = arith.constant 9 : i32
    %swap3A_906 = arith.index_cast %swap3A_905 : i32 to index
    %swap3A_907 = arith.constant 16 : index
    %swap3A_908 = tpu.vector_load %arg7[%swap3A_906, %swap3A_907] {strides = array<i32>} : memref<26x128xi32, #tpu.memory_space<vmem>>, vector<16xi32>,
    tpu.vector_store %arg7[%swap3A_906, %swap3A_907], %add3A_904 {strides = array<i32>} : memref<26x128xi32, #tpu.memory_space<vmem>>, vector<16xi32>,
    %add3A_909 = arith.constant 841 : i32
    %add3A_910 = vector.broadcast %add3A_909 : i32 to vector<16xi32>
    %add3A_911 = arith.addi %mul3A_7, %add3A_910 : vector<16xi32>
    %gather3A_912 = tpu.vector_load_idx %arg6[%add3A_911] : memref<3328xi32, #tpu.memory_space<vmem>>[vector<16xi32>], vector<16xi32>,
    %add3A_913 = arith.constant 900000 : i32
    %add3A_914 = vector.broadcast %add3A_913 : i32 to vector<16xi32>
    %add3A_915 = arith.addi %gather3A_912, %add3A_914 : vector<16xi32>
    %swap3A_916 = arith.constant 9 : i32
    %swap3A_917 = arith.index_cast %swap3A_916 : i32 to index
    %swap3A_918 = arith.constant 32 : index
    %swap3A_919 = tpu.vector_load %arg7[%swap3A_917, %swap3A_918] {strides = array<i32>} : memref<26x128xi32, #tpu.memory_space<vmem>>, vector<16xi32>,
    tpu.vector_store %arg7[%swap3A_917, %swap3A_918], %add3A_915 {strides = array<i32>} : memref<26x128xi32, #tpu.memory_space<vmem>>, vector<16xi32>,
    %add3A_920 = arith.constant 1257 : i32
    %add3A_921 = vector.broadcast %add3A_920 : i32 to vector<16xi32>
    %add3A_922 = arith.addi %mul3A_7, %add3A_921 : vector<16xi32>
    %gather3A_923 = tpu.vector_load_idx %arg6[%add3A_922] : memref<3328xi32, #tpu.memory_space<vmem>>[vector<16xi32>], vector<16xi32>,
    %add3A_924 = arith.constant 900000 : i32
    %add3A_925 = vector.broadcast %add3A_924 : i32 to vector<16xi32>
    %add3A_926 = arith.addi %gather3A_923, %add3A_925 : vector<16xi32>
    %swap3A_927 = arith.constant 9 : i32
    %swap3A_928 = arith.index_cast %swap3A_927 : i32 to index
    %swap3A_929 = arith.constant 48 : index
    %swap3A_930 = tpu.vector_load %arg7[%swap3A_928, %swap3A_929] {strides = array<i32>} : memref<26x128xi32, #tpu.memory_space<vmem>>, vector<16xi32>,
    tpu.vector_store %arg7[%swap3A_928, %swap3A_929], %add3A_926 {strides = array<i32>} : memref<26x128xi32, #tpu.memory_space<vmem>>, vector<16xi32>,
    %add3A_931 = arith.constant 1673 : i32
    %add3A_932 = vector.broadcast %add3A_931 : i32 to vector<16xi32>
    %add3A_933 = arith.addi %mul3A_7, %add3A_932 : vector<16xi32>
    %gather3A_934 = tpu.vector_load_idx %arg6[%add3A_933] : memref<3328xi32, #tpu.memory_space<vmem>>[vector<16xi32>], vector<16xi32>,
    %add3A_935 = arith.constant 900000 : i32
    %add3A_936 = vector.broadcast %add3A_935 : i32 to vector<16xi32>
    %add3A_937 = arith.addi %gather3A_934, %add3A_936 : vector<16xi32>
    %swap3A_938 = arith.constant 9 : i32
    %swap3A_939 = arith.index_cast %swap3A_938 : i32 to index
    %swap3A_940 = arith.constant 64 : index
    %swap3A_941 = tpu.vector_load %arg7[%swap3A_939, %swap3A_940] {strides = array<i32>} : memref<26x128xi32, #tpu.memory_space<vmem>>, vector<16xi32>,
    tpu.vector_store %arg7[%swap3A_939, %swap3A_940], %add3A_937 {strides = array<i32>} : memref<26x128xi32, #tpu.memory_space<vmem>>, vector<16xi32>,
    %add3A_942 = arith.constant 2089 : i32
    %add3A_943 = vector.broadcast %add3A_942 : i32 to vector<16xi32>
    %add3A_944 = arith.addi %mul3A_7, %add3A_943 : vector<16xi32>
    %gather3A_945 = tpu.vector_load_idx %arg6[%add3A_944] : memref<3328xi32, #tpu.memory_space<vmem>>[vector<16xi32>], vector<16xi32>,
    %add3A_946 = arith.constant 900000 : i32
    %add3A_947 = vector.broadcast %add3A_946 : i32 to vector<16xi32>
    %add3A_948 = arith.addi %gather3A_945, %add3A_947 : vector<16xi32>
    %swap3A_949 = arith.constant 9 : i32
    %swap3A_950 = arith.index_cast %swap3A_949 : i32 to index
    %swap3A_951 = arith.constant 80 : index
    %swap3A_952 = tpu.vector_load %arg7[%swap3A_950, %swap3A_951] {strides = array<i32>} : memref<26x128xi32, #tpu.memory_space<vmem>>, vector<16xi32>,
    tpu.vector_store %arg7[%swap3A_950, %swap3A_951], %add3A_948 {strides = array<i32>} : memref<26x128xi32, #tpu.memory_space<vmem>>, vector<16xi32>,
    %add3A_953 = arith.constant 2505 : i32
    %add3A_954 = vector.broadcast %add3A_953 : i32 to vector<16xi32>
    %add3A_955 = arith.addi %mul3A_7, %add3A_954 : vector<16xi32>
    %gather3A_956 = tpu.vector_load_idx %arg6[%add3A_955] : memref<3328xi32, #tpu.memory_space<vmem>>[vector<16xi32>], vector<16xi32>,
    %add3A_957 = arith.constant 900000 : i32
    %add3A_958 = vector.broadcast %add3A_957 : i32 to vector<16xi32>
    %add3A_959 = arith.addi %gather3A_956, %add3A_958 : vector<16xi32>
    %swap3A_960 = arith.constant 9 : i32
    %swap3A_961 = arith.index_cast %swap3A_960 : i32 to index
    %swap3A_962 = arith.constant 96 : index
    %swap3A_963 = tpu.vector_load %arg7[%swap3A_961, %swap3A_962] {strides = array<i32>} : memref<26x128xi32, #tpu.memory_space<vmem>>, vector<16xi32>,
    tpu.vector_store %arg7[%swap3A_961, %swap3A_962], %add3A_959 {strides = array<i32>} : memref<26x128xi32, #tpu.memory_space<vmem>>, vector<16xi32>,
    %add3A_964 = arith.constant 2921 : i32
    %add3A_965 = vector.broadcast %add3A_964 : i32 to vector<16xi32>
    %add3A_966 = arith.addi %mul3A_7, %add3A_965 : vector<16xi32>
    %gather3A_967 = tpu.vector_load_idx %arg6[%add3A_966] : memref<3328xi32, #tpu.memory_space<vmem>>[vector<16xi32>], vector<16xi32>,
    %add3A_968 = arith.constant 900000 : i32
    %add3A_969 = vector.broadcast %add3A_968 : i32 to vector<16xi32>
    %add3A_970 = arith.addi %gather3A_967, %add3A_969 : vector<16xi32>
    %swap3A_971 = arith.constant 9 : i32
    %swap3A_972 = arith.index_cast %swap3A_971 : i32 to index
    %swap3A_973 = arith.constant 112 : index
    %swap3A_974 = tpu.vector_load %arg7[%swap3A_972, %swap3A_973] {strides = array<i32>} : memref<26x128xi32, #tpu.memory_space<vmem>>, vector<16xi32>,
    tpu.vector_store %arg7[%swap3A_972, %swap3A_973], %add3A_970 {strides = array<i32>} : memref<26x128xi32, #tpu.memory_space<vmem>>, vector<16xi32>,
    %dma_start3A_975 = arith.constant 9 : i32
    %dma_start3A_976 = arith.constant 9 : i32
    %dma_start3A_977 = arith.constant 0 : i32
    %dma_start3A_978 = tpu.memref_slice %arg8[%dma_start3A_976, %dma_start3A_977] : memref<26x128xf32, #tpu.memory_space<vmem>> -> memref<1x128xf32, #tpu.memory_space<vmem>>
    %dma_start3A_979 = tpu.memref_squeeze %dma_start3A_978 : memref<1x128xf32, #tpu.memory_space<vmem>> -> memref<128xf32, #tpu.memory_space<vmem>>
    %dma_start3A_980 = arith.constant 0 : i32
    %dma_start3A_981 = tpu.memref_slice %arg7[%dma_start3A_975, %dma_start3A_980] : memref<26x128xi32, #tpu.memory_space<vmem>> -> memref<1x128xi32, #tpu.memory_space<vmem>>
    %dma_start3A_982 = tpu.memref_squeeze %dma_start3A_981 : memref<1x128xi32, #tpu.memory_space<vmem>> -> memref<128xi32, #tpu.memory_space<vmem>>
    %dma_start3A_983 = arith.constant 0 : i32
    %dma_start3A_984 = tpu.memref_slice %arg3[%dma_start3A_983] : memref<2600000xf32, #tpu.memory_space<hbm>> -> memref<2600000xf32, #tpu.memory_space<hbm>>
    tpu.enqueue_indirect_dma source(%dma_start3A_984 : memref<2600000xf32, #tpu.memory_space<hbm>>) target(%dma_start3A_979 : memref<128xf32, #tpu.memory_space<vmem>>) offsets(%dma_start3A_982 : memref<128xi32, #tpu.memory_space<vmem>>) semaphore(%arg11 : memref<!tpu.dma_semaphore, #tpu.memory_space<semaphore_mem>>)
    %add3A_985 = arith.constant 10 : i32
    %add3A_986 = vector.broadcast %add3A_985 : i32 to vector<16xi32>
    %add3A_987 = arith.addi %mul3A_7, %add3A_986 : vector<16xi32>
    %gather3A_988 = tpu.vector_load_idx %arg6[%add3A_987] : memref<3328xi32, #tpu.memory_space<vmem>>[vector<16xi32>], vector<16xi32>,
    %add3A_989 = arith.constant 1000000 : i32
    %add3A_990 = vector.broadcast %add3A_989 : i32 to vector<16xi32>
    %add3A_991 = arith.addi %gather3A_988, %add3A_990 : vector<16xi32>
    %swap3A_992 = arith.constant 10 : i32
    %swap3A_993 = arith.index_cast %swap3A_992 : i32 to index
    %swap3A_994 = arith.constant 0 : index
    %swap3A_995 = tpu.vector_load %arg7[%swap3A_993, %swap3A_994] {strides = array<i32>} : memref<26x128xi32, #tpu.memory_space<vmem>>, vector<16xi32>,
    tpu.vector_store %arg7[%swap3A_993, %swap3A_994], %add3A_991 {strides = array<i32>} : memref<26x128xi32, #tpu.memory_space<vmem>>, vector<16xi32>,
    %add3A_996 = arith.constant 426 : i32
    %add3A_997 = vector.broadcast %add3A_996 : i32 to vector<16xi32>
    %add3A_998 = arith.addi %mul3A_7, %add3A_997 : vector<16xi32>
    %gather3A_999 = tpu.vector_load_idx %arg6[%add3A_998] : memref<3328xi32, #tpu.memory_space<vmem>>[vector<16xi32>], vector<16xi32>,
    %add3A_1000 = arith.constant 1000000 : i32
    %add3A_1001 = vector.broadcast %add3A_1000 : i32 to vector<16xi32>
    %add3A_1002 = arith.addi %gather3A_999, %add3A_1001 : vector<16xi32>
    %swap3A_1003 = arith.constant 10 : i32
    %swap3A_1004 = arith.index_cast %swap3A_1003 : i32 to index
    %swap3A_1005 = arith.constant 16 : index
    %swap3A_1006 = tpu.vector_load %arg7[%swap3A_1004, %swap3A_1005] {strides = array<i32>} : memref<26x128xi32, #tpu.memory_space<vmem>>, vector<16xi32>,
    tpu.vector_store %arg7[%swap3A_1004, %swap3A_1005], %add3A_1002 {strides = array<i32>} : memref<26x128xi32, #tpu.memory_space<vmem>>, vector<16xi32>,
    %add3A_1007 = arith.constant 842 : i32
    %add3A_1008 = vector.broadcast %add3A_1007 : i32 to vector<16xi32>
    %add3A_1009 = arith.addi %mul3A_7, %add3A_1008 : vector<16xi32>
    %gather3A_1010 = tpu.vector_load_idx %arg6[%add3A_1009] : memref<3328xi32, #tpu.memory_space<vmem>>[vector<16xi32>], vector<16xi32>,
    %add3A_1011 = arith.constant 1000000 : i32
    %add3A_1012 = vector.broadcast %add3A_1011 : i32 to vector<16xi32>
    %add3A_1013 = arith.addi %gather3A_1010, %add3A_1012 : vector<16xi32>
    %swap3A_1014 = arith.constant 10 : i32
    %swap3A_1015 = arith.index_cast %swap3A_1014 : i32 to index
    %swap3A_1016 = arith.constant 32 : index
    %swap3A_1017 = tpu.vector_load %arg7[%swap3A_1015, %swap3A_1016] {strides = array<i32>} : memref<26x128xi32, #tpu.memory_space<vmem>>, vector<16xi32>,
    tpu.vector_store %arg7[%swap3A_1015, %swap3A_1016], %add3A_1013 {strides = array<i32>} : memref<26x128xi32, #tpu.memory_space<vmem>>, vector<16xi32>,
    %add3A_1018 = arith.constant 1258 : i32
    %add3A_1019 = vector.broadcast %add3A_1018 : i32 to vector<16xi32>
    %add3A_1020 = arith.addi %mul3A_7, %add3A_1019 : vector<16xi32>
    %gather3A_1021 = tpu.vector_load_idx %arg6[%add3A_1020] : memref<3328xi32, #tpu.memory_space<vmem>>[vector<16xi32>], vector<16xi32>,
    %add3A_1022 = arith.constant 1000000 : i32
    %add3A_1023 = vector.broadcast %add3A_1022 : i32 to vector<16xi32>
    %add3A_1024 = arith.addi %gather3A_1021, %add3A_1023 : vector<16xi32>
    %swap3A_1025 = arith.constant 10 : i32
    %swap3A_1026 = arith.index_cast %swap3A_1025 : i32 to index
    %swap3A_1027 = arith.constant 48 : index
    %swap3A_1028 = tpu.vector_load %arg7[%swap3A_1026, %swap3A_1027] {strides = array<i32>} : memref<26x128xi32, #tpu.memory_space<vmem>>, vector<16xi32>,
    tpu.vector_store %arg7[%swap3A_1026, %swap3A_1027], %add3A_1024 {strides = array<i32>} : memref<26x128xi32, #tpu.memory_space<vmem>>, vector<16xi32>,
    %add3A_1029 = arith.constant 1674 : i32
    %add3A_1030 = vector.broadcast %add3A_1029 : i32 to vector<16xi32>
    %add3A_1031 = arith.addi %mul3A_7, %add3A_1030 : vector<16xi32>
    %gather3A_1032 = tpu.vector_load_idx %arg6[%add3A_1031] : memref<3328xi32, #tpu.memory_space<vmem>>[vector<16xi32>], vector<16xi32>,
    %add3A_1033 = arith.constant 1000000 : i32
    %add3A_1034 = vector.broadcast %add3A_1033 : i32 to vector<16xi32>
    %add3A_1035 = arith.addi %gather3A_1032, %add3A_1034 : vector<16xi32>
    %swap3A_1036 = arith.constant 10 : i32
    %swap3A_1037 = arith.index_cast %swap3A_1036 : i32 to index
    %swap3A_1038 = arith.constant 64 : index
    %swap3A_1039 = tpu.vector_load %arg7[%swap3A_1037, %swap3A_1038] {strides = array<i32>} : memref<26x128xi32, #tpu.memory_space<vmem>>, vector<16xi32>,
    tpu.vector_store %arg7[%swap3A_1037, %swap3A_1038], %add3A_1035 {strides = array<i32>} : memref<26x128xi32, #tpu.memory_space<vmem>>, vector<16xi32>,
    %add3A_1040 = arith.constant 2090 : i32
    %add3A_1041 = vector.broadcast %add3A_1040 : i32 to vector<16xi32>
    %add3A_1042 = arith.addi %mul3A_7, %add3A_1041 : vector<16xi32>
    %gather3A_1043 = tpu.vector_load_idx %arg6[%add3A_1042] : memref<3328xi32, #tpu.memory_space<vmem>>[vector<16xi32>], vector<16xi32>,
    %add3A_1044 = arith.constant 1000000 : i32
    %add3A_1045 = vector.broadcast %add3A_1044 : i32 to vector<16xi32>
    %add3A_1046 = arith.addi %gather3A_1043, %add3A_1045 : vector<16xi32>
    %swap3A_1047 = arith.constant 10 : i32
    %swap3A_1048 = arith.index_cast %swap3A_1047 : i32 to index
    %swap3A_1049 = arith.constant 80 : index
    %swap3A_1050 = tpu.vector_load %arg7[%swap3A_1048, %swap3A_1049] {strides = array<i32>} : memref<26x128xi32, #tpu.memory_space<vmem>>, vector<16xi32>,
    tpu.vector_store %arg7[%swap3A_1048, %swap3A_1049], %add3A_1046 {strides = array<i32>} : memref<26x128xi32, #tpu.memory_space<vmem>>, vector<16xi32>,
    %add3A_1051 = arith.constant 2506 : i32
    %add3A_1052 = vector.broadcast %add3A_1051 : i32 to vector<16xi32>
    %add3A_1053 = arith.addi %mul3A_7, %add3A_1052 : vector<16xi32>
    %gather3A_1054 = tpu.vector_load_idx %arg6[%add3A_1053] : memref<3328xi32, #tpu.memory_space<vmem>>[vector<16xi32>], vector<16xi32>,
    %add3A_1055 = arith.constant 1000000 : i32
    %add3A_1056 = vector.broadcast %add3A_1055 : i32 to vector<16xi32>
    %add3A_1057 = arith.addi %gather3A_1054, %add3A_1056 : vector<16xi32>
    %swap3A_1058 = arith.constant 10 : i32
    %swap3A_1059 = arith.index_cast %swap3A_1058 : i32 to index
    %swap3A_1060 = arith.constant 96 : index
    %swap3A_1061 = tpu.vector_load %arg7[%swap3A_1059, %swap3A_1060] {strides = array<i32>} : memref<26x128xi32, #tpu.memory_space<vmem>>, vector<16xi32>,
    tpu.vector_store %arg7[%swap3A_1059, %swap3A_1060], %add3A_1057 {strides = array<i32>} : memref<26x128xi32, #tpu.memory_space<vmem>>, vector<16xi32>,
    %add3A_1062 = arith.constant 2922 : i32
    %add3A_1063 = vector.broadcast %add3A_1062 : i32 to vector<16xi32>
    %add3A_1064 = arith.addi %mul3A_7, %add3A_1063 : vector<16xi32>
    %gather3A_1065 = tpu.vector_load_idx %arg6[%add3A_1064] : memref<3328xi32, #tpu.memory_space<vmem>>[vector<16xi32>], vector<16xi32>,
    %add3A_1066 = arith.constant 1000000 : i32
    %add3A_1067 = vector.broadcast %add3A_1066 : i32 to vector<16xi32>
    %add3A_1068 = arith.addi %gather3A_1065, %add3A_1067 : vector<16xi32>
    %swap3A_1069 = arith.constant 10 : i32
    %swap3A_1070 = arith.index_cast %swap3A_1069 : i32 to index
    %swap3A_1071 = arith.constant 112 : index
    %swap3A_1072 = tpu.vector_load %arg7[%swap3A_1070, %swap3A_1071] {strides = array<i32>} : memref<26x128xi32, #tpu.memory_space<vmem>>, vector<16xi32>,
    tpu.vector_store %arg7[%swap3A_1070, %swap3A_1071], %add3A_1068 {strides = array<i32>} : memref<26x128xi32, #tpu.memory_space<vmem>>, vector<16xi32>,
    %dma_start3A_1073 = arith.constant 10 : i32
    %dma_start3A_1074 = arith.constant 10 : i32
    %dma_start3A_1075 = arith.constant 0 : i32
    %dma_start3A_1076 = tpu.memref_slice %arg8[%dma_start3A_1074, %dma_start3A_1075] : memref<26x128xf32, #tpu.memory_space<vmem>> -> memref<1x128xf32, #tpu.memory_space<vmem>>
    %dma_start3A_1077 = tpu.memref_squeeze %dma_start3A_1076 : memref<1x128xf32, #tpu.memory_space<vmem>> -> memref<128xf32, #tpu.memory_space<vmem>>
    %dma_start3A_1078 = arith.constant 0 : i32
    %dma_start3A_1079 = tpu.memref_slice %arg7[%dma_start3A_1073, %dma_start3A_1078] : memref<26x128xi32, #tpu.memory_space<vmem>> -> memref<1x128xi32, #tpu.memory_space<vmem>>
    %dma_start3A_1080 = tpu.memref_squeeze %dma_start3A_1079 : memref<1x128xi32, #tpu.memory_space<vmem>> -> memref<128xi32, #tpu.memory_space<vmem>>
    %dma_start3A_1081 = arith.constant 0 : i32
    %dma_start3A_1082 = tpu.memref_slice %arg3[%dma_start3A_1081] : memref<2600000xf32, #tpu.memory_space<hbm>> -> memref<2600000xf32, #tpu.memory_space<hbm>>
    tpu.enqueue_indirect_dma source(%dma_start3A_1082 : memref<2600000xf32, #tpu.memory_space<hbm>>) target(%dma_start3A_1077 : memref<128xf32, #tpu.memory_space<vmem>>) offsets(%dma_start3A_1080 : memref<128xi32, #tpu.memory_space<vmem>>) semaphore(%arg11 : memref<!tpu.dma_semaphore, #tpu.memory_space<semaphore_mem>>)
    %add3A_1083 = arith.constant 11 : i32
    %add3A_1084 = vector.broadcast %add3A_1083 : i32 to vector<16xi32>
    %add3A_1085 = arith.addi %mul3A_7, %add3A_1084 : vector<16xi32>
    %gather3A_1086 = tpu.vector_load_idx %arg6[%add3A_1085] : memref<3328xi32, #tpu.memory_space<vmem>>[vector<16xi32>], vector<16xi32>,
    %add3A_1087 = arith.constant 1100000 : i32
    %add3A_1088 = vector.broadcast %add3A_1087 : i32 to vector<16xi32>
    %add3A_1089 = arith.addi %gather3A_1086, %add3A_1088 : vector<16xi32>
    %swap3A_1090 = arith.constant 11 : i32
    %swap3A_1091 = arith.index_cast %swap3A_1090 : i32 to index
    %swap3A_1092 = arith.constant 0 : index
    %swap3A_1093 = tpu.vector_load %arg7[%swap3A_1091, %swap3A_1092] {strides = array<i32>} : memref<26x128xi32, #tpu.memory_space<vmem>>, vector<16xi32>,
    tpu.vector_store %arg7[%swap3A_1091, %swap3A_1092], %add3A_1089 {strides = array<i32>} : memref<26x128xi32, #tpu.memory_space<vmem>>, vector<16xi32>,
    %add3A_1094 = arith.constant 427 : i32
    %add3A_1095 = vector.broadcast %add3A_1094 : i32 to vector<16xi32>
    %add3A_1096 = arith.addi %mul3A_7, %add3A_1095 : vector<16xi32>
    %gather3A_1097 = tpu.vector_load_idx %arg6[%add3A_1096] : memref<3328xi32, #tpu.memory_space<vmem>>[vector<16xi32>], vector<16xi32>,
    %add3A_1098 = arith.constant 1100000 : i32
    %add3A_1099 = vector.broadcast %add3A_1098 : i32 to vector<16xi32>
    %add3A_1100 = arith.addi %gather3A_1097, %add3A_1099 : vector<16xi32>
    %swap3A_1101 = arith.constant 11 : i32
    %swap3A_1102 = arith.index_cast %swap3A_1101 : i32 to index
    %swap3A_1103 = arith.constant 16 : index
    %swap3A_1104 = tpu.vector_load %arg7[%swap3A_1102, %swap3A_1103] {strides = array<i32>} : memref<26x128xi32, #tpu.memory_space<vmem>>, vector<16xi32>,
    tpu.vector_store %arg7[%swap3A_1102, %swap3A_1103], %add3A_1100 {strides = array<i32>} : memref<26x128xi32, #tpu.memory_space<vmem>>, vector<16xi32>,
    %add3A_1105 = arith.constant 843 : i32
    %add3A_1106 = vector.broadcast %add3A_1105 : i32 to vector<16xi32>
    %add3A_1107 = arith.addi %mul3A_7, %add3A_1106 : vector<16xi32>
    %gather3A_1108 = tpu.vector_load_idx %arg6[%add3A_1107] : memref<3328xi32, #tpu.memory_space<vmem>>[vector<16xi32>], vector<16xi32>,
    %add3A_1109 = arith.constant 1100000 : i32
    %add3A_1110 = vector.broadcast %add3A_1109 : i32 to vector<16xi32>
    %add3A_1111 = arith.addi %gather3A_1108, %add3A_1110 : vector<16xi32>
    %swap3A_1112 = arith.constant 11 : i32
    %swap3A_1113 = arith.index_cast %swap3A_1112 : i32 to index
    %swap3A_1114 = arith.constant 32 : index
    %swap3A_1115 = tpu.vector_load %arg7[%swap3A_1113, %swap3A_1114] {strides = array<i32>} : memref<26x128xi32, #tpu.memory_space<vmem>>, vector<16xi32>,
    tpu.vector_store %arg7[%swap3A_1113, %swap3A_1114], %add3A_1111 {strides = array<i32>} : memref<26x128xi32, #tpu.memory_space<vmem>>, vector<16xi32>,
    %add3A_1116 = arith.constant 1259 : i32
    %add3A_1117 = vector.broadcast %add3A_1116 : i32 to vector<16xi32>
    %add3A_1118 = arith.addi %mul3A_7, %add3A_1117 : vector<16xi32>
    %gather3A_1119 = tpu.vector_load_idx %arg6[%add3A_1118] : memref<3328xi32, #tpu.memory_space<vmem>>[vector<16xi32>], vector<16xi32>,
    %add3A_1120 = arith.constant 1100000 : i32
    %add3A_1121 = vector.broadcast %add3A_1120 : i32 to vector<16xi32>
    %add3A_1122 = arith.addi %gather3A_1119, %add3A_1121 : vector<16xi32>
    %swap3A_1123 = arith.constant 11 : i32
    %swap3A_1124 = arith.index_cast %swap3A_1123 : i32 to index
    %swap3A_1125 = arith.constant 48 : index
    %swap3A_1126 = tpu.vector_load %arg7[%swap3A_1124, %swap3A_1125] {strides = array<i32>} : memref<26x128xi32, #tpu.memory_space<vmem>>, vector<16xi32>,
    tpu.vector_store %arg7[%swap3A_1124, %swap3A_1125], %add3A_1122 {strides = array<i32>} : memref<26x128xi32, #tpu.memory_space<vmem>>, vector<16xi32>,
    %add3A_1127 = arith.constant 1675 : i32
    %add3A_1128 = vector.broadcast %add3A_1127 : i32 to vector<16xi32>
    %add3A_1129 = arith.addi %mul3A_7, %add3A_1128 : vector<16xi32>
    %gather3A_1130 = tpu.vector_load_idx %arg6[%add3A_1129] : memref<3328xi32, #tpu.memory_space<vmem>>[vector<16xi32>], vector<16xi32>,
    %add3A_1131 = arith.constant 1100000 : i32
    %add3A_1132 = vector.broadcast %add3A_1131 : i32 to vector<16xi32>
    %add3A_1133 = arith.addi %gather3A_1130, %add3A_1132 : vector<16xi32>
    %swap3A_1134 = arith.constant 11 : i32
    %swap3A_1135 = arith.index_cast %swap3A_1134 : i32 to index
    %swap3A_1136 = arith.constant 64 : index
    %swap3A_1137 = tpu.vector_load %arg7[%swap3A_1135, %swap3A_1136] {strides = array<i32>} : memref<26x128xi32, #tpu.memory_space<vmem>>, vector<16xi32>,
    tpu.vector_store %arg7[%swap3A_1135, %swap3A_1136], %add3A_1133 {strides = array<i32>} : memref<26x128xi32, #tpu.memory_space<vmem>>, vector<16xi32>,
    %add3A_1138 = arith.constant 2091 : i32
    %add3A_1139 = vector.broadcast %add3A_1138 : i32 to vector<16xi32>
    %add3A_1140 = arith.addi %mul3A_7, %add3A_1139 : vector<16xi32>
    %gather3A_1141 = tpu.vector_load_idx %arg6[%add3A_1140] : memref<3328xi32, #tpu.memory_space<vmem>>[vector<16xi32>], vector<16xi32>,
    %add3A_1142 = arith.constant 1100000 : i32
    %add3A_1143 = vector.broadcast %add3A_1142 : i32 to vector<16xi32>
    %add3A_1144 = arith.addi %gather3A_1141, %add3A_1143 : vector<16xi32>
    %swap3A_1145 = arith.constant 11 : i32
    %swap3A_1146 = arith.index_cast %swap3A_1145 : i32 to index
    %swap3A_1147 = arith.constant 80 : index
    %swap3A_1148 = tpu.vector_load %arg7[%swap3A_1146, %swap3A_1147] {strides = array<i32>} : memref<26x128xi32, #tpu.memory_space<vmem>>, vector<16xi32>,
    tpu.vector_store %arg7[%swap3A_1146, %swap3A_1147], %add3A_1144 {strides = array<i32>} : memref<26x128xi32, #tpu.memory_space<vmem>>, vector<16xi32>,
    %add3A_1149 = arith.constant 2507 : i32
    %add3A_1150 = vector.broadcast %add3A_1149 : i32 to vector<16xi32>
    %add3A_1151 = arith.addi %mul3A_7, %add3A_1150 : vector<16xi32>
    %gather3A_1152 = tpu.vector_load_idx %arg6[%add3A_1151] : memref<3328xi32, #tpu.memory_space<vmem>>[vector<16xi32>], vector<16xi32>,
    %add3A_1153 = arith.constant 1100000 : i32
    %add3A_1154 = vector.broadcast %add3A_1153 : i32 to vector<16xi32>
    %add3A_1155 = arith.addi %gather3A_1152, %add3A_1154 : vector<16xi32>
    %swap3A_1156 = arith.constant 11 : i32
    %swap3A_1157 = arith.index_cast %swap3A_1156 : i32 to index
    %swap3A_1158 = arith.constant 96 : index
    %swap3A_1159 = tpu.vector_load %arg7[%swap3A_1157, %swap3A_1158] {strides = array<i32>} : memref<26x128xi32, #tpu.memory_space<vmem>>, vector<16xi32>,
    tpu.vector_store %arg7[%swap3A_1157, %swap3A_1158], %add3A_1155 {strides = array<i32>} : memref<26x128xi32, #tpu.memory_space<vmem>>, vector<16xi32>,
    %add3A_1160 = arith.constant 2923 : i32
    %add3A_1161 = vector.broadcast %add3A_1160 : i32 to vector<16xi32>
    %add3A_1162 = arith.addi %mul3A_7, %add3A_1161 : vector<16xi32>
    %gather3A_1163 = tpu.vector_load_idx %arg6[%add3A_1162] : memref<3328xi32, #tpu.memory_space<vmem>>[vector<16xi32>], vector<16xi32>,
    %add3A_1164 = arith.constant 1100000 : i32
    %add3A_1165 = vector.broadcast %add3A_1164 : i32 to vector<16xi32>
    %add3A_1166 = arith.addi %gather3A_1163, %add3A_1165 : vector<16xi32>
    %swap3A_1167 = arith.constant 11 : i32
    %swap3A_1168 = arith.index_cast %swap3A_1167 : i32 to index
    %swap3A_1169 = arith.constant 112 : index
    %swap3A_1170 = tpu.vector_load %arg7[%swap3A_1168, %swap3A_1169] {strides = array<i32>} : memref<26x128xi32, #tpu.memory_space<vmem>>, vector<16xi32>,
    tpu.vector_store %arg7[%swap3A_1168, %swap3A_1169], %add3A_1166 {strides = array<i32>} : memref<26x128xi32, #tpu.memory_space<vmem>>, vector<16xi32>,
    %dma_start3A_1171 = arith.constant 11 : i32
    %dma_start3A_1172 = arith.constant 11 : i32
    %dma_start3A_1173 = arith.constant 0 : i32
    %dma_start3A_1174 = tpu.memref_slice %arg8[%dma_start3A_1172, %dma_start3A_1173] : memref<26x128xf32, #tpu.memory_space<vmem>> -> memref<1x128xf32, #tpu.memory_space<vmem>>
    %dma_start3A_1175 = tpu.memref_squeeze %dma_start3A_1174 : memref<1x128xf32, #tpu.memory_space<vmem>> -> memref<128xf32, #tpu.memory_space<vmem>>
    %dma_start3A_1176 = arith.constant 0 : i32
    %dma_start3A_1177 = tpu.memref_slice %arg7[%dma_start3A_1171, %dma_start3A_1176] : memref<26x128xi32, #tpu.memory_space<vmem>> -> memref<1x128xi32, #tpu.memory_space<vmem>>
    %dma_start3A_1178 = tpu.memref_squeeze %dma_start3A_1177 : memref<1x128xi32, #tpu.memory_space<vmem>> -> memref<128xi32, #tpu.memory_space<vmem>>
    %dma_start3A_1179 = arith.constant 0 : i32
    %dma_start3A_1180 = tpu.memref_slice %arg3[%dma_start3A_1179] : memref<2600000xf32, #tpu.memory_space<hbm>> -> memref<2600000xf32, #tpu.memory_space<hbm>>
    tpu.enqueue_indirect_dma source(%dma_start3A_1180 : memref<2600000xf32, #tpu.memory_space<hbm>>) target(%dma_start3A_1175 : memref<128xf32, #tpu.memory_space<vmem>>) offsets(%dma_start3A_1178 : memref<128xi32, #tpu.memory_space<vmem>>) semaphore(%arg11 : memref<!tpu.dma_semaphore, #tpu.memory_space<semaphore_mem>>)
    %add3A_1181 = arith.constant 12 : i32
    %add3A_1182 = vector.broadcast %add3A_1181 : i32 to vector<16xi32>
    %add3A_1183 = arith.addi %mul3A_7, %add3A_1182 : vector<16xi32>
    %gather3A_1184 = tpu.vector_load_idx %arg6[%add3A_1183] : memref<3328xi32, #tpu.memory_space<vmem>>[vector<16xi32>], vector<16xi32>,
    %add3A_1185 = arith.constant 1200000 : i32
    %add3A_1186 = vector.broadcast %add3A_1185 : i32 to vector<16xi32>
    %add3A_1187 = arith.addi %gather3A_1184, %add3A_1186 : vector<16xi32>
    %swap3A_1188 = arith.constant 12 : i32
    %swap3A_1189 = arith.index_cast %swap3A_1188 : i32 to index
    %swap3A_1190 = arith.constant 0 : index
    %swap3A_1191 = tpu.vector_load %arg7[%swap3A_1189, %swap3A_1190] {strides = array<i32>} : memref<26x128xi32, #tpu.memory_space<vmem>>, vector<16xi32>,
    tpu.vector_store %arg7[%swap3A_1189, %swap3A_1190], %add3A_1187 {strides = array<i32>} : memref<26x128xi32, #tpu.memory_space<vmem>>, vector<16xi32>,
    %add3A_1192 = arith.constant 428 : i32
    %add3A_1193 = vector.broadcast %add3A_1192 : i32 to vector<16xi32>
    %add3A_1194 = arith.addi %mul3A_7, %add3A_1193 : vector<16xi32>
    %gather3A_1195 = tpu.vector_load_idx %arg6[%add3A_1194] : memref<3328xi32, #tpu.memory_space<vmem>>[vector<16xi32>], vector<16xi32>,
    %add3A_1196 = arith.constant 1200000 : i32
    %add3A_1197 = vector.broadcast %add3A_1196 : i32 to vector<16xi32>
    %add3A_1198 = arith.addi %gather3A_1195, %add3A_1197 : vector<16xi32>
    %swap3A_1199 = arith.constant 12 : i32
    %swap3A_1200 = arith.index_cast %swap3A_1199 : i32 to index
    %swap3A_1201 = arith.constant 16 : index
    %swap3A_1202 = tpu.vector_load %arg7[%swap3A_1200, %swap3A_1201] {strides = array<i32>} : memref<26x128xi32, #tpu.memory_space<vmem>>, vector<16xi32>,
    tpu.vector_store %arg7[%swap3A_1200, %swap3A_1201], %add3A_1198 {strides = array<i32>} : memref<26x128xi32, #tpu.memory_space<vmem>>, vector<16xi32>,
    %add3A_1203 = arith.constant 844 : i32
    %add3A_1204 = vector.broadcast %add3A_1203 : i32 to vector<16xi32>
    %add3A_1205 = arith.addi %mul3A_7, %add3A_1204 : vector<16xi32>
    %gather3A_1206 = tpu.vector_load_idx %arg6[%add3A_1205] : memref<3328xi32, #tpu.memory_space<vmem>>[vector<16xi32>], vector<16xi32>,
    %add3A_1207 = arith.constant 1200000 : i32
    %add3A_1208 = vector.broadcast %add3A_1207 : i32 to vector<16xi32>
    %add3A_1209 = arith.addi %gather3A_1206, %add3A_1208 : vector<16xi32>
    %swap3A_1210 = arith.constant 12 : i32
    %swap3A_1211 = arith.index_cast %swap3A_1210 : i32 to index
    %swap3A_1212 = arith.constant 32 : index
    %swap3A_1213 = tpu.vector_load %arg7[%swap3A_1211, %swap3A_1212] {strides = array<i32>} : memref<26x128xi32, #tpu.memory_space<vmem>>, vector<16xi32>,
    tpu.vector_store %arg7[%swap3A_1211, %swap3A_1212], %add3A_1209 {strides = array<i32>} : memref<26x128xi32, #tpu.memory_space<vmem>>, vector<16xi32>,
    %add3A_1214 = arith.constant 1260 : i32
    %add3A_1215 = vector.broadcast %add3A_1214 : i32 to vector<16xi32>
    %add3A_1216 = arith.addi %mul3A_7, %add3A_1215 : vector<16xi32>
    %gather3A_1217 = tpu.vector_load_idx %arg6[%add3A_1216] : memref<3328xi32, #tpu.memory_space<vmem>>[vector<16xi32>], vector<16xi32>,
    %add3A_1218 = arith.constant 1200000 : i32
    %add3A_1219 = vector.broadcast %add3A_1218 : i32 to vector<16xi32>
    %add3A_1220 = arith.addi %gather3A_1217, %add3A_1219 : vector<16xi32>
    %swap3A_1221 = arith.constant 12 : i32
    %swap3A_1222 = arith.index_cast %swap3A_1221 : i32 to index
    %swap3A_1223 = arith.constant 48 : index
    %swap3A_1224 = tpu.vector_load %arg7[%swap3A_1222, %swap3A_1223] {strides = array<i32>} : memref<26x128xi32, #tpu.memory_space<vmem>>, vector<16xi32>,
    tpu.vector_store %arg7[%swap3A_1222, %swap3A_1223], %add3A_1220 {strides = array<i32>} : memref<26x128xi32, #tpu.memory_space<vmem>>, vector<16xi32>,
    %add3A_1225 = arith.constant 1676 : i32
    %add3A_1226 = vector.broadcast %add3A_1225 : i32 to vector<16xi32>
    %add3A_1227 = arith.addi %mul3A_7, %add3A_1226 : vector<16xi32>
    %gather3A_1228 = tpu.vector_load_idx %arg6[%add3A_1227] : memref<3328xi32, #tpu.memory_space<vmem>>[vector<16xi32>], vector<16xi32>,
    %add3A_1229 = arith.constant 1200000 : i32
    %add3A_1230 = vector.broadcast %add3A_1229 : i32 to vector<16xi32>
    %add3A_1231 = arith.addi %gather3A_1228, %add3A_1230 : vector<16xi32>
    %swap3A_1232 = arith.constant 12 : i32
    %swap3A_1233 = arith.index_cast %swap3A_1232 : i32 to index
    %swap3A_1234 = arith.constant 64 : index
    %swap3A_1235 = tpu.vector_load %arg7[%swap3A_1233, %swap3A_1234] {strides = array<i32>} : memref<26x128xi32, #tpu.memory_space<vmem>>, vector<16xi32>,
    tpu.vector_store %arg7[%swap3A_1233, %swap3A_1234], %add3A_1231 {strides = array<i32>} : memref<26x128xi32, #tpu.memory_space<vmem>>, vector<16xi32>,
    %add3A_1236 = arith.constant 2092 : i32
    %add3A_1237 = vector.broadcast %add3A_1236 : i32 to vector<16xi32>
    %add3A_1238 = arith.addi %mul3A_7, %add3A_1237 : vector<16xi32>
    %gather3A_1239 = tpu.vector_load_idx %arg6[%add3A_1238] : memref<3328xi32, #tpu.memory_space<vmem>>[vector<16xi32>], vector<16xi32>,
    %add3A_1240 = arith.constant 1200000 : i32
    %add3A_1241 = vector.broadcast %add3A_1240 : i32 to vector<16xi32>
    %add3A_1242 = arith.addi %gather3A_1239, %add3A_1241 : vector<16xi32>
    %swap3A_1243 = arith.constant 12 : i32
    %swap3A_1244 = arith.index_cast %swap3A_1243 : i32 to index
    %swap3A_1245 = arith.constant 80 : index
    %swap3A_1246 = tpu.vector_load %arg7[%swap3A_1244, %swap3A_1245] {strides = array<i32>} : memref<26x128xi32, #tpu.memory_space<vmem>>, vector<16xi32>,
    tpu.vector_store %arg7[%swap3A_1244, %swap3A_1245], %add3A_1242 {strides = array<i32>} : memref<26x128xi32, #tpu.memory_space<vmem>>, vector<16xi32>,
    %add3A_1247 = arith.constant 2508 : i32
    %add3A_1248 = vector.broadcast %add3A_1247 : i32 to vector<16xi32>
    %add3A_1249 = arith.addi %mul3A_7, %add3A_1248 : vector<16xi32>
    %gather3A_1250 = tpu.vector_load_idx %arg6[%add3A_1249] : memref<3328xi32, #tpu.memory_space<vmem>>[vector<16xi32>], vector<16xi32>,
    %add3A_1251 = arith.constant 1200000 : i32
    %add3A_1252 = vector.broadcast %add3A_1251 : i32 to vector<16xi32>
    %add3A_1253 = arith.addi %gather3A_1250, %add3A_1252 : vector<16xi32>
    %swap3A_1254 = arith.constant 12 : i32
    %swap3A_1255 = arith.index_cast %swap3A_1254 : i32 to index
    %swap3A_1256 = arith.constant 96 : index
    %swap3A_1257 = tpu.vector_load %arg7[%swap3A_1255, %swap3A_1256] {strides = array<i32>} : memref<26x128xi32, #tpu.memory_space<vmem>>, vector<16xi32>,
    tpu.vector_store %arg7[%swap3A_1255, %swap3A_1256], %add3A_1253 {strides = array<i32>} : memref<26x128xi32, #tpu.memory_space<vmem>>, vector<16xi32>,
    %add3A_1258 = arith.constant 2924 : i32
    %add3A_1259 = vector.broadcast %add3A_1258 : i32 to vector<16xi32>
    %add3A_1260 = arith.addi %mul3A_7, %add3A_1259 : vector<16xi32>
    %gather3A_1261 = tpu.vector_load_idx %arg6[%add3A_1260] : memref<3328xi32, #tpu.memory_space<vmem>>[vector<16xi32>], vector<16xi32>,
    %add3A_1262 = arith.constant 1200000 : i32
    %add3A_1263 = vector.broadcast %add3A_1262 : i32 to vector<16xi32>
    %add3A_1264 = arith.addi %gather3A_1261, %add3A_1263 : vector<16xi32>
    %swap3A_1265 = arith.constant 12 : i32
    %swap3A_1266 = arith.index_cast %swap3A_1265 : i32 to index
    %swap3A_1267 = arith.constant 112 : index
    %swap3A_1268 = tpu.vector_load %arg7[%swap3A_1266, %swap3A_1267] {strides = array<i32>} : memref<26x128xi32, #tpu.memory_space<vmem>>, vector<16xi32>,
    tpu.vector_store %arg7[%swap3A_1266, %swap3A_1267], %add3A_1264 {strides = array<i32>} : memref<26x128xi32, #tpu.memory_space<vmem>>, vector<16xi32>,
    %dma_start3A_1269 = arith.constant 12 : i32
    %dma_start3A_1270 = arith.constant 12 : i32
    %dma_start3A_1271 = arith.constant 0 : i32
    %dma_start3A_1272 = tpu.memref_slice %arg8[%dma_start3A_1270, %dma_start3A_1271] : memref<26x128xf32, #tpu.memory_space<vmem>> -> memref<1x128xf32, #tpu.memory_space<vmem>>
    %dma_start3A_1273 = tpu.memref_squeeze %dma_start3A_1272 : memref<1x128xf32, #tpu.memory_space<vmem>> -> memref<128xf32, #tpu.memory_space<vmem>>
    %dma_start3A_1274 = arith.constant 0 : i32
    %dma_start3A_1275 = tpu.memref_slice %arg7[%dma_start3A_1269, %dma_start3A_1274] : memref<26x128xi32, #tpu.memory_space<vmem>> -> memref<1x128xi32, #tpu.memory_space<vmem>>
    %dma_start3A_1276 = tpu.memref_squeeze %dma_start3A_1275 : memref<1x128xi32, #tpu.memory_space<vmem>> -> memref<128xi32, #tpu.memory_space<vmem>>
    %dma_start3A_1277 = arith.constant 0 : i32
    %dma_start3A_1278 = tpu.memref_slice %arg3[%dma_start3A_1277] : memref<2600000xf32, #tpu.memory_space<hbm>> -> memref<2600000xf32, #tpu.memory_space<hbm>>
    tpu.enqueue_indirect_dma source(%dma_start3A_1278 : memref<2600000xf32, #tpu.memory_space<hbm>>) target(%dma_start3A_1273 : memref<128xf32, #tpu.memory_space<vmem>>) offsets(%dma_start3A_1276 : memref<128xi32, #tpu.memory_space<vmem>>) semaphore(%arg11 : memref<!tpu.dma_semaphore, #tpu.memory_space<semaphore_mem>>)
    %add3A_1279 = arith.constant 13 : i32
    %add3A_1280 = vector.broadcast %add3A_1279 : i32 to vector<16xi32>
    %add3A_1281 = arith.addi %mul3A_7, %add3A_1280 : vector<16xi32>
    %gather3A_1282 = tpu.vector_load_idx %arg6[%add3A_1281] : memref<3328xi32, #tpu.memory_space<vmem>>[vector<16xi32>], vector<16xi32>,
    %add3A_1283 = arith.constant 1300000 : i32
    %add3A_1284 = vector.broadcast %add3A_1283 : i32 to vector<16xi32>
    %add3A_1285 = arith.addi %gather3A_1282, %add3A_1284 : vector<16xi32>
    %swap3A_1286 = arith.constant 13 : i32
    %swap3A_1287 = arith.index_cast %swap3A_1286 : i32 to index
    %swap3A_1288 = arith.constant 0 : index
    %swap3A_1289 = tpu.vector_load %arg7[%swap3A_1287, %swap3A_1288] {strides = array<i32>} : memref<26x128xi32, #tpu.memory_space<vmem>>, vector<16xi32>,
    tpu.vector_store %arg7[%swap3A_1287, %swap3A_1288], %add3A_1285 {strides = array<i32>} : memref<26x128xi32, #tpu.memory_space<vmem>>, vector<16xi32>,
    %add3A_1290 = arith.constant 429 : i32
    %add3A_1291 = vector.broadcast %add3A_1290 : i32 to vector<16xi32>
    %add3A_1292 = arith.addi %mul3A_7, %add3A_1291 : vector<16xi32>
    %gather3A_1293 = tpu.vector_load_idx %arg6[%add3A_1292] : memref<3328xi32, #tpu.memory_space<vmem>>[vector<16xi32>], vector<16xi32>,
    %add3A_1294 = arith.constant 1300000 : i32
    %add3A_1295 = vector.broadcast %add3A_1294 : i32 to vector<16xi32>
    %add3A_1296 = arith.addi %gather3A_1293, %add3A_1295 : vector<16xi32>
    %swap3A_1297 = arith.constant 13 : i32
    %swap3A_1298 = arith.index_cast %swap3A_1297 : i32 to index
    %swap3A_1299 = arith.constant 16 : index
    %swap3A_1300 = tpu.vector_load %arg7[%swap3A_1298, %swap3A_1299] {strides = array<i32>} : memref<26x128xi32, #tpu.memory_space<vmem>>, vector<16xi32>,
    tpu.vector_store %arg7[%swap3A_1298, %swap3A_1299], %add3A_1296 {strides = array<i32>} : memref<26x128xi32, #tpu.memory_space<vmem>>, vector<16xi32>,
    %add3A_1301 = arith.constant 845 : i32
    %add3A_1302 = vector.broadcast %add3A_1301 : i32 to vector<16xi32>
    %add3A_1303 = arith.addi %mul3A_7, %add3A_1302 : vector<16xi32>
    %gather3A_1304 = tpu.vector_load_idx %arg6[%add3A_1303] : memref<3328xi32, #tpu.memory_space<vmem>>[vector<16xi32>], vector<16xi32>,
    %add3A_1305 = arith.constant 1300000 : i32
    %add3A_1306 = vector.broadcast %add3A_1305 : i32 to vector<16xi32>
    %add3A_1307 = arith.addi %gather3A_1304, %add3A_1306 : vector<16xi32>
    %swap3A_1308 = arith.constant 13 : i32
    %swap3A_1309 = arith.index_cast %swap3A_1308 : i32 to index
    %swap3A_1310 = arith.constant 32 : index
    %swap3A_1311 = tpu.vector_load %arg7[%swap3A_1309, %swap3A_1310] {strides = array<i32>} : memref<26x128xi32, #tpu.memory_space<vmem>>, vector<16xi32>,
    tpu.vector_store %arg7[%swap3A_1309, %swap3A_1310], %add3A_1307 {strides = array<i32>} : memref<26x128xi32, #tpu.memory_space<vmem>>, vector<16xi32>,
    %add3A_1312 = arith.constant 1261 : i32
    %add3A_1313 = vector.broadcast %add3A_1312 : i32 to vector<16xi32>
    %add3A_1314 = arith.addi %mul3A_7, %add3A_1313 : vector<16xi32>
    %gather3A_1315 = tpu.vector_load_idx %arg6[%add3A_1314] : memref<3328xi32, #tpu.memory_space<vmem>>[vector<16xi32>], vector<16xi32>,
    %add3A_1316 = arith.constant 1300000 : i32
    %add3A_1317 = vector.broadcast %add3A_1316 : i32 to vector<16xi32>
    %add3A_1318 = arith.addi %gather3A_1315, %add3A_1317 : vector<16xi32>
    %swap3A_1319 = arith.constant 13 : i32
    %swap3A_1320 = arith.index_cast %swap3A_1319 : i32 to index
    %swap3A_1321 = arith.constant 48 : index
    %swap3A_1322 = tpu.vector_load %arg7[%swap3A_1320, %swap3A_1321] {strides = array<i32>} : memref<26x128xi32, #tpu.memory_space<vmem>>, vector<16xi32>,
    tpu.vector_store %arg7[%swap3A_1320, %swap3A_1321], %add3A_1318 {strides = array<i32>} : memref<26x128xi32, #tpu.memory_space<vmem>>, vector<16xi32>,
    %add3A_1323 = arith.constant 1677 : i32
    %add3A_1324 = vector.broadcast %add3A_1323 : i32 to vector<16xi32>
    %add3A_1325 = arith.addi %mul3A_7, %add3A_1324 : vector<16xi32>
    %gather3A_1326 = tpu.vector_load_idx %arg6[%add3A_1325] : memref<3328xi32, #tpu.memory_space<vmem>>[vector<16xi32>], vector<16xi32>,
    %add3A_1327 = arith.constant 1300000 : i32
    %add3A_1328 = vector.broadcast %add3A_1327 : i32 to vector<16xi32>
    %add3A_1329 = arith.addi %gather3A_1326, %add3A_1328 : vector<16xi32>
    %swap3A_1330 = arith.constant 13 : i32
    %swap3A_1331 = arith.index_cast %swap3A_1330 : i32 to index
    %swap3A_1332 = arith.constant 64 : index
    %swap3A_1333 = tpu.vector_load %arg7[%swap3A_1331, %swap3A_1332] {strides = array<i32>} : memref<26x128xi32, #tpu.memory_space<vmem>>, vector<16xi32>,
    tpu.vector_store %arg7[%swap3A_1331, %swap3A_1332], %add3A_1329 {strides = array<i32>} : memref<26x128xi32, #tpu.memory_space<vmem>>, vector<16xi32>,
    %add3A_1334 = arith.constant 2093 : i32
    %add3A_1335 = vector.broadcast %add3A_1334 : i32 to vector<16xi32>
    %add3A_1336 = arith.addi %mul3A_7, %add3A_1335 : vector<16xi32>
    %gather3A_1337 = tpu.vector_load_idx %arg6[%add3A_1336] : memref<3328xi32, #tpu.memory_space<vmem>>[vector<16xi32>], vector<16xi32>,
    %add3A_1338 = arith.constant 1300000 : i32
    %add3A_1339 = vector.broadcast %add3A_1338 : i32 to vector<16xi32>
    %add3A_1340 = arith.addi %gather3A_1337, %add3A_1339 : vector<16xi32>
    %swap3A_1341 = arith.constant 13 : i32
    %swap3A_1342 = arith.index_cast %swap3A_1341 : i32 to index
    %swap3A_1343 = arith.constant 80 : index
    %swap3A_1344 = tpu.vector_load %arg7[%swap3A_1342, %swap3A_1343] {strides = array<i32>} : memref<26x128xi32, #tpu.memory_space<vmem>>, vector<16xi32>,
    tpu.vector_store %arg7[%swap3A_1342, %swap3A_1343], %add3A_1340 {strides = array<i32>} : memref<26x128xi32, #tpu.memory_space<vmem>>, vector<16xi32>,
    %add3A_1345 = arith.constant 2509 : i32
    %add3A_1346 = vector.broadcast %add3A_1345 : i32 to vector<16xi32>
    %add3A_1347 = arith.addi %mul3A_7, %add3A_1346 : vector<16xi32>
    %gather3A_1348 = tpu.vector_load_idx %arg6[%add3A_1347] : memref<3328xi32, #tpu.memory_space<vmem>>[vector<16xi32>], vector<16xi32>,
    %add3A_1349 = arith.constant 1300000 : i32
    %add3A_1350 = vector.broadcast %add3A_1349 : i32 to vector<16xi32>
    %add3A_1351 = arith.addi %gather3A_1348, %add3A_1350 : vector<16xi32>
    %swap3A_1352 = arith.constant 13 : i32
    %swap3A_1353 = arith.index_cast %swap3A_1352 : i32 to index
    %swap3A_1354 = arith.constant 96 : index
    %swap3A_1355 = tpu.vector_load %arg7[%swap3A_1353, %swap3A_1354] {strides = array<i32>} : memref<26x128xi32, #tpu.memory_space<vmem>>, vector<16xi32>,
    tpu.vector_store %arg7[%swap3A_1353, %swap3A_1354], %add3A_1351 {strides = array<i32>} : memref<26x128xi32, #tpu.memory_space<vmem>>, vector<16xi32>,
    %add3A_1356 = arith.constant 2925 : i32
    %add3A_1357 = vector.broadcast %add3A_1356 : i32 to vector<16xi32>
    %add3A_1358 = arith.addi %mul3A_7, %add3A_1357 : vector<16xi32>
    %gather3A_1359 = tpu.vector_load_idx %arg6[%add3A_1358] : memref<3328xi32, #tpu.memory_space<vmem>>[vector<16xi32>], vector<16xi32>,
    %add3A_1360 = arith.constant 1300000 : i32
    %add3A_1361 = vector.broadcast %add3A_1360 : i32 to vector<16xi32>
    %add3A_1362 = arith.addi %gather3A_1359, %add3A_1361 : vector<16xi32>
    %swap3A_1363 = arith.constant 13 : i32
    %swap3A_1364 = arith.index_cast %swap3A_1363 : i32 to index
    %swap3A_1365 = arith.constant 112 : index
    %swap3A_1366 = tpu.vector_load %arg7[%swap3A_1364, %swap3A_1365] {strides = array<i32>} : memref<26x128xi32, #tpu.memory_space<vmem>>, vector<16xi32>,
    tpu.vector_store %arg7[%swap3A_1364, %swap3A_1365], %add3A_1362 {strides = array<i32>} : memref<26x128xi32, #tpu.memory_space<vmem>>, vector<16xi32>,
    %dma_start3A_1367 = arith.constant 13 : i32
    %dma_start3A_1368 = arith.constant 13 : i32
    %dma_start3A_1369 = arith.constant 0 : i32
    %dma_start3A_1370 = tpu.memref_slice %arg8[%dma_start3A_1368, %dma_start3A_1369] : memref<26x128xf32, #tpu.memory_space<vmem>> -> memref<1x128xf32, #tpu.memory_space<vmem>>
    %dma_start3A_1371 = tpu.memref_squeeze %dma_start3A_1370 : memref<1x128xf32, #tpu.memory_space<vmem>> -> memref<128xf32, #tpu.memory_space<vmem>>
    %dma_start3A_1372 = arith.constant 0 : i32
    %dma_start3A_1373 = tpu.memref_slice %arg7[%dma_start3A_1367, %dma_start3A_1372] : memref<26x128xi32, #tpu.memory_space<vmem>> -> memref<1x128xi32, #tpu.memory_space<vmem>>
    %dma_start3A_1374 = tpu.memref_squeeze %dma_start3A_1373 : memref<1x128xi32, #tpu.memory_space<vmem>> -> memref<128xi32, #tpu.memory_space<vmem>>
    %dma_start3A_1375 = arith.constant 0 : i32
    %dma_start3A_1376 = tpu.memref_slice %arg3[%dma_start3A_1375] : memref<2600000xf32, #tpu.memory_space<hbm>> -> memref<2600000xf32, #tpu.memory_space<hbm>>
    tpu.enqueue_indirect_dma source(%dma_start3A_1376 : memref<2600000xf32, #tpu.memory_space<hbm>>) target(%dma_start3A_1371 : memref<128xf32, #tpu.memory_space<vmem>>) offsets(%dma_start3A_1374 : memref<128xi32, #tpu.memory_space<vmem>>) semaphore(%arg11 : memref<!tpu.dma_semaphore, #tpu.memory_space<semaphore_mem>>)
    %add3A_1377 = arith.constant 14 : i32
    %add3A_1378 = vector.broadcast %add3A_1377 : i32 to vector<16xi32>
    %add3A_1379 = arith.addi %mul3A_7, %add3A_1378 : vector<16xi32>
    %gather3A_1380 = tpu.vector_load_idx %arg6[%add3A_1379] : memref<3328xi32, #tpu.memory_space<vmem>>[vector<16xi32>], vector<16xi32>,
    %add3A_1381 = arith.constant 1400000 : i32
    %add3A_1382 = vector.broadcast %add3A_1381 : i32 to vector<16xi32>
    %add3A_1383 = arith.addi %gather3A_1380, %add3A_1382 : vector<16xi32>
    %swap3A_1384 = arith.constant 14 : i32
    %swap3A_1385 = arith.index_cast %swap3A_1384 : i32 to index
    %swap3A_1386 = arith.constant 0 : index
    %swap3A_1387 = tpu.vector_load %arg7[%swap3A_1385, %swap3A_1386] {strides = array<i32>} : memref<26x128xi32, #tpu.memory_space<vmem>>, vector<16xi32>,
    tpu.vector_store %arg7[%swap3A_1385, %swap3A_1386], %add3A_1383 {strides = array<i32>} : memref<26x128xi32, #tpu.memory_space<vmem>>, vector<16xi32>,
    %add3A_1388 = arith.constant 430 : i32
    %add3A_1389 = vector.broadcast %add3A_1388 : i32 to vector<16xi32>
    %add3A_1390 = arith.addi %mul3A_7, %add3A_1389 : vector<16xi32>
    %gather3A_1391 = tpu.vector_load_idx %arg6[%add3A_1390] : memref<3328xi32, #tpu.memory_space<vmem>>[vector<16xi32>], vector<16xi32>,
    %add3A_1392 = arith.constant 1400000 : i32
    %add3A_1393 = vector.broadcast %add3A_1392 : i32 to vector<16xi32>
    %add3A_1394 = arith.addi %gather3A_1391, %add3A_1393 : vector<16xi32>
    %swap3A_1395 = arith.constant 14 : i32
    %swap3A_1396 = arith.index_cast %swap3A_1395 : i32 to index
    %swap3A_1397 = arith.constant 16 : index
    %swap3A_1398 = tpu.vector_load %arg7[%swap3A_1396, %swap3A_1397] {strides = array<i32>} : memref<26x128xi32, #tpu.memory_space<vmem>>, vector<16xi32>,
    tpu.vector_store %arg7[%swap3A_1396, %swap3A_1397], %add3A_1394 {strides = array<i32>} : memref<26x128xi32, #tpu.memory_space<vmem>>, vector<16xi32>,
    %add3A_1399 = arith.constant 846 : i32
    %add3A_1400 = vector.broadcast %add3A_1399 : i32 to vector<16xi32>
    %add3A_1401 = arith.addi %mul3A_7, %add3A_1400 : vector<16xi32>
    %gather3A_1402 = tpu.vector_load_idx %arg6[%add3A_1401] : memref<3328xi32, #tpu.memory_space<vmem>>[vector<16xi32>], vector<16xi32>,
    %add3A_1403 = arith.constant 1400000 : i32
    %add3A_1404 = vector.broadcast %add3A_1403 : i32 to vector<16xi32>
    %add3A_1405 = arith.addi %gather3A_1402, %add3A_1404 : vector<16xi32>
    %swap3A_1406 = arith.constant 14 : i32
    %swap3A_1407 = arith.index_cast %swap3A_1406 : i32 to index
    %swap3A_1408 = arith.constant 32 : index
    %swap3A_1409 = tpu.vector_load %arg7[%swap3A_1407, %swap3A_1408] {strides = array<i32>} : memref<26x128xi32, #tpu.memory_space<vmem>>, vector<16xi32>,
    tpu.vector_store %arg7[%swap3A_1407, %swap3A_1408], %add3A_1405 {strides = array<i32>} : memref<26x128xi32, #tpu.memory_space<vmem>>, vector<16xi32>,
    %add3A_1410 = arith.constant 1262 : i32
    %add3A_1411 = vector.broadcast %add3A_1410 : i32 to vector<16xi32>
    %add3A_1412 = arith.addi %mul3A_7, %add3A_1411 : vector<16xi32>
    %gather3A_1413 = tpu.vector_load_idx %arg6[%add3A_1412] : memref<3328xi32, #tpu.memory_space<vmem>>[vector<16xi32>], vector<16xi32>,
    %add3A_1414 = arith.constant 1400000 : i32
    %add3A_1415 = vector.broadcast %add3A_1414 : i32 to vector<16xi32>
    %add3A_1416 = arith.addi %gather3A_1413, %add3A_1415 : vector<16xi32>
    %swap3A_1417 = arith.constant 14 : i32
    %swap3A_1418 = arith.index_cast %swap3A_1417 : i32 to index
    %swap3A_1419 = arith.constant 48 : index
    %swap3A_1420 = tpu.vector_load %arg7[%swap3A_1418, %swap3A_1419] {strides = array<i32>} : memref<26x128xi32, #tpu.memory_space<vmem>>, vector<16xi32>,
    tpu.vector_store %arg7[%swap3A_1418, %swap3A_1419], %add3A_1416 {strides = array<i32>} : memref<26x128xi32, #tpu.memory_space<vmem>>, vector<16xi32>,
    %add3A_1421 = arith.constant 1678 : i32
    %add3A_1422 = vector.broadcast %add3A_1421 : i32 to vector<16xi32>
    %add3A_1423 = arith.addi %mul3A_7, %add3A_1422 : vector<16xi32>
    %gather3A_1424 = tpu.vector_load_idx %arg6[%add3A_1423] : memref<3328xi32, #tpu.memory_space<vmem>>[vector<16xi32>], vector<16xi32>,
    %add3A_1425 = arith.constant 1400000 : i32
    %add3A_1426 = vector.broadcast %add3A_1425 : i32 to vector<16xi32>
    %add3A_1427 = arith.addi %gather3A_1424, %add3A_1426 : vector<16xi32>
    %swap3A_1428 = arith.constant 14 : i32
    %swap3A_1429 = arith.index_cast %swap3A_1428 : i32 to index
    %swap3A_1430 = arith.constant 64 : index
    %swap3A_1431 = tpu.vector_load %arg7[%swap3A_1429, %swap3A_1430] {strides = array<i32>} : memref<26x128xi32, #tpu.memory_space<vmem>>, vector<16xi32>,
    tpu.vector_store %arg7[%swap3A_1429, %swap3A_1430], %add3A_1427 {strides = array<i32>} : memref<26x128xi32, #tpu.memory_space<vmem>>, vector<16xi32>,
    %add3A_1432 = arith.constant 2094 : i32
    %add3A_1433 = vector.broadcast %add3A_1432 : i32 to vector<16xi32>
    %add3A_1434 = arith.addi %mul3A_7, %add3A_1433 : vector<16xi32>
    %gather3A_1435 = tpu.vector_load_idx %arg6[%add3A_1434] : memref<3328xi32, #tpu.memory_space<vmem>>[vector<16xi32>], vector<16xi32>,
    %add3A_1436 = arith.constant 1400000 : i32
    %add3A_1437 = vector.broadcast %add3A_1436 : i32 to vector<16xi32>
    %add3A_1438 = arith.addi %gather3A_1435, %add3A_1437 : vector<16xi32>
    %swap3A_1439 = arith.constant 14 : i32
    %swap3A_1440 = arith.index_cast %swap3A_1439 : i32 to index
    %swap3A_1441 = arith.constant 80 : index
    %swap3A_1442 = tpu.vector_load %arg7[%swap3A_1440, %swap3A_1441] {strides = array<i32>} : memref<26x128xi32, #tpu.memory_space<vmem>>, vector<16xi32>,
    tpu.vector_store %arg7[%swap3A_1440, %swap3A_1441], %add3A_1438 {strides = array<i32>} : memref<26x128xi32, #tpu.memory_space<vmem>>, vector<16xi32>,
    %add3A_1443 = arith.constant 2510 : i32
    %add3A_1444 = vector.broadcast %add3A_1443 : i32 to vector<16xi32>
    %add3A_1445 = arith.addi %mul3A_7, %add3A_1444 : vector<16xi32>
    %gather3A_1446 = tpu.vector_load_idx %arg6[%add3A_1445] : memref<3328xi32, #tpu.memory_space<vmem>>[vector<16xi32>], vector<16xi32>,
    %add3A_1447 = arith.constant 1400000 : i32
    %add3A_1448 = vector.broadcast %add3A_1447 : i32 to vector<16xi32>
    %add3A_1449 = arith.addi %gather3A_1446, %add3A_1448 : vector<16xi32>
    %swap3A_1450 = arith.constant 14 : i32
    %swap3A_1451 = arith.index_cast %swap3A_1450 : i32 to index
    %swap3A_1452 = arith.constant 96 : index
    %swap3A_1453 = tpu.vector_load %arg7[%swap3A_1451, %swap3A_1452] {strides = array<i32>} : memref<26x128xi32, #tpu.memory_space<vmem>>, vector<16xi32>,
    tpu.vector_store %arg7[%swap3A_1451, %swap3A_1452], %add3A_1449 {strides = array<i32>} : memref<26x128xi32, #tpu.memory_space<vmem>>, vector<16xi32>,
    %add3A_1454 = arith.constant 2926 : i32
    %add3A_1455 = vector.broadcast %add3A_1454 : i32 to vector<16xi32>
    %add3A_1456 = arith.addi %mul3A_7, %add3A_1455 : vector<16xi32>
    %gather3A_1457 = tpu.vector_load_idx %arg6[%add3A_1456] : memref<3328xi32, #tpu.memory_space<vmem>>[vector<16xi32>], vector<16xi32>,
    %add3A_1458 = arith.constant 1400000 : i32
    %add3A_1459 = vector.broadcast %add3A_1458 : i32 to vector<16xi32>
    %add3A_1460 = arith.addi %gather3A_1457, %add3A_1459 : vector<16xi32>
    %swap3A_1461 = arith.constant 14 : i32
    %swap3A_1462 = arith.index_cast %swap3A_1461 : i32 to index
    %swap3A_1463 = arith.constant 112 : index
    %swap3A_1464 = tpu.vector_load %arg7[%swap3A_1462, %swap3A_1463] {strides = array<i32>} : memref<26x128xi32, #tpu.memory_space<vmem>>, vector<16xi32>,
    tpu.vector_store %arg7[%swap3A_1462, %swap3A_1463], %add3A_1460 {strides = array<i32>} : memref<26x128xi32, #tpu.memory_space<vmem>>, vector<16xi32>,
    %dma_start3A_1465 = arith.constant 14 : i32
    %dma_start3A_1466 = arith.constant 14 : i32
    %dma_start3A_1467 = arith.constant 0 : i32
    %dma_start3A_1468 = tpu.memref_slice %arg8[%dma_start3A_1466, %dma_start3A_1467] : memref<26x128xf32, #tpu.memory_space<vmem>> -> memref<1x128xf32, #tpu.memory_space<vmem>>
    %dma_start3A_1469 = tpu.memref_squeeze %dma_start3A_1468 : memref<1x128xf32, #tpu.memory_space<vmem>> -> memref<128xf32, #tpu.memory_space<vmem>>
    %dma_start3A_1470 = arith.constant 0 : i32
    %dma_start3A_1471 = tpu.memref_slice %arg7[%dma_start3A_1465, %dma_start3A_1470] : memref<26x128xi32, #tpu.memory_space<vmem>> -> memref<1x128xi32, #tpu.memory_space<vmem>>
    %dma_start3A_1472 = tpu.memref_squeeze %dma_start3A_1471 : memref<1x128xi32, #tpu.memory_space<vmem>> -> memref<128xi32, #tpu.memory_space<vmem>>
    %dma_start3A_1473 = arith.constant 0 : i32
    %dma_start3A_1474 = tpu.memref_slice %arg3[%dma_start3A_1473] : memref<2600000xf32, #tpu.memory_space<hbm>> -> memref<2600000xf32, #tpu.memory_space<hbm>>
    tpu.enqueue_indirect_dma source(%dma_start3A_1474 : memref<2600000xf32, #tpu.memory_space<hbm>>) target(%dma_start3A_1469 : memref<128xf32, #tpu.memory_space<vmem>>) offsets(%dma_start3A_1472 : memref<128xi32, #tpu.memory_space<vmem>>) semaphore(%arg11 : memref<!tpu.dma_semaphore, #tpu.memory_space<semaphore_mem>>)
    %add3A_1475 = arith.constant 15 : i32
    %add3A_1476 = vector.broadcast %add3A_1475 : i32 to vector<16xi32>
    %add3A_1477 = arith.addi %mul3A_7, %add3A_1476 : vector<16xi32>
    %gather3A_1478 = tpu.vector_load_idx %arg6[%add3A_1477] : memref<3328xi32, #tpu.memory_space<vmem>>[vector<16xi32>], vector<16xi32>,
    %add3A_1479 = arith.constant 1500000 : i32
    %add3A_1480 = vector.broadcast %add3A_1479 : i32 to vector<16xi32>
    %add3A_1481 = arith.addi %gather3A_1478, %add3A_1480 : vector<16xi32>
    %swap3A_1482 = arith.constant 15 : i32
    %swap3A_1483 = arith.index_cast %swap3A_1482 : i32 to index
    %swap3A_1484 = arith.constant 0 : index
    %swap3A_1485 = tpu.vector_load %arg7[%swap3A_1483, %swap3A_1484] {strides = array<i32>} : memref<26x128xi32, #tpu.memory_space<vmem>>, vector<16xi32>,
    tpu.vector_store %arg7[%swap3A_1483, %swap3A_1484], %add3A_1481 {strides = array<i32>} : memref<26x128xi32, #tpu.memory_space<vmem>>, vector<16xi32>,
    %add3A_1486 = arith.constant 431 : i32
    %add3A_1487 = vector.broadcast %add3A_1486 : i32 to vector<16xi32>
    %add3A_1488 = arith.addi %mul3A_7, %add3A_1487 : vector<16xi32>
    %gather3A_1489 = tpu.vector_load_idx %arg6[%add3A_1488] : memref<3328xi32, #tpu.memory_space<vmem>>[vector<16xi32>], vector<16xi32>,
    %add3A_1490 = arith.constant 1500000 : i32
    %add3A_1491 = vector.broadcast %add3A_1490 : i32 to vector<16xi32>
    %add3A_1492 = arith.addi %gather3A_1489, %add3A_1491 : vector<16xi32>
    %swap3A_1493 = arith.constant 15 : i32
    %swap3A_1494 = arith.index_cast %swap3A_1493 : i32 to index
    %swap3A_1495 = arith.constant 16 : index
    %swap3A_1496 = tpu.vector_load %arg7[%swap3A_1494, %swap3A_1495] {strides = array<i32>} : memref<26x128xi32, #tpu.memory_space<vmem>>, vector<16xi32>,
    tpu.vector_store %arg7[%swap3A_1494, %swap3A_1495], %add3A_1492 {strides = array<i32>} : memref<26x128xi32, #tpu.memory_space<vmem>>, vector<16xi32>,
    %add3A_1497 = arith.constant 847 : i32
    %add3A_1498 = vector.broadcast %add3A_1497 : i32 to vector<16xi32>
    %add3A_1499 = arith.addi %mul3A_7, %add3A_1498 : vector<16xi32>
    %gather3A_1500 = tpu.vector_load_idx %arg6[%add3A_1499] : memref<3328xi32, #tpu.memory_space<vmem>>[vector<16xi32>], vector<16xi32>,
    %add3A_1501 = arith.constant 1500000 : i32
    %add3A_1502 = vector.broadcast %add3A_1501 : i32 to vector<16xi32>
    %add3A_1503 = arith.addi %gather3A_1500, %add3A_1502 : vector<16xi32>
    %swap3A_1504 = arith.constant 15 : i32
    %swap3A_1505 = arith.index_cast %swap3A_1504 : i32 to index
    %swap3A_1506 = arith.constant 32 : index
    %swap3A_1507 = tpu.vector_load %arg7[%swap3A_1505, %swap3A_1506] {strides = array<i32>} : memref<26x128xi32, #tpu.memory_space<vmem>>, vector<16xi32>,
    tpu.vector_store %arg7[%swap3A_1505, %swap3A_1506], %add3A_1503 {strides = array<i32>} : memref<26x128xi32, #tpu.memory_space<vmem>>, vector<16xi32>,
    %add3A_1508 = arith.constant 1263 : i32
    %add3A_1509 = vector.broadcast %add3A_1508 : i32 to vector<16xi32>
    %add3A_1510 = arith.addi %mul3A_7, %add3A_1509 : vector<16xi32>
    %gather3A_1511 = tpu.vector_load_idx %arg6[%add3A_1510] : memref<3328xi32, #tpu.memory_space<vmem>>[vector<16xi32>], vector<16xi32>,
    %add3A_1512 = arith.constant 1500000 : i32
    %add3A_1513 = vector.broadcast %add3A_1512 : i32 to vector<16xi32>
    %add3A_1514 = arith.addi %gather3A_1511, %add3A_1513 : vector<16xi32>
    %swap3A_1515 = arith.constant 15 : i32
    %swap3A_1516 = arith.index_cast %swap3A_1515 : i32 to index
    %swap3A_1517 = arith.constant 48 : index
    %swap3A_1518 = tpu.vector_load %arg7[%swap3A_1516, %swap3A_1517] {strides = array<i32>} : memref<26x128xi32, #tpu.memory_space<vmem>>, vector<16xi32>,
    tpu.vector_store %arg7[%swap3A_1516, %swap3A_1517], %add3A_1514 {strides = array<i32>} : memref<26x128xi32, #tpu.memory_space<vmem>>, vector<16xi32>,
    %add3A_1519 = arith.constant 1679 : i32
    %add3A_1520 = vector.broadcast %add3A_1519 : i32 to vector<16xi32>
    %add3A_1521 = arith.addi %mul3A_7, %add3A_1520 : vector<16xi32>
    %gather3A_1522 = tpu.vector_load_idx %arg6[%add3A_1521] : memref<3328xi32, #tpu.memory_space<vmem>>[vector<16xi32>], vector<16xi32>,
    %add3A_1523 = arith.constant 1500000 : i32
    %add3A_1524 = vector.broadcast %add3A_1523 : i32 to vector<16xi32>
    %add3A_1525 = arith.addi %gather3A_1522, %add3A_1524 : vector<16xi32>
    %swap3A_1526 = arith.constant 15 : i32
    %swap3A_1527 = arith.index_cast %swap3A_1526 : i32 to index
    %swap3A_1528 = arith.constant 64 : index
    %swap3A_1529 = tpu.vector_load %arg7[%swap3A_1527, %swap3A_1528] {strides = array<i32>} : memref<26x128xi32, #tpu.memory_space<vmem>>, vector<16xi32>,
    tpu.vector_store %arg7[%swap3A_1527, %swap3A_1528], %add3A_1525 {strides = array<i32>} : memref<26x128xi32, #tpu.memory_space<vmem>>, vector<16xi32>,
    %add3A_1530 = arith.constant 2095 : i32
    %add3A_1531 = vector.broadcast %add3A_1530 : i32 to vector<16xi32>
    %add3A_1532 = arith.addi %mul3A_7, %add3A_1531 : vector<16xi32>
    %gather3A_1533 = tpu.vector_load_idx %arg6[%add3A_1532] : memref<3328xi32, #tpu.memory_space<vmem>>[vector<16xi32>], vector<16xi32>,
    %add3A_1534 = arith.constant 1500000 : i32
    %add3A_1535 = vector.broadcast %add3A_1534 : i32 to vector<16xi32>
    %add3A_1536 = arith.addi %gather3A_1533, %add3A_1535 : vector<16xi32>
    %swap3A_1537 = arith.constant 15 : i32
    %swap3A_1538 = arith.index_cast %swap3A_1537 : i32 to index
    %swap3A_1539 = arith.constant 80 : index
    %swap3A_1540 = tpu.vector_load %arg7[%swap3A_1538, %swap3A_1539] {strides = array<i32>} : memref<26x128xi32, #tpu.memory_space<vmem>>, vector<16xi32>,
    tpu.vector_store %arg7[%swap3A_1538, %swap3A_1539], %add3A_1536 {strides = array<i32>} : memref<26x128xi32, #tpu.memory_space<vmem>>, vector<16xi32>,
    %add3A_1541 = arith.constant 2511 : i32
    %add3A_1542 = vector.broadcast %add3A_1541 : i32 to vector<16xi32>
    %add3A_1543 = arith.addi %mul3A_7, %add3A_1542 : vector<16xi32>
    %gather3A_1544 = tpu.vector_load_idx %arg6[%add3A_1543] : memref<3328xi32, #tpu.memory_space<vmem>>[vector<16xi32>], vector<16xi32>,
    %add3A_1545 = arith.constant 1500000 : i32
    %add3A_1546 = vector.broadcast %add3A_1545 : i32 to vector<16xi32>
    %add3A_1547 = arith.addi %gather3A_1544, %add3A_1546 : vector<16xi32>
    %swap3A_1548 = arith.constant 15 : i32
    %swap3A_1549 = arith.index_cast %swap3A_1548 : i32 to index
    %swap3A_1550 = arith.constant 96 : index
    %swap3A_1551 = tpu.vector_load %arg7[%swap3A_1549, %swap3A_1550] {strides = array<i32>} : memref<26x128xi32, #tpu.memory_space<vmem>>, vector<16xi32>,
    tpu.vector_store %arg7[%swap3A_1549, %swap3A_1550], %add3A_1547 {strides = array<i32>} : memref<26x128xi32, #tpu.memory_space<vmem>>, vector<16xi32>,
    %add3A_1552 = arith.constant 2927 : i32
    %add3A_1553 = vector.broadcast %add3A_1552 : i32 to vector<16xi32>
    %add3A_1554 = arith.addi %mul3A_7, %add3A_1553 : vector<16xi32>
    %gather3A_1555 = tpu.vector_load_idx %arg6[%add3A_1554] : memref<3328xi32, #tpu.memory_space<vmem>>[vector<16xi32>], vector<16xi32>,
    %add3A_1556 = arith.constant 1500000 : i32
    %add3A_1557 = vector.broadcast %add3A_1556 : i32 to vector<16xi32>
    %add3A_1558 = arith.addi %gather3A_1555, %add3A_1557 : vector<16xi32>
    %swap3A_1559 = arith.constant 15 : i32
    %swap3A_1560 = arith.index_cast %swap3A_1559 : i32 to index
    %swap3A_1561 = arith.constant 112 : index
    %swap3A_1562 = tpu.vector_load %arg7[%swap3A_1560, %swap3A_1561] {strides = array<i32>} : memref<26x128xi32, #tpu.memory_space<vmem>>, vector<16xi32>,
    tpu.vector_store %arg7[%swap3A_1560, %swap3A_1561], %add3A_1558 {strides = array<i32>} : memref<26x128xi32, #tpu.memory_space<vmem>>, vector<16xi32>,
    %dma_start3A_1563 = arith.constant 15 : i32
    %dma_start3A_1564 = arith.constant 15 : i32
    %dma_start3A_1565 = arith.constant 0 : i32
    %dma_start3A_1566 = tpu.memref_slice %arg8[%dma_start3A_1564, %dma_start3A_1565] : memref<26x128xf32, #tpu.memory_space<vmem>> -> memref<1x128xf32, #tpu.memory_space<vmem>>
    %dma_start3A_1567 = tpu.memref_squeeze %dma_start3A_1566 : memref<1x128xf32, #tpu.memory_space<vmem>> -> memref<128xf32, #tpu.memory_space<vmem>>
    %dma_start3A_1568 = arith.constant 0 : i32
    %dma_start3A_1569 = tpu.memref_slice %arg7[%dma_start3A_1563, %dma_start3A_1568] : memref<26x128xi32, #tpu.memory_space<vmem>> -> memref<1x128xi32, #tpu.memory_space<vmem>>
    %dma_start3A_1570 = tpu.memref_squeeze %dma_start3A_1569 : memref<1x128xi32, #tpu.memory_space<vmem>> -> memref<128xi32, #tpu.memory_space<vmem>>
    %dma_start3A_1571 = arith.constant 0 : i32
    %dma_start3A_1572 = tpu.memref_slice %arg3[%dma_start3A_1571] : memref<2600000xf32, #tpu.memory_space<hbm>> -> memref<2600000xf32, #tpu.memory_space<hbm>>
    tpu.enqueue_indirect_dma source(%dma_start3A_1572 : memref<2600000xf32, #tpu.memory_space<hbm>>) target(%dma_start3A_1567 : memref<128xf32, #tpu.memory_space<vmem>>) offsets(%dma_start3A_1570 : memref<128xi32, #tpu.memory_space<vmem>>) semaphore(%arg11 : memref<!tpu.dma_semaphore, #tpu.memory_space<semaphore_mem>>)
    %add3A_1573 = arith.constant 16 : i32
    %add3A_1574 = vector.broadcast %add3A_1573 : i32 to vector<16xi32>
    %add3A_1575 = arith.addi %mul3A_7, %add3A_1574 : vector<16xi32>
    %gather3A_1576 = tpu.vector_load_idx %arg6[%add3A_1575] : memref<3328xi32, #tpu.memory_space<vmem>>[vector<16xi32>], vector<16xi32>,
    %add3A_1577 = arith.constant 1600000 : i32
    %add3A_1578 = vector.broadcast %add3A_1577 : i32 to vector<16xi32>
    %add3A_1579 = arith.addi %gather3A_1576, %add3A_1578 : vector<16xi32>
    %swap3A_1580 = arith.constant 16 : i32
    %swap3A_1581 = arith.index_cast %swap3A_1580 : i32 to index
    %swap3A_1582 = arith.constant 0 : index
    %swap3A_1583 = tpu.vector_load %arg7[%swap3A_1581, %swap3A_1582] {strides = array<i32>} : memref<26x128xi32, #tpu.memory_space<vmem>>, vector<16xi32>,
    tpu.vector_store %arg7[%swap3A_1581, %swap3A_1582], %add3A_1579 {strides = array<i32>} : memref<26x128xi32, #tpu.memory_space<vmem>>, vector<16xi32>,
    %add3A_1584 = arith.constant 432 : i32
    %add3A_1585 = vector.broadcast %add3A_1584 : i32 to vector<16xi32>
    %add3A_1586 = arith.addi %mul3A_7, %add3A_1585 : vector<16xi32>
    %gather3A_1587 = tpu.vector_load_idx %arg6[%add3A_1586] : memref<3328xi32, #tpu.memory_space<vmem>>[vector<16xi32>], vector<16xi32>,
    %add3A_1588 = arith.constant 1600000 : i32
    %add3A_1589 = vector.broadcast %add3A_1588 : i32 to vector<16xi32>
    %add3A_1590 = arith.addi %gather3A_1587, %add3A_1589 : vector<16xi32>
    %swap3A_1591 = arith.constant 16 : i32
    %swap3A_1592 = arith.index_cast %swap3A_1591 : i32 to index
    %swap3A_1593 = arith.constant 16 : index
    %swap3A_1594 = tpu.vector_load %arg7[%swap3A_1592, %swap3A_1593] {strides = array<i32>} : memref<26x128xi32, #tpu.memory_space<vmem>>, vector<16xi32>,
    tpu.vector_store %arg7[%swap3A_1592, %swap3A_1593], %add3A_1590 {strides = array<i32>} : memref<26x128xi32, #tpu.memory_space<vmem>>, vector<16xi32>,
    %add3A_1595 = arith.constant 848 : i32
    %add3A_1596 = vector.broadcast %add3A_1595 : i32 to vector<16xi32>
    %add3A_1597 = arith.addi %mul3A_7, %add3A_1596 : vector<16xi32>
    %gather3A_1598 = tpu.vector_load_idx %arg6[%add3A_1597] : memref<3328xi32, #tpu.memory_space<vmem>>[vector<16xi32>], vector<16xi32>,
    %add3A_1599 = arith.constant 1600000 : i32
    %add3A_1600 = vector.broadcast %add3A_1599 : i32 to vector<16xi32>
    %add3A_1601 = arith.addi %gather3A_1598, %add3A_1600 : vector<16xi32>
    %swap3A_1602 = arith.constant 16 : i32
    %swap3A_1603 = arith.index_cast %swap3A_1602 : i32 to index
    %swap3A_1604 = arith.constant 32 : index
    %swap3A_1605 = tpu.vector_load %arg7[%swap3A_1603, %swap3A_1604] {strides = array<i32>} : memref<26x128xi32, #tpu.memory_space<vmem>>, vector<16xi32>,
    tpu.vector_store %arg7[%swap3A_1603, %swap3A_1604], %add3A_1601 {strides = array<i32>} : memref<26x128xi32, #tpu.memory_space<vmem>>, vector<16xi32>,
    %add3A_1606 = arith.constant 1264 : i32
    %add3A_1607 = vector.broadcast %add3A_1606 : i32 to vector<16xi32>
    %add3A_1608 = arith.addi %mul3A_7, %add3A_1607 : vector<16xi32>
    %gather3A_1609 = tpu.vector_load_idx %arg6[%add3A_1608] : memref<3328xi32, #tpu.memory_space<vmem>>[vector<16xi32>], vector<16xi32>,
    %add3A_1610 = arith.constant 1600000 : i32
    %add3A_1611 = vector.broadcast %add3A_1610 : i32 to vector<16xi32>
    %add3A_1612 = arith.addi %gather3A_1609, %add3A_1611 : vector<16xi32>
    %swap3A_1613 = arith.constant 16 : i32
    %swap3A_1614 = arith.index_cast %swap3A_1613 : i32 to index
    %swap3A_1615 = arith.constant 48 : index
    %swap3A_1616 = tpu.vector_load %arg7[%swap3A_1614, %swap3A_1615] {strides = array<i32>} : memref<26x128xi32, #tpu.memory_space<vmem>>, vector<16xi32>,
    tpu.vector_store %arg7[%swap3A_1614, %swap3A_1615], %add3A_1612 {strides = array<i32>} : memref<26x128xi32, #tpu.memory_space<vmem>>, vector<16xi32>,
    %add3A_1617 = arith.constant 1680 : i32
    %add3A_1618 = vector.broadcast %add3A_1617 : i32 to vector<16xi32>
    %add3A_1619 = arith.addi %mul3A_7, %add3A_1618 : vector<16xi32>
    %gather3A_1620 = tpu.vector_load_idx %arg6[%add3A_1619] : memref<3328xi32, #tpu.memory_space<vmem>>[vector<16xi32>], vector<16xi32>,
    %add3A_1621 = arith.constant 1600000 : i32
    %add3A_1622 = vector.broadcast %add3A_1621 : i32 to vector<16xi32>
    %add3A_1623 = arith.addi %gather3A_1620, %add3A_1622 : vector<16xi32>
    %swap3A_1624 = arith.constant 16 : i32
    %swap3A_1625 = arith.index_cast %swap3A_1624 : i32 to index
    %swap3A_1626 = arith.constant 64 : index
    %swap3A_1627 = tpu.vector_load %arg7[%swap3A_1625, %swap3A_1626] {strides = array<i32>} : memref<26x128xi32, #tpu.memory_space<vmem>>, vector<16xi32>,
    tpu.vector_store %arg7[%swap3A_1625, %swap3A_1626], %add3A_1623 {strides = array<i32>} : memref<26x128xi32, #tpu.memory_space<vmem>>, vector<16xi32>,
    %add3A_1628 = arith.constant 2096 : i32
    %add3A_1629 = vector.broadcast %add3A_1628 : i32 to vector<16xi32>
    %add3A_1630 = arith.addi %mul3A_7, %add3A_1629 : vector<16xi32>
    %gather3A_1631 = tpu.vector_load_idx %arg6[%add3A_1630] : memref<3328xi32, #tpu.memory_space<vmem>>[vector<16xi32>], vector<16xi32>,
    %add3A_1632 = arith.constant 1600000 : i32
    %add3A_1633 = vector.broadcast %add3A_1632 : i32 to vector<16xi32>
    %add3A_1634 = arith.addi %gather3A_1631, %add3A_1633 : vector<16xi32>
    %swap3A_1635 = arith.constant 16 : i32
    %swap3A_1636 = arith.index_cast %swap3A_1635 : i32 to index
    %swap3A_1637 = arith.constant 80 : index
    %swap3A_1638 = tpu.vector_load %arg7[%swap3A_1636, %swap3A_1637] {strides = array<i32>} : memref<26x128xi32, #tpu.memory_space<vmem>>, vector<16xi32>,
    tpu.vector_store %arg7[%swap3A_1636, %swap3A_1637], %add3A_1634 {strides = array<i32>} : memref<26x128xi32, #tpu.memory_space<vmem>>, vector<16xi32>,
    %add3A_1639 = arith.constant 2512 : i32
    %add3A_1640 = vector.broadcast %add3A_1639 : i32 to vector<16xi32>
    %add3A_1641 = arith.addi %mul3A_7, %add3A_1640 : vector<16xi32>
    %gather3A_1642 = tpu.vector_load_idx %arg6[%add3A_1641] : memref<3328xi32, #tpu.memory_space<vmem>>[vector<16xi32>], vector<16xi32>,
    %add3A_1643 = arith.constant 1600000 : i32
    %add3A_1644 = vector.broadcast %add3A_1643 : i32 to vector<16xi32>
    %add3A_1645 = arith.addi %gather3A_1642, %add3A_1644 : vector<16xi32>
    %swap3A_1646 = arith.constant 16 : i32
    %swap3A_1647 = arith.index_cast %swap3A_1646 : i32 to index
    %swap3A_1648 = arith.constant 96 : index
    %swap3A_1649 = tpu.vector_load %arg7[%swap3A_1647, %swap3A_1648] {strides = array<i32>} : memref<26x128xi32, #tpu.memory_space<vmem>>, vector<16xi32>,
    tpu.vector_store %arg7[%swap3A_1647, %swap3A_1648], %add3A_1645 {strides = array<i32>} : memref<26x128xi32, #tpu.memory_space<vmem>>, vector<16xi32>,
    %add3A_1650 = arith.constant 2928 : i32
    %add3A_1651 = vector.broadcast %add3A_1650 : i32 to vector<16xi32>
    %add3A_1652 = arith.addi %mul3A_7, %add3A_1651 : vector<16xi32>
    %gather3A_1653 = tpu.vector_load_idx %arg6[%add3A_1652] : memref<3328xi32, #tpu.memory_space<vmem>>[vector<16xi32>], vector<16xi32>,
    %add3A_1654 = arith.constant 1600000 : i32
    %add3A_1655 = vector.broadcast %add3A_1654 : i32 to vector<16xi32>
    %add3A_1656 = arith.addi %gather3A_1653, %add3A_1655 : vector<16xi32>
    %swap3A_1657 = arith.constant 16 : i32
    %swap3A_1658 = arith.index_cast %swap3A_1657 : i32 to index
    %swap3A_1659 = arith.constant 112 : index
    %swap3A_1660 = tpu.vector_load %arg7[%swap3A_1658, %swap3A_1659] {strides = array<i32>} : memref<26x128xi32, #tpu.memory_space<vmem>>, vector<16xi32>,
    tpu.vector_store %arg7[%swap3A_1658, %swap3A_1659], %add3A_1656 {strides = array<i32>} : memref<26x128xi32, #tpu.memory_space<vmem>>, vector<16xi32>,
    %dma_start3A_1661 = arith.constant 16 : i32
    %dma_start3A_1662 = arith.constant 16 : i32
    %dma_start3A_1663 = arith.constant 0 : i32
    %dma_start3A_1664 = tpu.memref_slice %arg8[%dma_start3A_1662, %dma_start3A_1663] : memref<26x128xf32, #tpu.memory_space<vmem>> -> memref<1x128xf32, #tpu.memory_space<vmem>>
    %dma_start3A_1665 = tpu.memref_squeeze %dma_start3A_1664 : memref<1x128xf32, #tpu.memory_space<vmem>> -> memref<128xf32, #tpu.memory_space<vmem>>
    %dma_start3A_1666 = arith.constant 0 : i32
    %dma_start3A_1667 = tpu.memref_slice %arg7[%dma_start3A_1661, %dma_start3A_1666] : memref<26x128xi32, #tpu.memory_space<vmem>> -> memref<1x128xi32, #tpu.memory_space<vmem>>
    %dma_start3A_1668 = tpu.memref_squeeze %dma_start3A_1667 : memref<1x128xi32, #tpu.memory_space<vmem>> -> memref<128xi32, #tpu.memory_space<vmem>>
    %dma_start3A_1669 = arith.constant 0 : i32
    %dma_start3A_1670 = tpu.memref_slice %arg3[%dma_start3A_1669] : memref<2600000xf32, #tpu.memory_space<hbm>> -> memref<2600000xf32, #tpu.memory_space<hbm>>
    tpu.enqueue_indirect_dma source(%dma_start3A_1670 : memref<2600000xf32, #tpu.memory_space<hbm>>) target(%dma_start3A_1665 : memref<128xf32, #tpu.memory_space<vmem>>) offsets(%dma_start3A_1668 : memref<128xi32, #tpu.memory_space<vmem>>) semaphore(%arg11 : memref<!tpu.dma_semaphore, #tpu.memory_space<semaphore_mem>>)
    %add3A_1671 = arith.constant 17 : i32
    %add3A_1672 = vector.broadcast %add3A_1671 : i32 to vector<16xi32>
    %add3A_1673 = arith.addi %mul3A_7, %add3A_1672 : vector<16xi32>
    %gather3A_1674 = tpu.vector_load_idx %arg6[%add3A_1673] : memref<3328xi32, #tpu.memory_space<vmem>>[vector<16xi32>], vector<16xi32>,
    %add3A_1675 = arith.constant 1700000 : i32
    %add3A_1676 = vector.broadcast %add3A_1675 : i32 to vector<16xi32>
    %add3A_1677 = arith.addi %gather3A_1674, %add3A_1676 : vector<16xi32>
    %swap3A_1678 = arith.constant 17 : i32
    %swap3A_1679 = arith.index_cast %swap3A_1678 : i32 to index
    %swap3A_1680 = arith.constant 0 : index
    %swap3A_1681 = tpu.vector_load %arg7[%swap3A_1679, %swap3A_1680] {strides = array<i32>} : memref<26x128xi32, #tpu.memory_space<vmem>>, vector<16xi32>,
    tpu.vector_store %arg7[%swap3A_1679, %swap3A_1680], %add3A_1677 {strides = array<i32>} : memref<26x128xi32, #tpu.memory_space<vmem>>, vector<16xi32>,
    %add3A_1682 = arith.constant 433 : i32
    %add3A_1683 = vector.broadcast %add3A_1682 : i32 to vector<16xi32>
    %add3A_1684 = arith.addi %mul3A_7, %add3A_1683 : vector<16xi32>
    %gather3A_1685 = tpu.vector_load_idx %arg6[%add3A_1684] : memref<3328xi32, #tpu.memory_space<vmem>>[vector<16xi32>], vector<16xi32>,
    %add3A_1686 = arith.constant 1700000 : i32
    %add3A_1687 = vector.broadcast %add3A_1686 : i32 to vector<16xi32>
    %add3A_1688 = arith.addi %gather3A_1685, %add3A_1687 : vector<16xi32>
    %swap3A_1689 = arith.constant 17 : i32
    %swap3A_1690 = arith.index_cast %swap3A_1689 : i32 to index
    %swap3A_1691 = arith.constant 16 : index
    %swap3A_1692 = tpu.vector_load %arg7[%swap3A_1690, %swap3A_1691] {strides = array<i32>} : memref<26x128xi32, #tpu.memory_space<vmem>>, vector<16xi32>,
    tpu.vector_store %arg7[%swap3A_1690, %swap3A_1691], %add3A_1688 {strides = array<i32>} : memref<26x128xi32, #tpu.memory_space<vmem>>, vector<16xi32>,
    %add3A_1693 = arith.constant 849 : i32
    %add3A_1694 = vector.broadcast %add3A_1693 : i32 to vector<16xi32>
    %add3A_1695 = arith.addi %mul3A_7, %add3A_1694 : vector<16xi32>
    %gather3A_1696 = tpu.vector_load_idx %arg6[%add3A_1695] : memref<3328xi32, #tpu.memory_space<vmem>>[vector<16xi32>], vector<16xi32>,
    %add3A_1697 = arith.constant 1700000 : i32
    %add3A_1698 = vector.broadcast %add3A_1697 : i32 to vector<16xi32>
    %add3A_1699 = arith.addi %gather3A_1696, %add3A_1698 : vector<16xi32>
    %swap3A_1700 = arith.constant 17 : i32
    %swap3A_1701 = arith.index_cast %swap3A_1700 : i32 to index
    %swap3A_1702 = arith.constant 32 : index
    %swap3A_1703 = tpu.vector_load %arg7[%swap3A_1701, %swap3A_1702] {strides = array<i32>} : memref<26x128xi32, #tpu.memory_space<vmem>>, vector<16xi32>,
    tpu.vector_store %arg7[%swap3A_1701, %swap3A_1702], %add3A_1699 {strides = array<i32>} : memref<26x128xi32, #tpu.memory_space<vmem>>, vector<16xi32>,
    %add3A_1704 = arith.constant 1265 : i32
    %add3A_1705 = vector.broadcast %add3A_1704 : i32 to vector<16xi32>
    %add3A_1706 = arith.addi %mul3A_7, %add3A_1705 : vector<16xi32>
    %gather3A_1707 = tpu.vector_load_idx %arg6[%add3A_1706] : memref<3328xi32, #tpu.memory_space<vmem>>[vector<16xi32>], vector<16xi32>,
    %add3A_1708 = arith.constant 1700000 : i32
    %add3A_1709 = vector.broadcast %add3A_1708 : i32 to vector<16xi32>
    %add3A_1710 = arith.addi %gather3A_1707, %add3A_1709 : vector<16xi32>
    %swap3A_1711 = arith.constant 17 : i32
    %swap3A_1712 = arith.index_cast %swap3A_1711 : i32 to index
    %swap3A_1713 = arith.constant 48 : index
    %swap3A_1714 = tpu.vector_load %arg7[%swap3A_1712, %swap3A_1713] {strides = array<i32>} : memref<26x128xi32, #tpu.memory_space<vmem>>, vector<16xi32>,
    tpu.vector_store %arg7[%swap3A_1712, %swap3A_1713], %add3A_1710 {strides = array<i32>} : memref<26x128xi32, #tpu.memory_space<vmem>>, vector<16xi32>,
    %add3A_1715 = arith.constant 1681 : i32
    %add3A_1716 = vector.broadcast %add3A_1715 : i32 to vector<16xi32>
    %add3A_1717 = arith.addi %mul3A_7, %add3A_1716 : vector<16xi32>
    %gather3A_1718 = tpu.vector_load_idx %arg6[%add3A_1717] : memref<3328xi32, #tpu.memory_space<vmem>>[vector<16xi32>], vector<16xi32>,
    %add3A_1719 = arith.constant 1700000 : i32
    %add3A_1720 = vector.broadcast %add3A_1719 : i32 to vector<16xi32>
    %add3A_1721 = arith.addi %gather3A_1718, %add3A_1720 : vector<16xi32>
    %swap3A_1722 = arith.constant 17 : i32
    %swap3A_1723 = arith.index_cast %swap3A_1722 : i32 to index
    %swap3A_1724 = arith.constant 64 : index
    %swap3A_1725 = tpu.vector_load %arg7[%swap3A_1723, %swap3A_1724] {strides = array<i32>} : memref<26x128xi32, #tpu.memory_space<vmem>>, vector<16xi32>,
    tpu.vector_store %arg7[%swap3A_1723, %swap3A_1724], %add3A_1721 {strides = array<i32>} : memref<26x128xi32, #tpu.memory_space<vmem>>, vector<16xi32>,
    %add3A_1726 = arith.constant 2097 : i32
    %add3A_1727 = vector.broadcast %add3A_1726 : i32 to vector<16xi32>
    %add3A_1728 = arith.addi %mul3A_7, %add3A_1727 : vector<16xi32>
    %gather3A_1729 = tpu.vector_load_idx %arg6[%add3A_1728] : memref<3328xi32, #tpu.memory_space<vmem>>[vector<16xi32>], vector<16xi32>,
    %add3A_1730 = arith.constant 1700000 : i32
    %add3A_1731 = vector.broadcast %add3A_1730 : i32 to vector<16xi32>
    %add3A_1732 = arith.addi %gather3A_1729, %add3A_1731 : vector<16xi32>
    %swap3A_1733 = arith.constant 17 : i32
    %swap3A_1734 = arith.index_cast %swap3A_1733 : i32 to index
    %swap3A_1735 = arith.constant 80 : index
    %swap3A_1736 = tpu.vector_load %arg7[%swap3A_1734, %swap3A_1735] {strides = array<i32>} : memref<26x128xi32, #tpu.memory_space<vmem>>, vector<16xi32>,
    tpu.vector_store %arg7[%swap3A_1734, %swap3A_1735], %add3A_1732 {strides = array<i32>} : memref<26x128xi32, #tpu.memory_space<vmem>>, vector<16xi32>,
    %add3A_1737 = arith.constant 2513 : i32
    %add3A_1738 = vector.broadcast %add3A_1737 : i32 to vector<16xi32>
    %add3A_1739 = arith.addi %mul3A_7, %add3A_1738 : vector<16xi32>
    %gather3A_1740 = tpu.vector_load_idx %arg6[%add3A_1739] : memref<3328xi32, #tpu.memory_space<vmem>>[vector<16xi32>], vector<16xi32>,
    %add3A_1741 = arith.constant 1700000 : i32
    %add3A_1742 = vector.broadcast %add3A_1741 : i32 to vector<16xi32>
    %add3A_1743 = arith.addi %gather3A_1740, %add3A_1742 : vector<16xi32>
    %swap3A_1744 = arith.constant 17 : i32
    %swap3A_1745 = arith.index_cast %swap3A_1744 : i32 to index
    %swap3A_1746 = arith.constant 96 : index
    %swap3A_1747 = tpu.vector_load %arg7[%swap3A_1745, %swap3A_1746] {strides = array<i32>} : memref<26x128xi32, #tpu.memory_space<vmem>>, vector<16xi32>,
    tpu.vector_store %arg7[%swap3A_1745, %swap3A_1746], %add3A_1743 {strides = array<i32>} : memref<26x128xi32, #tpu.memory_space<vmem>>, vector<16xi32>,
    %add3A_1748 = arith.constant 2929 : i32
    %add3A_1749 = vector.broadcast %add3A_1748 : i32 to vector<16xi32>
    %add3A_1750 = arith.addi %mul3A_7, %add3A_1749 : vector<16xi32>
    %gather3A_1751 = tpu.vector_load_idx %arg6[%add3A_1750] : memref<3328xi32, #tpu.memory_space<vmem>>[vector<16xi32>], vector<16xi32>,
    %add3A_1752 = arith.constant 1700000 : i32
    %add3A_1753 = vector.broadcast %add3A_1752 : i32 to vector<16xi32>
    %add3A_1754 = arith.addi %gather3A_1751, %add3A_1753 : vector<16xi32>
    %swap3A_1755 = arith.constant 17 : i32
    %swap3A_1756 = arith.index_cast %swap3A_1755 : i32 to index
    %swap3A_1757 = arith.constant 112 : index
    %swap3A_1758 = tpu.vector_load %arg7[%swap3A_1756, %swap3A_1757] {strides = array<i32>} : memref<26x128xi32, #tpu.memory_space<vmem>>, vector<16xi32>,
    tpu.vector_store %arg7[%swap3A_1756, %swap3A_1757], %add3A_1754 {strides = array<i32>} : memref<26x128xi32, #tpu.memory_space<vmem>>, vector<16xi32>,
    %dma_start3A_1759 = arith.constant 17 : i32
    %dma_start3A_1760 = arith.constant 17 : i32
    %dma_start3A_1761 = arith.constant 0 : i32
    %dma_start3A_1762 = tpu.memref_slice %arg8[%dma_start3A_1760, %dma_start3A_1761] : memref<26x128xf32, #tpu.memory_space<vmem>> -> memref<1x128xf32, #tpu.memory_space<vmem>>
    %dma_start3A_1763 = tpu.memref_squeeze %dma_start3A_1762 : memref<1x128xf32, #tpu.memory_space<vmem>> -> memref<128xf32, #tpu.memory_space<vmem>>
    %dma_start3A_1764 = arith.constant 0 : i32
    %dma_start3A_1765 = tpu.memref_slice %arg7[%dma_start3A_1759, %dma_start3A_1764] : memref<26x128xi32, #tpu.memory_space<vmem>> -> memref<1x128xi32, #tpu.memory_space<vmem>>
    %dma_start3A_1766 = tpu.memref_squeeze %dma_start3A_1765 : memref<1x128xi32, #tpu.memory_space<vmem>> -> memref<128xi32, #tpu.memory_space<vmem>>
    %dma_start3A_1767 = arith.constant 0 : i32
    %dma_start3A_1768 = tpu.memref_slice %arg3[%dma_start3A_1767] : memref<2600000xf32, #tpu.memory_space<hbm>> -> memref<2600000xf32, #tpu.memory_space<hbm>>
    tpu.enqueue_indirect_dma source(%dma_start3A_1768 : memref<2600000xf32, #tpu.memory_space<hbm>>) target(%dma_start3A_1763 : memref<128xf32, #tpu.memory_space<vmem>>) offsets(%dma_start3A_1766 : memref<128xi32, #tpu.memory_space<vmem>>) semaphore(%arg11 : memref<!tpu.dma_semaphore, #tpu.memory_space<semaphore_mem>>)
    %add3A_1769 = arith.constant 18 : i32
    %add3A_1770 = vector.broadcast %add3A_1769 : i32 to vector<16xi32>
    %add3A_1771 = arith.addi %mul3A_7, %add3A_1770 : vector<16xi32>
    %gather3A_1772 = tpu.vector_load_idx %arg6[%add3A_1771] : memref<3328xi32, #tpu.memory_space<vmem>>[vector<16xi32>], vector<16xi32>,
    %add3A_1773 = arith.constant 1800000 : i32
    %add3A_1774 = vector.broadcast %add3A_1773 : i32 to vector<16xi32>
    %add3A_1775 = arith.addi %gather3A_1772, %add3A_1774 : vector<16xi32>
    %swap3A_1776 = arith.constant 18 : i32
    %swap3A_1777 = arith.index_cast %swap3A_1776 : i32 to index
    %swap3A_1778 = arith.constant 0 : index
    %swap3A_1779 = tpu.vector_load %arg7[%swap3A_1777, %swap3A_1778] {strides = array<i32>} : memref<26x128xi32, #tpu.memory_space<vmem>>, vector<16xi32>,
    tpu.vector_store %arg7[%swap3A_1777, %swap3A_1778], %add3A_1775 {strides = array<i32>} : memref<26x128xi32, #tpu.memory_space<vmem>>, vector<16xi32>,
    %add3A_1780 = arith.constant 434 : i32
    %add3A_1781 = vector.broadcast %add3A_1780 : i32 to vector<16xi32>
    %add3A_1782 = arith.addi %mul3A_7, %add3A_1781 : vector<16xi32>
    %gather3A_1783 = tpu.vector_load_idx %arg6[%add3A_1782] : memref<3328xi32, #tpu.memory_space<vmem>>[vector<16xi32>], vector<16xi32>,
    %add3A_1784 = arith.constant 1800000 : i32
    %add3A_1785 = vector.broadcast %add3A_1784 : i32 to vector<16xi32>
    %add3A_1786 = arith.addi %gather3A_1783, %add3A_1785 : vector<16xi32>
    %swap3A_1787 = arith.constant 18 : i32
    %swap3A_1788 = arith.index_cast %swap3A_1787 : i32 to index
    %swap3A_1789 = arith.constant 16 : index
    %swap3A_1790 = tpu.vector_load %arg7[%swap3A_1788, %swap3A_1789] {strides = array<i32>} : memref<26x128xi32, #tpu.memory_space<vmem>>, vector<16xi32>,
    tpu.vector_store %arg7[%swap3A_1788, %swap3A_1789], %add3A_1786 {strides = array<i32>} : memref<26x128xi32, #tpu.memory_space<vmem>>, vector<16xi32>,
    %add3A_1791 = arith.constant 850 : i32
    %add3A_1792 = vector.broadcast %add3A_1791 : i32 to vector<16xi32>
    %add3A_1793 = arith.addi %mul3A_7, %add3A_1792 : vector<16xi32>
    %gather3A_1794 = tpu.vector_load_idx %arg6[%add3A_1793] : memref<3328xi32, #tpu.memory_space<vmem>>[vector<16xi32>], vector<16xi32>,
    %add3A_1795 = arith.constant 1800000 : i32
    %add3A_1796 = vector.broadcast %add3A_1795 : i32 to vector<16xi32>
    %add3A_1797 = arith.addi %gather3A_1794, %add3A_1796 : vector<16xi32>
    %swap3A_1798 = arith.constant 18 : i32
    %swap3A_1799 = arith.index_cast %swap3A_1798 : i32 to index
    %swap3A_1800 = arith.constant 32 : index
    %swap3A_1801 = tpu.vector_load %arg7[%swap3A_1799, %swap3A_1800] {strides = array<i32>} : memref<26x128xi32, #tpu.memory_space<vmem>>, vector<16xi32>,
    tpu.vector_store %arg7[%swap3A_1799, %swap3A_1800], %add3A_1797 {strides = array<i32>} : memref<26x128xi32, #tpu.memory_space<vmem>>, vector<16xi32>,
    %add3A_1802 = arith.constant 1266 : i32
    %add3A_1803 = vector.broadcast %add3A_1802 : i32 to vector<16xi32>
    %add3A_1804 = arith.addi %mul3A_7, %add3A_1803 : vector<16xi32>
    %gather3A_1805 = tpu.vector_load_idx %arg6[%add3A_1804] : memref<3328xi32, #tpu.memory_space<vmem>>[vector<16xi32>], vector<16xi32>,
    %add3A_1806 = arith.constant 1800000 : i32
    %add3A_1807 = vector.broadcast %add3A_1806 : i32 to vector<16xi32>
    %add3A_1808 = arith.addi %gather3A_1805, %add3A_1807 : vector<16xi32>
    %swap3A_1809 = arith.constant 18 : i32
    %swap3A_1810 = arith.index_cast %swap3A_1809 : i32 to index
    %swap3A_1811 = arith.constant 48 : index
    %swap3A_1812 = tpu.vector_load %arg7[%swap3A_1810, %swap3A_1811] {strides = array<i32>} : memref<26x128xi32, #tpu.memory_space<vmem>>, vector<16xi32>,
    tpu.vector_store %arg7[%swap3A_1810, %swap3A_1811], %add3A_1808 {strides = array<i32>} : memref<26x128xi32, #tpu.memory_space<vmem>>, vector<16xi32>,
    %add3A_1813 = arith.constant 1682 : i32
    %add3A_1814 = vector.broadcast %add3A_1813 : i32 to vector<16xi32>
    %add3A_1815 = arith.addi %mul3A_7, %add3A_1814 : vector<16xi32>
    %gather3A_1816 = tpu.vector_load_idx %arg6[%add3A_1815] : memref<3328xi32, #tpu.memory_space<vmem>>[vector<16xi32>], vector<16xi32>,
    %add3A_1817 = arith.constant 1800000 : i32
    %add3A_1818 = vector.broadcast %add3A_1817 : i32 to vector<16xi32>
    %add3A_1819 = arith.addi %gather3A_1816, %add3A_1818 : vector<16xi32>
    %swap3A_1820 = arith.constant 18 : i32
    %swap3A_1821 = arith.index_cast %swap3A_1820 : i32 to index
    %swap3A_1822 = arith.constant 64 : index
    %swap3A_1823 = tpu.vector_load %arg7[%swap3A_1821, %swap3A_1822] {strides = array<i32>} : memref<26x128xi32, #tpu.memory_space<vmem>>, vector<16xi32>,
    tpu.vector_store %arg7[%swap3A_1821, %swap3A_1822], %add3A_1819 {strides = array<i32>} : memref<26x128xi32, #tpu.memory_space<vmem>>, vector<16xi32>,
    %add3A_1824 = arith.constant 2098 : i32
    %add3A_1825 = vector.broadcast %add3A_1824 : i32 to vector<16xi32>
    %add3A_1826 = arith.addi %mul3A_7, %add3A_1825 : vector<16xi32>
    %gather3A_1827 = tpu.vector_load_idx %arg6[%add3A_1826] : memref<3328xi32, #tpu.memory_space<vmem>>[vector<16xi32>], vector<16xi32>,
    %add3A_1828 = arith.constant 1800000 : i32
    %add3A_1829 = vector.broadcast %add3A_1828 : i32 to vector<16xi32>
    %add3A_1830 = arith.addi %gather3A_1827, %add3A_1829 : vector<16xi32>
    %swap3A_1831 = arith.constant 18 : i32
    %swap3A_1832 = arith.index_cast %swap3A_1831 : i32 to index
    %swap3A_1833 = arith.constant 80 : index
    %swap3A_1834 = tpu.vector_load %arg7[%swap3A_1832, %swap3A_1833] {strides = array<i32>} : memref<26x128xi32, #tpu.memory_space<vmem>>, vector<16xi32>,
    tpu.vector_store %arg7[%swap3A_1832, %swap3A_1833], %add3A_1830 {strides = array<i32>} : memref<26x128xi32, #tpu.memory_space<vmem>>, vector<16xi32>,
    %add3A_1835 = arith.constant 2514 : i32
    %add3A_1836 = vector.broadcast %add3A_1835 : i32 to vector<16xi32>
    %add3A_1837 = arith.addi %mul3A_7, %add3A_1836 : vector<16xi32>
    %gather3A_1838 = tpu.vector_load_idx %arg6[%add3A_1837] : memref<3328xi32, #tpu.memory_space<vmem>>[vector<16xi32>], vector<16xi32>,
    %add3A_1839 = arith.constant 1800000 : i32
    %add3A_1840 = vector.broadcast %add3A_1839 : i32 to vector<16xi32>
    %add3A_1841 = arith.addi %gather3A_1838, %add3A_1840 : vector<16xi32>
    %swap3A_1842 = arith.constant 18 : i32
    %swap3A_1843 = arith.index_cast %swap3A_1842 : i32 to index
    %swap3A_1844 = arith.constant 96 : index
    %swap3A_1845 = tpu.vector_load %arg7[%swap3A_1843, %swap3A_1844] {strides = array<i32>} : memref<26x128xi32, #tpu.memory_space<vmem>>, vector<16xi32>,
    tpu.vector_store %arg7[%swap3A_1843, %swap3A_1844], %add3A_1841 {strides = array<i32>} : memref<26x128xi32, #tpu.memory_space<vmem>>, vector<16xi32>,
    %add3A_1846 = arith.constant 2930 : i32
    %add3A_1847 = vector.broadcast %add3A_1846 : i32 to vector<16xi32>
    %add3A_1848 = arith.addi %mul3A_7, %add3A_1847 : vector<16xi32>
    %gather3A_1849 = tpu.vector_load_idx %arg6[%add3A_1848] : memref<3328xi32, #tpu.memory_space<vmem>>[vector<16xi32>], vector<16xi32>,
    %add3A_1850 = arith.constant 1800000 : i32
    %add3A_1851 = vector.broadcast %add3A_1850 : i32 to vector<16xi32>
    %add3A_1852 = arith.addi %gather3A_1849, %add3A_1851 : vector<16xi32>
    %swap3A_1853 = arith.constant 18 : i32
    %swap3A_1854 = arith.index_cast %swap3A_1853 : i32 to index
    %swap3A_1855 = arith.constant 112 : index
    %swap3A_1856 = tpu.vector_load %arg7[%swap3A_1854, %swap3A_1855] {strides = array<i32>} : memref<26x128xi32, #tpu.memory_space<vmem>>, vector<16xi32>,
    tpu.vector_store %arg7[%swap3A_1854, %swap3A_1855], %add3A_1852 {strides = array<i32>} : memref<26x128xi32, #tpu.memory_space<vmem>>, vector<16xi32>,
    %dma_start3A_1857 = arith.constant 18 : i32
    %dma_start3A_1858 = arith.constant 18 : i32
    %dma_start3A_1859 = arith.constant 0 : i32
    %dma_start3A_1860 = tpu.memref_slice %arg8[%dma_start3A_1858, %dma_start3A_1859] : memref<26x128xf32, #tpu.memory_space<vmem>> -> memref<1x128xf32, #tpu.memory_space<vmem>>
    %dma_start3A_1861 = tpu.memref_squeeze %dma_start3A_1860 : memref<1x128xf32, #tpu.memory_space<vmem>> -> memref<128xf32, #tpu.memory_space<vmem>>
    %dma_start3A_1862 = arith.constant 0 : i32
    %dma_start3A_1863 = tpu.memref_slice %arg7[%dma_start3A_1857, %dma_start3A_1862] : memref<26x128xi32, #tpu.memory_space<vmem>> -> memref<1x128xi32, #tpu.memory_space<vmem>>
    %dma_start3A_1864 = tpu.memref_squeeze %dma_start3A_1863 : memref<1x128xi32, #tpu.memory_space<vmem>> -> memref<128xi32, #tpu.memory_space<vmem>>
    %dma_start3A_1865 = arith.constant 0 : i32
    %dma_start3A_1866 = tpu.memref_slice %arg3[%dma_start3A_1865] : memref<2600000xf32, #tpu.memory_space<hbm>> -> memref<2600000xf32, #tpu.memory_space<hbm>>
    tpu.enqueue_indirect_dma source(%dma_start3A_1866 : memref<2600000xf32, #tpu.memory_space<hbm>>) target(%dma_start3A_1861 : memref<128xf32, #tpu.memory_space<vmem>>) offsets(%dma_start3A_1864 : memref<128xi32, #tpu.memory_space<vmem>>) semaphore(%arg11 : memref<!tpu.dma_semaphore, #tpu.memory_space<semaphore_mem>>)
    %add3A_1867 = arith.constant 19 : i32
    %add3A_1868 = vector.broadcast %add3A_1867 : i32 to vector<16xi32>
    %add3A_1869 = arith.addi %mul3A_7, %add3A_1868 : vector<16xi32>
    %gather3A_1870 = tpu.vector_load_idx %arg6[%add3A_1869] : memref<3328xi32, #tpu.memory_space<vmem>>[vector<16xi32>], vector<16xi32>,
    %add3A_1871 = arith.constant 1900000 : i32
    %add3A_1872 = vector.broadcast %add3A_1871 : i32 to vector<16xi32>
    %add3A_1873 = arith.addi %gather3A_1870, %add3A_1872 : vector<16xi32>
    %swap3A_1874 = arith.constant 19 : i32
    %swap3A_1875 = arith.index_cast %swap3A_1874 : i32 to index
    %swap3A_1876 = arith.constant 0 : index
    %swap3A_1877 = tpu.vector_load %arg7[%swap3A_1875, %swap3A_1876] {strides = array<i32>} : memref<26x128xi32, #tpu.memory_space<vmem>>, vector<16xi32>,
    tpu.vector_store %arg7[%swap3A_1875, %swap3A_1876], %add3A_1873 {strides = array<i32>} : memref<26x128xi32, #tpu.memory_space<vmem>>, vector<16xi32>,
    %add3A_1878 = arith.constant 435 : i32
    %add3A_1879 = vector.broadcast %add3A_1878 : i32 to vector<16xi32>
    %add3A_1880 = arith.addi %mul3A_7, %add3A_1879 : vector<16xi32>
    %gather3A_1881 = tpu.vector_load_idx %arg6[%add3A_1880] : memref<3328xi32, #tpu.memory_space<vmem>>[vector<16xi32>], vector<16xi32>,
    %add3A_1882 = arith.constant 1900000 : i32
    %add3A_1883 = vector.broadcast %add3A_1882 : i32 to vector<16xi32>
    %add3A_1884 = arith.addi %gather3A_1881, %add3A_1883 : vector<16xi32>
    %swap3A_1885 = arith.constant 19 : i32
    %swap3A_1886 = arith.index_cast %swap3A_1885 : i32 to index
    %swap3A_1887 = arith.constant 16 : index
    %swap3A_1888 = tpu.vector_load %arg7[%swap3A_1886, %swap3A_1887] {strides = array<i32>} : memref<26x128xi32, #tpu.memory_space<vmem>>, vector<16xi32>,
    tpu.vector_store %arg7[%swap3A_1886, %swap3A_1887], %add3A_1884 {strides = array<i32>} : memref<26x128xi32, #tpu.memory_space<vmem>>, vector<16xi32>,
    %add3A_1889 = arith.constant 851 : i32
    %add3A_1890 = vector.broadcast %add3A_1889 : i32 to vector<16xi32>
    %add3A_1891 = arith.addi %mul3A_7, %add3A_1890 : vector<16xi32>
    %gather3A_1892 = tpu.vector_load_idx %arg6[%add3A_1891] : memref<3328xi32, #tpu.memory_space<vmem>>[vector<16xi32>], vector<16xi32>,
    %add3A_1893 = arith.constant 1900000 : i32
    %add3A_1894 = vector.broadcast %add3A_1893 : i32 to vector<16xi32>
    %add3A_1895 = arith.addi %gather3A_1892, %add3A_1894 : vector<16xi32>
    %swap3A_1896 = arith.constant 19 : i32
    %swap3A_1897 = arith.index_cast %swap3A_1896 : i32 to index
    %swap3A_1898 = arith.constant 32 : index
    %swap3A_1899 = tpu.vector_load %arg7[%swap3A_1897, %swap3A_1898] {strides = array<i32>} : memref<26x128xi32, #tpu.memory_space<vmem>>, vector<16xi32>,
    tpu.vector_store %arg7[%swap3A_1897, %swap3A_1898], %add3A_1895 {strides = array<i32>} : memref<26x128xi32, #tpu.memory_space<vmem>>, vector<16xi32>,
    %add3A_1900 = arith.constant 1267 : i32
    %add3A_1901 = vector.broadcast %add3A_1900 : i32 to vector<16xi32>
    %add3A_1902 = arith.addi %mul3A_7, %add3A_1901 : vector<16xi32>
    %gather3A_1903 = tpu.vector_load_idx %arg6[%add3A_1902] : memref<3328xi32, #tpu.memory_space<vmem>>[vector<16xi32>], vector<16xi32>,
    %add3A_1904 = arith.constant 1900000 : i32
    %add3A_1905 = vector.broadcast %add3A_1904 : i32 to vector<16xi32>
    %add3A_1906 = arith.addi %gather3A_1903, %add3A_1905 : vector<16xi32>
    %swap3A_1907 = arith.constant 19 : i32
    %swap3A_1908 = arith.index_cast %swap3A_1907 : i32 to index
    %swap3A_1909 = arith.constant 48 : index
    %swap3A_1910 = tpu.vector_load %arg7[%swap3A_1908, %swap3A_1909] {strides = array<i32>} : memref<26x128xi32, #tpu.memory_space<vmem>>, vector<16xi32>,
    tpu.vector_store %arg7[%swap3A_1908, %swap3A_1909], %add3A_1906 {strides = array<i32>} : memref<26x128xi32, #tpu.memory_space<vmem>>, vector<16xi32>,
    %add3A_1911 = arith.constant 1683 : i32
    %add3A_1912 = vector.broadcast %add3A_1911 : i32 to vector<16xi32>
    %add3A_1913 = arith.addi %mul3A_7, %add3A_1912 : vector<16xi32>
    %gather3A_1914 = tpu.vector_load_idx %arg6[%add3A_1913] : memref<3328xi32, #tpu.memory_space<vmem>>[vector<16xi32>], vector<16xi32>,
    %add3A_1915 = arith.constant 1900000 : i32
    %add3A_1916 = vector.broadcast %add3A_1915 : i32 to vector<16xi32>
    %add3A_1917 = arith.addi %gather3A_1914, %add3A_1916 : vector<16xi32>
    %swap3A_1918 = arith.constant 19 : i32
    %swap3A_1919 = arith.index_cast %swap3A_1918 : i32 to index
    %swap3A_1920 = arith.constant 64 : index
    %swap3A_1921 = tpu.vector_load %arg7[%swap3A_1919, %swap3A_1920] {strides = array<i32>} : memref<26x128xi32, #tpu.memory_space<vmem>>, vector<16xi32>,
    tpu.vector_store %arg7[%swap3A_1919, %swap3A_1920], %add3A_1917 {strides = array<i32>} : memref<26x128xi32, #tpu.memory_space<vmem>>, vector<16xi32>,
    %add3A_1922 = arith.constant 2099 : i32
    %add3A_1923 = vector.broadcast %add3A_1922 : i32 to vector<16xi32>
    %add3A_1924 = arith.addi %mul3A_7, %add3A_1923 : vector<16xi32>
    %gather3A_1925 = tpu.vector_load_idx %arg6[%add3A_1924] : memref<3328xi32, #tpu.memory_space<vmem>>[vector<16xi32>], vector<16xi32>,
    %add3A_1926 = arith.constant 1900000 : i32
    %add3A_1927 = vector.broadcast %add3A_1926 : i32 to vector<16xi32>
    %add3A_1928 = arith.addi %gather3A_1925, %add3A_1927 : vector<16xi32>
    %swap3A_1929 = arith.constant 19 : i32
    %swap3A_1930 = arith.index_cast %swap3A_1929 : i32 to index
    %swap3A_1931 = arith.constant 80 : index
    %swap3A_1932 = tpu.vector_load %arg7[%swap3A_1930, %swap3A_1931] {strides = array<i32>} : memref<26x128xi32, #tpu.memory_space<vmem>>, vector<16xi32>,
    tpu.vector_store %arg7[%swap3A_1930, %swap3A_1931], %add3A_1928 {strides = array<i32>} : memref<26x128xi32, #tpu.memory_space<vmem>>, vector<16xi32>,
    %add3A_1933 = arith.constant 2515 : i32
    %add3A_1934 = vector.broadcast %add3A_1933 : i32 to vector<16xi32>
    %add3A_1935 = arith.addi %mul3A_7, %add3A_1934 : vector<16xi32>
    %gather3A_1936 = tpu.vector_load_idx %arg6[%add3A_1935] : memref<3328xi32, #tpu.memory_space<vmem>>[vector<16xi32>], vector<16xi32>,
    %add3A_1937 = arith.constant 1900000 : i32
    %add3A_1938 = vector.broadcast %add3A_1937 : i32 to vector<16xi32>
    %add3A_1939 = arith.addi %gather3A_1936, %add3A_1938 : vector<16xi32>
    %swap3A_1940 = arith.constant 19 : i32
    %swap3A_1941 = arith.index_cast %swap3A_1940 : i32 to index
    %swap3A_1942 = arith.constant 96 : index
    %swap3A_1943 = tpu.vector_load %arg7[%swap3A_1941, %swap3A_1942] {strides = array<i32>} : memref<26x128xi32, #tpu.memory_space<vmem>>, vector<16xi32>,
    tpu.vector_store %arg7[%swap3A_1941, %swap3A_1942], %add3A_1939 {strides = array<i32>} : memref<26x128xi32, #tpu.memory_space<vmem>>, vector<16xi32>,
    %add3A_1944 = arith.constant 2931 : i32
    %add3A_1945 = vector.broadcast %add3A_1944 : i32 to vector<16xi32>
    %add3A_1946 = arith.addi %mul3A_7, %add3A_1945 : vector<16xi32>
    %gather3A_1947 = tpu.vector_load_idx %arg6[%add3A_1946] : memref<3328xi32, #tpu.memory_space<vmem>>[vector<16xi32>], vector<16xi32>,
    %add3A_1948 = arith.constant 1900000 : i32
    %add3A_1949 = vector.broadcast %add3A_1948 : i32 to vector<16xi32>
    %add3A_1950 = arith.addi %gather3A_1947, %add3A_1949 : vector<16xi32>
    %swap3A_1951 = arith.constant 19 : i32
    %swap3A_1952 = arith.index_cast %swap3A_1951 : i32 to index
    %swap3A_1953 = arith.constant 112 : index
    %swap3A_1954 = tpu.vector_load %arg7[%swap3A_1952, %swap3A_1953] {strides = array<i32>} : memref<26x128xi32, #tpu.memory_space<vmem>>, vector<16xi32>,
    tpu.vector_store %arg7[%swap3A_1952, %swap3A_1953], %add3A_1950 {strides = array<i32>} : memref<26x128xi32, #tpu.memory_space<vmem>>, vector<16xi32>,
    %dma_start3A_1955 = arith.constant 19 : i32
    %dma_start3A_1956 = arith.constant 19 : i32
    %dma_start3A_1957 = arith.constant 0 : i32
    %dma_start3A_1958 = tpu.memref_slice %arg8[%dma_start3A_1956, %dma_start3A_1957] : memref<26x128xf32, #tpu.memory_space<vmem>> -> memref<1x128xf32, #tpu.memory_space<vmem>>
    %dma_start3A_1959 = tpu.memref_squeeze %dma_start3A_1958 : memref<1x128xf32, #tpu.memory_space<vmem>> -> memref<128xf32, #tpu.memory_space<vmem>>
    %dma_start3A_1960 = arith.constant 0 : i32
    %dma_start3A_1961 = tpu.memref_slice %arg7[%dma_start3A_1955, %dma_start3A_1960] : memref<26x128xi32, #tpu.memory_space<vmem>> -> memref<1x128xi32, #tpu.memory_space<vmem>>
    %dma_start3A_1962 = tpu.memref_squeeze %dma_start3A_1961 : memref<1x128xi32, #tpu.memory_space<vmem>> -> memref<128xi32, #tpu.memory_space<vmem>>
    %dma_start3A_1963 = arith.constant 0 : i32
    %dma_start3A_1964 = tpu.memref_slice %arg3[%dma_start3A_1963] : memref<2600000xf32, #tpu.memory_space<hbm>> -> memref<2600000xf32, #tpu.memory_space<hbm>>
    tpu.enqueue_indirect_dma source(%dma_start3A_1964 : memref<2600000xf32, #tpu.memory_space<hbm>>) target(%dma_start3A_1959 : memref<128xf32, #tpu.memory_space<vmem>>) offsets(%dma_start3A_1962 : memref<128xi32, #tpu.memory_space<vmem>>) semaphore(%arg11 : memref<!tpu.dma_semaphore, #tpu.memory_space<semaphore_mem>>)
    %add3A_1965 = arith.constant 20 : i32
    %add3A_1966 = vector.broadcast %add3A_1965 : i32 to vector<16xi32>
    %add3A_1967 = arith.addi %mul3A_7, %add3A_1966 : vector<16xi32>
    %gather3A_1968 = tpu.vector_load_idx %arg6[%add3A_1967] : memref<3328xi32, #tpu.memory_space<vmem>>[vector<16xi32>], vector<16xi32>,
    %add3A_1969 = arith.constant 2000000 : i32
    %add3A_1970 = vector.broadcast %add3A_1969 : i32 to vector<16xi32>
    %add3A_1971 = arith.addi %gather3A_1968, %add3A_1970 : vector<16xi32>
    %swap3A_1972 = arith.constant 20 : i32
    %swap3A_1973 = arith.index_cast %swap3A_1972 : i32 to index
    %swap3A_1974 = arith.constant 0 : index
    %swap3A_1975 = tpu.vector_load %arg7[%swap3A_1973, %swap3A_1974] {strides = array<i32>} : memref<26x128xi32, #tpu.memory_space<vmem>>, vector<16xi32>,
    tpu.vector_store %arg7[%swap3A_1973, %swap3A_1974], %add3A_1971 {strides = array<i32>} : memref<26x128xi32, #tpu.memory_space<vmem>>, vector<16xi32>,
    %add3A_1976 = arith.constant 436 : i32
    %add3A_1977 = vector.broadcast %add3A_1976 : i32 to vector<16xi32>
    %add3A_1978 = arith.addi %mul3A_7, %add3A_1977 : vector<16xi32>
    %gather3A_1979 = tpu.vector_load_idx %arg6[%add3A_1978] : memref<3328xi32, #tpu.memory_space<vmem>>[vector<16xi32>], vector<16xi32>,
    %add3A_1980 = arith.constant 2000000 : i32
    %add3A_1981 = vector.broadcast %add3A_1980 : i32 to vector<16xi32>
    %add3A_1982 = arith.addi %gather3A_1979, %add3A_1981 : vector<16xi32>
    %swap3A_1983 = arith.constant 20 : i32
    %swap3A_1984 = arith.index_cast %swap3A_1983 : i32 to index
    %swap3A_1985 = arith.constant 16 : index
    %swap3A_1986 = tpu.vector_load %arg7[%swap3A_1984, %swap3A_1985] {strides = array<i32>} : memref<26x128xi32, #tpu.memory_space<vmem>>, vector<16xi32>,
    tpu.vector_store %arg7[%swap3A_1984, %swap3A_1985], %add3A_1982 {strides = array<i32>} : memref<26x128xi32, #tpu.memory_space<vmem>>, vector<16xi32>,
    %add3A_1987 = arith.constant 852 : i32
    %add3A_1988 = vector.broadcast %add3A_1987 : i32 to vector<16xi32>
    %add3A_1989 = arith.addi %mul3A_7, %add3A_1988 : vector<16xi32>
    %gather3A_1990 = tpu.vector_load_idx %arg6[%add3A_1989] : memref<3328xi32, #tpu.memory_space<vmem>>[vector<16xi32>], vector<16xi32>,
    %add3A_1991 = arith.constant 2000000 : i32
    %add3A_1992 = vector.broadcast %add3A_1991 : i32 to vector<16xi32>
    %add3A_1993 = arith.addi %gather3A_1990, %add3A_1992 : vector<16xi32>
    %swap3A_1994 = arith.constant 20 : i32
    %swap3A_1995 = arith.index_cast %swap3A_1994 : i32 to index
    %swap3A_1996 = arith.constant 32 : index
    %swap3A_1997 = tpu.vector_load %arg7[%swap3A_1995, %swap3A_1996] {strides = array<i32>} : memref<26x128xi32, #tpu.memory_space<vmem>>, vector<16xi32>,
    tpu.vector_store %arg7[%swap3A_1995, %swap3A_1996], %add3A_1993 {strides = array<i32>} : memref<26x128xi32, #tpu.memory_space<vmem>>, vector<16xi32>,
    %add3A_1998 = arith.constant 1268 : i32
    %add3A_1999 = vector.broadcast %add3A_1998 : i32 to vector<16xi32>
    %add3A_2000 = arith.addi %mul3A_7, %add3A_1999 : vector<16xi32>
    %gather3A_2001 = tpu.vector_load_idx %arg6[%add3A_2000] : memref<3328xi32, #tpu.memory_space<vmem>>[vector<16xi32>], vector<16xi32>,
    %add3A_2002 = arith.constant 2000000 : i32
    %add3A_2003 = vector.broadcast %add3A_2002 : i32 to vector<16xi32>
    %add3A_2004 = arith.addi %gather3A_2001, %add3A_2003 : vector<16xi32>
    %swap3A_2005 = arith.constant 20 : i32
    %swap3A_2006 = arith.index_cast %swap3A_2005 : i32 to index
    %swap3A_2007 = arith.constant 48 : index
    %swap3A_2008 = tpu.vector_load %arg7[%swap3A_2006, %swap3A_2007] {strides = array<i32>} : memref<26x128xi32, #tpu.memory_space<vmem>>, vector<16xi32>,
    tpu.vector_store %arg7[%swap3A_2006, %swap3A_2007], %add3A_2004 {strides = array<i32>} : memref<26x128xi32, #tpu.memory_space<vmem>>, vector<16xi32>,
    %add3A_2009 = arith.constant 1684 : i32
    %add3A_2010 = vector.broadcast %add3A_2009 : i32 to vector<16xi32>
    %add3A_2011 = arith.addi %mul3A_7, %add3A_2010 : vector<16xi32>
    %gather3A_2012 = tpu.vector_load_idx %arg6[%add3A_2011] : memref<3328xi32, #tpu.memory_space<vmem>>[vector<16xi32>], vector<16xi32>,
    %add3A_2013 = arith.constant 2000000 : i32
    %add3A_2014 = vector.broadcast %add3A_2013 : i32 to vector<16xi32>
    %add3A_2015 = arith.addi %gather3A_2012, %add3A_2014 : vector<16xi32>
    %swap3A_2016 = arith.constant 20 : i32
    %swap3A_2017 = arith.index_cast %swap3A_2016 : i32 to index
    %swap3A_2018 = arith.constant 64 : index
    %swap3A_2019 = tpu.vector_load %arg7[%swap3A_2017, %swap3A_2018] {strides = array<i32>} : memref<26x128xi32, #tpu.memory_space<vmem>>, vector<16xi32>,
    tpu.vector_store %arg7[%swap3A_2017, %swap3A_2018], %add3A_2015 {strides = array<i32>} : memref<26x128xi32, #tpu.memory_space<vmem>>, vector<16xi32>,
    %add3A_2020 = arith.constant 2100 : i32
    %add3A_2021 = vector.broadcast %add3A_2020 : i32 to vector<16xi32>
    %add3A_2022 = arith.addi %mul3A_7, %add3A_2021 : vector<16xi32>
    %gather3A_2023 = tpu.vector_load_idx %arg6[%add3A_2022] : memref<3328xi32, #tpu.memory_space<vmem>>[vector<16xi32>], vector<16xi32>,
    %add3A_2024 = arith.constant 2000000 : i32
    %add3A_2025 = vector.broadcast %add3A_2024 : i32 to vector<16xi32>
    %add3A_2026 = arith.addi %gather3A_2023, %add3A_2025 : vector<16xi32>
    %swap3A_2027 = arith.constant 20 : i32
    %swap3A_2028 = arith.index_cast %swap3A_2027 : i32 to index
    %swap3A_2029 = arith.constant 80 : index
    %swap3A_2030 = tpu.vector_load %arg7[%swap3A_2028, %swap3A_2029] {strides = array<i32>} : memref<26x128xi32, #tpu.memory_space<vmem>>, vector<16xi32>,
    tpu.vector_store %arg7[%swap3A_2028, %swap3A_2029], %add3A_2026 {strides = array<i32>} : memref<26x128xi32, #tpu.memory_space<vmem>>, vector<16xi32>,
    %add3A_2031 = arith.constant 2516 : i32
    %add3A_2032 = vector.broadcast %add3A_2031 : i32 to vector<16xi32>
    %add3A_2033 = arith.addi %mul3A_7, %add3A_2032 : vector<16xi32>
    %gather3A_2034 = tpu.vector_load_idx %arg6[%add3A_2033] : memref<3328xi32, #tpu.memory_space<vmem>>[vector<16xi32>], vector<16xi32>,
    %add3A_2035 = arith.constant 2000000 : i32
    %add3A_2036 = vector.broadcast %add3A_2035 : i32 to vector<16xi32>
    %add3A_2037 = arith.addi %gather3A_2034, %add3A_2036 : vector<16xi32>
    %swap3A_2038 = arith.constant 20 : i32
    %swap3A_2039 = arith.index_cast %swap3A_2038 : i32 to index
    %swap3A_2040 = arith.constant 96 : index
    %swap3A_2041 = tpu.vector_load %arg7[%swap3A_2039, %swap3A_2040] {strides = array<i32>} : memref<26x128xi32, #tpu.memory_space<vmem>>, vector<16xi32>,
    tpu.vector_store %arg7[%swap3A_2039, %swap3A_2040], %add3A_2037 {strides = array<i32>} : memref<26x128xi32, #tpu.memory_space<vmem>>, vector<16xi32>,
    %add3A_2042 = arith.constant 2932 : i32
    %add3A_2043 = vector.broadcast %add3A_2042 : i32 to vector<16xi32>
    %add3A_2044 = arith.addi %mul3A_7, %add3A_2043 : vector<16xi32>
    %gather3A_2045 = tpu.vector_load_idx %arg6[%add3A_2044] : memref<3328xi32, #tpu.memory_space<vmem>>[vector<16xi32>], vector<16xi32>,
    %add3A_2046 = arith.constant 2000000 : i32
    %add3A_2047 = vector.broadcast %add3A_2046 : i32 to vector<16xi32>
    %add3A_2048 = arith.addi %gather3A_2045, %add3A_2047 : vector<16xi32>
    %swap3A_2049 = arith.constant 20 : i32
    %swap3A_2050 = arith.index_cast %swap3A_2049 : i32 to index
    %swap3A_2051 = arith.constant 112 : index
    %swap3A_2052 = tpu.vector_load %arg7[%swap3A_2050, %swap3A_2051] {strides = array<i32>} : memref<26x128xi32, #tpu.memory_space<vmem>>, vector<16xi32>,
    tpu.vector_store %arg7[%swap3A_2050, %swap3A_2051], %add3A_2048 {strides = array<i32>} : memref<26x128xi32, #tpu.memory_space<vmem>>, vector<16xi32>,
    %dma_start3A_2053 = arith.constant 20 : i32
    %dma_start3A_2054 = arith.constant 20 : i32
    %dma_start3A_2055 = arith.constant 0 : i32
    %dma_start3A_2056 = tpu.memref_slice %arg8[%dma_start3A_2054, %dma_start3A_2055] : memref<26x128xf32, #tpu.memory_space<vmem>> -> memref<1x128xf32, #tpu.memory_space<vmem>>
    %dma_start3A_2057 = tpu.memref_squeeze %dma_start3A_2056 : memref<1x128xf32, #tpu.memory_space<vmem>> -> memref<128xf32, #tpu.memory_space<vmem>>
    %dma_start3A_2058 = arith.constant 0 : i32
    %dma_start3A_2059 = tpu.memref_slice %arg7[%dma_start3A_2053, %dma_start3A_2058] : memref<26x128xi32, #tpu.memory_space<vmem>> -> memref<1x128xi32, #tpu.memory_space<vmem>>
    %dma_start3A_2060 = tpu.memref_squeeze %dma_start3A_2059 : memref<1x128xi32, #tpu.memory_space<vmem>> -> memref<128xi32, #tpu.memory_space<vmem>>
    %dma_start3A_2061 = arith.constant 0 : i32
    %dma_start3A_2062 = tpu.memref_slice %arg3[%dma_start3A_2061] : memref<2600000xf32, #tpu.memory_space<hbm>> -> memref<2600000xf32, #tpu.memory_space<hbm>>
    tpu.enqueue_indirect_dma source(%dma_start3A_2062 : memref<2600000xf32, #tpu.memory_space<hbm>>) target(%dma_start3A_2057 : memref<128xf32, #tpu.memory_space<vmem>>) offsets(%dma_start3A_2060 : memref<128xi32, #tpu.memory_space<vmem>>) semaphore(%arg11 : memref<!tpu.dma_semaphore, #tpu.memory_space<semaphore_mem>>)
    %add3A_2063 = arith.constant 21 : i32
    %add3A_2064 = vector.broadcast %add3A_2063 : i32 to vector<16xi32>
    %add3A_2065 = arith.addi %mul3A_7, %add3A_2064 : vector<16xi32>
    %gather3A_2066 = tpu.vector_load_idx %arg6[%add3A_2065] : memref<3328xi32, #tpu.memory_space<vmem>>[vector<16xi32>], vector<16xi32>,
    %add3A_2067 = arith.constant 2100000 : i32
    %add3A_2068 = vector.broadcast %add3A_2067 : i32 to vector<16xi32>
    %add3A_2069 = arith.addi %gather3A_2066, %add3A_2068 : vector<16xi32>
    %swap3A_2070 = arith.constant 21 : i32
    %swap3A_2071 = arith.index_cast %swap3A_2070 : i32 to index
    %swap3A_2072 = arith.constant 0 : index
    %swap3A_2073 = tpu.vector_load %arg7[%swap3A_2071, %swap3A_2072] {strides = array<i32>} : memref<26x128xi32, #tpu.memory_space<vmem>>, vector<16xi32>,
    tpu.vector_store %arg7[%swap3A_2071, %swap3A_2072], %add3A_2069 {strides = array<i32>} : memref<26x128xi32, #tpu.memory_space<vmem>>, vector<16xi32>,
    %add3A_2074 = arith.constant 437 : i32
    %add3A_2075 = vector.broadcast %add3A_2074 : i32 to vector<16xi32>
    %add3A_2076 = arith.addi %mul3A_7, %add3A_2075 : vector<16xi32>
    %gather3A_2077 = tpu.vector_load_idx %arg6[%add3A_2076] : memref<3328xi32, #tpu.memory_space<vmem>>[vector<16xi32>], vector<16xi32>,
    %add3A_2078 = arith.constant 2100000 : i32
    %add3A_2079 = vector.broadcast %add3A_2078 : i32 to vector<16xi32>
    %add3A_2080 = arith.addi %gather3A_2077, %add3A_2079 : vector<16xi32>
    %swap3A_2081 = arith.constant 21 : i32
    %swap3A_2082 = arith.index_cast %swap3A_2081 : i32 to index
    %swap3A_2083 = arith.constant 16 : index
    %swap3A_2084 = tpu.vector_load %arg7[%swap3A_2082, %swap3A_2083] {strides = array<i32>} : memref<26x128xi32, #tpu.memory_space<vmem>>, vector<16xi32>,
    tpu.vector_store %arg7[%swap3A_2082, %swap3A_2083], %add3A_2080 {strides = array<i32>} : memref<26x128xi32, #tpu.memory_space<vmem>>, vector<16xi32>,
    %add3A_2085 = arith.constant 853 : i32
    %add3A_2086 = vector.broadcast %add3A_2085 : i32 to vector<16xi32>
    %add3A_2087 = arith.addi %mul3A_7, %add3A_2086 : vector<16xi32>
    %gather3A_2088 = tpu.vector_load_idx %arg6[%add3A_2087] : memref<3328xi32, #tpu.memory_space<vmem>>[vector<16xi32>], vector<16xi32>,
    %add3A_2089 = arith.constant 2100000 : i32
    %add3A_2090 = vector.broadcast %add3A_2089 : i32 to vector<16xi32>
    %add3A_2091 = arith.addi %gather3A_2088, %add3A_2090 : vector<16xi32>
    %swap3A_2092 = arith.constant 21 : i32
    %swap3A_2093 = arith.index_cast %swap3A_2092 : i32 to index
    %swap3A_2094 = arith.constant 32 : index
    %swap3A_2095 = tpu.vector_load %arg7[%swap3A_2093, %swap3A_2094] {strides = array<i32>} : memref<26x128xi32, #tpu.memory_space<vmem>>, vector<16xi32>,
    tpu.vector_store %arg7[%swap3A_2093, %swap3A_2094], %add3A_2091 {strides = array<i32>} : memref<26x128xi32, #tpu.memory_space<vmem>>, vector<16xi32>,
    %add3A_2096 = arith.constant 1269 : i32
    %add3A_2097 = vector.broadcast %add3A_2096 : i32 to vector<16xi32>
    %add3A_2098 = arith.addi %mul3A_7, %add3A_2097 : vector<16xi32>
    %gather3A_2099 = tpu.vector_load_idx %arg6[%add3A_2098] : memref<3328xi32, #tpu.memory_space<vmem>>[vector<16xi32>], vector<16xi32>,
    %add3A_2100 = arith.constant 2100000 : i32
    %add3A_2101 = vector.broadcast %add3A_2100 : i32 to vector<16xi32>
    %add3A_2102 = arith.addi %gather3A_2099, %add3A_2101 : vector<16xi32>
    %swap3A_2103 = arith.constant 21 : i32
    %swap3A_2104 = arith.index_cast %swap3A_2103 : i32 to index
    %swap3A_2105 = arith.constant 48 : index
    %swap3A_2106 = tpu.vector_load %arg7[%swap3A_2104, %swap3A_2105] {strides = array<i32>} : memref<26x128xi32, #tpu.memory_space<vmem>>, vector<16xi32>,
    tpu.vector_store %arg7[%swap3A_2104, %swap3A_2105], %add3A_2102 {strides = array<i32>} : memref<26x128xi32, #tpu.memory_space<vmem>>, vector<16xi32>,
    %add3A_2107 = arith.constant 1685 : i32
    %add3A_2108 = vector.broadcast %add3A_2107 : i32 to vector<16xi32>
    %add3A_2109 = arith.addi %mul3A_7, %add3A_2108 : vector<16xi32>
    %gather3A_2110 = tpu.vector_load_idx %arg6[%add3A_2109] : memref<3328xi32, #tpu.memory_space<vmem>>[vector<16xi32>], vector<16xi32>,
    %add3A_2111 = arith.constant 2100000 : i32
    %add3A_2112 = vector.broadcast %add3A_2111 : i32 to vector<16xi32>
    %add3A_2113 = arith.addi %gather3A_2110, %add3A_2112 : vector<16xi32>
    %swap3A_2114 = arith.constant 21 : i32
    %swap3A_2115 = arith.index_cast %swap3A_2114 : i32 to index
    %swap3A_2116 = arith.constant 64 : index
    %swap3A_2117 = tpu.vector_load %arg7[%swap3A_2115, %swap3A_2116] {strides = array<i32>} : memref<26x128xi32, #tpu.memory_space<vmem>>, vector<16xi32>,
    tpu.vector_store %arg7[%swap3A_2115, %swap3A_2116], %add3A_2113 {strides = array<i32>} : memref<26x128xi32, #tpu.memory_space<vmem>>, vector<16xi32>,
    %add3A_2118 = arith.constant 2101 : i32
    %add3A_2119 = vector.broadcast %add3A_2118 : i32 to vector<16xi32>
    %add3A_2120 = arith.addi %mul3A_7, %add3A_2119 : vector<16xi32>
    %gather3A_2121 = tpu.vector_load_idx %arg6[%add3A_2120] : memref<3328xi32, #tpu.memory_space<vmem>>[vector<16xi32>], vector<16xi32>,
    %add3A_2122 = arith.constant 2100000 : i32
    %add3A_2123 = vector.broadcast %add3A_2122 : i32 to vector<16xi32>
    %add3A_2124 = arith.addi %gather3A_2121, %add3A_2123 : vector<16xi32>
    %swap3A_2125 = arith.constant 21 : i32
    %swap3A_2126 = arith.index_cast %swap3A_2125 : i32 to index
    %swap3A_2127 = arith.constant 80 : index
    %swap3A_2128 = tpu.vector_load %arg7[%swap3A_2126, %swap3A_2127] {strides = array<i32>} : memref<26x128xi32, #tpu.memory_space<vmem>>, vector<16xi32>,
    tpu.vector_store %arg7[%swap3A_2126, %swap3A_2127], %add3A_2124 {strides = array<i32>} : memref<26x128xi32, #tpu.memory_space<vmem>>, vector<16xi32>,
    %add3A_2129 = arith.constant 2517 : i32
    %add3A_2130 = vector.broadcast %add3A_2129 : i32 to vector<16xi32>
    %add3A_2131 = arith.addi %mul3A_7, %add3A_2130 : vector<16xi32>
    %gather3A_2132 = tpu.vector_load_idx %arg6[%add3A_2131] : memref<3328xi32, #tpu.memory_space<vmem>>[vector<16xi32>], vector<16xi32>,
    %add3A_2133 = arith.constant 2100000 : i32
    %add3A_2134 = vector.broadcast %add3A_2133 : i32 to vector<16xi32>
    %add3A_2135 = arith.addi %gather3A_2132, %add3A_2134 : vector<16xi32>
    %swap3A_2136 = arith.constant 21 : i32
    %swap3A_2137 = arith.index_cast %swap3A_2136 : i32 to index
    %swap3A_2138 = arith.constant 96 : index
    %swap3A_2139 = tpu.vector_load %arg7[%swap3A_2137, %swap3A_2138] {strides = array<i32>} : memref<26x128xi32, #tpu.memory_space<vmem>>, vector<16xi32>,
    tpu.vector_store %arg7[%swap3A_2137, %swap3A_2138], %add3A_2135 {strides = array<i32>} : memref<26x128xi32, #tpu.memory_space<vmem>>, vector<16xi32>,
    %add3A_2140 = arith.constant 2933 : i32
    %add3A_2141 = vector.broadcast %add3A_2140 : i32 to vector<16xi32>
    %add3A_2142 = arith.addi %mul3A_7, %add3A_2141 : vector<16xi32>
    %gather3A_2143 = tpu.vector_load_idx %arg6[%add3A_2142] : memref<3328xi32, #tpu.memory_space<vmem>>[vector<16xi32>], vector<16xi32>,
    %add3A_2144 = arith.constant 2100000 : i32
    %add3A_2145 = vector.broadcast %add3A_2144 : i32 to vector<16xi32>
    %add3A_2146 = arith.addi %gather3A_2143, %add3A_2145 : vector<16xi32>
    %swap3A_2147 = arith.constant 21 : i32
    %swap3A_2148 = arith.index_cast %swap3A_2147 : i32 to index
    %swap3A_2149 = arith.constant 112 : index
    %swap3A_2150 = tpu.vector_load %arg7[%swap3A_2148, %swap3A_2149] {strides = array<i32>} : memref<26x128xi32, #tpu.memory_space<vmem>>, vector<16xi32>,
    tpu.vector_store %arg7[%swap3A_2148, %swap3A_2149], %add3A_2146 {strides = array<i32>} : memref<26x128xi32, #tpu.memory_space<vmem>>, vector<16xi32>,
    %dma_start3A_2151 = arith.constant 21 : i32
    %dma_start3A_2152 = arith.constant 21 : i32
    %dma_start3A_2153 = arith.constant 0 : i32
    %dma_start3A_2154 = tpu.memref_slice %arg8[%dma_start3A_2152, %dma_start3A_2153] : memref<26x128xf32, #tpu.memory_space<vmem>> -> memref<1x128xf32, #tpu.memory_space<vmem>>
    %dma_start3A_2155 = tpu.memref_squeeze %dma_start3A_2154 : memref<1x128xf32, #tpu.memory_space<vmem>> -> memref<128xf32, #tpu.memory_space<vmem>>
    %dma_start3A_2156 = arith.constant 0 : i32
    %dma_start3A_2157 = tpu.memref_slice %arg7[%dma_start3A_2151, %dma_start3A_2156] : memref<26x128xi32, #tpu.memory_space<vmem>> -> memref<1x128xi32, #tpu.memory_space<vmem>>
    %dma_start3A_2158 = tpu.memref_squeeze %dma_start3A_2157 : memref<1x128xi32, #tpu.memory_space<vmem>> -> memref<128xi32, #tpu.memory_space<vmem>>
    %dma_start3A_2159 = arith.constant 0 : i32
    %dma_start3A_2160 = tpu.memref_slice %arg3[%dma_start3A_2159] : memref<2600000xf32, #tpu.memory_space<hbm>> -> memref<2600000xf32, #tpu.memory_space<hbm>>
    tpu.enqueue_indirect_dma source(%dma_start3A_2160 : memref<2600000xf32, #tpu.memory_space<hbm>>) target(%dma_start3A_2155 : memref<128xf32, #tpu.memory_space<vmem>>) offsets(%dma_start3A_2158 : memref<128xi32, #tpu.memory_space<vmem>>) semaphore(%arg11 : memref<!tpu.dma_semaphore, #tpu.memory_space<semaphore_mem>>)
    %add3A_2161 = arith.constant 22 : i32
    %add3A_2162 = vector.broadcast %add3A_2161 : i32 to vector<16xi32>
    %add3A_2163 = arith.addi %mul3A_7, %add3A_2162 : vector<16xi32>
    %gather3A_2164 = tpu.vector_load_idx %arg6[%add3A_2163] : memref<3328xi32, #tpu.memory_space<vmem>>[vector<16xi32>], vector<16xi32>,
    %add3A_2165 = arith.constant 2200000 : i32
    %add3A_2166 = vector.broadcast %add3A_2165 : i32 to vector<16xi32>
    %add3A_2167 = arith.addi %gather3A_2164, %add3A_2166 : vector<16xi32>
    %swap3A_2168 = arith.constant 22 : i32
    %swap3A_2169 = arith.index_cast %swap3A_2168 : i32 to index
    %swap3A_2170 = arith.constant 0 : index
    %swap3A_2171 = tpu.vector_load %arg7[%swap3A_2169, %swap3A_2170] {strides = array<i32>} : memref<26x128xi32, #tpu.memory_space<vmem>>, vector<16xi32>,
    tpu.vector_store %arg7[%swap3A_2169, %swap3A_2170], %add3A_2167 {strides = array<i32>} : memref<26x128xi32, #tpu.memory_space<vmem>>, vector<16xi32>,
    %add3A_2172 = arith.constant 438 : i32
    %add3A_2173 = vector.broadcast %add3A_2172 : i32 to vector<16xi32>
    %add3A_2174 = arith.addi %mul3A_7, %add3A_2173 : vector<16xi32>
    %gather3A_2175 = tpu.vector_load_idx %arg6[%add3A_2174] : memref<3328xi32, #tpu.memory_space<vmem>>[vector<16xi32>], vector<16xi32>,
    %add3A_2176 = arith.constant 2200000 : i32
    %add3A_2177 = vector.broadcast %add3A_2176 : i32 to vector<16xi32>
    %add3A_2178 = arith.addi %gather3A_2175, %add3A_2177 : vector<16xi32>
    %swap3A_2179 = arith.constant 22 : i32
    %swap3A_2180 = arith.index_cast %swap3A_2179 : i32 to index
    %swap3A_2181 = arith.constant 16 : index
    %swap3A_2182 = tpu.vector_load %arg7[%swap3A_2180, %swap3A_2181] {strides = array<i32>} : memref<26x128xi32, #tpu.memory_space<vmem>>, vector<16xi32>,
    tpu.vector_store %arg7[%swap3A_2180, %swap3A_2181], %add3A_2178 {strides = array<i32>} : memref<26x128xi32, #tpu.memory_space<vmem>>, vector<16xi32>,
    %add3A_2183 = arith.constant 854 : i32
    %add3A_2184 = vector.broadcast %add3A_2183 : i32 to vector<16xi32>
    %add3A_2185 = arith.addi %mul3A_7, %add3A_2184 : vector<16xi32>
    %gather3A_2186 = tpu.vector_load_idx %arg6[%add3A_2185] : memref<3328xi32, #tpu.memory_space<vmem>>[vector<16xi32>], vector<16xi32>,
    %add3A_2187 = arith.constant 2200000 : i32
    %add3A_2188 = vector.broadcast %add3A_2187 : i32 to vector<16xi32>
    %add3A_2189 = arith.addi %gather3A_2186, %add3A_2188 : vector<16xi32>
    %swap3A_2190 = arith.constant 22 : i32
    %swap3A_2191 = arith.index_cast %swap3A_2190 : i32 to index
    %swap3A_2192 = arith.constant 32 : index
    %swap3A_2193 = tpu.vector_load %arg7[%swap3A_2191, %swap3A_2192] {strides = array<i32>} : memref<26x128xi32, #tpu.memory_space<vmem>>, vector<16xi32>,
    tpu.vector_store %arg7[%swap3A_2191, %swap3A_2192], %add3A_2189 {strides = array<i32>} : memref<26x128xi32, #tpu.memory_space<vmem>>, vector<16xi32>,
    %add3A_2194 = arith.constant 1270 : i32
    %add3A_2195 = vector.broadcast %add3A_2194 : i32 to vector<16xi32>
    %add3A_2196 = arith.addi %mul3A_7, %add3A_2195 : vector<16xi32>
    %gather3A_2197 = tpu.vector_load_idx %arg6[%add3A_2196] : memref<3328xi32, #tpu.memory_space<vmem>>[vector<16xi32>], vector<16xi32>,
    %add3A_2198 = arith.constant 2200000 : i32
    %add3A_2199 = vector.broadcast %add3A_2198 : i32 to vector<16xi32>
    %add3A_2200 = arith.addi %gather3A_2197, %add3A_2199 : vector<16xi32>
    %swap3A_2201 = arith.constant 22 : i32
    %swap3A_2202 = arith.index_cast %swap3A_2201 : i32 to index
    %swap3A_2203 = arith.constant 48 : index
    %swap3A_2204 = tpu.vector_load %arg7[%swap3A_2202, %swap3A_2203] {strides = array<i32>} : memref<26x128xi32, #tpu.memory_space<vmem>>, vector<16xi32>,
    tpu.vector_store %arg7[%swap3A_2202, %swap3A_2203], %add3A_2200 {strides = array<i32>} : memref<26x128xi32, #tpu.memory_space<vmem>>, vector<16xi32>,
    %add3A_2205 = arith.constant 1686 : i32
    %add3A_2206 = vector.broadcast %add3A_2205 : i32 to vector<16xi32>
    %add3A_2207 = arith.addi %mul3A_7, %add3A_2206 : vector<16xi32>
    %gather3A_2208 = tpu.vector_load_idx %arg6[%add3A_2207] : memref<3328xi32, #tpu.memory_space<vmem>>[vector<16xi32>], vector<16xi32>,
    %add3A_2209 = arith.constant 2200000 : i32
    %add3A_2210 = vector.broadcast %add3A_2209 : i32 to vector<16xi32>
    %add3A_2211 = arith.addi %gather3A_2208, %add3A_2210 : vector<16xi32>
    %swap3A_2212 = arith.constant 22 : i32
    %swap3A_2213 = arith.index_cast %swap3A_2212 : i32 to index
    %swap3A_2214 = arith.constant 64 : index
    %swap3A_2215 = tpu.vector_load %arg7[%swap3A_2213, %swap3A_2214] {strides = array<i32>} : memref<26x128xi32, #tpu.memory_space<vmem>>, vector<16xi32>,
    tpu.vector_store %arg7[%swap3A_2213, %swap3A_2214], %add3A_2211 {strides = array<i32>} : memref<26x128xi32, #tpu.memory_space<vmem>>, vector<16xi32>,
    %add3A_2216 = arith.constant 2102 : i32
    %add3A_2217 = vector.broadcast %add3A_2216 : i32 to vector<16xi32>
    %add3A_2218 = arith.addi %mul3A_7, %add3A_2217 : vector<16xi32>
    %gather3A_2219 = tpu.vector_load_idx %arg6[%add3A_2218] : memref<3328xi32, #tpu.memory_space<vmem>>[vector<16xi32>], vector<16xi32>,
    %add3A_2220 = arith.constant 2200000 : i32
    %add3A_2221 = vector.broadcast %add3A_2220 : i32 to vector<16xi32>
    %add3A_2222 = arith.addi %gather3A_2219, %add3A_2221 : vector<16xi32>
    %swap3A_2223 = arith.constant 22 : i32
    %swap3A_2224 = arith.index_cast %swap3A_2223 : i32 to index
    %swap3A_2225 = arith.constant 80 : index
    %swap3A_2226 = tpu.vector_load %arg7[%swap3A_2224, %swap3A_2225] {strides = array<i32>} : memref<26x128xi32, #tpu.memory_space<vmem>>, vector<16xi32>,
    tpu.vector_store %arg7[%swap3A_2224, %swap3A_2225], %add3A_2222 {strides = array<i32>} : memref<26x128xi32, #tpu.memory_space<vmem>>, vector<16xi32>,
    %add3A_2227 = arith.constant 2518 : i32
    %add3A_2228 = vector.broadcast %add3A_2227 : i32 to vector<16xi32>
    %add3A_2229 = arith.addi %mul3A_7, %add3A_2228 : vector<16xi32>
    %gather3A_2230 = tpu.vector_load_idx %arg6[%add3A_2229] : memref<3328xi32, #tpu.memory_space<vmem>>[vector<16xi32>], vector<16xi32>,
    %add3A_2231 = arith.constant 2200000 : i32
    %add3A_2232 = vector.broadcast %add3A_2231 : i32 to vector<16xi32>
    %add3A_2233 = arith.addi %gather3A_2230, %add3A_2232 : vector<16xi32>
    %swap3A_2234 = arith.constant 22 : i32
    %swap3A_2235 = arith.index_cast %swap3A_2234 : i32 to index
    %swap3A_2236 = arith.constant 96 : index
    %swap3A_2237 = tpu.vector_load %arg7[%swap3A_2235, %swap3A_2236] {strides = array<i32>} : memref<26x128xi32, #tpu.memory_space<vmem>>, vector<16xi32>,
    tpu.vector_store %arg7[%swap3A_2235, %swap3A_2236], %add3A_2233 {strides = array<i32>} : memref<26x128xi32, #tpu.memory_space<vmem>>, vector<16xi32>,
    %add3A_2238 = arith.constant 2934 : i32
    %add3A_2239 = vector.broadcast %add3A_2238 : i32 to vector<16xi32>
    %add3A_2240 = arith.addi %mul3A_7, %add3A_2239 : vector<16xi32>
    %gather3A_2241 = tpu.vector_load_idx %arg6[%add3A_2240] : memref<3328xi32, #tpu.memory_space<vmem>>[vector<16xi32>], vector<16xi32>,
    %add3A_2242 = arith.constant 2200000 : i32
    %add3A_2243 = vector.broadcast %add3A_2242 : i32 to vector<16xi32>
    %add3A_2244 = arith.addi %gather3A_2241, %add3A_2243 : vector<16xi32>
    %swap3A_2245 = arith.constant 22 : i32
    %swap3A_2246 = arith.index_cast %swap3A_2245 : i32 to index
    %swap3A_2247 = arith.constant 112 : index
    %swap3A_2248 = tpu.vector_load %arg7[%swap3A_2246, %swap3A_2247] {strides = array<i32>} : memref<26x128xi32, #tpu.memory_space<vmem>>, vector<16xi32>,
    tpu.vector_store %arg7[%swap3A_2246, %swap3A_2247], %add3A_2244 {strides = array<i32>} : memref<26x128xi32, #tpu.memory_space<vmem>>, vector<16xi32>,
    %dma_start3A_2249 = arith.constant 22 : i32
    %dma_start3A_2250 = arith.constant 22 : i32
    %dma_start3A_2251 = arith.constant 0 : i32
    %dma_start3A_2252 = tpu.memref_slice %arg8[%dma_start3A_2250, %dma_start3A_2251] : memref<26x128xf32, #tpu.memory_space<vmem>> -> memref<1x128xf32, #tpu.memory_space<vmem>>
    %dma_start3A_2253 = tpu.memref_squeeze %dma_start3A_2252 : memref<1x128xf32, #tpu.memory_space<vmem>> -> memref<128xf32, #tpu.memory_space<vmem>>
    %dma_start3A_2254 = arith.constant 0 : i32
    %dma_start3A_2255 = tpu.memref_slice %arg7[%dma_start3A_2249, %dma_start3A_2254] : memref<26x128xi32, #tpu.memory_space<vmem>> -> memref<1x128xi32, #tpu.memory_space<vmem>>
    %dma_start3A_2256 = tpu.memref_squeeze %dma_start3A_2255 : memref<1x128xi32, #tpu.memory_space<vmem>> -> memref<128xi32, #tpu.memory_space<vmem>>
    %dma_start3A_2257 = arith.constant 0 : i32
    %dma_start3A_2258 = tpu.memref_slice %arg3[%dma_start3A_2257] : memref<2600000xf32, #tpu.memory_space<hbm>> -> memref<2600000xf32, #tpu.memory_space<hbm>>
    tpu.enqueue_indirect_dma source(%dma_start3A_2258 : memref<2600000xf32, #tpu.memory_space<hbm>>) target(%dma_start3A_2253 : memref<128xf32, #tpu.memory_space<vmem>>) offsets(%dma_start3A_2256 : memref<128xi32, #tpu.memory_space<vmem>>) semaphore(%arg11 : memref<!tpu.dma_semaphore, #tpu.memory_space<semaphore_mem>>)
    %add3A_2259 = arith.constant 23 : i32
    %add3A_2260 = vector.broadcast %add3A_2259 : i32 to vector<16xi32>
    %add3A_2261 = arith.addi %mul3A_7, %add3A_2260 : vector<16xi32>
    %gather3A_2262 = tpu.vector_load_idx %arg6[%add3A_2261] : memref<3328xi32, #tpu.memory_space<vmem>>[vector<16xi32>], vector<16xi32>,
    %add3A_2263 = arith.constant 2300000 : i32
    %add3A_2264 = vector.broadcast %add3A_2263 : i32 to vector<16xi32>
    %add3A_2265 = arith.addi %gather3A_2262, %add3A_2264 : vector<16xi32>
    %swap3A_2266 = arith.constant 23 : i32
    %swap3A_2267 = arith.index_cast %swap3A_2266 : i32 to index
    %swap3A_2268 = arith.constant 0 : index
    %swap3A_2269 = tpu.vector_load %arg7[%swap3A_2267, %swap3A_2268] {strides = array<i32>} : memref<26x128xi32, #tpu.memory_space<vmem>>, vector<16xi32>,
    tpu.vector_store %arg7[%swap3A_2267, %swap3A_2268], %add3A_2265 {strides = array<i32>} : memref<26x128xi32, #tpu.memory_space<vmem>>, vector<16xi32>,
    %add3A_2270 = arith.constant 439 : i32
    %add3A_2271 = vector.broadcast %add3A_2270 : i32 to vector<16xi32>
    %add3A_2272 = arith.addi %mul3A_7, %add3A_2271 : vector<16xi32>
    %gather3A_2273 = tpu.vector_load_idx %arg6[%add3A_2272] : memref<3328xi32, #tpu.memory_space<vmem>>[vector<16xi32>], vector<16xi32>,
    %add3A_2274 = arith.constant 2300000 : i32
    %add3A_2275 = vector.broadcast %add3A_2274 : i32 to vector<16xi32>
    %add3A_2276 = arith.addi %gather3A_2273, %add3A_2275 : vector<16xi32>
    %swap3A_2277 = arith.constant 23 : i32
    %swap3A_2278 = arith.index_cast %swap3A_2277 : i32 to index
    %swap3A_2279 = arith.constant 16 : index
    %swap3A_2280 = tpu.vector_load %arg7[%swap3A_2278, %swap3A_2279] {strides = array<i32>} : memref<26x128xi32, #tpu.memory_space<vmem>>, vector<16xi32>,
    tpu.vector_store %arg7[%swap3A_2278, %swap3A_2279], %add3A_2276 {strides = array<i32>} : memref<26x128xi32, #tpu.memory_space<vmem>>, vector<16xi32>,
    %add3A_2281 = arith.constant 855 : i32
    %add3A_2282 = vector.broadcast %add3A_2281 : i32 to vector<16xi32>
    %add3A_2283 = arith.addi %mul3A_7, %add3A_2282 : vector<16xi32>
    %gather3A_2284 = tpu.vector_load_idx %arg6[%add3A_2283] : memref<3328xi32, #tpu.memory_space<vmem>>[vector<16xi32>], vector<16xi32>,
    %add3A_2285 = arith.constant 2300000 : i32
    %add3A_2286 = vector.broadcast %add3A_2285 : i32 to vector<16xi32>
    %add3A_2287 = arith.addi %gather3A_2284, %add3A_2286 : vector<16xi32>
    %swap3A_2288 = arith.constant 23 : i32
    %swap3A_2289 = arith.index_cast %swap3A_2288 : i32 to index
    %swap3A_2290 = arith.constant 32 : index
    %swap3A_2291 = tpu.vector_load %arg7[%swap3A_2289, %swap3A_2290] {strides = array<i32>} : memref<26x128xi32, #tpu.memory_space<vmem>>, vector<16xi32>,
    tpu.vector_store %arg7[%swap3A_2289, %swap3A_2290], %add3A_2287 {strides = array<i32>} : memref<26x128xi32, #tpu.memory_space<vmem>>, vector<16xi32>,
    %add3A_2292 = arith.constant 1271 : i32
    %add3A_2293 = vector.broadcast %add3A_2292 : i32 to vector<16xi32>
    %add3A_2294 = arith.addi %mul3A_7, %add3A_2293 : vector<16xi32>
    %gather3A_2295 = tpu.vector_load_idx %arg6[%add3A_2294] : memref<3328xi32, #tpu.memory_space<vmem>>[vector<16xi32>], vector<16xi32>,
    %add3A_2296 = arith.constant 2300000 : i32
    %add3A_2297 = vector.broadcast %add3A_2296 : i32 to vector<16xi32>
    %add3A_2298 = arith.addi %gather3A_2295, %add3A_2297 : vector<16xi32>
    %swap3A_2299 = arith.constant 23 : i32
    %swap3A_2300 = arith.index_cast %swap3A_2299 : i32 to index
    %swap3A_2301 = arith.constant 48 : index
    %swap3A_2302 = tpu.vector_load %arg7[%swap3A_2300, %swap3A_2301] {strides = array<i32>} : memref<26x128xi32, #tpu.memory_space<vmem>>, vector<16xi32>,
    tpu.vector_store %arg7[%swap3A_2300, %swap3A_2301], %add3A_2298 {strides = array<i32>} : memref<26x128xi32, #tpu.memory_space<vmem>>, vector<16xi32>,
    %add3A_2303 = arith.constant 1687 : i32
    %add3A_2304 = vector.broadcast %add3A_2303 : i32 to vector<16xi32>
    %add3A_2305 = arith.addi %mul3A_7, %add3A_2304 : vector<16xi32>
    %gather3A_2306 = tpu.vector_load_idx %arg6[%add3A_2305] : memref<3328xi32, #tpu.memory_space<vmem>>[vector<16xi32>], vector<16xi32>,
    %add3A_2307 = arith.constant 2300000 : i32
    %add3A_2308 = vector.broadcast %add3A_2307 : i32 to vector<16xi32>
    %add3A_2309 = arith.addi %gather3A_2306, %add3A_2308 : vector<16xi32>
    %swap3A_2310 = arith.constant 23 : i32
    %swap3A_2311 = arith.index_cast %swap3A_2310 : i32 to index
    %swap3A_2312 = arith.constant 64 : index
    %swap3A_2313 = tpu.vector_load %arg7[%swap3A_2311, %swap3A_2312] {strides = array<i32>} : memref<26x128xi32, #tpu.memory_space<vmem>>, vector<16xi32>,
    tpu.vector_store %arg7[%swap3A_2311, %swap3A_2312], %add3A_2309 {strides = array<i32>} : memref<26x128xi32, #tpu.memory_space<vmem>>, vector<16xi32>,
    %add3A_2314 = arith.constant 2103 : i32
    %add3A_2315 = vector.broadcast %add3A_2314 : i32 to vector<16xi32>
    %add3A_2316 = arith.addi %mul3A_7, %add3A_2315 : vector<16xi32>
    %gather3A_2317 = tpu.vector_load_idx %arg6[%add3A_2316] : memref<3328xi32, #tpu.memory_space<vmem>>[vector<16xi32>], vector<16xi32>,
    %add3A_2318 = arith.constant 2300000 : i32
    %add3A_2319 = vector.broadcast %add3A_2318 : i32 to vector<16xi32>
    %add3A_2320 = arith.addi %gather3A_2317, %add3A_2319 : vector<16xi32>
    %swap3A_2321 = arith.constant 23 : i32
    %swap3A_2322 = arith.index_cast %swap3A_2321 : i32 to index
    %swap3A_2323 = arith.constant 80 : index
    %swap3A_2324 = tpu.vector_load %arg7[%swap3A_2322, %swap3A_2323] {strides = array<i32>} : memref<26x128xi32, #tpu.memory_space<vmem>>, vector<16xi32>,
    tpu.vector_store %arg7[%swap3A_2322, %swap3A_2323], %add3A_2320 {strides = array<i32>} : memref<26x128xi32, #tpu.memory_space<vmem>>, vector<16xi32>,
    %add3A_2325 = arith.constant 2519 : i32
    %add3A_2326 = vector.broadcast %add3A_2325 : i32 to vector<16xi32>
    %add3A_2327 = arith.addi %mul3A_7, %add3A_2326 : vector<16xi32>
    %gather3A_2328 = tpu.vector_load_idx %arg6[%add3A_2327] : memref<3328xi32, #tpu.memory_space<vmem>>[vector<16xi32>], vector<16xi32>,
    %add3A_2329 = arith.constant 2300000 : i32
    %add3A_2330 = vector.broadcast %add3A_2329 : i32 to vector<16xi32>
    %add3A_2331 = arith.addi %gather3A_2328, %add3A_2330 : vector<16xi32>
    %swap3A_2332 = arith.constant 23 : i32
    %swap3A_2333 = arith.index_cast %swap3A_2332 : i32 to index
    %swap3A_2334 = arith.constant 96 : index
    %swap3A_2335 = tpu.vector_load %arg7[%swap3A_2333, %swap3A_2334] {strides = array<i32>} : memref<26x128xi32, #tpu.memory_space<vmem>>, vector<16xi32>,
    tpu.vector_store %arg7[%swap3A_2333, %swap3A_2334], %add3A_2331 {strides = array<i32>} : memref<26x128xi32, #tpu.memory_space<vmem>>, vector<16xi32>,
    %add3A_2336 = arith.constant 2935 : i32
    %add3A_2337 = vector.broadcast %add3A_2336 : i32 to vector<16xi32>
    %add3A_2338 = arith.addi %mul3A_7, %add3A_2337 : vector<16xi32>
    %gather3A_2339 = tpu.vector_load_idx %arg6[%add3A_2338] : memref<3328xi32, #tpu.memory_space<vmem>>[vector<16xi32>], vector<16xi32>,
    %add3A_2340 = arith.constant 2300000 : i32
    %add3A_2341 = vector.broadcast %add3A_2340 : i32 to vector<16xi32>
    %add3A_2342 = arith.addi %gather3A_2339, %add3A_2341 : vector<16xi32>
    %swap3A_2343 = arith.constant 23 : i32
    %swap3A_2344 = arith.index_cast %swap3A_2343 : i32 to index
    %swap3A_2345 = arith.constant 112 : index
    %swap3A_2346 = tpu.vector_load %arg7[%swap3A_2344, %swap3A_2345] {strides = array<i32>} : memref<26x128xi32, #tpu.memory_space<vmem>>, vector<16xi32>,
    tpu.vector_store %arg7[%swap3A_2344, %swap3A_2345], %add3A_2342 {strides = array<i32>} : memref<26x128xi32, #tpu.memory_space<vmem>>, vector<16xi32>,
    %dma_start3A_2347 = arith.constant 23 : i32
    %dma_start3A_2348 = arith.constant 23 : i32
    %dma_start3A_2349 = arith.constant 0 : i32
    %dma_start3A_2350 = tpu.memref_slice %arg8[%dma_start3A_2348, %dma_start3A_2349] : memref<26x128xf32, #tpu.memory_space<vmem>> -> memref<1x128xf32, #tpu.memory_space<vmem>>
    %dma_start3A_2351 = tpu.memref_squeeze %dma_start3A_2350 : memref<1x128xf32, #tpu.memory_space<vmem>> -> memref<128xf32, #tpu.memory_space<vmem>>
    %dma_start3A_2352 = arith.constant 0 : i32
    %dma_start3A_2353 = tpu.memref_slice %arg7[%dma_start3A_2347, %dma_start3A_2352] : memref<26x128xi32, #tpu.memory_space<vmem>> -> memref<1x128xi32, #tpu.memory_space<vmem>>
    %dma_start3A_2354 = tpu.memref_squeeze %dma_start3A_2353 : memref<1x128xi32, #tpu.memory_space<vmem>> -> memref<128xi32, #tpu.memory_space<vmem>>
    %dma_start3A_2355 = arith.constant 0 : i32
    %dma_start3A_2356 = tpu.memref_slice %arg3[%dma_start3A_2355] : memref<2600000xf32, #tpu.memory_space<hbm>> -> memref<2600000xf32, #tpu.memory_space<hbm>>
    tpu.enqueue_indirect_dma source(%dma_start3A_2356 : memref<2600000xf32, #tpu.memory_space<hbm>>) target(%dma_start3A_2351 : memref<128xf32, #tpu.memory_space<vmem>>) offsets(%dma_start3A_2354 : memref<128xi32, #tpu.memory_space<vmem>>) semaphore(%arg11 : memref<!tpu.dma_semaphore, #tpu.memory_space<semaphore_mem>>)
    %add3A_2357 = arith.constant 24 : i32
    %add3A_2358 = vector.broadcast %add3A_2357 : i32 to vector<16xi32>
    %add3A_2359 = arith.addi %mul3A_7, %add3A_2358 : vector<16xi32>
    %gather3A_2360 = tpu.vector_load_idx %arg6[%add3A_2359] : memref<3328xi32, #tpu.memory_space<vmem>>[vector<16xi32>], vector<16xi32>,
    %add3A_2361 = arith.constant 2400000 : i32
    %add3A_2362 = vector.broadcast %add3A_2361 : i32 to vector<16xi32>
    %add3A_2363 = arith.addi %gather3A_2360, %add3A_2362 : vector<16xi32>
    %swap3A_2364 = arith.constant 24 : i32
    %swap3A_2365 = arith.index_cast %swap3A_2364 : i32 to index
    %swap3A_2366 = arith.constant 0 : index
    %swap3A_2367 = tpu.vector_load %arg7[%swap3A_2365, %swap3A_2366] {strides = array<i32>} : memref<26x128xi32, #tpu.memory_space<vmem>>, vector<16xi32>,
    tpu.vector_store %arg7[%swap3A_2365, %swap3A_2366], %add3A_2363 {strides = array<i32>} : memref<26x128xi32, #tpu.memory_space<vmem>>, vector<16xi32>,
    %add3A_2368 = arith.constant 440 : i32
    %add3A_2369 = vector.broadcast %add3A_2368 : i32 to vector<16xi32>
    %add3A_2370 = arith.addi %mul3A_7, %add3A_2369 : vector<16xi32>
    %gather3A_2371 = tpu.vector_load_idx %arg6[%add3A_2370] : memref<3328xi32, #tpu.memory_space<vmem>>[vector<16xi32>], vector<16xi32>,
    %add3A_2372 = arith.constant 2400000 : i32
    %add3A_2373 = vector.broadcast %add3A_2372 : i32 to vector<16xi32>
    %add3A_2374 = arith.addi %gather3A_2371, %add3A_2373 : vector<16xi32>
    %swap3A_2375 = arith.constant 24 : i32
    %swap3A_2376 = arith.index_cast %swap3A_2375 : i32 to index
    %swap3A_2377 = arith.constant 16 : index
    %swap3A_2378 = tpu.vector_load %arg7[%swap3A_2376, %swap3A_2377] {strides = array<i32>} : memref<26x128xi32, #tpu.memory_space<vmem>>, vector<16xi32>,
    tpu.vector_store %arg7[%swap3A_2376, %swap3A_2377], %add3A_2374 {strides = array<i32>} : memref<26x128xi32, #tpu.memory_space<vmem>>, vector<16xi32>,
    %add3A_2379 = arith.constant 856 : i32
    %add3A_2380 = vector.broadcast %add3A_2379 : i32 to vector<16xi32>
    %add3A_2381 = arith.addi %mul3A_7, %add3A_2380 : vector<16xi32>
    %gather3A_2382 = tpu.vector_load_idx %arg6[%add3A_2381] : memref<3328xi32, #tpu.memory_space<vmem>>[vector<16xi32>], vector<16xi32>,
    %add3A_2383 = arith.constant 2400000 : i32
    %add3A_2384 = vector.broadcast %add3A_2383 : i32 to vector<16xi32>
    %add3A_2385 = arith.addi %gather3A_2382, %add3A_2384 : vector<16xi32>
    %swap3A_2386 = arith.constant 24 : i32
    %swap3A_2387 = arith.index_cast %swap3A_2386 : i32 to index
    %swap3A_2388 = arith.constant 32 : index
    %swap3A_2389 = tpu.vector_load %arg7[%swap3A_2387, %swap3A_2388] {strides = array<i32>} : memref<26x128xi32, #tpu.memory_space<vmem>>, vector<16xi32>,
    tpu.vector_store %arg7[%swap3A_2387, %swap3A_2388], %add3A_2385 {strides = array<i32>} : memref<26x128xi32, #tpu.memory_space<vmem>>, vector<16xi32>,
    %add3A_2390 = arith.constant 1272 : i32
    %add3A_2391 = vector.broadcast %add3A_2390 : i32 to vector<16xi32>
    %add3A_2392 = arith.addi %mul3A_7, %add3A_2391 : vector<16xi32>
    %gather3A_2393 = tpu.vector_load_idx %arg6[%add3A_2392] : memref<3328xi32, #tpu.memory_space<vmem>>[vector<16xi32>], vector<16xi32>,
    %add3A_2394 = arith.constant 2400000 : i32
    %add3A_2395 = vector.broadcast %add3A_2394 : i32 to vector<16xi32>
    %add3A_2396 = arith.addi %gather3A_2393, %add3A_2395 : vector<16xi32>
    %swap3A_2397 = arith.constant 24 : i32
    %swap3A_2398 = arith.index_cast %swap3A_2397 : i32 to index
    %swap3A_2399 = arith.constant 48 : index
    %swap3A_2400 = tpu.vector_load %arg7[%swap3A_2398, %swap3A_2399] {strides = array<i32>} : memref<26x128xi32, #tpu.memory_space<vmem>>, vector<16xi32>,
    tpu.vector_store %arg7[%swap3A_2398, %swap3A_2399], %add3A_2396 {strides = array<i32>} : memref<26x128xi32, #tpu.memory_space<vmem>>, vector<16xi32>,
    %add3A_2401 = arith.constant 1688 : i32
    %add3A_2402 = vector.broadcast %add3A_2401 : i32 to vector<16xi32>
    %add3A_2403 = arith.addi %mul3A_7, %add3A_2402 : vector<16xi32>
    %gather3A_2404 = tpu.vector_load_idx %arg6[%add3A_2403] : memref<3328xi32, #tpu.memory_space<vmem>>[vector<16xi32>], vector<16xi32>,
    %add3A_2405 = arith.constant 2400000 : i32
    %add3A_2406 = vector.broadcast %add3A_2405 : i32 to vector<16xi32>
    %add3A_2407 = arith.addi %gather3A_2404, %add3A_2406 : vector<16xi32>
    %swap3A_2408 = arith.constant 24 : i32
    %swap3A_2409 = arith.index_cast %swap3A_2408 : i32 to index
    %swap3A_2410 = arith.constant 64 : index
    %swap3A_2411 = tpu.vector_load %arg7[%swap3A_2409, %swap3A_2410] {strides = array<i32>} : memref<26x128xi32, #tpu.memory_space<vmem>>, vector<16xi32>,
    tpu.vector_store %arg7[%swap3A_2409, %swap3A_2410], %add3A_2407 {strides = array<i32>} : memref<26x128xi32, #tpu.memory_space<vmem>>, vector<16xi32>,
    %add3A_2412 = arith.constant 2104 : i32
    %add3A_2413 = vector.broadcast %add3A_2412 : i32 to vector<16xi32>
    %add3A_2414 = arith.addi %mul3A_7, %add3A_2413 : vector<16xi32>
    %gather3A_2415 = tpu.vector_load_idx %arg6[%add3A_2414] : memref<3328xi32, #tpu.memory_space<vmem>>[vector<16xi32>], vector<16xi32>,
    %add3A_2416 = arith.constant 2400000 : i32
    %add3A_2417 = vector.broadcast %add3A_2416 : i32 to vector<16xi32>
    %add3A_2418 = arith.addi %gather3A_2415, %add3A_2417 : vector<16xi32>
    %swap3A_2419 = arith.constant 24 : i32
    %swap3A_2420 = arith.index_cast %swap3A_2419 : i32 to index
    %swap3A_2421 = arith.constant 80 : index
    %swap3A_2422 = tpu.vector_load %arg7[%swap3A_2420, %swap3A_2421] {strides = array<i32>} : memref<26x128xi32, #tpu.memory_space<vmem>>, vector<16xi32>,
    tpu.vector_store %arg7[%swap3A_2420, %swap3A_2421], %add3A_2418 {strides = array<i32>} : memref<26x128xi32, #tpu.memory_space<vmem>>, vector<16xi32>,
    %add3A_2423 = arith.constant 2520 : i32
    %add3A_2424 = vector.broadcast %add3A_2423 : i32 to vector<16xi32>
    %add3A_2425 = arith.addi %mul3A_7, %add3A_2424 : vector<16xi32>
    %gather3A_2426 = tpu.vector_load_idx %arg6[%add3A_2425] : memref<3328xi32, #tpu.memory_space<vmem>>[vector<16xi32>], vector<16xi32>,
    %add3A_2427 = arith.constant 2400000 : i32
    %add3A_2428 = vector.broadcast %add3A_2427 : i32 to vector<16xi32>
    %add3A_2429 = arith.addi %gather3A_2426, %add3A_2428 : vector<16xi32>
    %swap3A_2430 = arith.constant 24 : i32
    %swap3A_2431 = arith.index_cast %swap3A_2430 : i32 to index
    %swap3A_2432 = arith.constant 96 : index
    %swap3A_2433 = tpu.vector_load %arg7[%swap3A_2431, %swap3A_2432] {strides = array<i32>} : memref<26x128xi32, #tpu.memory_space<vmem>>, vector<16xi32>,
    tpu.vector_store %arg7[%swap3A_2431, %swap3A_2432], %add3A_2429 {strides = array<i32>} : memref<26x128xi32, #tpu.memory_space<vmem>>, vector<16xi32>,
    %add3A_2434 = arith.constant 2936 : i32
    %add3A_2435 = vector.broadcast %add3A_2434 : i32 to vector<16xi32>
    %add3A_2436 = arith.addi %mul3A_7, %add3A_2435 : vector<16xi32>
    %gather3A_2437 = tpu.vector_load_idx %arg6[%add3A_2436] : memref<3328xi32, #tpu.memory_space<vmem>>[vector<16xi32>], vector<16xi32>,
    %add3A_2438 = arith.constant 2400000 : i32
    %add3A_2439 = vector.broadcast %add3A_2438 : i32 to vector<16xi32>
    %add3A_2440 = arith.addi %gather3A_2437, %add3A_2439 : vector<16xi32>
    %swap3A_2441 = arith.constant 24 : i32
    %swap3A_2442 = arith.index_cast %swap3A_2441 : i32 to index
    %swap3A_2443 = arith.constant 112 : index
    %swap3A_2444 = tpu.vector_load %arg7[%swap3A_2442, %swap3A_2443] {strides = array<i32>} : memref<26x128xi32, #tpu.memory_space<vmem>>, vector<16xi32>,
    tpu.vector_store %arg7[%swap3A_2442, %swap3A_2443], %add3A_2440 {strides = array<i32>} : memref<26x128xi32, #tpu.memory_space<vmem>>, vector<16xi32>,
    %dma_start3A_2445 = arith.constant 24 : i32
    %dma_start3A_2446 = arith.constant 24 : i32
    %dma_start3A_2447 = arith.constant 0 : i32
    %dma_start3A_2448 = tpu.memref_slice %arg8[%dma_start3A_2446, %dma_start3A_2447] : memref<26x128xf32, #tpu.memory_space<vmem>> -> memref<1x128xf32, #tpu.memory_space<vmem>>
    %dma_start3A_2449 = tpu.memref_squeeze %dma_start3A_2448 : memref<1x128xf32, #tpu.memory_space<vmem>> -> memref<128xf32, #tpu.memory_space<vmem>>
    %dma_start3A_2450 = arith.constant 0 : i32
    %dma_start3A_2451 = tpu.memref_slice %arg7[%dma_start3A_2445, %dma_start3A_2450] : memref<26x128xi32, #tpu.memory_space<vmem>> -> memref<1x128xi32, #tpu.memory_space<vmem>>
    %dma_start3A_2452 = tpu.memref_squeeze %dma_start3A_2451 : memref<1x128xi32, #tpu.memory_space<vmem>> -> memref<128xi32, #tpu.memory_space<vmem>>
    %dma_start3A_2453 = arith.constant 0 : i32
    %dma_start3A_2454 = tpu.memref_slice %arg3[%dma_start3A_2453] : memref<2600000xf32, #tpu.memory_space<hbm>> -> memref<2600000xf32, #tpu.memory_space<hbm>>
    tpu.enqueue_indirect_dma source(%dma_start3A_2454 : memref<2600000xf32, #tpu.memory_space<hbm>>) target(%dma_start3A_2449 : memref<128xf32, #tpu.memory_space<vmem>>) offsets(%dma_start3A_2452 : memref<128xi32, #tpu.memory_space<vmem>>) semaphore(%arg11 : memref<!tpu.dma_semaphore, #tpu.memory_space<semaphore_mem>>)
    %add3A_2455 = arith.constant 25 : i32
    %add3A_2456 = vector.broadcast %add3A_2455 : i32 to vector<16xi32>
    %add3A_2457 = arith.addi %mul3A_7, %add3A_2456 : vector<16xi32>
    %gather3A_2458 = tpu.vector_load_idx %arg6[%add3A_2457] : memref<3328xi32, #tpu.memory_space<vmem>>[vector<16xi32>], vector<16xi32>,
    %add3A_2459 = arith.constant 2500000 : i32
    %add3A_2460 = vector.broadcast %add3A_2459 : i32 to vector<16xi32>
    %add3A_2461 = arith.addi %gather3A_2458, %add3A_2460 : vector<16xi32>
    %swap3A_2462 = arith.constant 25 : i32
    %swap3A_2463 = arith.index_cast %swap3A_2462 : i32 to index
    %swap3A_2464 = arith.constant 0 : index
    %swap3A_2465 = tpu.vector_load %arg7[%swap3A_2463, %swap3A_2464] {strides = array<i32>} : memref<26x128xi32, #tpu.memory_space<vmem>>, vector<16xi32>,
    tpu.vector_store %arg7[%swap3A_2463, %swap3A_2464], %add3A_2461 {strides = array<i32>} : memref<26x128xi32, #tpu.memory_space<vmem>>, vector<16xi32>,
    %add3A_2466 = arith.constant 441 : i32
    %add3A_2467 = vector.broadcast %add3A_2466 : i32 to vector<16xi32>
    %add3A_2468 = arith.addi %mul3A_7, %add3A_2467 : vector<16xi32>
    %gather3A_2469 = tpu.vector_load_idx %arg6[%add3A_2468] : memref<3328xi32, #tpu.memory_space<vmem>>[vector<16xi32>], vector<16xi32>,
    %add3A_2470 = arith.constant 2500000 : i32
    %add3A_2471 = vector.broadcast %add3A_2470 : i32 to vector<16xi32>
    %add3A_2472 = arith.addi %gather3A_2469, %add3A_2471 : vector<16xi32>
    %swap3A_2473 = arith.constant 25 : i32
    %swap3A_2474 = arith.index_cast %swap3A_2473 : i32 to index
    %swap3A_2475 = arith.constant 16 : index
    %swap3A_2476 = tpu.vector_load %arg7[%swap3A_2474, %swap3A_2475] {strides = array<i32>} : memref<26x128xi32, #tpu.memory_space<vmem>>, vector<16xi32>,
    tpu.vector_store %arg7[%swap3A_2474, %swap3A_2475], %add3A_2472 {strides = array<i32>} : memref<26x128xi32, #tpu.memory_space<vmem>>, vector<16xi32>,
    %add3A_2477 = arith.constant 857 : i32
    %add3A_2478 = vector.broadcast %add3A_2477 : i32 to vector<16xi32>
    %add3A_2479 = arith.addi %mul3A_7, %add3A_2478 : vector<16xi32>
    %gather3A_2480 = tpu.vector_load_idx %arg6[%add3A_2479] : memref<3328xi32, #tpu.memory_space<vmem>>[vector<16xi32>], vector<16xi32>,
    %add3A_2481 = arith.constant 2500000 : i32
    %add3A_2482 = vector.broadcast %add3A_2481 : i32 to vector<16xi32>
    %add3A_2483 = arith.addi %gather3A_2480, %add3A_2482 : vector<16xi32>
    %swap3A_2484 = arith.constant 25 : i32
    %swap3A_2485 = arith.index_cast %swap3A_2484 : i32 to index
    %swap3A_2486 = arith.constant 32 : index
    %swap3A_2487 = tpu.vector_load %arg7[%swap3A_2485, %swap3A_2486] {strides = array<i32>} : memref<26x128xi32, #tpu.memory_space<vmem>>, vector<16xi32>,
    tpu.vector_store %arg7[%swap3A_2485, %swap3A_2486], %add3A_2483 {strides = array<i32>} : memref<26x128xi32, #tpu.memory_space<vmem>>, vector<16xi32>,
    %add3A_2488 = arith.constant 1273 : i32
    %add3A_2489 = vector.broadcast %add3A_2488 : i32 to vector<16xi32>
    %add3A_2490 = arith.addi %mul3A_7, %add3A_2489 : vector<16xi32>
    %gather3A_2491 = tpu.vector_load_idx %arg6[%add3A_2490] : memref<3328xi32, #tpu.memory_space<vmem>>[vector<16xi32>], vector<16xi32>,
    %add3A_2492 = arith.constant 2500000 : i32
    %add3A_2493 = vector.broadcast %add3A_2492 : i32 to vector<16xi32>
    %add3A_2494 = arith.addi %gather3A_2491, %add3A_2493 : vector<16xi32>
    %swap3A_2495 = arith.constant 25 : i32
    %swap3A_2496 = arith.index_cast %swap3A_2495 : i32 to index
    %swap3A_2497 = arith.constant 48 : index
    %swap3A_2498 = tpu.vector_load %arg7[%swap3A_2496, %swap3A_2497] {strides = array<i32>} : memref<26x128xi32, #tpu.memory_space<vmem>>, vector<16xi32>,
    tpu.vector_store %arg7[%swap3A_2496, %swap3A_2497], %add3A_2494 {strides = array<i32>} : memref<26x128xi32, #tpu.memory_space<vmem>>, vector<16xi32>,
    %add3A_2499 = arith.constant 1689 : i32
    %add3A_2500 = vector.broadcast %add3A_2499 : i32 to vector<16xi32>
    %add3A_2501 = arith.addi %mul3A_7, %add3A_2500 : vector<16xi32>
    %gather3A_2502 = tpu.vector_load_idx %arg6[%add3A_2501] : memref<3328xi32, #tpu.memory_space<vmem>>[vector<16xi32>], vector<16xi32>,
    %add3A_2503 = arith.constant 2500000 : i32
    %add3A_2504 = vector.broadcast %add3A_2503 : i32 to vector<16xi32>
    %add3A_2505 = arith.addi %gather3A_2502, %add3A_2504 : vector<16xi32>
    %swap3A_2506 = arith.constant 25 : i32
    %swap3A_2507 = arith.index_cast %swap3A_2506 : i32 to index
    %swap3A_2508 = arith.constant 64 : index
    %swap3A_2509 = tpu.vector_load %arg7[%swap3A_2507, %swap3A_2508] {strides = array<i32>} : memref<26x128xi32, #tpu.memory_space<vmem>>, vector<16xi32>,
    tpu.vector_store %arg7[%swap3A_2507, %swap3A_2508], %add3A_2505 {strides = array<i32>} : memref<26x128xi32, #tpu.memory_space<vmem>>, vector<16xi32>,
    %add3A_2510 = arith.constant 2105 : i32
    %add3A_2511 = vector.broadcast %add3A_2510 : i32 to vector<16xi32>
    %add3A_2512 = arith.addi %mul3A_7, %add3A_2511 : vector<16xi32>
    %gather3A_2513 = tpu.vector_load_idx %arg6[%add3A_2512] : memref<3328xi32, #tpu.memory_space<vmem>>[vector<16xi32>], vector<16xi32>,
    %add3A_2514 = arith.constant 2500000 : i32
    %add3A_2515 = vector.broadcast %add3A_2514 : i32 to vector<16xi32>
    %add3A_2516 = arith.addi %gather3A_2513, %add3A_2515 : vector<16xi32>
    %swap3A_2517 = arith.constant 25 : i32
    %swap3A_2518 = arith.index_cast %swap3A_2517 : i32 to index
    %swap3A_2519 = arith.constant 80 : index
    %swap3A_2520 = tpu.vector_load %arg7[%swap3A_2518, %swap3A_2519] {strides = array<i32>} : memref<26x128xi32, #tpu.memory_space<vmem>>, vector<16xi32>,
    tpu.vector_store %arg7[%swap3A_2518, %swap3A_2519], %add3A_2516 {strides = array<i32>} : memref<26x128xi32, #tpu.memory_space<vmem>>, vector<16xi32>,
    %add3A_2521 = arith.constant 2521 : i32
    %add3A_2522 = vector.broadcast %add3A_2521 : i32 to vector<16xi32>
    %add3A_2523 = arith.addi %mul3A_7, %add3A_2522 : vector<16xi32>
    %gather3A_2524 = tpu.vector_load_idx %arg6[%add3A_2523] : memref<3328xi32, #tpu.memory_space<vmem>>[vector<16xi32>], vector<16xi32>,
    %add3A_2525 = arith.constant 2500000 : i32
    %add3A_2526 = vector.broadcast %add3A_2525 : i32 to vector<16xi32>
    %add3A_2527 = arith.addi %gather3A_2524, %add3A_2526 : vector<16xi32>
    %swap3A_2528 = arith.constant 25 : i32
    %swap3A_2529 = arith.index_cast %swap3A_2528 : i32 to index
    %swap3A_2530 = arith.constant 96 : index
    %swap3A_2531 = tpu.vector_load %arg7[%swap3A_2529, %swap3A_2530] {strides = array<i32>} : memref<26x128xi32, #tpu.memory_space<vmem>>, vector<16xi32>,
    tpu.vector_store %arg7[%swap3A_2529, %swap3A_2530], %add3A_2527 {strides = array<i32>} : memref<26x128xi32, #tpu.memory_space<vmem>>, vector<16xi32>,
    %add3A_2532 = arith.constant 2937 : i32
    %add3A_2533 = vector.broadcast %add3A_2532 : i32 to vector<16xi32>
    %add3A_2534 = arith.addi %mul3A_7, %add3A_2533 : vector<16xi32>
    %gather3A_2535 = tpu.vector_load_idx %arg6[%add3A_2534] : memref<3328xi32, #tpu.memory_space<vmem>>[vector<16xi32>], vector<16xi32>,
    %add3A_2536 = arith.constant 2500000 : i32
    %add3A_2537 = vector.broadcast %add3A_2536 : i32 to vector<16xi32>
    %add3A_2538 = arith.addi %gather3A_2535, %add3A_2537 : vector<16xi32>
    %swap3A_2539 = arith.constant 25 : i32
    %swap3A_2540 = arith.index_cast %swap3A_2539 : i32 to index
    %swap3A_2541 = arith.constant 112 : index
    %swap3A_2542 = tpu.vector_load %arg7[%swap3A_2540, %swap3A_2541] {strides = array<i32>} : memref<26x128xi32, #tpu.memory_space<vmem>>, vector<16xi32>,
    tpu.vector_store %arg7[%swap3A_2540, %swap3A_2541], %add3A_2538 {strides = array<i32>} : memref<26x128xi32, #tpu.memory_space<vmem>>, vector<16xi32>,
    %dma_start3A_2543 = arith.constant 25 : i32
    %dma_start3A_2544 = arith.constant 25 : i32
    %dma_start3A_2545 = arith.constant 0 : i32
    %dma_start3A_2546 = tpu.memref_slice %arg8[%dma_start3A_2544, %dma_start3A_2545] : memref<26x128xf32, #tpu.memory_space<vmem>> -> memref<1x128xf32, #tpu.memory_space<vmem>>
    %dma_start3A_2547 = tpu.memref_squeeze %dma_start3A_2546 : memref<1x128xf32, #tpu.memory_space<vmem>> -> memref<128xf32, #tpu.memory_space<vmem>>
    %dma_start3A_2548 = arith.constant 0 : i32
    %dma_start3A_2549 = tpu.memref_slice %arg7[%dma_start3A_2543, %dma_start3A_2548] : memref<26x128xi32, #tpu.memory_space<vmem>> -> memref<1x128xi32, #tpu.memory_space<vmem>>
    %dma_start3A_2550 = tpu.memref_squeeze %dma_start3A_2549 : memref<1x128xi32, #tpu.memory_space<vmem>> -> memref<128xi32, #tpu.memory_space<vmem>>
    %dma_start3A_2551 = arith.constant 0 : i32
    %dma_start3A_2552 = tpu.memref_slice %arg3[%dma_start3A_2551] : memref<2600000xf32, #tpu.memory_space<hbm>> -> memref<2600000xf32, #tpu.memory_space<hbm>>
    tpu.enqueue_indirect_dma source(%dma_start3A_2552 : memref<2600000xf32, #tpu.memory_space<hbm>>) target(%dma_start3A_2547 : memref<128xf32, #tpu.memory_space<vmem>>) offsets(%dma_start3A_2550 : memref<128xi32, #tpu.memory_space<vmem>>) semaphore(%arg11 : memref<!tpu.dma_semaphore, #tpu.memory_space<semaphore_mem>>)
    %dma_wait3A = arith.constant 0 : i32
    %dma_wait3A_2553 = arith.constant 0 : i32
    %dma_wait3A_2554 = arith.constant 0 : i32
    %dma_wait3A_2555 = tpu.memref_slice %arg8[%dma_wait3A_2553, %dma_wait3A_2554] : memref<26x128xf32, #tpu.memory_space<vmem>> -> memref<1x128xf32, #tpu.memory_space<vmem>>
    %dma_wait3A_2556 = tpu.memref_squeeze %dma_wait3A_2555 : memref<1x128xf32, #tpu.memory_space<vmem>> -> memref<128xf32, #tpu.memory_space<vmem>>
    %dma_wait3A_2557 = arith.constant 0 : i32
    %dma_wait3A_2558 = tpu.memref_slice %arg7[%dma_wait3A, %dma_wait3A_2557] : memref<26x128xi32, #tpu.memory_space<vmem>> -> memref<1x128xi32, #tpu.memory_space<vmem>>
    %dma_wait3A_2559 = tpu.memref_squeeze %dma_wait3A_2558 : memref<1x128xi32, #tpu.memory_space<vmem>> -> memref<128xi32, #tpu.memory_space<vmem>>
    %dma_wait3A_2560 = arith.constant 0 : i32
    %dma_wait3A_2561 = tpu.memref_slice %arg3[%dma_wait3A_2560] : memref<2600000xf32, #tpu.memory_space<hbm>> -> memref<2600000xf32, #tpu.memory_space<hbm>>
    tpu.wait_indirect_dma semaphore(%arg11 : memref<!tpu.dma_semaphore, #tpu.memory_space<semaphore_mem>>) src(%dma_wait3A_2561 : memref<2600000xf32, #tpu.memory_space<hbm>>) dst(%dma_wait3A_2556 : memref<128xf32, #tpu.memory_space<vmem>>)
    %dma_wait3A_2562 = arith.constant 1 : i32
    %dma_wait3A_2563 = arith.constant 1 : i32
    %dma_wait3A_2564 = arith.constant 0 : i32
    %dma_wait3A_2565 = tpu.memref_slice %arg8[%dma_wait3A_2563, %dma_wait3A_2564] : memref<26x128xf32, #tpu.memory_space<vmem>> -> memref<1x128xf32, #tpu.memory_space<vmem>>
    %dma_wait3A_2566 = tpu.memref_squeeze %dma_wait3A_2565 : memref<1x128xf32, #tpu.memory_space<vmem>> -> memref<128xf32, #tpu.memory_space<vmem>>
    %dma_wait3A_2567 = arith.constant 0 : i32
    %dma_wait3A_2568 = tpu.memref_slice %arg7[%dma_wait3A_2562, %dma_wait3A_2567] : memref<26x128xi32, #tpu.memory_space<vmem>> -> memref<1x128xi32, #tpu.memory_space<vmem>>
    %dma_wait3A_2569 = tpu.memref_squeeze %dma_wait3A_2568 : memref<1x128xi32, #tpu.memory_space<vmem>> -> memref<128xi32, #tpu.memory_space<vmem>>
    %dma_wait3A_2570 = arith.constant 0 : i32
    %dma_wait3A_2571 = tpu.memref_slice %arg3[%dma_wait3A_2570] : memref<2600000xf32, #tpu.memory_space<hbm>> -> memref<2600000xf32, #tpu.memory_space<hbm>>
    tpu.wait_indirect_dma semaphore(%arg11 : memref<!tpu.dma_semaphore, #tpu.memory_space<semaphore_mem>>) src(%dma_wait3A_2571 : memref<2600000xf32, #tpu.memory_space<hbm>>) dst(%dma_wait3A_2566 : memref<128xf32, #tpu.memory_space<vmem>>)
    %dma_wait3A_2572 = arith.constant 2 : i32
    %dma_wait3A_2573 = arith.constant 2 : i32
    %dma_wait3A_2574 = arith.constant 0 : i32
    %dma_wait3A_2575 = tpu.memref_slice %arg8[%dma_wait3A_2573, %dma_wait3A_2574] : memref<26x128xf32, #tpu.memory_space<vmem>> -> memref<1x128xf32, #tpu.memory_space<vmem>>
    %dma_wait3A_2576 = tpu.memref_squeeze %dma_wait3A_2575 : memref<1x128xf32, #tpu.memory_space<vmem>> -> memref<128xf32, #tpu.memory_space<vmem>>
    %dma_wait3A_2577 = arith.constant 0 : i32
    %dma_wait3A_2578 = tpu.memref_slice %arg7[%dma_wait3A_2572, %dma_wait3A_2577] : memref<26x128xi32, #tpu.memory_space<vmem>> -> memref<1x128xi32, #tpu.memory_space<vmem>>
    %dma_wait3A_2579 = tpu.memref_squeeze %dma_wait3A_2578 : memref<1x128xi32, #tpu.memory_space<vmem>> -> memref<128xi32, #tpu.memory_space<vmem>>
    %dma_wait3A_2580 = arith.constant 0 : i32
    %dma_wait3A_2581 = tpu.memref_slice %arg3[%dma_wait3A_2580] : memref<2600000xf32, #tpu.memory_space<hbm>> -> memref<2600000xf32, #tpu.memory_space<hbm>>
    tpu.wait_indirect_dma semaphore(%arg11 : memref<!tpu.dma_semaphore, #tpu.memory_space<semaphore_mem>>) src(%dma_wait3A_2581 : memref<2600000xf32, #tpu.memory_space<hbm>>) dst(%dma_wait3A_2576 : memref<128xf32, #tpu.memory_space<vmem>>)
    %dma_wait3A_2582 = arith.constant 3 : i32
    %dma_wait3A_2583 = arith.constant 3 : i32
    %dma_wait3A_2584 = arith.constant 0 : i32
    %dma_wait3A_2585 = tpu.memref_slice %arg8[%dma_wait3A_2583, %dma_wait3A_2584] : memref<26x128xf32, #tpu.memory_space<vmem>> -> memref<1x128xf32, #tpu.memory_space<vmem>>
    %dma_wait3A_2586 = tpu.memref_squeeze %dma_wait3A_2585 : memref<1x128xf32, #tpu.memory_space<vmem>> -> memref<128xf32, #tpu.memory_space<vmem>>
    %dma_wait3A_2587 = arith.constant 0 : i32
    %dma_wait3A_2588 = tpu.memref_slice %arg7[%dma_wait3A_2582, %dma_wait3A_2587] : memref<26x128xi32, #tpu.memory_space<vmem>> -> memref<1x128xi32, #tpu.memory_space<vmem>>
    %dma_wait3A_2589 = tpu.memref_squeeze %dma_wait3A_2588 : memref<1x128xi32, #tpu.memory_space<vmem>> -> memref<128xi32, #tpu.memory_space<vmem>>
    %dma_wait3A_2590 = arith.constant 0 : i32
    %dma_wait3A_2591 = tpu.memref_slice %arg3[%dma_wait3A_2590] : memref<2600000xf32, #tpu.memory_space<hbm>> -> memref<2600000xf32, #tpu.memory_space<hbm>>
    tpu.wait_indirect_dma semaphore(%arg11 : memref<!tpu.dma_semaphore, #tpu.memory_space<semaphore_mem>>) src(%dma_wait3A_2591 : memref<2600000xf32, #tpu.memory_space<hbm>>) dst(%dma_wait3A_2586 : memref<128xf32, #tpu.memory_space<vmem>>)
    %dma_wait3A_2592 = arith.constant 4 : i32
    %dma_wait3A_2593 = arith.constant 4 : i32
    %dma_wait3A_2594 = arith.constant 0 : i32
    %dma_wait3A_2595 = tpu.memref_slice %arg8[%dma_wait3A_2593, %dma_wait3A_2594] : memref<26x128xf32, #tpu.memory_space<vmem>> -> memref<1x128xf32, #tpu.memory_space<vmem>>
    %dma_wait3A_2596 = tpu.memref_squeeze %dma_wait3A_2595 : memref<1x128xf32, #tpu.memory_space<vmem>> -> memref<128xf32, #tpu.memory_space<vmem>>
    %dma_wait3A_2597 = arith.constant 0 : i32
    %dma_wait3A_2598 = tpu.memref_slice %arg7[%dma_wait3A_2592, %dma_wait3A_2597] : memref<26x128xi32, #tpu.memory_space<vmem>> -> memref<1x128xi32, #tpu.memory_space<vmem>>
    %dma_wait3A_2599 = tpu.memref_squeeze %dma_wait3A_2598 : memref<1x128xi32, #tpu.memory_space<vmem>> -> memref<128xi32, #tpu.memory_space<vmem>>
    %dma_wait3A_2600 = arith.constant 0 : i32
    %dma_wait3A_2601 = tpu.memref_slice %arg3[%dma_wait3A_2600] : memref<2600000xf32, #tpu.memory_space<hbm>> -> memref<2600000xf32, #tpu.memory_space<hbm>>
    tpu.wait_indirect_dma semaphore(%arg11 : memref<!tpu.dma_semaphore, #tpu.memory_space<semaphore_mem>>) src(%dma_wait3A_2601 : memref<2600000xf32, #tpu.memory_space<hbm>>) dst(%dma_wait3A_2596 : memref<128xf32, #tpu.memory_space<vmem>>)
    %dma_wait3A_2602 = arith.constant 5 : i32
    %dma_wait3A_2603 = arith.constant 5 : i32
    %dma_wait3A_2604 = arith.constant 0 : i32
    %dma_wait3A_2605 = tpu.memref_slice %arg8[%dma_wait3A_2603, %dma_wait3A_2604] : memref<26x128xf32, #tpu.memory_space<vmem>> -> memref<1x128xf32, #tpu.memory_space<vmem>>
    %dma_wait3A_2606 = tpu.memref_squeeze %dma_wait3A_2605 : memref<1x128xf32, #tpu.memory_space<vmem>> -> memref<128xf32, #tpu.memory_space<vmem>>
    %dma_wait3A_2607 = arith.constant 0 : i32
    %dma_wait3A_2608 = tpu.memref_slice %arg7[%dma_wait3A_2602, %dma_wait3A_2607] : memref<26x128xi32, #tpu.memory_space<vmem>> -> memref<1x128xi32, #tpu.memory_space<vmem>>
    %dma_wait3A_2609 = tpu.memref_squeeze %dma_wait3A_2608 : memref<1x128xi32, #tpu.memory_space<vmem>> -> memref<128xi32, #tpu.memory_space<vmem>>
    %dma_wait3A_2610 = arith.constant 0 : i32
    %dma_wait3A_2611 = tpu.memref_slice %arg3[%dma_wait3A_2610] : memref<2600000xf32, #tpu.memory_space<hbm>> -> memref<2600000xf32, #tpu.memory_space<hbm>>
    tpu.wait_indirect_dma semaphore(%arg11 : memref<!tpu.dma_semaphore, #tpu.memory_space<semaphore_mem>>) src(%dma_wait3A_2611 : memref<2600000xf32, #tpu.memory_space<hbm>>) dst(%dma_wait3A_2606 : memref<128xf32, #tpu.memory_space<vmem>>)
    %dma_wait3A_2612 = arith.constant 6 : i32
    %dma_wait3A_2613 = arith.constant 6 : i32
    %dma_wait3A_2614 = arith.constant 0 : i32
    %dma_wait3A_2615 = tpu.memref_slice %arg8[%dma_wait3A_2613, %dma_wait3A_2614] : memref<26x128xf32, #tpu.memory_space<vmem>> -> memref<1x128xf32, #tpu.memory_space<vmem>>
    %dma_wait3A_2616 = tpu.memref_squeeze %dma_wait3A_2615 : memref<1x128xf32, #tpu.memory_space<vmem>> -> memref<128xf32, #tpu.memory_space<vmem>>
    %dma_wait3A_2617 = arith.constant 0 : i32
    %dma_wait3A_2618 = tpu.memref_slice %arg7[%dma_wait3A_2612, %dma_wait3A_2617] : memref<26x128xi32, #tpu.memory_space<vmem>> -> memref<1x128xi32, #tpu.memory_space<vmem>>
    %dma_wait3A_2619 = tpu.memref_squeeze %dma_wait3A_2618 : memref<1x128xi32, #tpu.memory_space<vmem>> -> memref<128xi32, #tpu.memory_space<vmem>>
    %dma_wait3A_2620 = arith.constant 0 : i32
    %dma_wait3A_2621 = tpu.memref_slice %arg3[%dma_wait3A_2620] : memref<2600000xf32, #tpu.memory_space<hbm>> -> memref<2600000xf32, #tpu.memory_space<hbm>>
    tpu.wait_indirect_dma semaphore(%arg11 : memref<!tpu.dma_semaphore, #tpu.memory_space<semaphore_mem>>) src(%dma_wait3A_2621 : memref<2600000xf32, #tpu.memory_space<hbm>>) dst(%dma_wait3A_2616 : memref<128xf32, #tpu.memory_space<vmem>>)
    %dma_wait3A_2622 = arith.constant 7 : i32
    %dma_wait3A_2623 = arith.constant 7 : i32
    %dma_wait3A_2624 = arith.constant 0 : i32
    %dma_wait3A_2625 = tpu.memref_slice %arg8[%dma_wait3A_2623, %dma_wait3A_2624] : memref<26x128xf32, #tpu.memory_space<vmem>> -> memref<1x128xf32, #tpu.memory_space<vmem>>
    %dma_wait3A_2626 = tpu.memref_squeeze %dma_wait3A_2625 : memref<1x128xf32, #tpu.memory_space<vmem>> -> memref<128xf32, #tpu.memory_space<vmem>>
    %dma_wait3A_2627 = arith.constant 0 : i32
    %dma_wait3A_2628 = tpu.memref_slice %arg7[%dma_wait3A_2622, %dma_wait3A_2627] : memref<26x128xi32, #tpu.memory_space<vmem>> -> memref<1x128xi32, #tpu.memory_space<vmem>>
    %dma_wait3A_2629 = tpu.memref_squeeze %dma_wait3A_2628 : memref<1x128xi32, #tpu.memory_space<vmem>> -> memref<128xi32, #tpu.memory_space<vmem>>
    %dma_wait3A_2630 = arith.constant 0 : i32
    %dma_wait3A_2631 = tpu.memref_slice %arg3[%dma_wait3A_2630] : memref<2600000xf32, #tpu.memory_space<hbm>> -> memref<2600000xf32, #tpu.memory_space<hbm>>
    tpu.wait_indirect_dma semaphore(%arg11 : memref<!tpu.dma_semaphore, #tpu.memory_space<semaphore_mem>>) src(%dma_wait3A_2631 : memref<2600000xf32, #tpu.memory_space<hbm>>) dst(%dma_wait3A_2626 : memref<128xf32, #tpu.memory_space<vmem>>)
    %dma_wait3A_2632 = arith.constant 8 : i32
    %dma_wait3A_2633 = arith.constant 8 : i32
    %dma_wait3A_2634 = arith.constant 0 : i32
    %dma_wait3A_2635 = tpu.memref_slice %arg8[%dma_wait3A_2633, %dma_wait3A_2634] : memref<26x128xf32, #tpu.memory_space<vmem>> -> memref<1x128xf32, #tpu.memory_space<vmem>>
    %dma_wait3A_2636 = tpu.memref_squeeze %dma_wait3A_2635 : memref<1x128xf32, #tpu.memory_space<vmem>> -> memref<128xf32, #tpu.memory_space<vmem>>
    %dma_wait3A_2637 = arith.constant 0 : i32
    %dma_wait3A_2638 = tpu.memref_slice %arg7[%dma_wait3A_2632, %dma_wait3A_2637] : memref<26x128xi32, #tpu.memory_space<vmem>> -> memref<1x128xi32, #tpu.memory_space<vmem>>
    %dma_wait3A_2639 = tpu.memref_squeeze %dma_wait3A_2638 : memref<1x128xi32, #tpu.memory_space<vmem>> -> memref<128xi32, #tpu.memory_space<vmem>>
    %dma_wait3A_2640 = arith.constant 0 : i32
    %dma_wait3A_2641 = tpu.memref_slice %arg3[%dma_wait3A_2640] : memref<2600000xf32, #tpu.memory_space<hbm>> -> memref<2600000xf32, #tpu.memory_space<hbm>>
    tpu.wait_indirect_dma semaphore(%arg11 : memref<!tpu.dma_semaphore, #tpu.memory_space<semaphore_mem>>) src(%dma_wait3A_2641 : memref<2600000xf32, #tpu.memory_space<hbm>>) dst(%dma_wait3A_2636 : memref<128xf32, #tpu.memory_space<vmem>>)
    %dma_wait3A_2642 = arith.constant 9 : i32
    %dma_wait3A_2643 = arith.constant 9 : i32
    %dma_wait3A_2644 = arith.constant 0 : i32
    %dma_wait3A_2645 = tpu.memref_slice %arg8[%dma_wait3A_2643, %dma_wait3A_2644] : memref<26x128xf32, #tpu.memory_space<vmem>> -> memref<1x128xf32, #tpu.memory_space<vmem>>
    %dma_wait3A_2646 = tpu.memref_squeeze %dma_wait3A_2645 : memref<1x128xf32, #tpu.memory_space<vmem>> -> memref<128xf32, #tpu.memory_space<vmem>>
    %dma_wait3A_2647 = arith.constant 0 : i32
    %dma_wait3A_2648 = tpu.memref_slice %arg7[%dma_wait3A_2642, %dma_wait3A_2647] : memref<26x128xi32, #tpu.memory_space<vmem>> -> memref<1x128xi32, #tpu.memory_space<vmem>>
    %dma_wait3A_2649 = tpu.memref_squeeze %dma_wait3A_2648 : memref<1x128xi32, #tpu.memory_space<vmem>> -> memref<128xi32, #tpu.memory_space<vmem>>
    %dma_wait3A_2650 = arith.constant 0 : i32
    %dma_wait3A_2651 = tpu.memref_slice %arg3[%dma_wait3A_2650] : memref<2600000xf32, #tpu.memory_space<hbm>> -> memref<2600000xf32, #tpu.memory_space<hbm>>
    tpu.wait_indirect_dma semaphore(%arg11 : memref<!tpu.dma_semaphore, #tpu.memory_space<semaphore_mem>>) src(%dma_wait3A_2651 : memref<2600000xf32, #tpu.memory_space<hbm>>) dst(%dma_wait3A_2646 : memref<128xf32, #tpu.memory_space<vmem>>)
    %dma_wait3A_2652 = arith.constant 10 : i32
    %dma_wait3A_2653 = arith.constant 10 : i32
    %dma_wait3A_2654 = arith.constant 0 : i32
    %dma_wait3A_2655 = tpu.memref_slice %arg8[%dma_wait3A_2653, %dma_wait3A_2654] : memref<26x128xf32, #tpu.memory_space<vmem>> -> memref<1x128xf32, #tpu.memory_space<vmem>>
    %dma_wait3A_2656 = tpu.memref_squeeze %dma_wait3A_2655 : memref<1x128xf32, #tpu.memory_space<vmem>> -> memref<128xf32, #tpu.memory_space<vmem>>
    %dma_wait3A_2657 = arith.constant 0 : i32
    %dma_wait3A_2658 = tpu.memref_slice %arg7[%dma_wait3A_2652, %dma_wait3A_2657] : memref<26x128xi32, #tpu.memory_space<vmem>> -> memref<1x128xi32, #tpu.memory_space<vmem>>
    %dma_wait3A_2659 = tpu.memref_squeeze %dma_wait3A_2658 : memref<1x128xi32, #tpu.memory_space<vmem>> -> memref<128xi32, #tpu.memory_space<vmem>>
    %dma_wait3A_2660 = arith.constant 0 : i32
    %dma_wait3A_2661 = tpu.memref_slice %arg3[%dma_wait3A_2660] : memref<2600000xf32, #tpu.memory_space<hbm>> -> memref<2600000xf32, #tpu.memory_space<hbm>>
    tpu.wait_indirect_dma semaphore(%arg11 : memref<!tpu.dma_semaphore, #tpu.memory_space<semaphore_mem>>) src(%dma_wait3A_2661 : memref<2600000xf32, #tpu.memory_space<hbm>>) dst(%dma_wait3A_2656 : memref<128xf32, #tpu.memory_space<vmem>>)
    %dma_wait3A_2662 = arith.constant 11 : i32
    %dma_wait3A_2663 = arith.constant 11 : i32
    %dma_wait3A_2664 = arith.constant 0 : i32
    %dma_wait3A_2665 = tpu.memref_slice %arg8[%dma_wait3A_2663, %dma_wait3A_2664] : memref<26x128xf32, #tpu.memory_space<vmem>> -> memref<1x128xf32, #tpu.memory_space<vmem>>
    %dma_wait3A_2666 = tpu.memref_squeeze %dma_wait3A_2665 : memref<1x128xf32, #tpu.memory_space<vmem>> -> memref<128xf32, #tpu.memory_space<vmem>>
    %dma_wait3A_2667 = arith.constant 0 : i32
    %dma_wait3A_2668 = tpu.memref_slice %arg7[%dma_wait3A_2662, %dma_wait3A_2667] : memref<26x128xi32, #tpu.memory_space<vmem>> -> memref<1x128xi32, #tpu.memory_space<vmem>>
    %dma_wait3A_2669 = tpu.memref_squeeze %dma_wait3A_2668 : memref<1x128xi32, #tpu.memory_space<vmem>> -> memref<128xi32, #tpu.memory_space<vmem>>
    %dma_wait3A_2670 = arith.constant 0 : i32
    %dma_wait3A_2671 = tpu.memref_slice %arg3[%dma_wait3A_2670] : memref<2600000xf32, #tpu.memory_space<hbm>> -> memref<2600000xf32, #tpu.memory_space<hbm>>
    tpu.wait_indirect_dma semaphore(%arg11 : memref<!tpu.dma_semaphore, #tpu.memory_space<semaphore_mem>>) src(%dma_wait3A_2671 : memref<2600000xf32, #tpu.memory_space<hbm>>) dst(%dma_wait3A_2666 : memref<128xf32, #tpu.memory_space<vmem>>)
    %dma_wait3A_2672 = arith.constant 12 : i32
    %dma_wait3A_2673 = arith.constant 12 : i32
    %dma_wait3A_2674 = arith.constant 0 : i32
    %dma_wait3A_2675 = tpu.memref_slice %arg8[%dma_wait3A_2673, %dma_wait3A_2674] : memref<26x128xf32, #tpu.memory_space<vmem>> -> memref<1x128xf32, #tpu.memory_space<vmem>>
    %dma_wait3A_2676 = tpu.memref_squeeze %dma_wait3A_2675 : memref<1x128xf32, #tpu.memory_space<vmem>> -> memref<128xf32, #tpu.memory_space<vmem>>
    %dma_wait3A_2677 = arith.constant 0 : i32
    %dma_wait3A_2678 = tpu.memref_slice %arg7[%dma_wait3A_2672, %dma_wait3A_2677] : memref<26x128xi32, #tpu.memory_space<vmem>> -> memref<1x128xi32, #tpu.memory_space<vmem>>
    %dma_wait3A_2679 = tpu.memref_squeeze %dma_wait3A_2678 : memref<1x128xi32, #tpu.memory_space<vmem>> -> memref<128xi32, #tpu.memory_space<vmem>>
    %dma_wait3A_2680 = arith.constant 0 : i32
    %dma_wait3A_2681 = tpu.memref_slice %arg3[%dma_wait3A_2680] : memref<2600000xf32, #tpu.memory_space<hbm>> -> memref<2600000xf32, #tpu.memory_space<hbm>>
    tpu.wait_indirect_dma semaphore(%arg11 : memref<!tpu.dma_semaphore, #tpu.memory_space<semaphore_mem>>) src(%dma_wait3A_2681 : memref<2600000xf32, #tpu.memory_space<hbm>>) dst(%dma_wait3A_2676 : memref<128xf32, #tpu.memory_space<vmem>>)
    %dma_wait3A_2682 = arith.constant 13 : i32
    %dma_wait3A_2683 = arith.constant 13 : i32
    %dma_wait3A_2684 = arith.constant 0 : i32
    %dma_wait3A_2685 = tpu.memref_slice %arg8[%dma_wait3A_2683, %dma_wait3A_2684] : memref<26x128xf32, #tpu.memory_space<vmem>> -> memref<1x128xf32, #tpu.memory_space<vmem>>
    %dma_wait3A_2686 = tpu.memref_squeeze %dma_wait3A_2685 : memref<1x128xf32, #tpu.memory_space<vmem>> -> memref<128xf32, #tpu.memory_space<vmem>>
    %dma_wait3A_2687 = arith.constant 0 : i32
    %dma_wait3A_2688 = tpu.memref_slice %arg7[%dma_wait3A_2682, %dma_wait3A_2687] : memref<26x128xi32, #tpu.memory_space<vmem>> -> memref<1x128xi32, #tpu.memory_space<vmem>>
    %dma_wait3A_2689 = tpu.memref_squeeze %dma_wait3A_2688 : memref<1x128xi32, #tpu.memory_space<vmem>> -> memref<128xi32, #tpu.memory_space<vmem>>
    %dma_wait3A_2690 = arith.constant 0 : i32
    %dma_wait3A_2691 = tpu.memref_slice %arg3[%dma_wait3A_2690] : memref<2600000xf32, #tpu.memory_space<hbm>> -> memref<2600000xf32, #tpu.memory_space<hbm>>
    tpu.wait_indirect_dma semaphore(%arg11 : memref<!tpu.dma_semaphore, #tpu.memory_space<semaphore_mem>>) src(%dma_wait3A_2691 : memref<2600000xf32, #tpu.memory_space<hbm>>) dst(%dma_wait3A_2686 : memref<128xf32, #tpu.memory_space<vmem>>)
    %dma_wait3A_2692 = arith.constant 14 : i32
    %dma_wait3A_2693 = arith.constant 14 : i32
    %dma_wait3A_2694 = arith.constant 0 : i32
    %dma_wait3A_2695 = tpu.memref_slice %arg8[%dma_wait3A_2693, %dma_wait3A_2694] : memref<26x128xf32, #tpu.memory_space<vmem>> -> memref<1x128xf32, #tpu.memory_space<vmem>>
    %dma_wait3A_2696 = tpu.memref_squeeze %dma_wait3A_2695 : memref<1x128xf32, #tpu.memory_space<vmem>> -> memref<128xf32, #tpu.memory_space<vmem>>
    %dma_wait3A_2697 = arith.constant 0 : i32
    %dma_wait3A_2698 = tpu.memref_slice %arg7[%dma_wait3A_2692, %dma_wait3A_2697] : memref<26x128xi32, #tpu.memory_space<vmem>> -> memref<1x128xi32, #tpu.memory_space<vmem>>
    %dma_wait3A_2699 = tpu.memref_squeeze %dma_wait3A_2698 : memref<1x128xi32, #tpu.memory_space<vmem>> -> memref<128xi32, #tpu.memory_space<vmem>>
    %dma_wait3A_2700 = arith.constant 0 : i32
    %dma_wait3A_2701 = tpu.memref_slice %arg3[%dma_wait3A_2700] : memref<2600000xf32, #tpu.memory_space<hbm>> -> memref<2600000xf32, #tpu.memory_space<hbm>>
    tpu.wait_indirect_dma semaphore(%arg11 : memref<!tpu.dma_semaphore, #tpu.memory_space<semaphore_mem>>) src(%dma_wait3A_2701 : memref<2600000xf32, #tpu.memory_space<hbm>>) dst(%dma_wait3A_2696 : memref<128xf32, #tpu.memory_space<vmem>>)
    %dma_wait3A_2702 = arith.constant 15 : i32
    %dma_wait3A_2703 = arith.constant 15 : i32
    %dma_wait3A_2704 = arith.constant 0 : i32
    %dma_wait3A_2705 = tpu.memref_slice %arg8[%dma_wait3A_2703, %dma_wait3A_2704] : memref<26x128xf32, #tpu.memory_space<vmem>> -> memref<1x128xf32, #tpu.memory_space<vmem>>
    %dma_wait3A_2706 = tpu.memref_squeeze %dma_wait3A_2705 : memref<1x128xf32, #tpu.memory_space<vmem>> -> memref<128xf32, #tpu.memory_space<vmem>>
    %dma_wait3A_2707 = arith.constant 0 : i32
    %dma_wait3A_2708 = tpu.memref_slice %arg7[%dma_wait3A_2702, %dma_wait3A_2707] : memref<26x128xi32, #tpu.memory_space<vmem>> -> memref<1x128xi32, #tpu.memory_space<vmem>>
    %dma_wait3A_2709 = tpu.memref_squeeze %dma_wait3A_2708 : memref<1x128xi32, #tpu.memory_space<vmem>> -> memref<128xi32, #tpu.memory_space<vmem>>
    %dma_wait3A_2710 = arith.constant 0 : i32
    %dma_wait3A_2711 = tpu.memref_slice %arg3[%dma_wait3A_2710] : memref<2600000xf32, #tpu.memory_space<hbm>> -> memref<2600000xf32, #tpu.memory_space<hbm>>
    tpu.wait_indirect_dma semaphore(%arg11 : memref<!tpu.dma_semaphore, #tpu.memory_space<semaphore_mem>>) src(%dma_wait3A_2711 : memref<2600000xf32, #tpu.memory_space<hbm>>) dst(%dma_wait3A_2706 : memref<128xf32, #tpu.memory_space<vmem>>)
    %dma_wait3A_2712 = arith.constant 16 : i32
    %dma_wait3A_2713 = arith.constant 16 : i32
    %dma_wait3A_2714 = arith.constant 0 : i32
    %dma_wait3A_2715 = tpu.memref_slice %arg8[%dma_wait3A_2713, %dma_wait3A_2714] : memref<26x128xf32, #tpu.memory_space<vmem>> -> memref<1x128xf32, #tpu.memory_space<vmem>>
    %dma_wait3A_2716 = tpu.memref_squeeze %dma_wait3A_2715 : memref<1x128xf32, #tpu.memory_space<vmem>> -> memref<128xf32, #tpu.memory_space<vmem>>
    %dma_wait3A_2717 = arith.constant 0 : i32
    %dma_wait3A_2718 = tpu.memref_slice %arg7[%dma_wait3A_2712, %dma_wait3A_2717] : memref<26x128xi32, #tpu.memory_space<vmem>> -> memref<1x128xi32, #tpu.memory_space<vmem>>
    %dma_wait3A_2719 = tpu.memref_squeeze %dma_wait3A_2718 : memref<1x128xi32, #tpu.memory_space<vmem>> -> memref<128xi32, #tpu.memory_space<vmem>>
    %dma_wait3A_2720 = arith.constant 0 : i32
    %dma_wait3A_2721 = tpu.memref_slice %arg3[%dma_wait3A_2720] : memref<2600000xf32, #tpu.memory_space<hbm>> -> memref<2600000xf32, #tpu.memory_space<hbm>>
    tpu.wait_indirect_dma semaphore(%arg11 : memref<!tpu.dma_semaphore, #tpu.memory_space<semaphore_mem>>) src(%dma_wait3A_2721 : memref<2600000xf32, #tpu.memory_space<hbm>>) dst(%dma_wait3A_2716 : memref<128xf32, #tpu.memory_space<vmem>>)
    %dma_wait3A_2722 = arith.constant 17 : i32
    %dma_wait3A_2723 = arith.constant 17 : i32
    %dma_wait3A_2724 = arith.constant 0 : i32
    %dma_wait3A_2725 = tpu.memref_slice %arg8[%dma_wait3A_2723, %dma_wait3A_2724] : memref<26x128xf32, #tpu.memory_space<vmem>> -> memref<1x128xf32, #tpu.memory_space<vmem>>
    %dma_wait3A_2726 = tpu.memref_squeeze %dma_wait3A_2725 : memref<1x128xf32, #tpu.memory_space<vmem>> -> memref<128xf32, #tpu.memory_space<vmem>>
    %dma_wait3A_2727 = arith.constant 0 : i32
    %dma_wait3A_2728 = tpu.memref_slice %arg7[%dma_wait3A_2722, %dma_wait3A_2727] : memref<26x128xi32, #tpu.memory_space<vmem>> -> memref<1x128xi32, #tpu.memory_space<vmem>>
    %dma_wait3A_2729 = tpu.memref_squeeze %dma_wait3A_2728 : memref<1x128xi32, #tpu.memory_space<vmem>> -> memref<128xi32, #tpu.memory_space<vmem>>
    %dma_wait3A_2730 = arith.constant 0 : i32
    %dma_wait3A_2731 = tpu.memref_slice %arg3[%dma_wait3A_2730] : memref<2600000xf32, #tpu.memory_space<hbm>> -> memref<2600000xf32, #tpu.memory_space<hbm>>
    tpu.wait_indirect_dma semaphore(%arg11 : memref<!tpu.dma_semaphore, #tpu.memory_space<semaphore_mem>>) src(%dma_wait3A_2731 : memref<2600000xf32, #tpu.memory_space<hbm>>) dst(%dma_wait3A_2726 : memref<128xf32, #tpu.memory_space<vmem>>)
    %dma_wait3A_2732 = arith.constant 18 : i32
    %dma_wait3A_2733 = arith.constant 18 : i32
    %dma_wait3A_2734 = arith.constant 0 : i32
    %dma_wait3A_2735 = tpu.memref_slice %arg8[%dma_wait3A_2733, %dma_wait3A_2734] : memref<26x128xf32, #tpu.memory_space<vmem>> -> memref<1x128xf32, #tpu.memory_space<vmem>>
    %dma_wait3A_2736 = tpu.memref_squeeze %dma_wait3A_2735 : memref<1x128xf32, #tpu.memory_space<vmem>> -> memref<128xf32, #tpu.memory_space<vmem>>
    %dma_wait3A_2737 = arith.constant 0 : i32
    %dma_wait3A_2738 = tpu.memref_slice %arg7[%dma_wait3A_2732, %dma_wait3A_2737] : memref<26x128xi32, #tpu.memory_space<vmem>> -> memref<1x128xi32, #tpu.memory_space<vmem>>
    %dma_wait3A_2739 = tpu.memref_squeeze %dma_wait3A_2738 : memref<1x128xi32, #tpu.memory_space<vmem>> -> memref<128xi32, #tpu.memory_space<vmem>>
    %dma_wait3A_2740 = arith.constant 0 : i32
    %dma_wait3A_2741 = tpu.memref_slice %arg3[%dma_wait3A_2740] : memref<2600000xf32, #tpu.memory_space<hbm>> -> memref<2600000xf32, #tpu.memory_space<hbm>>
    tpu.wait_indirect_dma semaphore(%arg11 : memref<!tpu.dma_semaphore, #tpu.memory_space<semaphore_mem>>) src(%dma_wait3A_2741 : memref<2600000xf32, #tpu.memory_space<hbm>>) dst(%dma_wait3A_2736 : memref<128xf32, #tpu.memory_space<vmem>>)
    %dma_wait3A_2742 = arith.constant 19 : i32
    %dma_wait3A_2743 = arith.constant 19 : i32
    %dma_wait3A_2744 = arith.constant 0 : i32
    %dma_wait3A_2745 = tpu.memref_slice %arg8[%dma_wait3A_2743, %dma_wait3A_2744] : memref<26x128xf32, #tpu.memory_space<vmem>> -> memref<1x128xf32, #tpu.memory_space<vmem>>
    %dma_wait3A_2746 = tpu.memref_squeeze %dma_wait3A_2745 : memref<1x128xf32, #tpu.memory_space<vmem>> -> memref<128xf32, #tpu.memory_space<vmem>>
    %dma_wait3A_2747 = arith.constant 0 : i32
    %dma_wait3A_2748 = tpu.memref_slice %arg7[%dma_wait3A_2742, %dma_wait3A_2747] : memref<26x128xi32, #tpu.memory_space<vmem>> -> memref<1x128xi32, #tpu.memory_space<vmem>>
    %dma_wait3A_2749 = tpu.memref_squeeze %dma_wait3A_2748 : memref<1x128xi32, #tpu.memory_space<vmem>> -> memref<128xi32, #tpu.memory_space<vmem>>
    %dma_wait3A_2750 = arith.constant 0 : i32
    %dma_wait3A_2751 = tpu.memref_slice %arg3[%dma_wait3A_2750] : memref<2600000xf32, #tpu.memory_space<hbm>> -> memref<2600000xf32, #tpu.memory_space<hbm>>
    tpu.wait_indirect_dma semaphore(%arg11 : memref<!tpu.dma_semaphore, #tpu.memory_space<semaphore_mem>>) src(%dma_wait3A_2751 : memref<2600000xf32, #tpu.memory_space<hbm>>) dst(%dma_wait3A_2746 : memref<128xf32, #tpu.memory_space<vmem>>)
    %dma_wait3A_2752 = arith.constant 20 : i32
    %dma_wait3A_2753 = arith.constant 20 : i32
    %dma_wait3A_2754 = arith.constant 0 : i32
    %dma_wait3A_2755 = tpu.memref_slice %arg8[%dma_wait3A_2753, %dma_wait3A_2754] : memref<26x128xf32, #tpu.memory_space<vmem>> -> memref<1x128xf32, #tpu.memory_space<vmem>>
    %dma_wait3A_2756 = tpu.memref_squeeze %dma_wait3A_2755 : memref<1x128xf32, #tpu.memory_space<vmem>> -> memref<128xf32, #tpu.memory_space<vmem>>
    %dma_wait3A_2757 = arith.constant 0 : i32
    %dma_wait3A_2758 = tpu.memref_slice %arg7[%dma_wait3A_2752, %dma_wait3A_2757] : memref<26x128xi32, #tpu.memory_space<vmem>> -> memref<1x128xi32, #tpu.memory_space<vmem>>
    %dma_wait3A_2759 = tpu.memref_squeeze %dma_wait3A_2758 : memref<1x128xi32, #tpu.memory_space<vmem>> -> memref<128xi32, #tpu.memory_space<vmem>>
    %dma_wait3A_2760 = arith.constant 0 : i32
    %dma_wait3A_2761 = tpu.memref_slice %arg3[%dma_wait3A_2760] : memref<2600000xf32, #tpu.memory_space<hbm>> -> memref<2600000xf32, #tpu.memory_space<hbm>>
    tpu.wait_indirect_dma semaphore(%arg11 : memref<!tpu.dma_semaphore, #tpu.memory_space<semaphore_mem>>) src(%dma_wait3A_2761 : memref<2600000xf32, #tpu.memory_space<hbm>>) dst(%dma_wait3A_2756 : memref<128xf32, #tpu.memory_space<vmem>>)
    %dma_wait3A_2762 = arith.constant 21 : i32
    %dma_wait3A_2763 = arith.constant 21 : i32
    %dma_wait3A_2764 = arith.constant 0 : i32
    %dma_wait3A_2765 = tpu.memref_slice %arg8[%dma_wait3A_2763, %dma_wait3A_2764] : memref<26x128xf32, #tpu.memory_space<vmem>> -> memref<1x128xf32, #tpu.memory_space<vmem>>
    %dma_wait3A_2766 = tpu.memref_squeeze %dma_wait3A_2765 : memref<1x128xf32, #tpu.memory_space<vmem>> -> memref<128xf32, #tpu.memory_space<vmem>>
    %dma_wait3A_2767 = arith.constant 0 : i32
    %dma_wait3A_2768 = tpu.memref_slice %arg7[%dma_wait3A_2762, %dma_wait3A_2767] : memref<26x128xi32, #tpu.memory_space<vmem>> -> memref<1x128xi32, #tpu.memory_space<vmem>>
    %dma_wait3A_2769 = tpu.memref_squeeze %dma_wait3A_2768 : memref<1x128xi32, #tpu.memory_space<vmem>> -> memref<128xi32, #tpu.memory_space<vmem>>
    %dma_wait3A_2770 = arith.constant 0 : i32
    %dma_wait3A_2771 = tpu.memref_slice %arg3[%dma_wait3A_2770] : memref<2600000xf32, #tpu.memory_space<hbm>> -> memref<2600000xf32, #tpu.memory_space<hbm>>
    tpu.wait_indirect_dma semaphore(%arg11 : memref<!tpu.dma_semaphore, #tpu.memory_space<semaphore_mem>>) src(%dma_wait3A_2771 : memref<2600000xf32, #tpu.memory_space<hbm>>) dst(%dma_wait3A_2766 : memref<128xf32, #tpu.memory_space<vmem>>)
    %dma_wait3A_2772 = arith.constant 22 : i32
    %dma_wait3A_2773 = arith.constant 22 : i32
    %dma_wait3A_2774 = arith.constant 0 : i32
    %dma_wait3A_2775 = tpu.memref_slice %arg8[%dma_wait3A_2773, %dma_wait3A_2774] : memref<26x128xf32, #tpu.memory_space<vmem>> -> memref<1x128xf32, #tpu.memory_space<vmem>>
    %dma_wait3A_2776 = tpu.memref_squeeze %dma_wait3A_2775 : memref<1x128xf32, #tpu.memory_space<vmem>> -> memref<128xf32, #tpu.memory_space<vmem>>
    %dma_wait3A_2777 = arith.constant 0 : i32
    %dma_wait3A_2778 = tpu.memref_slice %arg7[%dma_wait3A_2772, %dma_wait3A_2777] : memref<26x128xi32, #tpu.memory_space<vmem>> -> memref<1x128xi32, #tpu.memory_space<vmem>>
    %dma_wait3A_2779 = tpu.memref_squeeze %dma_wait3A_2778 : memref<1x128xi32, #tpu.memory_space<vmem>> -> memref<128xi32, #tpu.memory_space<vmem>>
    %dma_wait3A_2780 = arith.constant 0 : i32
    %dma_wait3A_2781 = tpu.memref_slice %arg3[%dma_wait3A_2780] : memref<2600000xf32, #tpu.memory_space<hbm>> -> memref<2600000xf32, #tpu.memory_space<hbm>>
    tpu.wait_indirect_dma semaphore(%arg11 : memref<!tpu.dma_semaphore, #tpu.memory_space<semaphore_mem>>) src(%dma_wait3A_2781 : memref<2600000xf32, #tpu.memory_space<hbm>>) dst(%dma_wait3A_2776 : memref<128xf32, #tpu.memory_space<vmem>>)
    %dma_wait3A_2782 = arith.constant 23 : i32
    %dma_wait3A_2783 = arith.constant 23 : i32
    %dma_wait3A_2784 = arith.constant 0 : i32
    %dma_wait3A_2785 = tpu.memref_slice %arg8[%dma_wait3A_2783, %dma_wait3A_2784] : memref<26x128xf32, #tpu.memory_space<vmem>> -> memref<1x128xf32, #tpu.memory_space<vmem>>
    %dma_wait3A_2786 = tpu.memref_squeeze %dma_wait3A_2785 : memref<1x128xf32, #tpu.memory_space<vmem>> -> memref<128xf32, #tpu.memory_space<vmem>>
    %dma_wait3A_2787 = arith.constant 0 : i32
    %dma_wait3A_2788 = tpu.memref_slice %arg7[%dma_wait3A_2782, %dma_wait3A_2787] : memref<26x128xi32, #tpu.memory_space<vmem>> -> memref<1x128xi32, #tpu.memory_space<vmem>>
    %dma_wait3A_2789 = tpu.memref_squeeze %dma_wait3A_2788 : memref<1x128xi32, #tpu.memory_space<vmem>> -> memref<128xi32, #tpu.memory_space<vmem>>
    %dma_wait3A_2790 = arith.constant 0 : i32
    %dma_wait3A_2791 = tpu.memref_slice %arg3[%dma_wait3A_2790] : memref<2600000xf32, #tpu.memory_space<hbm>> -> memref<2600000xf32, #tpu.memory_space<hbm>>
    tpu.wait_indirect_dma semaphore(%arg11 : memref<!tpu.dma_semaphore, #tpu.memory_space<semaphore_mem>>) src(%dma_wait3A_2791 : memref<2600000xf32, #tpu.memory_space<hbm>>) dst(%dma_wait3A_2786 : memref<128xf32, #tpu.memory_space<vmem>>)
    %dma_wait3A_2792 = arith.constant 24 : i32
    %dma_wait3A_2793 = arith.constant 24 : i32
    %dma_wait3A_2794 = arith.constant 0 : i32
    %dma_wait3A_2795 = tpu.memref_slice %arg8[%dma_wait3A_2793, %dma_wait3A_2794] : memref<26x128xf32, #tpu.memory_space<vmem>> -> memref<1x128xf32, #tpu.memory_space<vmem>>
    %dma_wait3A_2796 = tpu.memref_squeeze %dma_wait3A_2795 : memref<1x128xf32, #tpu.memory_space<vmem>> -> memref<128xf32, #tpu.memory_space<vmem>>
    %dma_wait3A_2797 = arith.constant 0 : i32
    %dma_wait3A_2798 = tpu.memref_slice %arg7[%dma_wait3A_2792, %dma_wait3A_2797] : memref<26x128xi32, #tpu.memory_space<vmem>> -> memref<1x128xi32, #tpu.memory_space<vmem>>
    %dma_wait3A_2799 = tpu.memref_squeeze %dma_wait3A_2798 : memref<1x128xi32, #tpu.memory_space<vmem>> -> memref<128xi32, #tpu.memory_space<vmem>>
    %dma_wait3A_2800 = arith.constant 0 : i32
    %dma_wait3A_2801 = tpu.memref_slice %arg3[%dma_wait3A_2800] : memref<2600000xf32, #tpu.memory_space<hbm>> -> memref<2600000xf32, #tpu.memory_space<hbm>>
    tpu.wait_indirect_dma semaphore(%arg11 : memref<!tpu.dma_semaphore, #tpu.memory_space<semaphore_mem>>) src(%dma_wait3A_2801 : memref<2600000xf32, #tpu.memory_space<hbm>>) dst(%dma_wait3A_2796 : memref<128xf32, #tpu.memory_space<vmem>>)
    %dma_wait3A_2802 = arith.constant 25 : i32
    %dma_wait3A_2803 = arith.constant 25 : i32
    %dma_wait3A_2804 = arith.constant 0 : i32
    %dma_wait3A_2805 = tpu.memref_slice %arg8[%dma_wait3A_2803, %dma_wait3A_2804] : memref<26x128xf32, #tpu.memory_space<vmem>> -> memref<1x128xf32, #tpu.memory_space<vmem>>
    %dma_wait3A_2806 = tpu.memref_squeeze %dma_wait3A_2805 : memref<1x128xf32, #tpu.memory_space<vmem>> -> memref<128xf32, #tpu.memory_space<vmem>>
    %dma_wait3A_2807 = arith.constant 0 : i32
    %dma_wait3A_2808 = tpu.memref_slice %arg7[%dma_wait3A_2802, %dma_wait3A_2807] : memref<26x128xi32, #tpu.memory_space<vmem>> -> memref<1x128xi32, #tpu.memory_space<vmem>>
    %dma_wait3A_2809 = tpu.memref_squeeze %dma_wait3A_2808 : memref<1x128xi32, #tpu.memory_space<vmem>> -> memref<128xi32, #tpu.memory_space<vmem>>
    %dma_wait3A_2810 = arith.constant 0 : i32
    %dma_wait3A_2811 = tpu.memref_slice %arg3[%dma_wait3A_2810] : memref<2600000xf32, #tpu.memory_space<hbm>> -> memref<2600000xf32, #tpu.memory_space<hbm>>
    tpu.wait_indirect_dma semaphore(%arg11 : memref<!tpu.dma_semaphore, #tpu.memory_space<semaphore_mem>>) src(%dma_wait3A_2811 : memref<2600000xf32, #tpu.memory_space<hbm>>) dst(%dma_wait3A_2806 : memref<128xf32, #tpu.memory_space<vmem>>)
    %get3A = arith.constant 0 : index
    %get3A_2812 = tpu.vector_load %arg10[%get3A] {strides = array<i32>} : memref<16xf32, #tpu.memory_space<vmem>>, vector<16xf32>,
    %get3A_2813 = arith.constant 0 : i32
    %get3A_2814 = arith.index_cast %get3A_2813 : i32 to index
    %get3A_2815 = arith.constant 0 : index
    %get3A_2816 = tpu.vector_load %arg8[%get3A_2814, %get3A_2815] {strides = array<i32>} : memref<26x128xf32, #tpu.memory_space<vmem>>, vector<16xf32>,
    %add3A_2817 = arith.addf %get3A_2812, %get3A_2816 : vector<16xf32>
    %get3A_2818 = arith.constant 1 : i32
    %get3A_2819 = arith.index_cast %get3A_2818 : i32 to index
    %get3A_2820 = arith.constant 0 : index
    %get3A_2821 = tpu.vector_load %arg8[%get3A_2819, %get3A_2820] {strides = array<i32>} : memref<26x128xf32, #tpu.memory_space<vmem>>, vector<16xf32>,
    %add3A_2822 = arith.addf %add3A_2817, %get3A_2821 : vector<16xf32>
    %get3A_2823 = arith.constant 2 : i32
    %get3A_2824 = arith.index_cast %get3A_2823 : i32 to index
    %get3A_2825 = arith.constant 0 : index
    %get3A_2826 = tpu.vector_load %arg8[%get3A_2824, %get3A_2825] {strides = array<i32>} : memref<26x128xf32, #tpu.memory_space<vmem>>, vector<16xf32>,
    %add3A_2827 = arith.addf %add3A_2822, %get3A_2826 : vector<16xf32>
    %get3A_2828 = arith.constant 3 : i32
    %get3A_2829 = arith.index_cast %get3A_2828 : i32 to index
    %get3A_2830 = arith.constant 0 : index
    %get3A_2831 = tpu.vector_load %arg8[%get3A_2829, %get3A_2830] {strides = array<i32>} : memref<26x128xf32, #tpu.memory_space<vmem>>, vector<16xf32>,
    %add3A_2832 = arith.addf %add3A_2827, %get3A_2831 : vector<16xf32>
    %get3A_2833 = arith.constant 4 : i32
    %get3A_2834 = arith.index_cast %get3A_2833 : i32 to index
    %get3A_2835 = arith.constant 0 : index
    %get3A_2836 = tpu.vector_load %arg8[%get3A_2834, %get3A_2835] {strides = array<i32>} : memref<26x128xf32, #tpu.memory_space<vmem>>, vector<16xf32>,
    %add3A_2837 = arith.addf %add3A_2832, %get3A_2836 : vector<16xf32>
    %get3A_2838 = arith.constant 5 : i32
    %get3A_2839 = arith.index_cast %get3A_2838 : i32 to index
    %get3A_2840 = arith.constant 0 : index
    %get3A_2841 = tpu.vector_load %arg8[%get3A_2839, %get3A_2840] {strides = array<i32>} : memref<26x128xf32, #tpu.memory_space<vmem>>, vector<16xf32>,
    %add3A_2842 = arith.addf %add3A_2837, %get3A_2841 : vector<16xf32>
    %get3A_2843 = arith.constant 6 : i32
    %get3A_2844 = arith.index_cast %get3A_2843 : i32 to index
    %get3A_2845 = arith.constant 0 : index
    %get3A_2846 = tpu.vector_load %arg8[%get3A_2844, %get3A_2845] {strides = array<i32>} : memref<26x128xf32, #tpu.memory_space<vmem>>, vector<16xf32>,
    %add3A_2847 = arith.addf %add3A_2842, %get3A_2846 : vector<16xf32>
    %get3A_2848 = arith.constant 7 : i32
    %get3A_2849 = arith.index_cast %get3A_2848 : i32 to index
    %get3A_2850 = arith.constant 0 : index
    %get3A_2851 = tpu.vector_load %arg8[%get3A_2849, %get3A_2850] {strides = array<i32>} : memref<26x128xf32, #tpu.memory_space<vmem>>, vector<16xf32>,
    %add3A_2852 = arith.addf %add3A_2847, %get3A_2851 : vector<16xf32>
    %get3A_2853 = arith.constant 8 : i32
    %get3A_2854 = arith.index_cast %get3A_2853 : i32 to index
    %get3A_2855 = arith.constant 0 : index
    %get3A_2856 = tpu.vector_load %arg8[%get3A_2854, %get3A_2855] {strides = array<i32>} : memref<26x128xf32, #tpu.memory_space<vmem>>, vector<16xf32>,
    %add3A_2857 = arith.addf %add3A_2852, %get3A_2856 : vector<16xf32>
    %get3A_2858 = arith.constant 9 : i32
    %get3A_2859 = arith.index_cast %get3A_2858 : i32 to index
    %get3A_2860 = arith.constant 0 : index
    %get3A_2861 = tpu.vector_load %arg8[%get3A_2859, %get3A_2860] {strides = array<i32>} : memref<26x128xf32, #tpu.memory_space<vmem>>, vector<16xf32>,
    %add3A_2862 = arith.addf %add3A_2857, %get3A_2861 : vector<16xf32>
    %get3A_2863 = arith.constant 10 : i32
    %get3A_2864 = arith.index_cast %get3A_2863 : i32 to index
    %get3A_2865 = arith.constant 0 : index
    %get3A_2866 = tpu.vector_load %arg8[%get3A_2864, %get3A_2865] {strides = array<i32>} : memref<26x128xf32, #tpu.memory_space<vmem>>, vector<16xf32>,
    %add3A_2867 = arith.addf %add3A_2862, %get3A_2866 : vector<16xf32>
    %get3A_2868 = arith.constant 11 : i32
    %get3A_2869 = arith.index_cast %get3A_2868 : i32 to index
    %get3A_2870 = arith.constant 0 : index
    %get3A_2871 = tpu.vector_load %arg8[%get3A_2869, %get3A_2870] {strides = array<i32>} : memref<26x128xf32, #tpu.memory_space<vmem>>, vector<16xf32>,
    %add3A_2872 = arith.addf %add3A_2867, %get3A_2871 : vector<16xf32>
    %get3A_2873 = arith.constant 12 : i32
    %get3A_2874 = arith.index_cast %get3A_2873 : i32 to index
    %get3A_2875 = arith.constant 0 : index
    %get3A_2876 = tpu.vector_load %arg8[%get3A_2874, %get3A_2875] {strides = array<i32>} : memref<26x128xf32, #tpu.memory_space<vmem>>, vector<16xf32>,
    %add3A_2877 = arith.addf %add3A_2872, %get3A_2876 : vector<16xf32>
    %get3A_2878 = arith.constant 13 : i32
    %get3A_2879 = arith.index_cast %get3A_2878 : i32 to index
    %get3A_2880 = arith.constant 0 : index
    %get3A_2881 = tpu.vector_load %arg8[%get3A_2879, %get3A_2880] {strides = array<i32>} : memref<26x128xf32, #tpu.memory_space<vmem>>, vector<16xf32>,
    %add3A_2882 = arith.addf %add3A_2877, %get3A_2881 : vector<16xf32>
    %get3A_2883 = arith.constant 14 : i32
    %get3A_2884 = arith.index_cast %get3A_2883 : i32 to index
    %get3A_2885 = arith.constant 0 : index
    %get3A_2886 = tpu.vector_load %arg8[%get3A_2884, %get3A_2885] {strides = array<i32>} : memref<26x128xf32, #tpu.memory_space<vmem>>, vector<16xf32>,
    %add3A_2887 = arith.addf %add3A_2882, %get3A_2886 : vector<16xf32>
    %get3A_2888 = arith.constant 15 : i32
    %get3A_2889 = arith.index_cast %get3A_2888 : i32 to index
    %get3A_2890 = arith.constant 0 : index
    %get3A_2891 = tpu.vector_load %arg8[%get3A_2889, %get3A_2890] {strides = array<i32>} : memref<26x128xf32, #tpu.memory_space<vmem>>, vector<16xf32>,
    %add3A_2892 = arith.addf %add3A_2887, %get3A_2891 : vector<16xf32>
    %get3A_2893 = arith.constant 16 : i32
    %get3A_2894 = arith.index_cast %get3A_2893 : i32 to index
    %get3A_2895 = arith.constant 0 : index
    %get3A_2896 = tpu.vector_load %arg8[%get3A_2894, %get3A_2895] {strides = array<i32>} : memref<26x128xf32, #tpu.memory_space<vmem>>, vector<16xf32>,
    %add3A_2897 = arith.addf %add3A_2892, %get3A_2896 : vector<16xf32>
    %get3A_2898 = arith.constant 17 : i32
    %get3A_2899 = arith.index_cast %get3A_2898 : i32 to index
    %get3A_2900 = arith.constant 0 : index
    %get3A_2901 = tpu.vector_load %arg8[%get3A_2899, %get3A_2900] {strides = array<i32>} : memref<26x128xf32, #tpu.memory_space<vmem>>, vector<16xf32>,
    %add3A_2902 = arith.addf %add3A_2897, %get3A_2901 : vector<16xf32>
    %get3A_2903 = arith.constant 18 : i32
    %get3A_2904 = arith.index_cast %get3A_2903 : i32 to index
    %get3A_2905 = arith.constant 0 : index
    %get3A_2906 = tpu.vector_load %arg8[%get3A_2904, %get3A_2905] {strides = array<i32>} : memref<26x128xf32, #tpu.memory_space<vmem>>, vector<16xf32>,
    %add3A_2907 = arith.addf %add3A_2902, %get3A_2906 : vector<16xf32>
    %get3A_2908 = arith.constant 19 : i32
    %get3A_2909 = arith.index_cast %get3A_2908 : i32 to index
    %get3A_2910 = arith.constant 0 : index
    %get3A_2911 = tpu.vector_load %arg8[%get3A_2909, %get3A_2910] {strides = array<i32>} : memref<26x128xf32, #tpu.memory_space<vmem>>, vector<16xf32>,
    %add3A_2912 = arith.addf %add3A_2907, %get3A_2911 : vector<16xf32>
    %get3A_2913 = arith.constant 20 : i32
    %get3A_2914 = arith.index_cast %get3A_2913 : i32 to index
    %get3A_2915 = arith.constant 0 : index
    %get3A_2916 = tpu.vector_load %arg8[%get3A_2914, %get3A_2915] {strides = array<i32>} : memref<26x128xf32, #tpu.memory_space<vmem>>, vector<16xf32>,
    %add3A_2917 = arith.addf %add3A_2912, %get3A_2916 : vector<16xf32>
    %get3A_2918 = arith.constant 21 : i32
    %get3A_2919 = arith.index_cast %get3A_2918 : i32 to index
    %get3A_2920 = arith.constant 0 : index
    %get3A_2921 = tpu.vector_load %arg8[%get3A_2919, %get3A_2920] {strides = array<i32>} : memref<26x128xf32, #tpu.memory_space<vmem>>, vector<16xf32>,
    %add3A_2922 = arith.addf %add3A_2917, %get3A_2921 : vector<16xf32>
    %get3A_2923 = arith.constant 22 : i32
    %get3A_2924 = arith.index_cast %get3A_2923 : i32 to index
    %get3A_2925 = arith.constant 0 : index
    %get3A_2926 = tpu.vector_load %arg8[%get3A_2924, %get3A_2925] {strides = array<i32>} : memref<26x128xf32, #tpu.memory_space<vmem>>, vector<16xf32>,
    %add3A_2927 = arith.addf %add3A_2922, %get3A_2926 : vector<16xf32>
    %get3A_2928 = arith.constant 23 : i32
    %get3A_2929 = arith.index_cast %get3A_2928 : i32 to index
    %get3A_2930 = arith.constant 0 : index
    %get3A_2931 = tpu.vector_load %arg8[%get3A_2929, %get3A_2930] {strides = array<i32>} : memref<26x128xf32, #tpu.memory_space<vmem>>, vector<16xf32>,
    %add3A_2932 = arith.addf %add3A_2927, %get3A_2931 : vector<16xf32>
    %get3A_2933 = arith.constant 24 : i32
    %get3A_2934 = arith.index_cast %get3A_2933 : i32 to index
    %get3A_2935 = arith.constant 0 : index
    %get3A_2936 = tpu.vector_load %arg8[%get3A_2934, %get3A_2935] {strides = array<i32>} : memref<26x128xf32, #tpu.memory_space<vmem>>, vector<16xf32>,
    %add3A_2937 = arith.addf %add3A_2932, %get3A_2936 : vector<16xf32>
    %get3A_2938 = arith.constant 25 : i32
    %get3A_2939 = arith.index_cast %get3A_2938 : i32 to index
    %get3A_2940 = arith.constant 0 : index
    %get3A_2941 = tpu.vector_load %arg8[%get3A_2939, %get3A_2940] {strides = array<i32>} : memref<26x128xf32, #tpu.memory_space<vmem>>, vector<16xf32>,
    %add3A_2942 = arith.addf %add3A_2937, %get3A_2941 : vector<16xf32>
    %neg3A = arith.constant 0.000000e+00 : f32
    %neg3A_2943 = vector.broadcast %neg3A : f32 to vector<16xf32>
    %neg3A_2944 = arith.subf %neg3A_2943, %add3A_2942 : vector<16xf32>
    %exp3A = math.exp %neg3A_2944 : vector<16xf32>
    %add3A_2945 = arith.constant 1.000000e+00 : f32
    %add3A_2946 = vector.broadcast %add3A_2945 : f32 to vector<16xf32>
    %add3A_2947 = arith.addf %add3A_2946, %exp3A : vector<16xf32>
    %div3A = arith.constant 1.000000e+00 : f32
    %div3A_2948 = vector.broadcast %div3A : f32 to vector<16xf32>
    %div3A_2949 = arith.divf %div3A_2948, %add3A_2947 : vector<16xf32>
    %swap3A_2950 = arith.constant 0 : index
    %swap3A_2951 = tpu.vector_load %arg9[%swap3A_2950] {strides = array<i32>} : memref<128xf32, #tpu.memory_space<vmem>>, vector<16xf32>,
    tpu.vector_store %arg9[%swap3A_2950], %div3A_2949 {strides = array<i32>} : memref<128xf32, #tpu.memory_space<vmem>>, vector<16xf32>,
    %get3A_2952 = arith.constant 0 : i32
    %get3A_2953 = arith.index_cast %get3A_2952 : i32 to index
    %get3A_2954 = arith.constant 16 : index
    %get3A_2955 = tpu.vector_load %arg8[%get3A_2953, %get3A_2954] {strides = array<i32>} : memref<26x128xf32, #tpu.memory_space<vmem>>, vector<16xf32>,
    %add3A_2956 = arith.addf %get3A_2812, %get3A_2955 : vector<16xf32>
    %get3A_2957 = arith.constant 1 : i32
    %get3A_2958 = arith.index_cast %get3A_2957 : i32 to index
    %get3A_2959 = arith.constant 16 : index
    %get3A_2960 = tpu.vector_load %arg8[%get3A_2958, %get3A_2959] {strides = array<i32>} : memref<26x128xf32, #tpu.memory_space<vmem>>, vector<16xf32>,
    %add3A_2961 = arith.addf %add3A_2956, %get3A_2960 : vector<16xf32>
    %get3A_2962 = arith.constant 2 : i32
    %get3A_2963 = arith.index_cast %get3A_2962 : i32 to index
    %get3A_2964 = arith.constant 16 : index
    %get3A_2965 = tpu.vector_load %arg8[%get3A_2963, %get3A_2964] {strides = array<i32>} : memref<26x128xf32, #tpu.memory_space<vmem>>, vector<16xf32>,
    %add3A_2966 = arith.addf %add3A_2961, %get3A_2965 : vector<16xf32>
    %get3A_2967 = arith.constant 3 : i32
    %get3A_2968 = arith.index_cast %get3A_2967 : i32 to index
    %get3A_2969 = arith.constant 16 : index
    %get3A_2970 = tpu.vector_load %arg8[%get3A_2968, %get3A_2969] {strides = array<i32>} : memref<26x128xf32, #tpu.memory_space<vmem>>, vector<16xf32>,
    %add3A_2971 = arith.addf %add3A_2966, %get3A_2970 : vector<16xf32>
    %get3A_2972 = arith.constant 4 : i32
    %get3A_2973 = arith.index_cast %get3A_2972 : i32 to index
    %get3A_2974 = arith.constant 16 : index
    %get3A_2975 = tpu.vector_load %arg8[%get3A_2973, %get3A_2974] {strides = array<i32>} : memref<26x128xf32, #tpu.memory_space<vmem>>, vector<16xf32>,
    %add3A_2976 = arith.addf %add3A_2971, %get3A_2975 : vector<16xf32>
    %get3A_2977 = arith.constant 5 : i32
    %get3A_2978 = arith.index_cast %get3A_2977 : i32 to index
    %get3A_2979 = arith.constant 16 : index
    %get3A_2980 = tpu.vector_load %arg8[%get3A_2978, %get3A_2979] {strides = array<i32>} : memref<26x128xf32, #tpu.memory_space<vmem>>, vector<16xf32>,
    %add3A_2981 = arith.addf %add3A_2976, %get3A_2980 : vector<16xf32>
    %get3A_2982 = arith.constant 6 : i32
    %get3A_2983 = arith.index_cast %get3A_2982 : i32 to index
    %get3A_2984 = arith.constant 16 : index
    %get3A_2985 = tpu.vector_load %arg8[%get3A_2983, %get3A_2984] {strides = array<i32>} : memref<26x128xf32, #tpu.memory_space<vmem>>, vector<16xf32>,
    %add3A_2986 = arith.addf %add3A_2981, %get3A_2985 : vector<16xf32>
    %get3A_2987 = arith.constant 7 : i32
    %get3A_2988 = arith.index_cast %get3A_2987 : i32 to index
    %get3A_2989 = arith.constant 16 : index
    %get3A_2990 = tpu.vector_load %arg8[%get3A_2988, %get3A_2989] {strides = array<i32>} : memref<26x128xf32, #tpu.memory_space<vmem>>, vector<16xf32>,
    %add3A_2991 = arith.addf %add3A_2986, %get3A_2990 : vector<16xf32>
    %get3A_2992 = arith.constant 8 : i32
    %get3A_2993 = arith.index_cast %get3A_2992 : i32 to index
    %get3A_2994 = arith.constant 16 : index
    %get3A_2995 = tpu.vector_load %arg8[%get3A_2993, %get3A_2994] {strides = array<i32>} : memref<26x128xf32, #tpu.memory_space<vmem>>, vector<16xf32>,
    %add3A_2996 = arith.addf %add3A_2991, %get3A_2995 : vector<16xf32>
    %get3A_2997 = arith.constant 9 : i32
    %get3A_2998 = arith.index_cast %get3A_2997 : i32 to index
    %get3A_2999 = arith.constant 16 : index
    %get3A_3000 = tpu.vector_load %arg8[%get3A_2998, %get3A_2999] {strides = array<i32>} : memref<26x128xf32, #tpu.memory_space<vmem>>, vector<16xf32>,
    %add3A_3001 = arith.addf %add3A_2996, %get3A_3000 : vector<16xf32>
    %get3A_3002 = arith.constant 10 : i32
    %get3A_3003 = arith.index_cast %get3A_3002 : i32 to index
    %get3A_3004 = arith.constant 16 : index
    %get3A_3005 = tpu.vector_load %arg8[%get3A_3003, %get3A_3004] {strides = array<i32>} : memref<26x128xf32, #tpu.memory_space<vmem>>, vector<16xf32>,
    %add3A_3006 = arith.addf %add3A_3001, %get3A_3005 : vector<16xf32>
    %get3A_3007 = arith.constant 11 : i32
    %get3A_3008 = arith.index_cast %get3A_3007 : i32 to index
    %get3A_3009 = arith.constant 16 : index
    %get3A_3010 = tpu.vector_load %arg8[%get3A_3008, %get3A_3009] {strides = array<i32>} : memref<26x128xf32, #tpu.memory_space<vmem>>, vector<16xf32>,
    %add3A_3011 = arith.addf %add3A_3006, %get3A_3010 : vector<16xf32>
    %get3A_3012 = arith.constant 12 : i32
    %get3A_3013 = arith.index_cast %get3A_3012 : i32 to index
    %get3A_3014 = arith.constant 16 : index
    %get3A_3015 = tpu.vector_load %arg8[%get3A_3013, %get3A_3014] {strides = array<i32>} : memref<26x128xf32, #tpu.memory_space<vmem>>, vector<16xf32>,
    %add3A_3016 = arith.addf %add3A_3011, %get3A_3015 : vector<16xf32>
    %get3A_3017 = arith.constant 13 : i32
    %get3A_3018 = arith.index_cast %get3A_3017 : i32 to index
    %get3A_3019 = arith.constant 16 : index
    %get3A_3020 = tpu.vector_load %arg8[%get3A_3018, %get3A_3019] {strides = array<i32>} : memref<26x128xf32, #tpu.memory_space<vmem>>, vector<16xf32>,
    %add3A_3021 = arith.addf %add3A_3016, %get3A_3020 : vector<16xf32>
    %get3A_3022 = arith.constant 14 : i32
    %get3A_3023 = arith.index_cast %get3A_3022 : i32 to index
    %get3A_3024 = arith.constant 16 : index
    %get3A_3025 = tpu.vector_load %arg8[%get3A_3023, %get3A_3024] {strides = array<i32>} : memref<26x128xf32, #tpu.memory_space<vmem>>, vector<16xf32>,
    %add3A_3026 = arith.addf %add3A_3021, %get3A_3025 : vector<16xf32>
    %get3A_3027 = arith.constant 15 : i32
    %get3A_3028 = arith.index_cast %get3A_3027 : i32 to index
    %get3A_3029 = arith.constant 16 : index
    %get3A_3030 = tpu.vector_load %arg8[%get3A_3028, %get3A_3029] {strides = array<i32>} : memref<26x128xf32, #tpu.memory_space<vmem>>, vector<16xf32>,
    %add3A_3031 = arith.addf %add3A_3026, %get3A_3030 : vector<16xf32>
    %get3A_3032 = arith.constant 16 : i32
    %get3A_3033 = arith.index_cast %get3A_3032 : i32 to index
    %get3A_3034 = arith.constant 16 : index
    %get3A_3035 = tpu.vector_load %arg8[%get3A_3033, %get3A_3034] {strides = array<i32>} : memref<26x128xf32, #tpu.memory_space<vmem>>, vector<16xf32>,
    %add3A_3036 = arith.addf %add3A_3031, %get3A_3035 : vector<16xf32>
    %get3A_3037 = arith.constant 17 : i32
    %get3A_3038 = arith.index_cast %get3A_3037 : i32 to index
    %get3A_3039 = arith.constant 16 : index
    %get3A_3040 = tpu.vector_load %arg8[%get3A_3038, %get3A_3039] {strides = array<i32>} : memref<26x128xf32, #tpu.memory_space<vmem>>, vector<16xf32>,
    %add3A_3041 = arith.addf %add3A_3036, %get3A_3040 : vector<16xf32>
    %get3A_3042 = arith.constant 18 : i32
    %get3A_3043 = arith.index_cast %get3A_3042 : i32 to index
    %get3A_3044 = arith.constant 16 : index
    %get3A_3045 = tpu.vector_load %arg8[%get3A_3043, %get3A_3044] {strides = array<i32>} : memref<26x128xf32, #tpu.memory_space<vmem>>, vector<16xf32>,
    %add3A_3046 = arith.addf %add3A_3041, %get3A_3045 : vector<16xf32>
    %get3A_3047 = arith.constant 19 : i32
    %get3A_3048 = arith.index_cast %get3A_3047 : i32 to index
    %get3A_3049 = arith.constant 16 : index
    %get3A_3050 = tpu.vector_load %arg8[%get3A_3048, %get3A_3049] {strides = array<i32>} : memref<26x128xf32, #tpu.memory_space<vmem>>, vector<16xf32>,
    %add3A_3051 = arith.addf %add3A_3046, %get3A_3050 : vector<16xf32>
    %get3A_3052 = arith.constant 20 : i32
    %get3A_3053 = arith.index_cast %get3A_3052 : i32 to index
    %get3A_3054 = arith.constant 16 : index
    %get3A_3055 = tpu.vector_load %arg8[%get3A_3053, %get3A_3054] {strides = array<i32>} : memref<26x128xf32, #tpu.memory_space<vmem>>, vector<16xf32>,
    %add3A_3056 = arith.addf %add3A_3051, %get3A_3055 : vector<16xf32>
    %get3A_3057 = arith.constant 21 : i32
    %get3A_3058 = arith.index_cast %get3A_3057 : i32 to index
    %get3A_3059 = arith.constant 16 : index
    %get3A_3060 = tpu.vector_load %arg8[%get3A_3058, %get3A_3059] {strides = array<i32>} : memref<26x128xf32, #tpu.memory_space<vmem>>, vector<16xf32>,
    %add3A_3061 = arith.addf %add3A_3056, %get3A_3060 : vector<16xf32>
    %get3A_3062 = arith.constant 22 : i32
    %get3A_3063 = arith.index_cast %get3A_3062 : i32 to index
    %get3A_3064 = arith.constant 16 : index
    %get3A_3065 = tpu.vector_load %arg8[%get3A_3063, %get3A_3064] {strides = array<i32>} : memref<26x128xf32, #tpu.memory_space<vmem>>, vector<16xf32>,
    %add3A_3066 = arith.addf %add3A_3061, %get3A_3065 : vector<16xf32>
    %get3A_3067 = arith.constant 23 : i32
    %get3A_3068 = arith.index_cast %get3A_3067 : i32 to index
    %get3A_3069 = arith.constant 16 : index
    %get3A_3070 = tpu.vector_load %arg8[%get3A_3068, %get3A_3069] {strides = array<i32>} : memref<26x128xf32, #tpu.memory_space<vmem>>, vector<16xf32>,
    %add3A_3071 = arith.addf %add3A_3066, %get3A_3070 : vector<16xf32>
    %get3A_3072 = arith.constant 24 : i32
    %get3A_3073 = arith.index_cast %get3A_3072 : i32 to index
    %get3A_3074 = arith.constant 16 : index
    %get3A_3075 = tpu.vector_load %arg8[%get3A_3073, %get3A_3074] {strides = array<i32>} : memref<26x128xf32, #tpu.memory_space<vmem>>, vector<16xf32>,
    %add3A_3076 = arith.addf %add3A_3071, %get3A_3075 : vector<16xf32>
    %get3A_3077 = arith.constant 25 : i32
    %get3A_3078 = arith.index_cast %get3A_3077 : i32 to index
    %get3A_3079 = arith.constant 16 : index
    %get3A_3080 = tpu.vector_load %arg8[%get3A_3078, %get3A_3079] {strides = array<i32>} : memref<26x128xf32, #tpu.memory_space<vmem>>, vector<16xf32>,
    %add3A_3081 = arith.addf %add3A_3076, %get3A_3080 : vector<16xf32>
    %neg3A_3082 = arith.constant 0.000000e+00 : f32
    %neg3A_3083 = vector.broadcast %neg3A_3082 : f32 to vector<16xf32>
    %neg3A_3084 = arith.subf %neg3A_3083, %add3A_3081 : vector<16xf32>
    %exp3A_3085 = math.exp %neg3A_3084 : vector<16xf32>
    %add3A_3086 = arith.constant 1.000000e+00 : f32
    %add3A_3087 = vector.broadcast %add3A_3086 : f32 to vector<16xf32>
    %add3A_3088 = arith.addf %add3A_3087, %exp3A_3085 : vector<16xf32>
    %div3A_3089 = arith.constant 1.000000e+00 : f32
    %div3A_3090 = vector.broadcast %div3A_3089 : f32 to vector<16xf32>
    %div3A_3091 = arith.divf %div3A_3090, %add3A_3088 : vector<16xf32>
    %swap3A_3092 = arith.constant 16 : index
    %swap3A_3093 = tpu.vector_load %arg9[%swap3A_3092] {strides = array<i32>} : memref<128xf32, #tpu.memory_space<vmem>>, vector<16xf32>,
    tpu.vector_store %arg9[%swap3A_3092], %div3A_3091 {strides = array<i32>} : memref<128xf32, #tpu.memory_space<vmem>>, vector<16xf32>,
    %get3A_3094 = arith.constant 0 : i32
    %get3A_3095 = arith.index_cast %get3A_3094 : i32 to index
    %get3A_3096 = arith.constant 32 : index
    %get3A_3097 = tpu.vector_load %arg8[%get3A_3095, %get3A_3096] {strides = array<i32>} : memref<26x128xf32, #tpu.memory_space<vmem>>, vector<16xf32>,
    %add3A_3098 = arith.addf %get3A_2812, %get3A_3097 : vector<16xf32>
    %get3A_3099 = arith.constant 1 : i32
    %get3A_3100 = arith.index_cast %get3A_3099 : i32 to index
    %get3A_3101 = arith.constant 32 : index
    %get3A_3102 = tpu.vector_load %arg8[%get3A_3100, %get3A_3101] {strides = array<i32>} : memref<26x128xf32, #tpu.memory_space<vmem>>, vector<16xf32>,
    %add3A_3103 = arith.addf %add3A_3098, %get3A_3102 : vector<16xf32>
    %get3A_3104 = arith.constant 2 : i32
    %get3A_3105 = arith.index_cast %get3A_3104 : i32 to index
    %get3A_3106 = arith.constant 32 : index
    %get3A_3107 = tpu.vector_load %arg8[%get3A_3105, %get3A_3106] {strides = array<i32>} : memref<26x128xf32, #tpu.memory_space<vmem>>, vector<16xf32>,
    %add3A_3108 = arith.addf %add3A_3103, %get3A_3107 : vector<16xf32>
    %get3A_3109 = arith.constant 3 : i32
    %get3A_3110 = arith.index_cast %get3A_3109 : i32 to index
    %get3A_3111 = arith.constant 32 : index
    %get3A_3112 = tpu.vector_load %arg8[%get3A_3110, %get3A_3111] {strides = array<i32>} : memref<26x128xf32, #tpu.memory_space<vmem>>, vector<16xf32>,
    %add3A_3113 = arith.addf %add3A_3108, %get3A_3112 : vector<16xf32>
    %get3A_3114 = arith.constant 4 : i32
    %get3A_3115 = arith.index_cast %get3A_3114 : i32 to index
    %get3A_3116 = arith.constant 32 : index
    %get3A_3117 = tpu.vector_load %arg8[%get3A_3115, %get3A_3116] {strides = array<i32>} : memref<26x128xf32, #tpu.memory_space<vmem>>, vector<16xf32>,
    %add3A_3118 = arith.addf %add3A_3113, %get3A_3117 : vector<16xf32>
    %get3A_3119 = arith.constant 5 : i32
    %get3A_3120 = arith.index_cast %get3A_3119 : i32 to index
    %get3A_3121 = arith.constant 32 : index
    %get3A_3122 = tpu.vector_load %arg8[%get3A_3120, %get3A_3121] {strides = array<i32>} : memref<26x128xf32, #tpu.memory_space<vmem>>, vector<16xf32>,
    %add3A_3123 = arith.addf %add3A_3118, %get3A_3122 : vector<16xf32>
    %get3A_3124 = arith.constant 6 : i32
    %get3A_3125 = arith.index_cast %get3A_3124 : i32 to index
    %get3A_3126 = arith.constant 32 : index
    %get3A_3127 = tpu.vector_load %arg8[%get3A_3125, %get3A_3126] {strides = array<i32>} : memref<26x128xf32, #tpu.memory_space<vmem>>, vector<16xf32>,
    %add3A_3128 = arith.addf %add3A_3123, %get3A_3127 : vector<16xf32>
    %get3A_3129 = arith.constant 7 : i32
    %get3A_3130 = arith.index_cast %get3A_3129 : i32 to index
    %get3A_3131 = arith.constant 32 : index
    %get3A_3132 = tpu.vector_load %arg8[%get3A_3130, %get3A_3131] {strides = array<i32>} : memref<26x128xf32, #tpu.memory_space<vmem>>, vector<16xf32>,
    %add3A_3133 = arith.addf %add3A_3128, %get3A_3132 : vector<16xf32>
    %get3A_3134 = arith.constant 8 : i32
    %get3A_3135 = arith.index_cast %get3A_3134 : i32 to index
    %get3A_3136 = arith.constant 32 : index
    %get3A_3137 = tpu.vector_load %arg8[%get3A_3135, %get3A_3136] {strides = array<i32>} : memref<26x128xf32, #tpu.memory_space<vmem>>, vector<16xf32>,
    %add3A_3138 = arith.addf %add3A_3133, %get3A_3137 : vector<16xf32>
    %get3A_3139 = arith.constant 9 : i32
    %get3A_3140 = arith.index_cast %get3A_3139 : i32 to index
    %get3A_3141 = arith.constant 32 : index
    %get3A_3142 = tpu.vector_load %arg8[%get3A_3140, %get3A_3141] {strides = array<i32>} : memref<26x128xf32, #tpu.memory_space<vmem>>, vector<16xf32>,
    %add3A_3143 = arith.addf %add3A_3138, %get3A_3142 : vector<16xf32>
    %get3A_3144 = arith.constant 10 : i32
    %get3A_3145 = arith.index_cast %get3A_3144 : i32 to index
    %get3A_3146 = arith.constant 32 : index
    %get3A_3147 = tpu.vector_load %arg8[%get3A_3145, %get3A_3146] {strides = array<i32>} : memref<26x128xf32, #tpu.memory_space<vmem>>, vector<16xf32>,
    %add3A_3148 = arith.addf %add3A_3143, %get3A_3147 : vector<16xf32>
    %get3A_3149 = arith.constant 11 : i32
    %get3A_3150 = arith.index_cast %get3A_3149 : i32 to index
    %get3A_3151 = arith.constant 32 : index
    %get3A_3152 = tpu.vector_load %arg8[%get3A_3150, %get3A_3151] {strides = array<i32>} : memref<26x128xf32, #tpu.memory_space<vmem>>, vector<16xf32>,
    %add3A_3153 = arith.addf %add3A_3148, %get3A_3152 : vector<16xf32>
    %get3A_3154 = arith.constant 12 : i32
    %get3A_3155 = arith.index_cast %get3A_3154 : i32 to index
    %get3A_3156 = arith.constant 32 : index
    %get3A_3157 = tpu.vector_load %arg8[%get3A_3155, %get3A_3156] {strides = array<i32>} : memref<26x128xf32, #tpu.memory_space<vmem>>, vector<16xf32>,
    %add3A_3158 = arith.addf %add3A_3153, %get3A_3157 : vector<16xf32>
    %get3A_3159 = arith.constant 13 : i32
    %get3A_3160 = arith.index_cast %get3A_3159 : i32 to index
    %get3A_3161 = arith.constant 32 : index
    %get3A_3162 = tpu.vector_load %arg8[%get3A_3160, %get3A_3161] {strides = array<i32>} : memref<26x128xf32, #tpu.memory_space<vmem>>, vector<16xf32>,
    %add3A_3163 = arith.addf %add3A_3158, %get3A_3162 : vector<16xf32>
    %get3A_3164 = arith.constant 14 : i32
    %get3A_3165 = arith.index_cast %get3A_3164 : i32 to index
    %get3A_3166 = arith.constant 32 : index
    %get3A_3167 = tpu.vector_load %arg8[%get3A_3165, %get3A_3166] {strides = array<i32>} : memref<26x128xf32, #tpu.memory_space<vmem>>, vector<16xf32>,
    %add3A_3168 = arith.addf %add3A_3163, %get3A_3167 : vector<16xf32>
    %get3A_3169 = arith.constant 15 : i32
    %get3A_3170 = arith.index_cast %get3A_3169 : i32 to index
    %get3A_3171 = arith.constant 32 : index
    %get3A_3172 = tpu.vector_load %arg8[%get3A_3170, %get3A_3171] {strides = array<i32>} : memref<26x128xf32, #tpu.memory_space<vmem>>, vector<16xf32>,
    %add3A_3173 = arith.addf %add3A_3168, %get3A_3172 : vector<16xf32>
    %get3A_3174 = arith.constant 16 : i32
    %get3A_3175 = arith.index_cast %get3A_3174 : i32 to index
    %get3A_3176 = arith.constant 32 : index
    %get3A_3177 = tpu.vector_load %arg8[%get3A_3175, %get3A_3176] {strides = array<i32>} : memref<26x128xf32, #tpu.memory_space<vmem>>, vector<16xf32>,
    %add3A_3178 = arith.addf %add3A_3173, %get3A_3177 : vector<16xf32>
    %get3A_3179 = arith.constant 17 : i32
    %get3A_3180 = arith.index_cast %get3A_3179 : i32 to index
    %get3A_3181 = arith.constant 32 : index
    %get3A_3182 = tpu.vector_load %arg8[%get3A_3180, %get3A_3181] {strides = array<i32>} : memref<26x128xf32, #tpu.memory_space<vmem>>, vector<16xf32>,
    %add3A_3183 = arith.addf %add3A_3178, %get3A_3182 : vector<16xf32>
    %get3A_3184 = arith.constant 18 : i32
    %get3A_3185 = arith.index_cast %get3A_3184 : i32 to index
    %get3A_3186 = arith.constant 32 : index
    %get3A_3187 = tpu.vector_load %arg8[%get3A_3185, %get3A_3186] {strides = array<i32>} : memref<26x128xf32, #tpu.memory_space<vmem>>, vector<16xf32>,
    %add3A_3188 = arith.addf %add3A_3183, %get3A_3187 : vector<16xf32>
    %get3A_3189 = arith.constant 19 : i32
    %get3A_3190 = arith.index_cast %get3A_3189 : i32 to index
    %get3A_3191 = arith.constant 32 : index
    %get3A_3192 = tpu.vector_load %arg8[%get3A_3190, %get3A_3191] {strides = array<i32>} : memref<26x128xf32, #tpu.memory_space<vmem>>, vector<16xf32>,
    %add3A_3193 = arith.addf %add3A_3188, %get3A_3192 : vector<16xf32>
    %get3A_3194 = arith.constant 20 : i32
    %get3A_3195 = arith.index_cast %get3A_3194 : i32 to index
    %get3A_3196 = arith.constant 32 : index
    %get3A_3197 = tpu.vector_load %arg8[%get3A_3195, %get3A_3196] {strides = array<i32>} : memref<26x128xf32, #tpu.memory_space<vmem>>, vector<16xf32>,
    %add3A_3198 = arith.addf %add3A_3193, %get3A_3197 : vector<16xf32>
    %get3A_3199 = arith.constant 21 : i32
    %get3A_3200 = arith.index_cast %get3A_3199 : i32 to index
    %get3A_3201 = arith.constant 32 : index
    %get3A_3202 = tpu.vector_load %arg8[%get3A_3200, %get3A_3201] {strides = array<i32>} : memref<26x128xf32, #tpu.memory_space<vmem>>, vector<16xf32>,
    %add3A_3203 = arith.addf %add3A_3198, %get3A_3202 : vector<16xf32>
    %get3A_3204 = arith.constant 22 : i32
    %get3A_3205 = arith.index_cast %get3A_3204 : i32 to index
    %get3A_3206 = arith.constant 32 : index
    %get3A_3207 = tpu.vector_load %arg8[%get3A_3205, %get3A_3206] {strides = array<i32>} : memref<26x128xf32, #tpu.memory_space<vmem>>, vector<16xf32>,
    %add3A_3208 = arith.addf %add3A_3203, %get3A_3207 : vector<16xf32>
    %get3A_3209 = arith.constant 23 : i32
    %get3A_3210 = arith.index_cast %get3A_3209 : i32 to index
    %get3A_3211 = arith.constant 32 : index
    %get3A_3212 = tpu.vector_load %arg8[%get3A_3210, %get3A_3211] {strides = array<i32>} : memref<26x128xf32, #tpu.memory_space<vmem>>, vector<16xf32>,
    %add3A_3213 = arith.addf %add3A_3208, %get3A_3212 : vector<16xf32>
    %get3A_3214 = arith.constant 24 : i32
    %get3A_3215 = arith.index_cast %get3A_3214 : i32 to index
    %get3A_3216 = arith.constant 32 : index
    %get3A_3217 = tpu.vector_load %arg8[%get3A_3215, %get3A_3216] {strides = array<i32>} : memref<26x128xf32, #tpu.memory_space<vmem>>, vector<16xf32>,
    %add3A_3218 = arith.addf %add3A_3213, %get3A_3217 : vector<16xf32>
    %get3A_3219 = arith.constant 25 : i32
    %get3A_3220 = arith.index_cast %get3A_3219 : i32 to index
    %get3A_3221 = arith.constant 32 : index
    %get3A_3222 = tpu.vector_load %arg8[%get3A_3220, %get3A_3221] {strides = array<i32>} : memref<26x128xf32, #tpu.memory_space<vmem>>, vector<16xf32>,
    %add3A_3223 = arith.addf %add3A_3218, %get3A_3222 : vector<16xf32>
    %neg3A_3224 = arith.constant 0.000000e+00 : f32
    %neg3A_3225 = vector.broadcast %neg3A_3224 : f32 to vector<16xf32>
    %neg3A_3226 = arith.subf %neg3A_3225, %add3A_3223 : vector<16xf32>
    %exp3A_3227 = math.exp %neg3A_3226 : vector<16xf32>
    %add3A_3228 = arith.constant 1.000000e+00 : f32
    %add3A_3229 = vector.broadcast %add3A_3228 : f32 to vector<16xf32>
    %add3A_3230 = arith.addf %add3A_3229, %exp3A_3227 : vector<16xf32>
    %div3A_3231 = arith.constant 1.000000e+00 : f32
    %div3A_3232 = vector.broadcast %div3A_3231 : f32 to vector<16xf32>
    %div3A_3233 = arith.divf %div3A_3232, %add3A_3230 : vector<16xf32>
    %swap3A_3234 = arith.constant 32 : index
    %swap3A_3235 = tpu.vector_load %arg9[%swap3A_3234] {strides = array<i32>} : memref<128xf32, #tpu.memory_space<vmem>>, vector<16xf32>,
    tpu.vector_store %arg9[%swap3A_3234], %div3A_3233 {strides = array<i32>} : memref<128xf32, #tpu.memory_space<vmem>>, vector<16xf32>,
    %get3A_3236 = arith.constant 0 : i32
    %get3A_3237 = arith.index_cast %get3A_3236 : i32 to index
    %get3A_3238 = arith.constant 48 : index
    %get3A_3239 = tpu.vector_load %arg8[%get3A_3237, %get3A_3238] {strides = array<i32>} : memref<26x128xf32, #tpu.memory_space<vmem>>, vector<16xf32>,
    %add3A_3240 = arith.addf %get3A_2812, %get3A_3239 : vector<16xf32>
    %get3A_3241 = arith.constant 1 : i32
    %get3A_3242 = arith.index_cast %get3A_3241 : i32 to index
    %get3A_3243 = arith.constant 48 : index
    %get3A_3244 = tpu.vector_load %arg8[%get3A_3242, %get3A_3243] {strides = array<i32>} : memref<26x128xf32, #tpu.memory_space<vmem>>, vector<16xf32>,
    %add3A_3245 = arith.addf %add3A_3240, %get3A_3244 : vector<16xf32>
    %get3A_3246 = arith.constant 2 : i32
    %get3A_3247 = arith.index_cast %get3A_3246 : i32 to index
    %get3A_3248 = arith.constant 48 : index
    %get3A_3249 = tpu.vector_load %arg8[%get3A_3247, %get3A_3248] {strides = array<i32>} : memref<26x128xf32, #tpu.memory_space<vmem>>, vector<16xf32>,
    %add3A_3250 = arith.addf %add3A_3245, %get3A_3249 : vector<16xf32>
    %get3A_3251 = arith.constant 3 : i32
    %get3A_3252 = arith.index_cast %get3A_3251 : i32 to index
    %get3A_3253 = arith.constant 48 : index
    %get3A_3254 = tpu.vector_load %arg8[%get3A_3252, %get3A_3253] {strides = array<i32>} : memref<26x128xf32, #tpu.memory_space<vmem>>, vector<16xf32>,
    %add3A_3255 = arith.addf %add3A_3250, %get3A_3254 : vector<16xf32>
    %get3A_3256 = arith.constant 4 : i32
    %get3A_3257 = arith.index_cast %get3A_3256 : i32 to index
    %get3A_3258 = arith.constant 48 : index
    %get3A_3259 = tpu.vector_load %arg8[%get3A_3257, %get3A_3258] {strides = array<i32>} : memref<26x128xf32, #tpu.memory_space<vmem>>, vector<16xf32>,
    %add3A_3260 = arith.addf %add3A_3255, %get3A_3259 : vector<16xf32>
    %get3A_3261 = arith.constant 5 : i32
    %get3A_3262 = arith.index_cast %get3A_3261 : i32 to index
    %get3A_3263 = arith.constant 48 : index
    %get3A_3264 = tpu.vector_load %arg8[%get3A_3262, %get3A_3263] {strides = array<i32>} : memref<26x128xf32, #tpu.memory_space<vmem>>, vector<16xf32>,
    %add3A_3265 = arith.addf %add3A_3260, %get3A_3264 : vector<16xf32>
    %get3A_3266 = arith.constant 6 : i32
    %get3A_3267 = arith.index_cast %get3A_3266 : i32 to index
    %get3A_3268 = arith.constant 48 : index
    %get3A_3269 = tpu.vector_load %arg8[%get3A_3267, %get3A_3268] {strides = array<i32>} : memref<26x128xf32, #tpu.memory_space<vmem>>, vector<16xf32>,
    %add3A_3270 = arith.addf %add3A_3265, %get3A_3269 : vector<16xf32>
    %get3A_3271 = arith.constant 7 : i32
    %get3A_3272 = arith.index_cast %get3A_3271 : i32 to index
    %get3A_3273 = arith.constant 48 : index
    %get3A_3274 = tpu.vector_load %arg8[%get3A_3272, %get3A_3273] {strides = array<i32>} : memref<26x128xf32, #tpu.memory_space<vmem>>, vector<16xf32>,
    %add3A_3275 = arith.addf %add3A_3270, %get3A_3274 : vector<16xf32>
    %get3A_3276 = arith.constant 8 : i32
    %get3A_3277 = arith.index_cast %get3A_3276 : i32 to index
    %get3A_3278 = arith.constant 48 : index
    %get3A_3279 = tpu.vector_load %arg8[%get3A_3277, %get3A_3278] {strides = array<i32>} : memref<26x128xf32, #tpu.memory_space<vmem>>, vector<16xf32>,
    %add3A_3280 = arith.addf %add3A_3275, %get3A_3279 : vector<16xf32>
    %get3A_3281 = arith.constant 9 : i32
    %get3A_3282 = arith.index_cast %get3A_3281 : i32 to index
    %get3A_3283 = arith.constant 48 : index
    %get3A_3284 = tpu.vector_load %arg8[%get3A_3282, %get3A_3283] {strides = array<i32>} : memref<26x128xf32, #tpu.memory_space<vmem>>, vector<16xf32>,
    %add3A_3285 = arith.addf %add3A_3280, %get3A_3284 : vector<16xf32>
    %get3A_3286 = arith.constant 10 : i32
    %get3A_3287 = arith.index_cast %get3A_3286 : i32 to index
    %get3A_3288 = arith.constant 48 : index
    %get3A_3289 = tpu.vector_load %arg8[%get3A_3287, %get3A_3288] {strides = array<i32>} : memref<26x128xf32, #tpu.memory_space<vmem>>, vector<16xf32>,
    %add3A_3290 = arith.addf %add3A_3285, %get3A_3289 : vector<16xf32>
    %get3A_3291 = arith.constant 11 : i32
    %get3A_3292 = arith.index_cast %get3A_3291 : i32 to index
    %get3A_3293 = arith.constant 48 : index
    %get3A_3294 = tpu.vector_load %arg8[%get3A_3292, %get3A_3293] {strides = array<i32>} : memref<26x128xf32, #tpu.memory_space<vmem>>, vector<16xf32>,
    %add3A_3295 = arith.addf %add3A_3290, %get3A_3294 : vector<16xf32>
    %get3A_3296 = arith.constant 12 : i32
    %get3A_3297 = arith.index_cast %get3A_3296 : i32 to index
    %get3A_3298 = arith.constant 48 : index
    %get3A_3299 = tpu.vector_load %arg8[%get3A_3297, %get3A_3298] {strides = array<i32>} : memref<26x128xf32, #tpu.memory_space<vmem>>, vector<16xf32>,
    %add3A_3300 = arith.addf %add3A_3295, %get3A_3299 : vector<16xf32>
    %get3A_3301 = arith.constant 13 : i32
    %get3A_3302 = arith.index_cast %get3A_3301 : i32 to index
    %get3A_3303 = arith.constant 48 : index
    %get3A_3304 = tpu.vector_load %arg8[%get3A_3302, %get3A_3303] {strides = array<i32>} : memref<26x128xf32, #tpu.memory_space<vmem>>, vector<16xf32>,
    %add3A_3305 = arith.addf %add3A_3300, %get3A_3304 : vector<16xf32>
    %get3A_3306 = arith.constant 14 : i32
    %get3A_3307 = arith.index_cast %get3A_3306 : i32 to index
    %get3A_3308 = arith.constant 48 : index
    %get3A_3309 = tpu.vector_load %arg8[%get3A_3307, %get3A_3308] {strides = array<i32>} : memref<26x128xf32, #tpu.memory_space<vmem>>, vector<16xf32>,
    %add3A_3310 = arith.addf %add3A_3305, %get3A_3309 : vector<16xf32>
    %get3A_3311 = arith.constant 15 : i32
    %get3A_3312 = arith.index_cast %get3A_3311 : i32 to index
    %get3A_3313 = arith.constant 48 : index
    %get3A_3314 = tpu.vector_load %arg8[%get3A_3312, %get3A_3313] {strides = array<i32>} : memref<26x128xf32, #tpu.memory_space<vmem>>, vector<16xf32>,
    %add3A_3315 = arith.addf %add3A_3310, %get3A_3314 : vector<16xf32>
    %get3A_3316 = arith.constant 16 : i32
    %get3A_3317 = arith.index_cast %get3A_3316 : i32 to index
    %get3A_3318 = arith.constant 48 : index
    %get3A_3319 = tpu.vector_load %arg8[%get3A_3317, %get3A_3318] {strides = array<i32>} : memref<26x128xf32, #tpu.memory_space<vmem>>, vector<16xf32>,
    %add3A_3320 = arith.addf %add3A_3315, %get3A_3319 : vector<16xf32>
    %get3A_3321 = arith.constant 17 : i32
    %get3A_3322 = arith.index_cast %get3A_3321 : i32 to index
    %get3A_3323 = arith.constant 48 : index
    %get3A_3324 = tpu.vector_load %arg8[%get3A_3322, %get3A_3323] {strides = array<i32>} : memref<26x128xf32, #tpu.memory_space<vmem>>, vector<16xf32>,
    %add3A_3325 = arith.addf %add3A_3320, %get3A_3324 : vector<16xf32>
    %get3A_3326 = arith.constant 18 : i32
    %get3A_3327 = arith.index_cast %get3A_3326 : i32 to index
    %get3A_3328 = arith.constant 48 : index
    %get3A_3329 = tpu.vector_load %arg8[%get3A_3327, %get3A_3328] {strides = array<i32>} : memref<26x128xf32, #tpu.memory_space<vmem>>, vector<16xf32>,
    %add3A_3330 = arith.addf %add3A_3325, %get3A_3329 : vector<16xf32>
    %get3A_3331 = arith.constant 19 : i32
    %get3A_3332 = arith.index_cast %get3A_3331 : i32 to index
    %get3A_3333 = arith.constant 48 : index
    %get3A_3334 = tpu.vector_load %arg8[%get3A_3332, %get3A_3333] {strides = array<i32>} : memref<26x128xf32, #tpu.memory_space<vmem>>, vector<16xf32>,
    %add3A_3335 = arith.addf %add3A_3330, %get3A_3334 : vector<16xf32>
    %get3A_3336 = arith.constant 20 : i32
    %get3A_3337 = arith.index_cast %get3A_3336 : i32 to index
    %get3A_3338 = arith.constant 48 : index
    %get3A_3339 = tpu.vector_load %arg8[%get3A_3337, %get3A_3338] {strides = array<i32>} : memref<26x128xf32, #tpu.memory_space<vmem>>, vector<16xf32>,
    %add3A_3340 = arith.addf %add3A_3335, %get3A_3339 : vector<16xf32>
    %get3A_3341 = arith.constant 21 : i32
    %get3A_3342 = arith.index_cast %get3A_3341 : i32 to index
    %get3A_3343 = arith.constant 48 : index
    %get3A_3344 = tpu.vector_load %arg8[%get3A_3342, %get3A_3343] {strides = array<i32>} : memref<26x128xf32, #tpu.memory_space<vmem>>, vector<16xf32>,
    %add3A_3345 = arith.addf %add3A_3340, %get3A_3344 : vector<16xf32>
    %get3A_3346 = arith.constant 22 : i32
    %get3A_3347 = arith.index_cast %get3A_3346 : i32 to index
    %get3A_3348 = arith.constant 48 : index
    %get3A_3349 = tpu.vector_load %arg8[%get3A_3347, %get3A_3348] {strides = array<i32>} : memref<26x128xf32, #tpu.memory_space<vmem>>, vector<16xf32>,
    %add3A_3350 = arith.addf %add3A_3345, %get3A_3349 : vector<16xf32>
    %get3A_3351 = arith.constant 23 : i32
    %get3A_3352 = arith.index_cast %get3A_3351 : i32 to index
    %get3A_3353 = arith.constant 48 : index
    %get3A_3354 = tpu.vector_load %arg8[%get3A_3352, %get3A_3353] {strides = array<i32>} : memref<26x128xf32, #tpu.memory_space<vmem>>, vector<16xf32>,
    %add3A_3355 = arith.addf %add3A_3350, %get3A_3354 : vector<16xf32>
    %get3A_3356 = arith.constant 24 : i32
    %get3A_3357 = arith.index_cast %get3A_3356 : i32 to index
    %get3A_3358 = arith.constant 48 : index
    %get3A_3359 = tpu.vector_load %arg8[%get3A_3357, %get3A_3358] {strides = array<i32>} : memref<26x128xf32, #tpu.memory_space<vmem>>, vector<16xf32>,
    %add3A_3360 = arith.addf %add3A_3355, %get3A_3359 : vector<16xf32>
    %get3A_3361 = arith.constant 25 : i32
    %get3A_3362 = arith.index_cast %get3A_3361 : i32 to index
    %get3A_3363 = arith.constant 48 : index
    %get3A_3364 = tpu.vector_load %arg8[%get3A_3362, %get3A_3363] {strides = array<i32>} : memref<26x128xf32, #tpu.memory_space<vmem>>, vector<16xf32>,
    %add3A_3365 = arith.addf %add3A_3360, %get3A_3364 : vector<16xf32>
    %neg3A_3366 = arith.constant 0.000000e+00 : f32
    %neg3A_3367 = vector.broadcast %neg3A_3366 : f32 to vector<16xf32>
    %neg3A_3368 = arith.subf %neg3A_3367, %add3A_3365 : vector<16xf32>
    %exp3A_3369 = math.exp %neg3A_3368 : vector<16xf32>
    %add3A_3370 = arith.constant 1.000000e+00 : f32
    %add3A_3371 = vector.broadcast %add3A_3370 : f32 to vector<16xf32>
    %add3A_3372 = arith.addf %add3A_3371, %exp3A_3369 : vector<16xf32>
    %div3A_3373 = arith.constant 1.000000e+00 : f32
    %div3A_3374 = vector.broadcast %div3A_3373 : f32 to vector<16xf32>
    %div3A_3375 = arith.divf %div3A_3374, %add3A_3372 : vector<16xf32>
    %swap3A_3376 = arith.constant 48 : index
    %swap3A_3377 = tpu.vector_load %arg9[%swap3A_3376] {strides = array<i32>} : memref<128xf32, #tpu.memory_space<vmem>>, vector<16xf32>,
    tpu.vector_store %arg9[%swap3A_3376], %div3A_3375 {strides = array<i32>} : memref<128xf32, #tpu.memory_space<vmem>>, vector<16xf32>,
    %get3A_3378 = arith.constant 0 : i32
    %get3A_3379 = arith.index_cast %get3A_3378 : i32 to index
    %get3A_3380 = arith.constant 64 : index
    %get3A_3381 = tpu.vector_load %arg8[%get3A_3379, %get3A_3380] {strides = array<i32>} : memref<26x128xf32, #tpu.memory_space<vmem>>, vector<16xf32>,
    %add3A_3382 = arith.addf %get3A_2812, %get3A_3381 : vector<16xf32>
    %get3A_3383 = arith.constant 1 : i32
    %get3A_3384 = arith.index_cast %get3A_3383 : i32 to index
    %get3A_3385 = arith.constant 64 : index
    %get3A_3386 = tpu.vector_load %arg8[%get3A_3384, %get3A_3385] {strides = array<i32>} : memref<26x128xf32, #tpu.memory_space<vmem>>, vector<16xf32>,
    %add3A_3387 = arith.addf %add3A_3382, %get3A_3386 : vector<16xf32>
    %get3A_3388 = arith.constant 2 : i32
    %get3A_3389 = arith.index_cast %get3A_3388 : i32 to index
    %get3A_3390 = arith.constant 64 : index
    %get3A_3391 = tpu.vector_load %arg8[%get3A_3389, %get3A_3390] {strides = array<i32>} : memref<26x128xf32, #tpu.memory_space<vmem>>, vector<16xf32>,
    %add3A_3392 = arith.addf %add3A_3387, %get3A_3391 : vector<16xf32>
    %get3A_3393 = arith.constant 3 : i32
    %get3A_3394 = arith.index_cast %get3A_3393 : i32 to index
    %get3A_3395 = arith.constant 64 : index
    %get3A_3396 = tpu.vector_load %arg8[%get3A_3394, %get3A_3395] {strides = array<i32>} : memref<26x128xf32, #tpu.memory_space<vmem>>, vector<16xf32>,
    %add3A_3397 = arith.addf %add3A_3392, %get3A_3396 : vector<16xf32>
    %get3A_3398 = arith.constant 4 : i32
    %get3A_3399 = arith.index_cast %get3A_3398 : i32 to index
    %get3A_3400 = arith.constant 64 : index
    %get3A_3401 = tpu.vector_load %arg8[%get3A_3399, %get3A_3400] {strides = array<i32>} : memref<26x128xf32, #tpu.memory_space<vmem>>, vector<16xf32>,
    %add3A_3402 = arith.addf %add3A_3397, %get3A_3401 : vector<16xf32>
    %get3A_3403 = arith.constant 5 : i32
    %get3A_3404 = arith.index_cast %get3A_3403 : i32 to index
    %get3A_3405 = arith.constant 64 : index
    %get3A_3406 = tpu.vector_load %arg8[%get3A_3404, %get3A_3405] {strides = array<i32>} : memref<26x128xf32, #tpu.memory_space<vmem>>, vector<16xf32>,
    %add3A_3407 = arith.addf %add3A_3402, %get3A_3406 : vector<16xf32>
    %get3A_3408 = arith.constant 6 : i32
    %get3A_3409 = arith.index_cast %get3A_3408 : i32 to index
    %get3A_3410 = arith.constant 64 : index
    %get3A_3411 = tpu.vector_load %arg8[%get3A_3409, %get3A_3410] {strides = array<i32>} : memref<26x128xf32, #tpu.memory_space<vmem>>, vector<16xf32>,
    %add3A_3412 = arith.addf %add3A_3407, %get3A_3411 : vector<16xf32>
    %get3A_3413 = arith.constant 7 : i32
    %get3A_3414 = arith.index_cast %get3A_3413 : i32 to index
    %get3A_3415 = arith.constant 64 : index
    %get3A_3416 = tpu.vector_load %arg8[%get3A_3414, %get3A_3415] {strides = array<i32>} : memref<26x128xf32, #tpu.memory_space<vmem>>, vector<16xf32>,
    %add3A_3417 = arith.addf %add3A_3412, %get3A_3416 : vector<16xf32>
    %get3A_3418 = arith.constant 8 : i32
    %get3A_3419 = arith.index_cast %get3A_3418 : i32 to index
    %get3A_3420 = arith.constant 64 : index
    %get3A_3421 = tpu.vector_load %arg8[%get3A_3419, %get3A_3420] {strides = array<i32>} : memref<26x128xf32, #tpu.memory_space<vmem>>, vector<16xf32>,
    %add3A_3422 = arith.addf %add3A_3417, %get3A_3421 : vector<16xf32>
    %get3A_3423 = arith.constant 9 : i32
    %get3A_3424 = arith.index_cast %get3A_3423 : i32 to index
    %get3A_3425 = arith.constant 64 : index
    %get3A_3426 = tpu.vector_load %arg8[%get3A_3424, %get3A_3425] {strides = array<i32>} : memref<26x128xf32, #tpu.memory_space<vmem>>, vector<16xf32>,
    %add3A_3427 = arith.addf %add3A_3422, %get3A_3426 : vector<16xf32>
    %get3A_3428 = arith.constant 10 : i32
    %get3A_3429 = arith.index_cast %get3A_3428 : i32 to index
    %get3A_3430 = arith.constant 64 : index
    %get3A_3431 = tpu.vector_load %arg8[%get3A_3429, %get3A_3430] {strides = array<i32>} : memref<26x128xf32, #tpu.memory_space<vmem>>, vector<16xf32>,
    %add3A_3432 = arith.addf %add3A_3427, %get3A_3431 : vector<16xf32>
    %get3A_3433 = arith.constant 11 : i32
    %get3A_3434 = arith.index_cast %get3A_3433 : i32 to index
    %get3A_3435 = arith.constant 64 : index
    %get3A_3436 = tpu.vector_load %arg8[%get3A_3434, %get3A_3435] {strides = array<i32>} : memref<26x128xf32, #tpu.memory_space<vmem>>, vector<16xf32>,
    %add3A_3437 = arith.addf %add3A_3432, %get3A_3436 : vector<16xf32>
    %get3A_3438 = arith.constant 12 : i32
    %get3A_3439 = arith.index_cast %get3A_3438 : i32 to index
    %get3A_3440 = arith.constant 64 : index
    %get3A_3441 = tpu.vector_load %arg8[%get3A_3439, %get3A_3440] {strides = array<i32>} : memref<26x128xf32, #tpu.memory_space<vmem>>, vector<16xf32>,
    %add3A_3442 = arith.addf %add3A_3437, %get3A_3441 : vector<16xf32>
    %get3A_3443 = arith.constant 13 : i32
    %get3A_3444 = arith.index_cast %get3A_3443 : i32 to index
    %get3A_3445 = arith.constant 64 : index
    %get3A_3446 = tpu.vector_load %arg8[%get3A_3444, %get3A_3445] {strides = array<i32>} : memref<26x128xf32, #tpu.memory_space<vmem>>, vector<16xf32>,
    %add3A_3447 = arith.addf %add3A_3442, %get3A_3446 : vector<16xf32>
    %get3A_3448 = arith.constant 14 : i32
    %get3A_3449 = arith.index_cast %get3A_3448 : i32 to index
    %get3A_3450 = arith.constant 64 : index
    %get3A_3451 = tpu.vector_load %arg8[%get3A_3449, %get3A_3450] {strides = array<i32>} : memref<26x128xf32, #tpu.memory_space<vmem>>, vector<16xf32>,
    %add3A_3452 = arith.addf %add3A_3447, %get3A_3451 : vector<16xf32>
    %get3A_3453 = arith.constant 15 : i32
    %get3A_3454 = arith.index_cast %get3A_3453 : i32 to index
    %get3A_3455 = arith.constant 64 : index
    %get3A_3456 = tpu.vector_load %arg8[%get3A_3454, %get3A_3455] {strides = array<i32>} : memref<26x128xf32, #tpu.memory_space<vmem>>, vector<16xf32>,
    %add3A_3457 = arith.addf %add3A_3452, %get3A_3456 : vector<16xf32>
    %get3A_3458 = arith.constant 16 : i32
    %get3A_3459 = arith.index_cast %get3A_3458 : i32 to index
    %get3A_3460 = arith.constant 64 : index
    %get3A_3461 = tpu.vector_load %arg8[%get3A_3459, %get3A_3460] {strides = array<i32>} : memref<26x128xf32, #tpu.memory_space<vmem>>, vector<16xf32>,
    %add3A_3462 = arith.addf %add3A_3457, %get3A_3461 : vector<16xf32>
    %get3A_3463 = arith.constant 17 : i32
    %get3A_3464 = arith.index_cast %get3A_3463 : i32 to index
    %get3A_3465 = arith.constant 64 : index
    %get3A_3466 = tpu.vector_load %arg8[%get3A_3464, %get3A_3465] {strides = array<i32>} : memref<26x128xf32, #tpu.memory_space<vmem>>, vector<16xf32>,
    %add3A_3467 = arith.addf %add3A_3462, %get3A_3466 : vector<16xf32>
    %get3A_3468 = arith.constant 18 : i32
    %get3A_3469 = arith.index_cast %get3A_3468 : i32 to index
    %get3A_3470 = arith.constant 64 : index
    %get3A_3471 = tpu.vector_load %arg8[%get3A_3469, %get3A_3470] {strides = array<i32>} : memref<26x128xf32, #tpu.memory_space<vmem>>, vector<16xf32>,
    %add3A_3472 = arith.addf %add3A_3467, %get3A_3471 : vector<16xf32>
    %get3A_3473 = arith.constant 19 : i32
    %get3A_3474 = arith.index_cast %get3A_3473 : i32 to index
    %get3A_3475 = arith.constant 64 : index
    %get3A_3476 = tpu.vector_load %arg8[%get3A_3474, %get3A_3475] {strides = array<i32>} : memref<26x128xf32, #tpu.memory_space<vmem>>, vector<16xf32>,
    %add3A_3477 = arith.addf %add3A_3472, %get3A_3476 : vector<16xf32>
    %get3A_3478 = arith.constant 20 : i32
    %get3A_3479 = arith.index_cast %get3A_3478 : i32 to index
    %get3A_3480 = arith.constant 64 : index
    %get3A_3481 = tpu.vector_load %arg8[%get3A_3479, %get3A_3480] {strides = array<i32>} : memref<26x128xf32, #tpu.memory_space<vmem>>, vector<16xf32>,
    %add3A_3482 = arith.addf %add3A_3477, %get3A_3481 : vector<16xf32>
    %get3A_3483 = arith.constant 21 : i32
    %get3A_3484 = arith.index_cast %get3A_3483 : i32 to index
    %get3A_3485 = arith.constant 64 : index
    %get3A_3486 = tpu.vector_load %arg8[%get3A_3484, %get3A_3485] {strides = array<i32>} : memref<26x128xf32, #tpu.memory_space<vmem>>, vector<16xf32>,
    %add3A_3487 = arith.addf %add3A_3482, %get3A_3486 : vector<16xf32>
    %get3A_3488 = arith.constant 22 : i32
    %get3A_3489 = arith.index_cast %get3A_3488 : i32 to index
    %get3A_3490 = arith.constant 64 : index
    %get3A_3491 = tpu.vector_load %arg8[%get3A_3489, %get3A_3490] {strides = array<i32>} : memref<26x128xf32, #tpu.memory_space<vmem>>, vector<16xf32>,
    %add3A_3492 = arith.addf %add3A_3487, %get3A_3491 : vector<16xf32>
    %get3A_3493 = arith.constant 23 : i32
    %get3A_3494 = arith.index_cast %get3A_3493 : i32 to index
    %get3A_3495 = arith.constant 64 : index
    %get3A_3496 = tpu.vector_load %arg8[%get3A_3494, %get3A_3495] {strides = array<i32>} : memref<26x128xf32, #tpu.memory_space<vmem>>, vector<16xf32>,
    %add3A_3497 = arith.addf %add3A_3492, %get3A_3496 : vector<16xf32>
    %get3A_3498 = arith.constant 24 : i32
    %get3A_3499 = arith.index_cast %get3A_3498 : i32 to index
    %get3A_3500 = arith.constant 64 : index
    %get3A_3501 = tpu.vector_load %arg8[%get3A_3499, %get3A_3500] {strides = array<i32>} : memref<26x128xf32, #tpu.memory_space<vmem>>, vector<16xf32>,
    %add3A_3502 = arith.addf %add3A_3497, %get3A_3501 : vector<16xf32>
    %get3A_3503 = arith.constant 25 : i32
    %get3A_3504 = arith.index_cast %get3A_3503 : i32 to index
    %get3A_3505 = arith.constant 64 : index
    %get3A_3506 = tpu.vector_load %arg8[%get3A_3504, %get3A_3505] {strides = array<i32>} : memref<26x128xf32, #tpu.memory_space<vmem>>, vector<16xf32>,
    %add3A_3507 = arith.addf %add3A_3502, %get3A_3506 : vector<16xf32>
    %neg3A_3508 = arith.constant 0.000000e+00 : f32
    %neg3A_3509 = vector.broadcast %neg3A_3508 : f32 to vector<16xf32>
    %neg3A_3510 = arith.subf %neg3A_3509, %add3A_3507 : vector<16xf32>
    %exp3A_3511 = math.exp %neg3A_3510 : vector<16xf32>
    %add3A_3512 = arith.constant 1.000000e+00 : f32
    %add3A_3513 = vector.broadcast %add3A_3512 : f32 to vector<16xf32>
    %add3A_3514 = arith.addf %add3A_3513, %exp3A_3511 : vector<16xf32>
    %div3A_3515 = arith.constant 1.000000e+00 : f32
    %div3A_3516 = vector.broadcast %div3A_3515 : f32 to vector<16xf32>
    %div3A_3517 = arith.divf %div3A_3516, %add3A_3514 : vector<16xf32>
    %swap3A_3518 = arith.constant 64 : index
    %swap3A_3519 = tpu.vector_load %arg9[%swap3A_3518] {strides = array<i32>} : memref<128xf32, #tpu.memory_space<vmem>>, vector<16xf32>,
    tpu.vector_store %arg9[%swap3A_3518], %div3A_3517 {strides = array<i32>} : memref<128xf32, #tpu.memory_space<vmem>>, vector<16xf32>,
    %get3A_3520 = arith.constant 0 : i32
    %get3A_3521 = arith.index_cast %get3A_3520 : i32 to index
    %get3A_3522 = arith.constant 80 : index
    %get3A_3523 = tpu.vector_load %arg8[%get3A_3521, %get3A_3522] {strides = array<i32>} : memref<26x128xf32, #tpu.memory_space<vmem>>, vector<16xf32>,
    %add3A_3524 = arith.addf %get3A_2812, %get3A_3523 : vector<16xf32>
    %get3A_3525 = arith.constant 1 : i32
    %get3A_3526 = arith.index_cast %get3A_3525 : i32 to index
    %get3A_3527 = arith.constant 80 : index
    %get3A_3528 = tpu.vector_load %arg8[%get3A_3526, %get3A_3527] {strides = array<i32>} : memref<26x128xf32, #tpu.memory_space<vmem>>, vector<16xf32>,
    %add3A_3529 = arith.addf %add3A_3524, %get3A_3528 : vector<16xf32>
    %get3A_3530 = arith.constant 2 : i32
    %get3A_3531 = arith.index_cast %get3A_3530 : i32 to index
    %get3A_3532 = arith.constant 80 : index
    %get3A_3533 = tpu.vector_load %arg8[%get3A_3531, %get3A_3532] {strides = array<i32>} : memref<26x128xf32, #tpu.memory_space<vmem>>, vector<16xf32>,
    %add3A_3534 = arith.addf %add3A_3529, %get3A_3533 : vector<16xf32>
    %get3A_3535 = arith.constant 3 : i32
    %get3A_3536 = arith.index_cast %get3A_3535 : i32 to index
    %get3A_3537 = arith.constant 80 : index
    %get3A_3538 = tpu.vector_load %arg8[%get3A_3536, %get3A_3537] {strides = array<i32>} : memref<26x128xf32, #tpu.memory_space<vmem>>, vector<16xf32>,
    %add3A_3539 = arith.addf %add3A_3534, %get3A_3538 : vector<16xf32>
    %get3A_3540 = arith.constant 4 : i32
    %get3A_3541 = arith.index_cast %get3A_3540 : i32 to index
    %get3A_3542 = arith.constant 80 : index
    %get3A_3543 = tpu.vector_load %arg8[%get3A_3541, %get3A_3542] {strides = array<i32>} : memref<26x128xf32, #tpu.memory_space<vmem>>, vector<16xf32>,
    %add3A_3544 = arith.addf %add3A_3539, %get3A_3543 : vector<16xf32>
    %get3A_3545 = arith.constant 5 : i32
    %get3A_3546 = arith.index_cast %get3A_3545 : i32 to index
    %get3A_3547 = arith.constant 80 : index
    %get3A_3548 = tpu.vector_load %arg8[%get3A_3546, %get3A_3547] {strides = array<i32>} : memref<26x128xf32, #tpu.memory_space<vmem>>, vector<16xf32>,
    %add3A_3549 = arith.addf %add3A_3544, %get3A_3548 : vector<16xf32>
    %get3A_3550 = arith.constant 6 : i32
    %get3A_3551 = arith.index_cast %get3A_3550 : i32 to index
    %get3A_3552 = arith.constant 80 : index
    %get3A_3553 = tpu.vector_load %arg8[%get3A_3551, %get3A_3552] {strides = array<i32>} : memref<26x128xf32, #tpu.memory_space<vmem>>, vector<16xf32>,
    %add3A_3554 = arith.addf %add3A_3549, %get3A_3553 : vector<16xf32>
    %get3A_3555 = arith.constant 7 : i32
    %get3A_3556 = arith.index_cast %get3A_3555 : i32 to index
    %get3A_3557 = arith.constant 80 : index
    %get3A_3558 = tpu.vector_load %arg8[%get3A_3556, %get3A_3557] {strides = array<i32>} : memref<26x128xf32, #tpu.memory_space<vmem>>, vector<16xf32>,
    %add3A_3559 = arith.addf %add3A_3554, %get3A_3558 : vector<16xf32>
    %get3A_3560 = arith.constant 8 : i32
    %get3A_3561 = arith.index_cast %get3A_3560 : i32 to index
    %get3A_3562 = arith.constant 80 : index
    %get3A_3563 = tpu.vector_load %arg8[%get3A_3561, %get3A_3562] {strides = array<i32>} : memref<26x128xf32, #tpu.memory_space<vmem>>, vector<16xf32>,
    %add3A_3564 = arith.addf %add3A_3559, %get3A_3563 : vector<16xf32>
    %get3A_3565 = arith.constant 9 : i32
    %get3A_3566 = arith.index_cast %get3A_3565 : i32 to index
    %get3A_3567 = arith.constant 80 : index
    %get3A_3568 = tpu.vector_load %arg8[%get3A_3566, %get3A_3567] {strides = array<i32>} : memref<26x128xf32, #tpu.memory_space<vmem>>, vector<16xf32>,
    %add3A_3569 = arith.addf %add3A_3564, %get3A_3568 : vector<16xf32>
    %get3A_3570 = arith.constant 10 : i32
    %get3A_3571 = arith.index_cast %get3A_3570 : i32 to index
    %get3A_3572 = arith.constant 80 : index
    %get3A_3573 = tpu.vector_load %arg8[%get3A_3571, %get3A_3572] {strides = array<i32>} : memref<26x128xf32, #tpu.memory_space<vmem>>, vector<16xf32>,
    %add3A_3574 = arith.addf %add3A_3569, %get3A_3573 : vector<16xf32>
    %get3A_3575 = arith.constant 11 : i32
    %get3A_3576 = arith.index_cast %get3A_3575 : i32 to index
    %get3A_3577 = arith.constant 80 : index
    %get3A_3578 = tpu.vector_load %arg8[%get3A_3576, %get3A_3577] {strides = array<i32>} : memref<26x128xf32, #tpu.memory_space<vmem>>, vector<16xf32>,
    %add3A_3579 = arith.addf %add3A_3574, %get3A_3578 : vector<16xf32>
    %get3A_3580 = arith.constant 12 : i32
    %get3A_3581 = arith.index_cast %get3A_3580 : i32 to index
    %get3A_3582 = arith.constant 80 : index
    %get3A_3583 = tpu.vector_load %arg8[%get3A_3581, %get3A_3582] {strides = array<i32>} : memref<26x128xf32, #tpu.memory_space<vmem>>, vector<16xf32>,
    %add3A_3584 = arith.addf %add3A_3579, %get3A_3583 : vector<16xf32>
    %get3A_3585 = arith.constant 13 : i32
    %get3A_3586 = arith.index_cast %get3A_3585 : i32 to index
    %get3A_3587 = arith.constant 80 : index
    %get3A_3588 = tpu.vector_load %arg8[%get3A_3586, %get3A_3587] {strides = array<i32>} : memref<26x128xf32, #tpu.memory_space<vmem>>, vector<16xf32>,
    %add3A_3589 = arith.addf %add3A_3584, %get3A_3588 : vector<16xf32>
    %get3A_3590 = arith.constant 14 : i32
    %get3A_3591 = arith.index_cast %get3A_3590 : i32 to index
    %get3A_3592 = arith.constant 80 : index
    %get3A_3593 = tpu.vector_load %arg8[%get3A_3591, %get3A_3592] {strides = array<i32>} : memref<26x128xf32, #tpu.memory_space<vmem>>, vector<16xf32>,
    %add3A_3594 = arith.addf %add3A_3589, %get3A_3593 : vector<16xf32>
    %get3A_3595 = arith.constant 15 : i32
    %get3A_3596 = arith.index_cast %get3A_3595 : i32 to index
    %get3A_3597 = arith.constant 80 : index
    %get3A_3598 = tpu.vector_load %arg8[%get3A_3596, %get3A_3597] {strides = array<i32>} : memref<26x128xf32, #tpu.memory_space<vmem>>, vector<16xf32>,
    %add3A_3599 = arith.addf %add3A_3594, %get3A_3598 : vector<16xf32>
    %get3A_3600 = arith.constant 16 : i32
    %get3A_3601 = arith.index_cast %get3A_3600 : i32 to index
    %get3A_3602 = arith.constant 80 : index
    %get3A_3603 = tpu.vector_load %arg8[%get3A_3601, %get3A_3602] {strides = array<i32>} : memref<26x128xf32, #tpu.memory_space<vmem>>, vector<16xf32>,
    %add3A_3604 = arith.addf %add3A_3599, %get3A_3603 : vector<16xf32>
    %get3A_3605 = arith.constant 17 : i32
    %get3A_3606 = arith.index_cast %get3A_3605 : i32 to index
    %get3A_3607 = arith.constant 80 : index
    %get3A_3608 = tpu.vector_load %arg8[%get3A_3606, %get3A_3607] {strides = array<i32>} : memref<26x128xf32, #tpu.memory_space<vmem>>, vector<16xf32>,
    %add3A_3609 = arith.addf %add3A_3604, %get3A_3608 : vector<16xf32>
    %get3A_3610 = arith.constant 18 : i32
    %get3A_3611 = arith.index_cast %get3A_3610 : i32 to index
    %get3A_3612 = arith.constant 80 : index
    %get3A_3613 = tpu.vector_load %arg8[%get3A_3611, %get3A_3612] {strides = array<i32>} : memref<26x128xf32, #tpu.memory_space<vmem>>, vector<16xf32>,
    %add3A_3614 = arith.addf %add3A_3609, %get3A_3613 : vector<16xf32>
    %get3A_3615 = arith.constant 19 : i32
    %get3A_3616 = arith.index_cast %get3A_3615 : i32 to index
    %get3A_3617 = arith.constant 80 : index
    %get3A_3618 = tpu.vector_load %arg8[%get3A_3616, %get3A_3617] {strides = array<i32>} : memref<26x128xf32, #tpu.memory_space<vmem>>, vector<16xf32>,
    %add3A_3619 = arith.addf %add3A_3614, %get3A_3618 : vector<16xf32>
    %get3A_3620 = arith.constant 20 : i32
    %get3A_3621 = arith.index_cast %get3A_3620 : i32 to index
    %get3A_3622 = arith.constant 80 : index
    %get3A_3623 = tpu.vector_load %arg8[%get3A_3621, %get3A_3622] {strides = array<i32>} : memref<26x128xf32, #tpu.memory_space<vmem>>, vector<16xf32>,
    %add3A_3624 = arith.addf %add3A_3619, %get3A_3623 : vector<16xf32>
    %get3A_3625 = arith.constant 21 : i32
    %get3A_3626 = arith.index_cast %get3A_3625 : i32 to index
    %get3A_3627 = arith.constant 80 : index
    %get3A_3628 = tpu.vector_load %arg8[%get3A_3626, %get3A_3627] {strides = array<i32>} : memref<26x128xf32, #tpu.memory_space<vmem>>, vector<16xf32>,
    %add3A_3629 = arith.addf %add3A_3624, %get3A_3628 : vector<16xf32>
    %get3A_3630 = arith.constant 22 : i32
    %get3A_3631 = arith.index_cast %get3A_3630 : i32 to index
    %get3A_3632 = arith.constant 80 : index
    %get3A_3633 = tpu.vector_load %arg8[%get3A_3631, %get3A_3632] {strides = array<i32>} : memref<26x128xf32, #tpu.memory_space<vmem>>, vector<16xf32>,
    %add3A_3634 = arith.addf %add3A_3629, %get3A_3633 : vector<16xf32>
    %get3A_3635 = arith.constant 23 : i32
    %get3A_3636 = arith.index_cast %get3A_3635 : i32 to index
    %get3A_3637 = arith.constant 80 : index
    %get3A_3638 = tpu.vector_load %arg8[%get3A_3636, %get3A_3637] {strides = array<i32>} : memref<26x128xf32, #tpu.memory_space<vmem>>, vector<16xf32>,
    %add3A_3639 = arith.addf %add3A_3634, %get3A_3638 : vector<16xf32>
    %get3A_3640 = arith.constant 24 : i32
    %get3A_3641 = arith.index_cast %get3A_3640 : i32 to index
    %get3A_3642 = arith.constant 80 : index
    %get3A_3643 = tpu.vector_load %arg8[%get3A_3641, %get3A_3642] {strides = array<i32>} : memref<26x128xf32, #tpu.memory_space<vmem>>, vector<16xf32>,
    %add3A_3644 = arith.addf %add3A_3639, %get3A_3643 : vector<16xf32>
    %get3A_3645 = arith.constant 25 : i32
    %get3A_3646 = arith.index_cast %get3A_3645 : i32 to index
    %get3A_3647 = arith.constant 80 : index
    %get3A_3648 = tpu.vector_load %arg8[%get3A_3646, %get3A_3647] {strides = array<i32>} : memref<26x128xf32, #tpu.memory_space<vmem>>, vector<16xf32>,
    %add3A_3649 = arith.addf %add3A_3644, %get3A_3648 : vector<16xf32>
    %neg3A_3650 = arith.constant 0.000000e+00 : f32
    %neg3A_3651 = vector.broadcast %neg3A_3650 : f32 to vector<16xf32>
    %neg3A_3652 = arith.subf %neg3A_3651, %add3A_3649 : vector<16xf32>
    %exp3A_3653 = math.exp %neg3A_3652 : vector<16xf32>
    %add3A_3654 = arith.constant 1.000000e+00 : f32
    %add3A_3655 = vector.broadcast %add3A_3654 : f32 to vector<16xf32>
    %add3A_3656 = arith.addf %add3A_3655, %exp3A_3653 : vector<16xf32>
    %div3A_3657 = arith.constant 1.000000e+00 : f32
    %div3A_3658 = vector.broadcast %div3A_3657 : f32 to vector<16xf32>
    %div3A_3659 = arith.divf %div3A_3658, %add3A_3656 : vector<16xf32>
    %swap3A_3660 = arith.constant 80 : index
    %swap3A_3661 = tpu.vector_load %arg9[%swap3A_3660] {strides = array<i32>} : memref<128xf32, #tpu.memory_space<vmem>>, vector<16xf32>,
    tpu.vector_store %arg9[%swap3A_3660], %div3A_3659 {strides = array<i32>} : memref<128xf32, #tpu.memory_space<vmem>>, vector<16xf32>,
    %get3A_3662 = arith.constant 0 : i32
    %get3A_3663 = arith.index_cast %get3A_3662 : i32 to index
    %get3A_3664 = arith.constant 96 : index
    %get3A_3665 = tpu.vector_load %arg8[%get3A_3663, %get3A_3664] {strides = array<i32>} : memref<26x128xf32, #tpu.memory_space<vmem>>, vector<16xf32>,
    %add3A_3666 = arith.addf %get3A_2812, %get3A_3665 : vector<16xf32>
    %get3A_3667 = arith.constant 1 : i32
    %get3A_3668 = arith.index_cast %get3A_3667 : i32 to index
    %get3A_3669 = arith.constant 96 : index
    %get3A_3670 = tpu.vector_load %arg8[%get3A_3668, %get3A_3669] {strides = array<i32>} : memref<26x128xf32, #tpu.memory_space<vmem>>, vector<16xf32>,
    %add3A_3671 = arith.addf %add3A_3666, %get3A_3670 : vector<16xf32>
    %get3A_3672 = arith.constant 2 : i32
    %get3A_3673 = arith.index_cast %get3A_3672 : i32 to index
    %get3A_3674 = arith.constant 96 : index
    %get3A_3675 = tpu.vector_load %arg8[%get3A_3673, %get3A_3674] {strides = array<i32>} : memref<26x128xf32, #tpu.memory_space<vmem>>, vector<16xf32>,
    %add3A_3676 = arith.addf %add3A_3671, %get3A_3675 : vector<16xf32>
    %get3A_3677 = arith.constant 3 : i32
    %get3A_3678 = arith.index_cast %get3A_3677 : i32 to index
    %get3A_3679 = arith.constant 96 : index
    %get3A_3680 = tpu.vector_load %arg8[%get3A_3678, %get3A_3679] {strides = array<i32>} : memref<26x128xf32, #tpu.memory_space<vmem>>, vector<16xf32>,
    %add3A_3681 = arith.addf %add3A_3676, %get3A_3680 : vector<16xf32>
    %get3A_3682 = arith.constant 4 : i32
    %get3A_3683 = arith.index_cast %get3A_3682 : i32 to index
    %get3A_3684 = arith.constant 96 : index
    %get3A_3685 = tpu.vector_load %arg8[%get3A_3683, %get3A_3684] {strides = array<i32>} : memref<26x128xf32, #tpu.memory_space<vmem>>, vector<16xf32>,
    %add3A_3686 = arith.addf %add3A_3681, %get3A_3685 : vector<16xf32>
    %get3A_3687 = arith.constant 5 : i32
    %get3A_3688 = arith.index_cast %get3A_3687 : i32 to index
    %get3A_3689 = arith.constant 96 : index
    %get3A_3690 = tpu.vector_load %arg8[%get3A_3688, %get3A_3689] {strides = array<i32>} : memref<26x128xf32, #tpu.memory_space<vmem>>, vector<16xf32>,
    %add3A_3691 = arith.addf %add3A_3686, %get3A_3690 : vector<16xf32>
    %get3A_3692 = arith.constant 6 : i32
    %get3A_3693 = arith.index_cast %get3A_3692 : i32 to index
    %get3A_3694 = arith.constant 96 : index
    %get3A_3695 = tpu.vector_load %arg8[%get3A_3693, %get3A_3694] {strides = array<i32>} : memref<26x128xf32, #tpu.memory_space<vmem>>, vector<16xf32>,
    %add3A_3696 = arith.addf %add3A_3691, %get3A_3695 : vector<16xf32>
    %get3A_3697 = arith.constant 7 : i32
    %get3A_3698 = arith.index_cast %get3A_3697 : i32 to index
    %get3A_3699 = arith.constant 96 : index
    %get3A_3700 = tpu.vector_load %arg8[%get3A_3698, %get3A_3699] {strides = array<i32>} : memref<26x128xf32, #tpu.memory_space<vmem>>, vector<16xf32>,
    %add3A_3701 = arith.addf %add3A_3696, %get3A_3700 : vector<16xf32>
    %get3A_3702 = arith.constant 8 : i32
    %get3A_3703 = arith.index_cast %get3A_3702 : i32 to index
    %get3A_3704 = arith.constant 96 : index
    %get3A_3705 = tpu.vector_load %arg8[%get3A_3703, %get3A_3704] {strides = array<i32>} : memref<26x128xf32, #tpu.memory_space<vmem>>, vector<16xf32>,
    %add3A_3706 = arith.addf %add3A_3701, %get3A_3705 : vector<16xf32>
    %get3A_3707 = arith.constant 9 : i32
    %get3A_3708 = arith.index_cast %get3A_3707 : i32 to index
    %get3A_3709 = arith.constant 96 : index
    %get3A_3710 = tpu.vector_load %arg8[%get3A_3708, %get3A_3709] {strides = array<i32>} : memref<26x128xf32, #tpu.memory_space<vmem>>, vector<16xf32>,
    %add3A_3711 = arith.addf %add3A_3706, %get3A_3710 : vector<16xf32>
    %get3A_3712 = arith.constant 10 : i32
    %get3A_3713 = arith.index_cast %get3A_3712 : i32 to index
    %get3A_3714 = arith.constant 96 : index
    %get3A_3715 = tpu.vector_load %arg8[%get3A_3713, %get3A_3714] {strides = array<i32>} : memref<26x128xf32, #tpu.memory_space<vmem>>, vector<16xf32>,
    %add3A_3716 = arith.addf %add3A_3711, %get3A_3715 : vector<16xf32>
    %get3A_3717 = arith.constant 11 : i32
    %get3A_3718 = arith.index_cast %get3A_3717 : i32 to index
    %get3A_3719 = arith.constant 96 : index
    %get3A_3720 = tpu.vector_load %arg8[%get3A_3718, %get3A_3719] {strides = array<i32>} : memref<26x128xf32, #tpu.memory_space<vmem>>, vector<16xf32>,
    %add3A_3721 = arith.addf %add3A_3716, %get3A_3720 : vector<16xf32>
    %get3A_3722 = arith.constant 12 : i32
    %get3A_3723 = arith.index_cast %get3A_3722 : i32 to index
    %get3A_3724 = arith.constant 96 : index
    %get3A_3725 = tpu.vector_load %arg8[%get3A_3723, %get3A_3724] {strides = array<i32>} : memref<26x128xf32, #tpu.memory_space<vmem>>, vector<16xf32>,
    %add3A_3726 = arith.addf %add3A_3721, %get3A_3725 : vector<16xf32>
    %get3A_3727 = arith.constant 13 : i32
    %get3A_3728 = arith.index_cast %get3A_3727 : i32 to index
    %get3A_3729 = arith.constant 96 : index
    %get3A_3730 = tpu.vector_load %arg8[%get3A_3728, %get3A_3729] {strides = array<i32>} : memref<26x128xf32, #tpu.memory_space<vmem>>, vector<16xf32>,
    %add3A_3731 = arith.addf %add3A_3726, %get3A_3730 : vector<16xf32>
    %get3A_3732 = arith.constant 14 : i32
    %get3A_3733 = arith.index_cast %get3A_3732 : i32 to index
    %get3A_3734 = arith.constant 96 : index
    %get3A_3735 = tpu.vector_load %arg8[%get3A_3733, %get3A_3734] {strides = array<i32>} : memref<26x128xf32, #tpu.memory_space<vmem>>, vector<16xf32>,
    %add3A_3736 = arith.addf %add3A_3731, %get3A_3735 : vector<16xf32>
    %get3A_3737 = arith.constant 15 : i32
    %get3A_3738 = arith.index_cast %get3A_3737 : i32 to index
    %get3A_3739 = arith.constant 96 : index
    %get3A_3740 = tpu.vector_load %arg8[%get3A_3738, %get3A_3739] {strides = array<i32>} : memref<26x128xf32, #tpu.memory_space<vmem>>, vector<16xf32>,
    %add3A_3741 = arith.addf %add3A_3736, %get3A_3740 : vector<16xf32>
    %get3A_3742 = arith.constant 16 : i32
    %get3A_3743 = arith.index_cast %get3A_3742 : i32 to index
    %get3A_3744 = arith.constant 96 : index
    %get3A_3745 = tpu.vector_load %arg8[%get3A_3743, %get3A_3744] {strides = array<i32>} : memref<26x128xf32, #tpu.memory_space<vmem>>, vector<16xf32>,
    %add3A_3746 = arith.addf %add3A_3741, %get3A_3745 : vector<16xf32>
    %get3A_3747 = arith.constant 17 : i32
    %get3A_3748 = arith.index_cast %get3A_3747 : i32 to index
    %get3A_3749 = arith.constant 96 : index
    %get3A_3750 = tpu.vector_load %arg8[%get3A_3748, %get3A_3749] {strides = array<i32>} : memref<26x128xf32, #tpu.memory_space<vmem>>, vector<16xf32>,
    %add3A_3751 = arith.addf %add3A_3746, %get3A_3750 : vector<16xf32>
    %get3A_3752 = arith.constant 18 : i32
    %get3A_3753 = arith.index_cast %get3A_3752 : i32 to index
    %get3A_3754 = arith.constant 96 : index
    %get3A_3755 = tpu.vector_load %arg8[%get3A_3753, %get3A_3754] {strides = array<i32>} : memref<26x128xf32, #tpu.memory_space<vmem>>, vector<16xf32>,
    %add3A_3756 = arith.addf %add3A_3751, %get3A_3755 : vector<16xf32>
    %get3A_3757 = arith.constant 19 : i32
    %get3A_3758 = arith.index_cast %get3A_3757 : i32 to index
    %get3A_3759 = arith.constant 96 : index
    %get3A_3760 = tpu.vector_load %arg8[%get3A_3758, %get3A_3759] {strides = array<i32>} : memref<26x128xf32, #tpu.memory_space<vmem>>, vector<16xf32>,
    %add3A_3761 = arith.addf %add3A_3756, %get3A_3760 : vector<16xf32>
    %get3A_3762 = arith.constant 20 : i32
    %get3A_3763 = arith.index_cast %get3A_3762 : i32 to index
    %get3A_3764 = arith.constant 96 : index
    %get3A_3765 = tpu.vector_load %arg8[%get3A_3763, %get3A_3764] {strides = array<i32>} : memref<26x128xf32, #tpu.memory_space<vmem>>, vector<16xf32>,
    %add3A_3766 = arith.addf %add3A_3761, %get3A_3765 : vector<16xf32>
    %get3A_3767 = arith.constant 21 : i32
    %get3A_3768 = arith.index_cast %get3A_3767 : i32 to index
    %get3A_3769 = arith.constant 96 : index
    %get3A_3770 = tpu.vector_load %arg8[%get3A_3768, %get3A_3769] {strides = array<i32>} : memref<26x128xf32, #tpu.memory_space<vmem>>, vector<16xf32>,
    %add3A_3771 = arith.addf %add3A_3766, %get3A_3770 : vector<16xf32>
    %get3A_3772 = arith.constant 22 : i32
    %get3A_3773 = arith.index_cast %get3A_3772 : i32 to index
    %get3A_3774 = arith.constant 96 : index
    %get3A_3775 = tpu.vector_load %arg8[%get3A_3773, %get3A_3774] {strides = array<i32>} : memref<26x128xf32, #tpu.memory_space<vmem>>, vector<16xf32>,
    %add3A_3776 = arith.addf %add3A_3771, %get3A_3775 : vector<16xf32>
    %get3A_3777 = arith.constant 23 : i32
    %get3A_3778 = arith.index_cast %get3A_3777 : i32 to index
    %get3A_3779 = arith.constant 96 : index
    %get3A_3780 = tpu.vector_load %arg8[%get3A_3778, %get3A_3779] {strides = array<i32>} : memref<26x128xf32, #tpu.memory_space<vmem>>, vector<16xf32>,
    %add3A_3781 = arith.addf %add3A_3776, %get3A_3780 : vector<16xf32>
    %get3A_3782 = arith.constant 24 : i32
    %get3A_3783 = arith.index_cast %get3A_3782 : i32 to index
    %get3A_3784 = arith.constant 96 : index
    %get3A_3785 = tpu.vector_load %arg8[%get3A_3783, %get3A_3784] {strides = array<i32>} : memref<26x128xf32, #tpu.memory_space<vmem>>, vector<16xf32>,
    %add3A_3786 = arith.addf %add3A_3781, %get3A_3785 : vector<16xf32>
    %get3A_3787 = arith.constant 25 : i32
    %get3A_3788 = arith.index_cast %get3A_3787 : i32 to index
    %get3A_3789 = arith.constant 96 : index
    %get3A_3790 = tpu.vector_load %arg8[%get3A_3788, %get3A_3789] {strides = array<i32>} : memref<26x128xf32, #tpu.memory_space<vmem>>, vector<16xf32>,
    %add3A_3791 = arith.addf %add3A_3786, %get3A_3790 : vector<16xf32>
    %neg3A_3792 = arith.constant 0.000000e+00 : f32
    %neg3A_3793 = vector.broadcast %neg3A_3792 : f32 to vector<16xf32>
    %neg3A_3794 = arith.subf %neg3A_3793, %add3A_3791 : vector<16xf32>
    %exp3A_3795 = math.exp %neg3A_3794 : vector<16xf32>
    %add3A_3796 = arith.constant 1.000000e+00 : f32
    %add3A_3797 = vector.broadcast %add3A_3796 : f32 to vector<16xf32>
    %add3A_3798 = arith.addf %add3A_3797, %exp3A_3795 : vector<16xf32>
    %div3A_3799 = arith.constant 1.000000e+00 : f32
    %div3A_3800 = vector.broadcast %div3A_3799 : f32 to vector<16xf32>
    %div3A_3801 = arith.divf %div3A_3800, %add3A_3798 : vector<16xf32>
    %swap3A_3802 = arith.constant 96 : index
    %swap3A_3803 = tpu.vector_load %arg9[%swap3A_3802] {strides = array<i32>} : memref<128xf32, #tpu.memory_space<vmem>>, vector<16xf32>,
    tpu.vector_store %arg9[%swap3A_3802], %div3A_3801 {strides = array<i32>} : memref<128xf32, #tpu.memory_space<vmem>>, vector<16xf32>,
    %get3A_3804 = arith.constant 0 : i32
    %get3A_3805 = arith.index_cast %get3A_3804 : i32 to index
    %get3A_3806 = arith.constant 112 : index
    %get3A_3807 = tpu.vector_load %arg8[%get3A_3805, %get3A_3806] {strides = array<i32>} : memref<26x128xf32, #tpu.memory_space<vmem>>, vector<16xf32>,
    %add3A_3808 = arith.addf %get3A_2812, %get3A_3807 : vector<16xf32>
    %get3A_3809 = arith.constant 1 : i32
    %get3A_3810 = arith.index_cast %get3A_3809 : i32 to index
    %get3A_3811 = arith.constant 112 : index
    %get3A_3812 = tpu.vector_load %arg8[%get3A_3810, %get3A_3811] {strides = array<i32>} : memref<26x128xf32, #tpu.memory_space<vmem>>, vector<16xf32>,
    %add3A_3813 = arith.addf %add3A_3808, %get3A_3812 : vector<16xf32>
    %get3A_3814 = arith.constant 2 : i32
    %get3A_3815 = arith.index_cast %get3A_3814 : i32 to index
    %get3A_3816 = arith.constant 112 : index
    %get3A_3817 = tpu.vector_load %arg8[%get3A_3815, %get3A_3816] {strides = array<i32>} : memref<26x128xf32, #tpu.memory_space<vmem>>, vector<16xf32>,
    %add3A_3818 = arith.addf %add3A_3813, %get3A_3817 : vector<16xf32>
    %get3A_3819 = arith.constant 3 : i32
    %get3A_3820 = arith.index_cast %get3A_3819 : i32 to index
    %get3A_3821 = arith.constant 112 : index
    %get3A_3822 = tpu.vector_load %arg8[%get3A_3820, %get3A_3821] {strides = array<i32>} : memref<26x128xf32, #tpu.memory_space<vmem>>, vector<16xf32>,
    %add3A_3823 = arith.addf %add3A_3818, %get3A_3822 : vector<16xf32>
    %get3A_3824 = arith.constant 4 : i32
    %get3A_3825 = arith.index_cast %get3A_3824 : i32 to index
    %get3A_3826 = arith.constant 112 : index
    %get3A_3827 = tpu.vector_load %arg8[%get3A_3825, %get3A_3826] {strides = array<i32>} : memref<26x128xf32, #tpu.memory_space<vmem>>, vector<16xf32>,
    %add3A_3828 = arith.addf %add3A_3823, %get3A_3827 : vector<16xf32>
    %get3A_3829 = arith.constant 5 : i32
    %get3A_3830 = arith.index_cast %get3A_3829 : i32 to index
    %get3A_3831 = arith.constant 112 : index
    %get3A_3832 = tpu.vector_load %arg8[%get3A_3830, %get3A_3831] {strides = array<i32>} : memref<26x128xf32, #tpu.memory_space<vmem>>, vector<16xf32>,
    %add3A_3833 = arith.addf %add3A_3828, %get3A_3832 : vector<16xf32>
    %get3A_3834 = arith.constant 6 : i32
    %get3A_3835 = arith.index_cast %get3A_3834 : i32 to index
    %get3A_3836 = arith.constant 112 : index
    %get3A_3837 = tpu.vector_load %arg8[%get3A_3835, %get3A_3836] {strides = array<i32>} : memref<26x128xf32, #tpu.memory_space<vmem>>, vector<16xf32>,
    %add3A_3838 = arith.addf %add3A_3833, %get3A_3837 : vector<16xf32>
    %get3A_3839 = arith.constant 7 : i32
    %get3A_3840 = arith.index_cast %get3A_3839 : i32 to index
    %get3A_3841 = arith.constant 112 : index
    %get3A_3842 = tpu.vector_load %arg8[%get3A_3840, %get3A_3841] {strides = array<i32>} : memref<26x128xf32, #tpu.memory_space<vmem>>, vector<16xf32>,
    %add3A_3843 = arith.addf %add3A_3838, %get3A_3842 : vector<16xf32>
    %get3A_3844 = arith.constant 8 : i32
    %get3A_3845 = arith.index_cast %get3A_3844 : i32 to index
    %get3A_3846 = arith.constant 112 : index
    %get3A_3847 = tpu.vector_load %arg8[%get3A_3845, %get3A_3846] {strides = array<i32>} : memref<26x128xf32, #tpu.memory_space<vmem>>, vector<16xf32>,
    %add3A_3848 = arith.addf %add3A_3843, %get3A_3847 : vector<16xf32>
    %get3A_3849 = arith.constant 9 : i32
    %get3A_3850 = arith.index_cast %get3A_3849 : i32 to index
    %get3A_3851 = arith.constant 112 : index
    %get3A_3852 = tpu.vector_load %arg8[%get3A_3850, %get3A_3851] {strides = array<i32>} : memref<26x128xf32, #tpu.memory_space<vmem>>, vector<16xf32>,
    %add3A_3853 = arith.addf %add3A_3848, %get3A_3852 : vector<16xf32>
    %get3A_3854 = arith.constant 10 : i32
    %get3A_3855 = arith.index_cast %get3A_3854 : i32 to index
    %get3A_3856 = arith.constant 112 : index
    %get3A_3857 = tpu.vector_load %arg8[%get3A_3855, %get3A_3856] {strides = array<i32>} : memref<26x128xf32, #tpu.memory_space<vmem>>, vector<16xf32>,
    %add3A_3858 = arith.addf %add3A_3853, %get3A_3857 : vector<16xf32>
    %get3A_3859 = arith.constant 11 : i32
    %get3A_3860 = arith.index_cast %get3A_3859 : i32 to index
    %get3A_3861 = arith.constant 112 : index
    %get3A_3862 = tpu.vector_load %arg8[%get3A_3860, %get3A_3861] {strides = array<i32>} : memref<26x128xf32, #tpu.memory_space<vmem>>, vector<16xf32>,
    %add3A_3863 = arith.addf %add3A_3858, %get3A_3862 : vector<16xf32>
    %get3A_3864 = arith.constant 12 : i32
    %get3A_3865 = arith.index_cast %get3A_3864 : i32 to index
    %get3A_3866 = arith.constant 112 : index
    %get3A_3867 = tpu.vector_load %arg8[%get3A_3865, %get3A_3866] {strides = array<i32>} : memref<26x128xf32, #tpu.memory_space<vmem>>, vector<16xf32>,
    %add3A_3868 = arith.addf %add3A_3863, %get3A_3867 : vector<16xf32>
    %get3A_3869 = arith.constant 13 : i32
    %get3A_3870 = arith.index_cast %get3A_3869 : i32 to index
    %get3A_3871 = arith.constant 112 : index
    %get3A_3872 = tpu.vector_load %arg8[%get3A_3870, %get3A_3871] {strides = array<i32>} : memref<26x128xf32, #tpu.memory_space<vmem>>, vector<16xf32>,
    %add3A_3873 = arith.addf %add3A_3868, %get3A_3872 : vector<16xf32>
    %get3A_3874 = arith.constant 14 : i32
    %get3A_3875 = arith.index_cast %get3A_3874 : i32 to index
    %get3A_3876 = arith.constant 112 : index
    %get3A_3877 = tpu.vector_load %arg8[%get3A_3875, %get3A_3876] {strides = array<i32>} : memref<26x128xf32, #tpu.memory_space<vmem>>, vector<16xf32>,
    %add3A_3878 = arith.addf %add3A_3873, %get3A_3877 : vector<16xf32>
    %get3A_3879 = arith.constant 15 : i32
    %get3A_3880 = arith.index_cast %get3A_3879 : i32 to index
    %get3A_3881 = arith.constant 112 : index
    %get3A_3882 = tpu.vector_load %arg8[%get3A_3880, %get3A_3881] {strides = array<i32>} : memref<26x128xf32, #tpu.memory_space<vmem>>, vector<16xf32>,
    %add3A_3883 = arith.addf %add3A_3878, %get3A_3882 : vector<16xf32>
    %get3A_3884 = arith.constant 16 : i32
    %get3A_3885 = arith.index_cast %get3A_3884 : i32 to index
    %get3A_3886 = arith.constant 112 : index
    %get3A_3887 = tpu.vector_load %arg8[%get3A_3885, %get3A_3886] {strides = array<i32>} : memref<26x128xf32, #tpu.memory_space<vmem>>, vector<16xf32>,
    %add3A_3888 = arith.addf %add3A_3883, %get3A_3887 : vector<16xf32>
    %get3A_3889 = arith.constant 17 : i32
    %get3A_3890 = arith.index_cast %get3A_3889 : i32 to index
    %get3A_3891 = arith.constant 112 : index
    %get3A_3892 = tpu.vector_load %arg8[%get3A_3890, %get3A_3891] {strides = array<i32>} : memref<26x128xf32, #tpu.memory_space<vmem>>, vector<16xf32>,
    %add3A_3893 = arith.addf %add3A_3888, %get3A_3892 : vector<16xf32>
    %get3A_3894 = arith.constant 18 : i32
    %get3A_3895 = arith.index_cast %get3A_3894 : i32 to index
    %get3A_3896 = arith.constant 112 : index
    %get3A_3897 = tpu.vector_load %arg8[%get3A_3895, %get3A_3896] {strides = array<i32>} : memref<26x128xf32, #tpu.memory_space<vmem>>, vector<16xf32>,
    %add3A_3898 = arith.addf %add3A_3893, %get3A_3897 : vector<16xf32>
    %get3A_3899 = arith.constant 19 : i32
    %get3A_3900 = arith.index_cast %get3A_3899 : i32 to index
    %get3A_3901 = arith.constant 112 : index
    %get3A_3902 = tpu.vector_load %arg8[%get3A_3900, %get3A_3901] {strides = array<i32>} : memref<26x128xf32, #tpu.memory_space<vmem>>, vector<16xf32>,
    %add3A_3903 = arith.addf %add3A_3898, %get3A_3902 : vector<16xf32>
    %get3A_3904 = arith.constant 20 : i32
    %get3A_3905 = arith.index_cast %get3A_3904 : i32 to index
    %get3A_3906 = arith.constant 112 : index
    %get3A_3907 = tpu.vector_load %arg8[%get3A_3905, %get3A_3906] {strides = array<i32>} : memref<26x128xf32, #tpu.memory_space<vmem>>, vector<16xf32>,
    %add3A_3908 = arith.addf %add3A_3903, %get3A_3907 : vector<16xf32>
    %get3A_3909 = arith.constant 21 : i32
    %get3A_3910 = arith.index_cast %get3A_3909 : i32 to index
    %get3A_3911 = arith.constant 112 : index
    %get3A_3912 = tpu.vector_load %arg8[%get3A_3910, %get3A_3911] {strides = array<i32>} : memref<26x128xf32, #tpu.memory_space<vmem>>, vector<16xf32>,
    %add3A_3913 = arith.addf %add3A_3908, %get3A_3912 : vector<16xf32>
    %get3A_3914 = arith.constant 22 : i32
    %get3A_3915 = arith.index_cast %get3A_3914 : i32 to index
    %get3A_3916 = arith.constant 112 : index
    %get3A_3917 = tpu.vector_load %arg8[%get3A_3915, %get3A_3916] {strides = array<i32>} : memref<26x128xf32, #tpu.memory_space<vmem>>, vector<16xf32>,
    %add3A_3918 = arith.addf %add3A_3913, %get3A_3917 : vector<16xf32>
    %get3A_3919 = arith.constant 23 : i32
    %get3A_3920 = arith.index_cast %get3A_3919 : i32 to index
    %get3A_3921 = arith.constant 112 : index
    %get3A_3922 = tpu.vector_load %arg8[%get3A_3920, %get3A_3921] {strides = array<i32>} : memref<26x128xf32, #tpu.memory_space<vmem>>, vector<16xf32>,
    %add3A_3923 = arith.addf %add3A_3918, %get3A_3922 : vector<16xf32>
    %get3A_3924 = arith.constant 24 : i32
    %get3A_3925 = arith.index_cast %get3A_3924 : i32 to index
    %get3A_3926 = arith.constant 112 : index
    %get3A_3927 = tpu.vector_load %arg8[%get3A_3925, %get3A_3926] {strides = array<i32>} : memref<26x128xf32, #tpu.memory_space<vmem>>, vector<16xf32>,
    %add3A_3928 = arith.addf %add3A_3923, %get3A_3927 : vector<16xf32>
    %get3A_3929 = arith.constant 25 : i32
    %get3A_3930 = arith.index_cast %get3A_3929 : i32 to index
    %get3A_3931 = arith.constant 112 : index
    %get3A_3932 = tpu.vector_load %arg8[%get3A_3930, %get3A_3931] {strides = array<i32>} : memref<26x128xf32, #tpu.memory_space<vmem>>, vector<16xf32>,
    %add3A_3933 = arith.addf %add3A_3928, %get3A_3932 : vector<16xf32>
    %neg3A_3934 = arith.constant 0.000000e+00 : f32
    %neg3A_3935 = vector.broadcast %neg3A_3934 : f32 to vector<16xf32>
    %neg3A_3936 = arith.subf %neg3A_3935, %add3A_3933 : vector<16xf32>
    %exp3A_3937 = math.exp %neg3A_3936 : vector<16xf32>
    %add3A_3938 = arith.constant 1.000000e+00 : f32
    %add3A_3939 = vector.broadcast %add3A_3938 : f32 to vector<16xf32>
    %add3A_3940 = arith.addf %add3A_3939, %exp3A_3937 : vector<16xf32>
    %div3A_3941 = arith.constant 1.000000e+00 : f32
    %div3A_3942 = vector.broadcast %div3A_3941 : f32 to vector<16xf32>
    %div3A_3943 = arith.divf %div3A_3942, %add3A_3940 : vector<16xf32>
    %swap3A_3944 = arith.constant 112 : index
    %swap3A_3945 = tpu.vector_load %arg9[%swap3A_3944] {strides = array<i32>} : memref<128xf32, #tpu.memory_space<vmem>>, vector<16xf32>,
    tpu.vector_store %arg9[%swap3A_3944], %div3A_3943 {strides = array<i32>} : memref<128xf32, #tpu.memory_space<vmem>>, vector<16xf32>,
    "tpu.region"() ({
      %run_scoped3A = tpu.sem_alloc : memref<!tpu.dma_semaphore, #tpu.memory_space<semaphore_mem>>
      %dma_start3A_3946 = tpu.memref_slice %arg5[%mul3A_2] : memref<4096xf32, #tpu.memory_space<hbm>> -> memref<128xf32, #tpu.memory_space<hbm>>
      %dma_start3A_3947 = tpu.memref_slice %arg5[%mul3A_2] : memref<4096xf32, #tpu.memory_space<hbm>> -> memref<128xf32, #tpu.memory_space<hbm>>
      tpu.enqueue_dma source(%arg9 : memref<128xf32, #tpu.memory_space<vmem>>) target(%dma_start3A_3947 : memref<128xf32, #tpu.memory_space<hbm>>) target_semaphore(%run_scoped3A : memref<!tpu.dma_semaphore, #tpu.memory_space<semaphore_mem>>)
      %dma_wait3A_3948 = tpu.memref_slice %arg5[%mul3A_2] : memref<4096xf32, #tpu.memory_space<hbm>> -> memref<128xf32, #tpu.memory_space<hbm>>
      %dma_wait3A_3949 = tpu.memref_slice %arg5[%mul3A_2] : memref<4096xf32, #tpu.memory_space<hbm>> -> memref<128xf32, #tpu.memory_space<hbm>>
      tpu.wait_dma2 semaphore(%run_scoped3A : memref<!tpu.dma_semaphore, #tpu.memory_space<semaphore_mem>>) src(%arg9 : memref<128xf32, #tpu.memory_space<vmem>>) dst(%dma_wait3A_3949 : memref<128xf32, #tpu.memory_space<hbm>>)
      tpu.yield
    }) : () -> ()
    return
  }
}

</mosaic_0001>

<sc_bundles>
// kernel: _lr_sc.3.cloned.1.call-start
scs
__scs_entry_jumppad:
0x0: {  	(pc) =	sbr.rel $0x88, $3  }
0x1: {  	(tag) =	ssettag $0x0;
	lr =	simm.s32 $0x1  }
0x2: {  	[smem:$0x3F9E] =	sst lr;
	_ =	strace $0xD0000000  }
0x3: {  	_ = 	snop  }
0x4: {  	_ = 	snop  }
0x5: {  	_ = 	snop  }
0x6: {  	_ = 	snop  }
0x7: {  	_ = 	snop  }
__scs_overlays_trampoline_lowered:
0x8: {  	[smem:$0x3FAD] =	sst s0  }
0x9: {  	[smem:$0x3FAE] =	sst s1  }
0xa: {  	[smem:$0x3FAF] =	sst s2  }
0xb: {  	[smem:$0x3FB0] =	sst s3  }
0xc: {  	[smem:$0x3FB1] =	sst s4  }
0xd: {  	[smem:$0x3FB2] =	sst s5  }
0xe: {  	[smem:$0x3FB3] =	sst s6  }
0xf: {  	[smem:$0x3FB4] =	sst s7  }
0x10: {  	[smem:$0x3FB5] =	sst s8  }
0x11: {  	[smem:$0x3FB6] =	sst s9;
	s0 =	simm.s32 @!p0 $0x0  }
0x12: {  	s1 =	sld [smem:$0x3F9C];
	s0 =	simm.s32 @p0 $0x1  }
0x13: {  	[smem:$0x3FB7] =	sst s0;
	s0 =	simm.s32 @!p1 $0x0  }
0x14: {  	s2 =	sld [smem:$0x3F9B];
	s0 =	simm.s32 @p1 $0x1  }
0x15: {  	[smem:$0x3FB8] =	sst s0;
	s0 =	simm.s32 @!p2 $0x0  }
0x16: {  	s3 =	sld [smem:$0x3FDB];
	s0 =	simm.s32 @p2 $0x1  }
0x17: {  	s4 =	simm.s32 $0x1BF5;
	[smem:$0x3FBA] =	sst s0  }
0x18: {  	s0 =	sld [smem:$0x3F9D];
	_ =	swait.ge [sflag:s4], $0x0  }
0x19: {  	s7 =	sld [smem:$0x3F9E]  }
0x1a: {  	s8 =	sadd.s32 $0xFFFFE003, lr  }
0x1b: {  	s9 =	sadd.s32 $0xFFFFFEF7, lr;
	s5 =	simm.s32 $0xFFFFFFFF;
	p2 =	slt.u32 s8, $0xFFFFF086  }
0x1c: {  	p1 =	slt.u32 s9, $0xF7A;
	s5 =	simm.s32 @!p2 $0x0  }
0x1d: {  	s5 =	simm.s32 @p1 $0x1;
	p0 =	seq.s32 s7, s2  }
0x1e: {  	s7 =	smul.u32 @!p0 $0xF7A, s2;
	p2 =	seq.s32 @!p0 s5, $0x0  }
0x1f: {  	s9 =	smul.u32 $0xF7A, s1;
	s8 =	simm.s32 @!p0 $0x1BF5;
	p2 =	por !p2, p0  }
0x20: {  	[sflag:s8] =	ssyncset.s32 @!p0 $0xFFFFF086;
	s6 =	sadd.s32 @!p0 s3, s7;
	s7 =	simm.s32 @!p0 $0x108  }
0x21: {  	s3 =	sadd.s32 s3, s9;
	s6 =	sadd.s32 @!p0 $0x88, s6;
	s7 =	simm.s32 @p2 $0x1082  }
0x22: {  	[simem:s7], [sflag:s8] =	dma.local @!p0 [hbm:s6], $0xF7A  }
0x23: {  	s9 =	sor.u32 $0xD0000000, s2;
	s6 =	simm.s32 $0x108;
	_ =	swait.ge @!p0 [sflag:s8], $0x0  }
0x24: {  	s3 =	sadd.s32 $0x88, s3;
	s6 =	simm.s32 @!p1 $0x1082;
	[sflag:s4] =	ssyncset.s32 $0xFFFFF086  }
0x25: {  	[simem:s6], [sflag:s4] =	dma.local [hbm:s3], $0xF7A  }
0x26: {  	[smem:$0x3F9E] =	sst s1;
	(tag) =	ssettag s2;
	_ =	strace s9  }
0x27: {  	s1 =	sld [smem:$0x3FAE]  }
0x28: {  	s2 =	sld [smem:$0x3FAF]  }
0x29: {  	s4 =	sld [smem:$0x3FB1]  }
0x2a: {  	p0 =	seq.s32 s5, $0x0;
	s5 =	sld [smem:$0x3FB2]  }
0x2b: {  	s6 =	sld [smem:$0x3FB3]  }
0x2c: {  	s7 =	sld [smem:$0x3FB4]  }
0x2d: {  	s3 =	simm.s32 $0x108;
	s8 =	sld [smem:$0x3FB5]  }
0x2e: {  	s3 =	simm.s32 @!p0 $0x1082;
	s9 =	sld [smem:$0x3FB6]  }
0x2f: {  	lr =	sadd.s32 s0, s3;
	s0 =	sld [smem:$0x3FAD]  }
0x30: {  	s3 =	sld [smem:$0x3FB0]  }
0x31: {  	[smem:$0x3FB9] =	sst s10  }
0x32: {  	s10 =	sld [smem:$0x3FB7];
	_ =	sdelay $0x3  }
0x33: {  	p0 =	seq.s32 s10, $0x1;
	s10 =	sld [smem:$0x3FB9];
	_ =	sdelay $0x3  }
0x34: {  	[smem:$0x3FB9] =	sst s10  }
0x35: {  	s10 =	sld [smem:$0x3FB8];
	_ =	sdelay $0x3  }
0x36: {  	p1 =	seq.s32 s10, $0x1;
	s10 =	sld [smem:$0x3FB9];
	_ =	sdelay $0x3  }
0x37: {  	[smem:$0x3FB9] =	sst s10  }
0x38: {  	s10 =	sld [smem:$0x3FBA]  }
0x39: {  	_ = 	snop;
	(pc) =	sbr.ind lr, $3  }
0x3a: {  	_ = 	snop  }
0x3b: {  	_ = 	snop  }
0x3c: {  	p2 =	seq.s32 s10, $0x1;
	s10 =	sld [smem:$0x3FB9]  }
0x3d: {  	_ =	shalt  }
0x3e: {  	_ =	shalt  }
0x3f: {  	_ =	shalt  }
0x40: {  	_ =	shalt  }
0x41: {  	_ =	shalt  }
0x42: {  	_ =	shalt  }
0x43: {  	_ =	shalt  }
0x44: {  	_ =	shalt  }
0x45: {  	_ =	shalt  }
0x46: {  	_ =	shalt  }
0x47: {  	_ =	shalt  }
0x48: {  	_ =	shalt  }
0x49: {  	_ =	shalt  }
0x4a: {  	_ =	shalt  }
0x4b: {  	_ =	shalt  }
0x4c: {  	_ =	shalt  }
0x4d: {  	_ =	shalt  }
0x4e: {  	_ =	shalt  }
0x4f: {  	_ =	shalt  }
0x50: {  	_ =	shalt  }
0x51: {  	_ =	shalt  }
0x52: {  	_ =	shalt  }
0x53: {  	_ =	shalt  }
0x54: {  	_ =	shalt  }
0x55: {  	_ =	shalt  }
0x56: {  	_ =	shalt  }
0x57: {  	_ =	shalt  }
0x58: {  	_ =	shalt  }
0x59: {  	_ =	shalt  }
0x5a: {  	_ =	shalt  }
0x5b: {  	_ =	shalt  }
0x5c: {  	_ =	shalt  }
0x5d: {  	_ =	shalt  }
0x5e: {  	_ =	shalt  }
0x5f: {  	_ =	shalt  }
0x60: {  	_ =	shalt  }
0x61: {  	_ =	shalt  }
0x62: {  	_ =	shalt  }
0x63: {  	_ =	shalt  }
0x64: {  	_ =	shalt  }
0x65: {  	_ =	shalt  }
0x66: {  	_ =	shalt  }
0x67: {  	_ =	shalt  }
0x68: {  	_ =	shalt  }
0x69: {  	_ =	shalt  }
0x6a: {  	_ =	shalt  }
0x6b: {  	_ =	shalt  }
0x6c: {  	_ =	shalt  }
0x6d: {  	_ =	shalt  }
0x6e: {  	_ =	shalt  }
0x6f: {  	_ =	shalt  }
0x70: {  	_ =	shalt  }
0x71: {  	_ =	shalt  }
0x72: {  	_ =	shalt  }
0x73: {  	_ =	shalt  }
0x74: {  	_ =	shalt  }
0x75: {  	_ =	shalt  }
0x76: {  	_ =	shalt  }
0x77: {  	_ =	shalt  }
0x78: {  	_ =	shalt  }
0x79: {  	_ =	shalt  }
0x7a: {  	_ =	shalt  }
0x7b: {  	_ =	shalt  }
0x7c: {  	_ =	shalt  }
0x7d: {  	_ =	shalt  }
0x7e: {  	_ =	shalt  }
0x7f: {  	_ =	shalt  }
0x80: {  	_ =	shalt  }
0x81: {  	_ =	shalt  }
0x82: {  	_ =	shalt  }
0x83: {  	_ =	shalt  }
0x84: {  	_ =	shalt  }
0x85: {  	_ =	shalt  }
0x86: {  	_ =	shalt  }
0x87: {  	_ =	shalt  }
.Lfunc_end0:
.L_simem_size_0:
called_computation_lowered:
.L_overlay_start_0:
0x88: {  	s2 =	sld [smem:$0x3FD9]  }
0x89: {  	s3 =	sld [smem:$0x3FFE];
	_ =	sdelay $0x1  }
0x8a: {  	s1 =	srdreg.scid  }
0x8b: {  	s0 =	sand.u32 $0x1, s1  }
0x8c: {  	s18 =	sshll.u32 s0, $0xA;
	s2 =	sadd.s32 s3, s2  }
0x8d: {  	s2 =	sadd.s32 s2, s18  }
0x8e: {  	[smem:$0x3FC5] =	sst s2  }
0x8f: {  	_ = 	snop  }
0x90: {  	s2 =	sld [smem:$0x3FC9]  }
0x91: {  	s19 =	sld [smem:$0x3FC8]  }
0x92: {  	s4 =	sld [smem:$0x3FC7]  }
0x93: {  	s5 =	sld [smem:$0x3FD0];
	(tm) =	ssettm $0x1  }
0x94: {  	s6 =	sld [smem:$0x3FFB];
	_ =	sdelay $0x3  }
0x95: {  	_ =	strace s6  }
0x96: {  	s6 =	sld [smem:$0x3FFC];
	_ =	sdelay $0x3  }
0x97: {  	_ =	strace s6  }
0x98: {  	s6 =	sld [smem:$0x3FFD];
	_ =	sdelay $0x3  }
0x99: {  	_ =	strace s6  }
0x9a: {  	_ =	strace $0x8FFFFFFF  }
0x9b: {  	s20 =	sld [smem:$0x3FDB];
	_ =	sdelay $0x1  }
0x9c: {  	s7 =	simm.s32 $_scs_section_size  }
0x9d: {  	s8 =	simm.s32 $_size__tile_overlayer_lowered;
	s9 =	simm.s32 $_tile_overlayer_lowered  }
0x9e: {  	s23 =	simm.s32 $0x1BFF;
	s22 =	sshll.u32 s9, $0x1;
	s6 =	sadd.s32 s7, s20  }
0x9f: {  	s10 =	simm.s32 $0x0;
	s21 =	sshll.u32 s8, $0x1;
	s8 =	sadd.s32 s22, s6  }
0xa0: {  	[timem:s10], [sflag:s23] =	dma.local [hbm:s8], s21  }
0xa1: {  	_ =	swait.ge [sflag:s23], s21  }
0xa2: {  	s7 =	ssub.s32 $0x0, s21;
	[sflag:s23] =	ssyncset.done $0x0  }
0xa3: {  	[sflag:s23] =	ssyncadd.s32 s7;
	_ =	sdelay $0x1  }
0xa4: {  	s24 =	simm.s32 $0x1B8B  }
0xa5: {  	_ =	swait.ge [sflag:s24], $0x1  }
0xa6: {  	[sflag:s24] =	ssyncset.done $0x0  }
0xa7: {  	s25 =	simm.s32 $0x1B8E;
	[sflag:s24] =	ssyncadd.s32 $0xFFFFFFFF  }
0xa8: {  	s26 =	simm.s32 $execute0_lowered;
	[smem:$0x3FD2] =	sst s25  }
0xa9: {  	s7 =	sshll.u32 s26, $0x1;
	_ =	strace $0x80000046;
	[dreg:$0x1] =	wrdreg $0xFFFFFFFF  }
0xaa: {  	s28 =	simm.s32 $_size_execute0_lowered;
	s6 =	sadd.s32 s6, s7;
	[dreg:$0x0] =	wrdreg $0x0  }
0xab: {  	s7 =	sshll.u32 s28, $0x1;
	[dreg:$0x2] =	wrdreg s6  }
0xac: {  	[dreg:$0x3] =	wrdreg s7  }
0xad: {  	[dreg:$0x4] =	wrdreg $0xC0  }
0xae: {  	_ =	task [dreg:s10], $0x5FFFF  }
0xaf: {  	[dreg:$0x1] =	wrdreg $0xFFFFFFFF  }
0xb0: {  	[dreg:$0x0] =	wrdreg $0x60  }
0xb1: {  	[dreg:$0x2] =	wrdreg s2  }
0xb2: {  	[dreg:$0x3] =	wrdreg s19  }
0xb3: {  	[dreg:$0x4] =	wrdreg s4  }
0xb4: {  	[dreg:$0x5] =	wrdreg s5  }
0xb5: {  	[dreg:$0x6] =	wrdreg $0x9  }
0xb6: {  	_ =	task.clear_ibuf [dreg:s10], $0x7FFFF;
	_ =	strace $0x90000046  }
0xb7: {  	s29 =	simm.s32 $0x9;
	_ =	strace $0x80000048  }
0xb8: {  	_ =	swait.ge [sflag:s29], $0x1  }
0xb9: {  	[sflag:s29] =	ssyncadd.s32 $0xFFFFFFFF  }
0xba: {  	_ =	strace $0x90000048  }
0xbb: {  	_ =	sfence  }
0xbc: {  	s30 =	sld [smem:$0x0];
	_ =	sdelay $0x2  }
0xbd: {  	s31 =	sshll.u32 s1, $0xD;
	s1 =	sshrl.u32 s1, $0x2  }
0xbe: {  	s3 =	sand.u32 $0x4000, s31;
	s1 =	sadd.s32 s1, s30  }
0xbf: {  	s0 =	sor.u32 s3, s0;
	s1 =	sshll.u32 s1, $0x11  }
0xc0: {  	s0 =	sor.u32 s1, s0  }
0xc1: {  	s0 =	sadd.s32 $0x8F2B, s0  }
0xc2: {  	[sflag:s0] =	ssyncadd.remote.s32 $0x1  }
0xc3: {  	_ =	sfence.sel $0xFFFF  }
0xc4: {  	[dreg:$0x0] =	wrdreg $0xFFFFFFFF;
	(pc) =	sbr.abs _section_cstart, $3  }
0xc5: {  	[dreg:$0x1] =	wrdreg $0xFFFFFFFF  }
0xc6: {  	_ =	task.clear_ibuf [dreg:s10], $0x2FFFF;
	_ =	strace $0x9FFFFFFF  }
0xc7: {  	(tm) =	ssettm $0x7FFFFFFF  }
tec
execute0_lowered:
.L_overlay_start_1:
0x0: {  	(tag) =	ssettag $0x1  }
0x1: {  	s4 =	rddreg [dreg:$0x0]  }
0x2: {  	s1 =	rddreg [dreg:$0x1];
	v0 =	vlaneseq.u32  }
0x3: {  	s2 =	rddreg [dreg:$0x2];
	s3 =	srdreg.scid;
	v0 =	vmul.u32 $0x1A, v0  }
0x4: {  	[dreg:$0x5] =	wrdreg s2;
	s2 =	sand.u32 $0x1, s3;
	s3 =	simm.s32 $0x0  }
0x5: {  	[smem:$0x7FF] =	sst s3;
	v1 =	vadd.s32 $0x1A0, v0  }
0x6: {  	s5 =	rddreg [dreg:$0x3];
	_ =	strace $0x80000047;
	[tilespmem:$0x1FC10] =	vst v1;
	v1 =	vadd.s32 $0x340, v0  }
0x7: {  	[tilespmem:$0x1FC20] =	vst v1;
	v1 =	vadd.s32 $0x4E0, v0  }
0x8: {  	[tilespmem:$0x1FC30] =	vst v1;
	v1 =	vadd.s32 $0x680, v0  }
0x9: {  	[tilespmem:$0x1FC40] =	vst v1;
	v1 =	vadd.s32 $0x820, v0  }
0xa: {  	[tilespmem:$0x1FC50] =	vst v1;
	v1 =	vadd.s32 $0x9C0, v0  }
0xb: {  	[tilespmem:$0x1FC60] =	vst v1;
	v1 =	vadd.s32 $0xB60, v0  }
0xc: {  	[tilespmem:$0x1FC70] =	vst v1;
	v1 =	vor.u32 $0x1, v0  }
0xd: {  	[tilespmem:$0x1FC80] =	vst v1;
	v1 =	vadd.s32 $0x1A1, v0  }
0xe: {  	[tilespmem:$0x1FC90] =	vst v1;
	v1 =	vadd.s32 $0x341, v0  }
0xf: {  	[tilespmem:$0x1FCA0] =	vst v1;
	v1 =	vadd.s32 $0x4E1, v0  }
0x10: {  	[tilespmem:$0x1FCB0] =	vst v1;
	v1 =	vadd.s32 $0x681, v0  }
0x11: {  	[tilespmem:$0x1FCC0] =	vst v1;
	v1 =	vadd.s32 $0x821, v0  }
0x12: {  	[tilespmem:$0x1FCD0] =	vst v1;
	v1 =	vadd.s32 $0x9C1, v0  }
0x13: {  	[tilespmem:$0x1FCE0] =	vst v1;
	v1 =	vadd.s32 $0xB61, v0  }
0x14: {  	[tilespmem:$0x1FCF0] =	vst v1;
	v1 =	vadd.s32 $0x2, v0  }
0x15: {  	[tilespmem:$0x1FD00] =	vst v1;
	v1 =	vadd.s32 $0x1A2, v0  }
0x16: {  	[tilespmem:$0x1FD10] =	vst v1;
	v1 =	vadd.s32 $0x342, v0  }
0x17: {  	[tilespmem:$0x1FD20] =	vst v1;
	v1 =	vadd.s32 $0x4E2, v0  }
0x18: {  	[tilespmem:$0x1FD30] =	vst v1;
	v1 =	vadd.s32 $0x682, v0  }
0x19: {  	[tilespmem:$0x1FD40] =	vst v1;
	v1 =	vadd.s32 $0x822, v0  }
0x1a: {  	[tilespmem:$0x1FD50] =	vst v1;
	v1 =	vadd.s32 $0x9C2, v0  }
0x1b: {  	[tilespmem:$0x1FD60] =	vst v1;
	v1 =	vadd.s32 $0xB62, v0  }
0x1c: {  	[tilespmem:$0x1FD70] =	vst v1;
	v1 =	vadd.s32 $0x3, v0  }
0x1d: {  	[tilespmem:$0x1FD80] =	vst v1;
	v1 =	vadd.s32 $0x1A3, v0  }
0x1e: {  	[tilespmem:$0x1FD90] =	vst v1;
	v1 =	vadd.s32 $0x343, v0  }
0x1f: {  	[tilespmem:$0x1FDA0] =	vst v1;
	v1 =	vadd.s32 $0x4E3, v0  }
0x20: {  	s19 =	simm.s32 $0x2D80;
	[tilespmem:$0x1FDB0] =	vst v1;
	v1 =	vadd.s32 $0x683, v0  }
0x21: {  	s20 =	simm.s32 $0xD00;
	[dreg:$0x8] =	wrdreg s19;
	[tilespmem:$0x1FDC0] =	vst v1;
	v1 =	vadd.s32 $0x823, v0  }
0x22: {  	s21 =	simm.s32 $0x1D00;
	[dreg:$0x9] =	wrdreg s20;
	[tilespmem:$0x1FDD0] =	vst v1;
	v1 =	vadd.s32 $0x9C3, v0  }
0x23: {  	s22 =	simm.s32 $0xD80;
	[dreg:$0xa] =	wrdreg s21;
	[tilespmem:$0x1FDE0] =	vst v1;
	v1 =	vadd.s32 $0xB63, v0  }
0x24: {  	s23 =	simm.s32 $0x1D80;
	[dreg:$0xb] =	wrdreg s22;
	[tilespmem:$0x1FDF0] =	vst v1;
	v1 =	vadd.s32 $0x4, v0  }
0x25: {  	s24 =	simm.s32 $0xE00;
	[dreg:$0xc] =	wrdreg s23;
	[tilespmem:$0x1FE00] =	vst v1;
	v1 =	vadd.s32 $0x1A4, v0  }
0x26: {  	s25 =	simm.s32 $0x1E00;
	[dreg:$0xd] =	wrdreg s24;
	[tilespmem:$0x1FE10] =	vst v1;
	v1 =	vadd.s32 $0x344, v0  }
0x27: {  	s0 =	stileid.u32;
	s26 =	simm.s32 $0xE80;
	[dreg:$0xe] =	wrdreg s25;
	[tilespmem:$0x1FE20] =	vst v1;
	v1 =	vadd.s32 $0x4E4, v0  }
0x28: {  	s17 =	sshll.u32 s0, $0x1;
	s0 =	simm.s32 $0x1E80;
	[dreg:$0xf] =	wrdreg s26;
	[tilespmem:$0x1FE30] =	vst v1;
	v1 =	vadd.s32 $0x684, v0  }
0x29: {  	s8 =	simm.s32 $0x1F80;
	[dreg:$0x10] =	wrdreg s0;
	[tilespmem:$0x1FE40] =	vst v1;
	v1 =	vadd.s32 $0x824, v0  }
0x2a: {  	s9 =	simm.s32 $0x1000;
	[dreg:$0x14] =	wrdreg s8;
	[tilespmem:$0x1FE50] =	vst v1;
	v1 =	vadd.s32 $0x9C4, v0  }
0x2b: {  	s10 =	simm.s32 $0x2000;
	[dreg:$0x15] =	wrdreg s9;
	[tilespmem:$0x1FE60] =	vst v1;
	v1 =	vadd.s32 $0xB64, v0  }
0x2c: {  	s11 =	simm.s32 $0x1080;
	[dreg:$0x16] =	wrdreg s10;
	[tilespmem:$0x1FE70] =	vst v1;
	v1 =	vadd.s32 $0x5, v0  }
0x2d: {  	s12 =	simm.s32 $0x2080;
	s13 =	simm.s32 $0x1100;
	[dreg:$0x17] =	wrdreg s11;
	[tilespmem:$0x1FE80] =	vst v1;
	v1 =	vadd.s32 $0x1A5, v0  }
0x2e: {  	s14 =	simm.s32 $0x2100;
	s15 =	simm.s32 $0x1180;
	[dreg:$0x18] =	wrdreg s12;
	[tilespmem:$0x1FE90] =	vst v1;
	v1 =	vadd.s32 $0x345, v0  }
0x2f: {  	s16 =	simm.s32 $0x2180;
	s28 =	simm.s32 $0x2900;
	[dreg:$0x19] =	wrdreg s13;
	[tilespmem:$0x1FEA0] =	vst v1;
	v1 =	vadd.s32 $0x4E5, v0  }
0x30: {  	s29 =	simm.s32 $0x1980;
	s30 =	simm.s32 $0x2980;
	[dreg:$0x1a] =	wrdreg s14;
	[tilespmem:$0x1FEB0] =	vst v1;
	v1 =	vadd.s32 $0x685, v0  }
0x31: {  	s31 =	simm.s32 $0x1;
	s6 =	sor.u32 s2, s17;
	[dreg:$0x1b] =	wrdreg s15;
	[tilespmem:$0x1FEC0] =	vst v1;
	v1 =	vadd.s32 $0x825, v0  }
0x32: {  	s17 =	simm.s32 $0x1200;
	s2 =	ssub.s32 $0x2, s2;
	[dreg:$0x1c] =	wrdreg s16;
	[tilespmem:$0x1FED0] =	vst v1;
	v1 =	vadd.s32 $0x9C5, v0  }
0x33: {  	s7 =	smul.u32 $0x1A0, s6;
	s6 =	sshll.u32 s6, $0x4;
	[dreg:$0x1d] =	wrdreg s17;
	[tilespmem:$0x1FEE0] =	vst v1;
	v1 =	vadd.s32 $0xB65, v0  }
0x34: {  	s19 =	simm.s32 $0x1280;
	s20 =	simm.s32 $0x2280;
	s21 =	simm.s32 $0x1300;
	[tilespmem:$0x1FEF0] =	vst v1;
	v1 =	vadd.s32 $0x6, v0  }
0x35: {  	s22 =	sshrl.u32 s2, $0x1;
	s23 =	simm.s32 $0x2300;
	s24 =	simm.s32 $0x1380;
	[tilespmem:$0x1FF00] =	vst v1;
	v1 =	vadd.s32 $0x1A6, v0  }
0x36: {  	s25 =	simm.s32 $0x2380;
	s26 =	simm.s32 $0x1400;
	s8 =	simm.s32 $0x1480;
	[tilespmem:$0x1FF10] =	vst v1;
	v1 =	vadd.s32 $0x346, v0  }
0x37: {  	s9 =	simm.s32 $0x2480;
	s10 =	simm.s32 $0x1500;
	[dreg:$0x1f] =	wrdreg s19;
	[tilespmem:$0x1FF20] =	vst v1;
	v1 =	vadd.s32 $0x4E6, v0  }
0x38: {  	s11 =	simm.s32 $0x2500;
	s12 =	simm.s32 $0x1580;
	[smem:$0x7F8] =	sst s20;
	[tilespmem:$0x1FF30] =	vst v1;
	v1 =	vadd.s32 $0x686, v0  }
0x39: {  	s13 =	simm.s32 $0x2580;
	s14 =	simm.s32 $0x1600;
	[smem:$0x7F9] =	sst s21;
	[tilespmem:$0x1FF40] =	vst v1;
	v1 =	vadd.s32 $0x826, v0  }
0x3a: {  	s15 =	simm.s32 $0x2600;
	s16 =	simm.s32 $0x1680;
	[smem:$0x7FA] =	sst s23;
	[tilespmem:$0x1FF50] =	vst v1;
	v1 =	vadd.s32 $0x9C6, v0  }
0x3b: {  	s17 =	simm.s32 $0x2680;
	s18 =	sadd.s32 s5, s6;
	[smem:$0x7FB] =	sst s24;
	[tilespmem:$0x1FF60] =	vst v1;
	v1 =	vadd.s32 $0xB66, v0  }
0x3c: {  	s5 =	simm.s32 $0xF00;
	s6 =	simm.s32 $0x1F00;
	[smem:$0x7FC] =	sst s25;
	[tilespmem:$0x1FF70] =	vst v1;
	v1 =	vadd.s32 $0x7, v0  }
0x3d: {  	s2 =	ssub.s32 s2, s22;
	[smem:$0x7FD] =	sst s26;
	s19 =	simm.s32 $0x2700;
	[tilespmem:$0x1FF80] =	vst v1;
	v1 =	vadd.s32 $0x1A7, v0  }
0x3e: {  	s20 =	simm.s32 $0x1780;
	s21 =	simm.s32 $0x2780;
	[dreg:$0x7] =	wrdreg s18;
	[tilespmem:$0x1FF90] =	vst v1;
	v1 =	vadd.s32 $0x347, v0  }
0x3f: {  	s22 =	simm.s32 $0x1800;
	s23 =	simm.s32 $0x2800;
	[dreg:$0x11] =	wrdreg s5;
	[tilespmem:$0x1FFA0] =	vst v1;
	v1 =	vadd.s32 $0x4E7, v0  }
0x40: {  	s24 =	simm.s32 $0x1880;
	s4 =	sadd.s32 s4, s7;
	[dreg:$0x12] =	wrdreg s6;
	[tilespmem:$0x1FFB0] =	vst v1;
	v1 =	vadd.s32 $0x687, v0  }
0x41: {  	s25 =	simm.s32 $0x2880;
	s7 =	simm.s32 $0xF80;
	[dreg:$0x6] =	wrdreg s4;
	[tilespmem:$0x1FFC0] =	vst v1;
	v1 =	vadd.s32 $0x827, v0  }
0x42: {  	s26 =	simm.s32 $0x1900;
	s18 =	simm.s32 $0x2200;
	[dreg:$0x13] =	wrdreg s7;
	[tilespmem:$0x1FFD0] =	vst v1;
	v1 =	vadd.s32 $0x9C7, v0  }
0x43: {  	s5 =	simm.s32 $0x2;
	s6 =	simm.s32 $0x80;
	[dreg:$0x1e] =	wrdreg s18;
	[tilespmem:$0x1FFE0] =	vst v1;
	v1 =	vadd.s32 $0xB67, v0  }
0x44: {  	s4 =	smax.u32 s2, $0x1;
	s18 =	simm.s32 $0x1700;
	s2 =	simm.s32 $0x2D00;
	[tilespmem:$0x1FFF0] =	vst v1  }
.LBB2_1:
0x45: {  	s0 =	rddreg [dreg:$0x6]  }
0x46: {  	[tilespmem:s3], [sflag:$0x2] =	stream.linear.gather [hbm4b:s0+s3], $0xD00, $0x38;
	[tilespmem:$0x2E00] =	vst v63  }
0x47: {  	_ =	swait.ge [sflag:s5], $0xD00  }
0x48: {  	s0 =	rddreg [dreg:$0x5];
	[sflag:s5] =	ssyncset.done $0x0  }
0x49: {  	s7 =	rddreg [dreg:$0x8];
	[sflag:s5] =	ssyncadd.s32 $0xFFFFF300  }
0x4a: {  	[tilespmem:s7], [sflag:$0x2] =	stream.linear.gather [hbm4b:s0+s3], $0x80, $0x38;
	[tilespmem:$0x2E00] =	vst v63  }
0x4b: {  	_ =	swait.ge [sflag:s5], $0x80  }
0x4c: {  	[sflag:s5] =	ssyncset.done $0x0  }
0x4d: {  	[sflag:s5] =	ssyncadd.s32 $0xFFFFFF80  }
0x4e: {  	v1 =	vld.idx.msk [tilespmem:v0+s3+$0x0], $0xffff;
	_ =	sdelay $0x4  }
0x4f: {  	[tilespmem:$0xD00] =	vst v1;
	v1 =	vld [tilespmem:$0x1FC10];
	_ =	sdelay $0x7  }
0x50: {  	v1 =	vld.idx.msk [tilespmem:v1+s3+$0x0], $0xffff;
	_ =	sdelay $0x4  }
0x51: {  	[tilespmem:$0xD10] =	vst v1;
	v1 =	vld [tilespmem:$0x1FC20];
	_ =	sdelay $0x7  }
0x52: {  	v1 =	vld.idx.msk [tilespmem:v1+s3+$0x0], $0xffff;
	_ =	sdelay $0x4  }
0x53: {  	[tilespmem:$0xD20] =	vst v1;
	v1 =	vld [tilespmem:$0x1FC30];
	_ =	sdelay $0x7  }
0x54: {  	v1 =	vld.idx.msk [tilespmem:v1+s3+$0x0], $0xffff;
	_ =	sdelay $0x4  }
0x55: {  	[tilespmem:$0xD30] =	vst v1;
	v1 =	vld [tilespmem:$0x1FC40];
	_ =	sdelay $0x7  }
0x56: {  	v1 =	vld.idx.msk [tilespmem:v1+s3+$0x0], $0xffff;
	_ =	sdelay $0x4  }
0x57: {  	[tilespmem:$0xD40] =	vst v1;
	v1 =	vld [tilespmem:$0x1FC50];
	_ =	sdelay $0x7  }
0x58: {  	v1 =	vld.idx.msk [tilespmem:v1+s3+$0x0], $0xffff;
	_ =	sdelay $0x4  }
0x59: {  	[tilespmem:$0xD50] =	vst v1;
	v1 =	vld [tilespmem:$0x1FC60];
	_ =	sdelay $0x7  }
0x5a: {  	v1 =	vld.idx.msk [tilespmem:v1+s3+$0x0], $0xffff;
	_ =	sdelay $0x4  }
0x5b: {  	[tilespmem:$0xD60] =	vst v1;
	v1 =	vld [tilespmem:$0x1FC70];
	_ =	sdelay $0x7  }
0x5c: {  	v1 =	vld.idx.msk [tilespmem:v1+s3+$0x0], $0xffff;
	_ =	sdelay $0x4  }
0x5d: {  	[tilespmem:$0xD70] =	vst v1;
	v1 =	vld [tilespmem:$0x1FC80];
	_ =	sdelay $0x4  }
0x5e: {  	s0 =	rddreg [dreg:$0x9]  }
0x5f: {  	s7 =	rddreg [dreg:$0xa]  }
0x60: {  	[tilespmem:s7], [sflag:$0x1] =	stream.indirect.gather [hbm4b:s1+s6], $0x1, s0, s6, $0xb8;
	[tilespmem:$0x2E00] =	vst v63  }
0x61: {  	v1 =	vld.idx.msk [tilespmem:v1+s3+$0x0], $0xffff;
	_ =	sdelay $0x4  }
0x62: {  	v1 =	vadd.s32 $0x186A0, v1  }
0x63: {  	[tilespmem:$0xD80] =	vst v1;
	v1 =	vld [tilespmem:$0x1FC90];
	_ =	sdelay $0x7  }
0x64: {  	v1 =	vld.idx.msk [tilespmem:v1+s3+$0x0], $0xffff;
	_ =	sdelay $0x4  }
0x65: {  	v1 =	vadd.s32 $0x186A0, v1  }
0x66: {  	[tilespmem:$0xD90] =	vst v1;
	v1 =	vld [tilespmem:$0x1FCA0];
	_ =	sdelay $0x7  }
0x67: {  	v1 =	vld.idx.msk [tilespmem:v1+s3+$0x0], $0xffff;
	_ =	sdelay $0x4  }
0x68: {  	v1 =	vadd.s32 $0x186A0, v1  }
0x69: {  	[tilespmem:$0xDA0] =	vst v1;
	v1 =	vld [tilespmem:$0x1FCB0];
	_ =	sdelay $0x7  }
0x6a: {  	v1 =	vld.idx.msk [tilespmem:v1+s3+$0x0], $0xffff;
	_ =	sdelay $0x4  }
0x6b: {  	v1 =	vadd.s32 $0x186A0, v1  }
0x6c: {  	[tilespmem:$0xDB0] =	vst v1;
	v1 =	vld [tilespmem:$0x1FCC0];
	_ =	sdelay $0x7  }
0x6d: {  	v1 =	vld.idx.msk [tilespmem:v1+s3+$0x0], $0xffff;
	_ =	sdelay $0x4  }
0x6e: {  	v1 =	vadd.s32 $0x186A0, v1  }
0x6f: {  	[tilespmem:$0xDC0] =	vst v1;
	v1 =	vld [tilespmem:$0x1FCD0];
	_ =	sdelay $0x7  }
0x70: {  	v1 =	vld.idx.msk [tilespmem:v1+s3+$0x0], $0xffff;
	_ =	sdelay $0x4  }
0x71: {  	v1 =	vadd.s32 $0x186A0, v1  }
0x72: {  	[tilespmem:$0xDD0] =	vst v1;
	v1 =	vld [tilespmem:$0x1FCE0];
	_ =	sdelay $0x7  }
0x73: {  	v1 =	vld.idx.msk [tilespmem:v1+s3+$0x0], $0xffff;
	_ =	sdelay $0x4  }
0x74: {  	v1 =	vadd.s32 $0x186A0, v1  }
0x75: {  	[tilespmem:$0xDE0] =	vst v1;
	v1 =	vld [tilespmem:$0x1FCF0];
	_ =	sdelay $0x7  }
0x76: {  	v1 =	vld.idx.msk [tilespmem:v1+s3+$0x0], $0xffff;
	_ =	sdelay $0x4  }
0x77: {  	v1 =	vadd.s32 $0x186A0, v1  }
0x78: {  	[tilespmem:$0xDF0] =	vst v1;
	v1 =	vld [tilespmem:$0x1FD00];
	_ =	sdelay $0x4  }
0x79: {  	s0 =	rddreg [dreg:$0xb]  }
0x7a: {  	s7 =	rddreg [dreg:$0xc]  }
0x7b: {  	[tilespmem:s7], [sflag:$0x1] =	stream.indirect.gather [hbm4b:s1+s6], $0x1, s0, s6, $0xb8;
	[tilespmem:$0x2E00] =	vst v63  }
0x7c: {  	v1 =	vld.idx.msk [tilespmem:v1+s3+$0x0], $0xffff;
	_ =	sdelay $0x4  }
0x7d: {  	v1 =	vadd.s32 $0x30D40, v1  }
0x7e: {  	[tilespmem:$0xE00] =	vst v1;
	v1 =	vld [tilespmem:$0x1FD10];
	_ =	sdelay $0x7  }
0x7f: {  	v1 =	vld.idx.msk [tilespmem:v1+s3+$0x0], $0xffff;
	_ =	sdelay $0x4  }
0x80: {  	v1 =	vadd.s32 $0x30D40, v1  }
0x81: {  	[tilespmem:$0xE10] =	vst v1;
	v1 =	vld [tilespmem:$0x1FD20];
	_ =	sdelay $0x7  }
0x82: {  	v1 =	vld.idx.msk [tilespmem:v1+s3+$0x0], $0xffff;
	_ =	sdelay $0x4  }
0x83: {  	v1 =	vadd.s32 $0x30D40, v1  }
0x84: {  	[tilespmem:$0xE20] =	vst v1;
	v1 =	vld [tilespmem:$0x1FD30];
	_ =	sdelay $0x7  }
0x85: {  	v1 =	vld.idx.msk [tilespmem:v1+s3+$0x0], $0xffff;
	_ =	sdelay $0x4  }
0x86: {  	v1 =	vadd.s32 $0x30D40, v1  }
0x87: {  	[tilespmem:$0xE30] =	vst v1;
	v1 =	vld [tilespmem:$0x1FD40];
	_ =	sdelay $0x7  }
0x88: {  	v1 =	vld.idx.msk [tilespmem:v1+s3+$0x0], $0xffff;
	_ =	sdelay $0x4  }
0x89: {  	v1 =	vadd.s32 $0x30D40, v1  }
0x8a: {  	[tilespmem:$0xE40] =	vst v1;
	v1 =	vld [tilespmem:$0x1FD50];
	_ =	sdelay $0x7  }
0x8b: {  	v1 =	vld.idx.msk [tilespmem:v1+s3+$0x0], $0xffff;
	_ =	sdelay $0x4  }
0x8c: {  	v1 =	vadd.s32 $0x30D40, v1  }
0x8d: {  	[tilespmem:$0xE50] =	vst v1;
	v1 =	vld [tilespmem:$0x1FD60];
	_ =	sdelay $0x7  }
0x8e: {  	v1 =	vld.idx.msk [tilespmem:v1+s3+$0x0], $0xffff;
	_ =	sdelay $0x4  }
0x8f: {  	v1 =	vadd.s32 $0x30D40, v1  }
0x90: {  	[tilespmem:$0xE60] =	vst v1;
	v1 =	vld [tilespmem:$0x1FD70];
	_ =	sdelay $0x7  }
0x91: {  	v1 =	vld.idx.msk [tilespmem:v1+s3+$0x0], $0xffff;
	_ =	sdelay $0x4  }
0x92: {  	v1 =	vadd.s32 $0x30D40, v1  }
0x93: {  	[tilespmem:$0xE70] =	vst v1;
	v1 =	vld [tilespmem:$0x1FD80];
	_ =	sdelay $0x4  }
0x94: {  	s0 =	rddreg [dreg:$0xd]  }
0x95: {  	s7 =	rddreg [dreg:$0xe]  }
0x96: {  	[tilespmem:s7], [sflag:$0x1] =	stream.indirect.gather [hbm4b:s1+s6], $0x1, s0, s6, $0xb8;
	[tilespmem:$0x2E00] =	vst v63  }
0x97: {  	v1 =	vld.idx.msk [tilespmem:v1+s3+$0x0], $0xffff;
	_ =	sdelay $0x4  }
0x98: {  	v1 =	vadd.s32 $0x493E0, v1  }
0x99: {  	[tilespmem:$0xE80] =	vst v1;
	v1 =	vld [tilespmem:$0x1FD90];
	_ =	sdelay $0x7  }
0x9a: {  	v1 =	vld.idx.msk [tilespmem:v1+s3+$0x0], $0xffff;
	_ =	sdelay $0x4  }
0x9b: {  	v1 =	vadd.s32 $0x493E0, v1  }
0x9c: {  	[tilespmem:$0xE90] =	vst v1;
	v1 =	vld [tilespmem:$0x1FDA0];
	_ =	sdelay $0x7  }
0x9d: {  	v1 =	vld.idx.msk [tilespmem:v1+s3+$0x0], $0xffff;
	_ =	sdelay $0x4  }
0x9e: {  	v1 =	vadd.s32 $0x493E0, v1  }
0x9f: {  	[tilespmem:$0xEA0] =	vst v1;
	v1 =	vld [tilespmem:$0x1FDB0];
	_ =	sdelay $0x7  }
0xa0: {  	v1 =	vld.idx.msk [tilespmem:v1+s3+$0x0], $0xffff;
	_ =	sdelay $0x4  }
0xa1: {  	v1 =	vadd.s32 $0x493E0, v1  }
0xa2: {  	[tilespmem:$0xEB0] =	vst v1;
	v1 =	vld [tilespmem:$0x1FDC0];
	_ =	sdelay $0x7  }
0xa3: {  	v1 =	vld.idx.msk [tilespmem:v1+s3+$0x0], $0xffff;
	_ =	sdelay $0x4  }
0xa4: {  	v1 =	vadd.s32 $0x493E0, v1  }
0xa5: {  	[tilespmem:$0xEC0] =	vst v1;
	v1 =	vld [tilespmem:$0x1FDD0];
	_ =	sdelay $0x7  }
0xa6: {  	v1 =	vld.idx.msk [tilespmem:v1+s3+$0x0], $0xffff;
	_ =	sdelay $0x4  }
0xa7: {  	v1 =	vadd.s32 $0x493E0, v1  }
0xa8: {  	[tilespmem:$0xED0] =	vst v1;
	v1 =	vld [tilespmem:$0x1FDE0];
	_ =	sdelay $0x7  }
0xa9: {  	v1 =	vld.idx.msk [tilespmem:v1+s3+$0x0], $0xffff;
	_ =	sdelay $0x4  }
0xaa: {  	v1 =	vadd.s32 $0x493E0, v1  }
0xab: {  	[tilespmem:$0xEE0] =	vst v1;
	v1 =	vld [tilespmem:$0x1FDF0];
	_ =	sdelay $0x7  }
0xac: {  	v1 =	vld.idx.msk [tilespmem:v1+s3+$0x0], $0xffff;
	_ =	sdelay $0x4  }
0xad: {  	v1 =	vadd.s32 $0x493E0, v1  }
0xae: {  	[tilespmem:$0xEF0] =	vst v1;
	v1 =	vld [tilespmem:$0x1FE00];
	_ =	sdelay $0x4  }
0xaf: {  	s0 =	rddreg [dreg:$0xf]  }
0xb0: {  	s7 =	rddreg [dreg:$0x10]  }
0xb1: {  	[tilespmem:s7], [sflag:$0x1] =	stream.indirect.gather [hbm4b:s1+s6], $0x1, s0, s6, $0xb8;
	[tilespmem:$0x2E00] =	vst v63  }
0xb2: {  	v1 =	vld.idx.msk [tilespmem:v1+s3+$0x0], $0xffff;
	_ =	sdelay $0x4  }
0xb3: {  	v1 =	vadd.s32 $0x61A80, v1  }
0xb4: {  	[tilespmem:$0xF00] =	vst v1;
	v1 =	vld [tilespmem:$0x1FE10];
	_ =	sdelay $0x7  }
0xb5: {  	v1 =	vld.idx.msk [tilespmem:v1+s3+$0x0], $0xffff;
	_ =	sdelay $0x4  }
0xb6: {  	v1 =	vadd.s32 $0x61A80, v1  }
0xb7: {  	[tilespmem:$0xF10] =	vst v1;
	v1 =	vld [tilespmem:$0x1FE20];
	_ =	sdelay $0x7  }
0xb8: {  	v1 =	vld.idx.msk [tilespmem:v1+s3+$0x0], $0xffff;
	_ =	sdelay $0x4  }
0xb9: {  	v1 =	vadd.s32 $0x61A80, v1  }
0xba: {  	[tilespmem:$0xF20] =	vst v1;
	v1 =	vld [tilespmem:$0x1FE30];
	_ =	sdelay $0x7  }
0xbb: {  	v1 =	vld.idx.msk [tilespmem:v1+s3+$0x0], $0xffff;
	_ =	sdelay $0x4  }
0xbc: {  	v1 =	vadd.s32 $0x61A80, v1  }
0xbd: {  	[tilespmem:$0xF30] =	vst v1;
	v1 =	vld [tilespmem:$0x1FE40];
	_ =	sdelay $0x7  }
0xbe: {  	v1 =	vld.idx.msk [tilespmem:v1+s3+$0x0], $0xffff;
	_ =	sdelay $0x4  }
0xbf: {  	v1 =	vadd.s32 $0x61A80, v1  }
0xc0: {  	[tilespmem:$0xF40] =	vst v1;
	v1 =	vld [tilespmem:$0x1FE50];
	_ =	sdelay $0x7  }
0xc1: {  	v1 =	vld.idx.msk [tilespmem:v1+s3+$0x0], $0xffff;
	_ =	sdelay $0x4  }
0xc2: {  	v1 =	vadd.s32 $0x61A80, v1  }
0xc3: {  	[tilespmem:$0xF50] =	vst v1;
	v1 =	vld [tilespmem:$0x1FE60];
	_ =	sdelay $0x7  }
0xc4: {  	v1 =	vld.idx.msk [tilespmem:v1+s3+$0x0], $0xffff;
	_ =	sdelay $0x4  }
0xc5: {  	v1 =	vadd.s32 $0x61A80, v1  }
0xc6: {  	[tilespmem:$0xF60] =	vst v1;
	v1 =	vld [tilespmem:$0x1FE70];
	_ =	sdelay $0x7  }
0xc7: {  	v1 =	vld.idx.msk [tilespmem:v1+s3+$0x0], $0xffff;
	_ =	sdelay $0x4  }
0xc8: {  	v1 =	vadd.s32 $0x61A80, v1  }
0xc9: {  	[tilespmem:$0xF70] =	vst v1;
	v1 =	vld [tilespmem:$0x1FE80];
	_ =	sdelay $0x4  }
0xca: {  	s0 =	rddreg [dreg:$0x11]  }
0xcb: {  	s7 =	rddreg [dreg:$0x12]  }
0xcc: {  	[tilespmem:s7], [sflag:$0x1] =	stream.indirect.gather [hbm4b:s1+s6], $0x1, s0, s6, $0xb8;
	[tilespmem:$0x2E00] =	vst v63  }
0xcd: {  	v1 =	vld.idx.msk [tilespmem:v1+s3+$0x0], $0xffff;
	_ =	sdelay $0x4  }
0xce: {  	v1 =	vadd.s32 $0x7A120, v1  }
0xcf: {  	[tilespmem:$0xF80] =	vst v1;
	v1 =	vld [tilespmem:$0x1FE90];
	_ =	sdelay $0x7  }
0xd0: {  	v1 =	vld.idx.msk [tilespmem:v1+s3+$0x0], $0xffff;
	_ =	sdelay $0x4  }
0xd1: {  	v1 =	vadd.s32 $0x7A120, v1  }
0xd2: {  	[tilespmem:$0xF90] =	vst v1;
	v1 =	vld [tilespmem:$0x1FEA0];
	_ =	sdelay $0x7  }
0xd3: {  	v1 =	vld.idx.msk [tilespmem:v1+s3+$0x0], $0xffff;
	_ =	sdelay $0x4  }
0xd4: {  	v1 =	vadd.s32 $0x7A120, v1  }
0xd5: {  	[tilespmem:$0xFA0] =	vst v1;
	v1 =	vld [tilespmem:$0x1FEB0];
	_ =	sdelay $0x7  }
0xd6: {  	v1 =	vld.idx.msk [tilespmem:v1+s3+$0x0], $0xffff;
	_ =	sdelay $0x4  }
0xd7: {  	v1 =	vadd.s32 $0x7A120, v1  }
0xd8: {  	[tilespmem:$0xFB0] =	vst v1;
	v1 =	vld [tilespmem:$0x1FEC0];
	_ =	sdelay $0x7  }
0xd9: {  	v1 =	vld.idx.msk [tilespmem:v1+s3+$0x0], $0xffff;
	_ =	sdelay $0x4  }
0xda: {  	v1 =	vadd.s32 $0x7A120, v1  }
0xdb: {  	[tilespmem:$0xFC0] =	vst v1;
	v1 =	vld [tilespmem:$0x1FED0];
	_ =	sdelay $0x7  }
0xdc: {  	v1 =	vld.idx.msk [tilespmem:v1+s3+$0x0], $0xffff;
	_ =	sdelay $0x4  }
0xdd: {  	v1 =	vadd.s32 $0x7A120, v1  }
0xde: {  	[tilespmem:$0xFD0] =	vst v1;
	v1 =	vld [tilespmem:$0x1FEE0];
	_ =	sdelay $0x7  }
0xdf: {  	v1 =	vld.idx.msk [tilespmem:v1+s3+$0x0], $0xffff;
	_ =	sdelay $0x4  }
0xe0: {  	v1 =	vadd.s32 $0x7A120, v1  }
0xe1: {  	[tilespmem:$0xFE0] =	vst v1;
	v1 =	vld [tilespmem:$0x1FEF0];
	_ =	sdelay $0x7  }
0xe2: {  	v1 =	vld.idx.msk [tilespmem:v1+s3+$0x0], $0xffff;
	_ =	sdelay $0x4  }
0xe3: {  	v1 =	vadd.s32 $0x7A120, v1  }
0xe4: {  	[tilespmem:$0xFF0] =	vst v1;
	v1 =	vld [tilespmem:$0x1FF00];
	_ =	sdelay $0x4  }
0xe5: {  	s0 =	rddreg [dreg:$0x13]  }
0xe6: {  	s7 =	rddreg [dreg:$0x14]  }
0xe7: {  	[tilespmem:s7], [sflag:$0x1] =	stream.indirect.gather [hbm4b:s1+s6], $0x1, s0, s6, $0xb8;
	[tilespmem:$0x2E00] =	vst v63  }
0xe8: {  	v1 =	vld.idx.msk [tilespmem:v1+s3+$0x0], $0xffff;
	_ =	sdelay $0x4  }
0xe9: {  	v1 =	vadd.s32 $0x927C0, v1  }
0xea: {  	[tilespmem:$0x1000] =	vst v1;
	v1 =	vld [tilespmem:$0x1FF10];
	_ =	sdelay $0x7  }
0xeb: {  	v1 =	vld.idx.msk [tilespmem:v1+s3+$0x0], $0xffff;
	_ =	sdelay $0x4  }
0xec: {  	v1 =	vadd.s32 $0x927C0, v1  }
0xed: {  	[tilespmem:$0x1010] =	vst v1;
	v1 =	vld [tilespmem:$0x1FF20];
	_ =	sdelay $0x7  }
0xee: {  	v1 =	vld.idx.msk [tilespmem:v1+s3+$0x0], $0xffff;
	_ =	sdelay $0x4  }
0xef: {  	v1 =	vadd.s32 $0x927C0, v1  }
0xf0: {  	[tilespmem:$0x1020] =	vst v1;
	v1 =	vld [tilespmem:$0x1FF30];
	_ =	sdelay $0x7  }
0xf1: {  	v1 =	vld.idx.msk [tilespmem:v1+s3+$0x0], $0xffff;
	_ =	sdelay $0x4  }
0xf2: {  	v1 =	vadd.s32 $0x927C0, v1  }
0xf3: {  	[tilespmem:$0x1030] =	vst v1;
	v1 =	vld [tilespmem:$0x1FF40];
	_ =	sdelay $0x7  }
0xf4: {  	v1 =	vld.idx.msk [tilespmem:v1+s3+$0x0], $0xffff;
	_ =	sdelay $0x4  }
0xf5: {  	v1 =	vadd.s32 $0x927C0, v1  }
0xf6: {  	[tilespmem:$0x1040] =	vst v1;
	v1 =	vld [tilespmem:$0x1FF50];
	_ =	sdelay $0x7  }
0xf7: {  	v1 =	vld.idx.msk [tilespmem:v1+s3+$0x0], $0xffff;
	_ =	sdelay $0x4  }
0xf8: {  	v1 =	vadd.s32 $0x927C0, v1  }
0xf9: {  	[tilespmem:$0x1050] =	vst v1;
	v1 =	vld [tilespmem:$0x1FF60];
	_ =	sdelay $0x7  }
0xfa: {  	v1 =	vld.idx.msk [tilespmem:v1+s3+$0x0], $0xffff;
	_ =	sdelay $0x4  }
0xfb: {  	v1 =	vadd.s32 $0x927C0, v1  }
0xfc: {  	[tilespmem:$0x1060] =	vst v1;
	v1 =	vld [tilespmem:$0x1FF70];
	_ =	sdelay $0x7  }
0xfd: {  	v1 =	vld.idx.msk [tilespmem:v1+s3+$0x0], $0xffff;
	_ =	sdelay $0x4  }
0xfe: {  	v1 =	vadd.s32 $0x927C0, v1  }
0xff: {  	[tilespmem:$0x1070] =	vst v1;
	v1 =	vld [tilespmem:$0x1FF80];
	_ =	sdelay $0x4  }
0x100: {  	s0 =	rddreg [dreg:$0x15]  }
0x101: {  	s7 =	rddreg [dreg:$0x16]  }
0x102: {  	[tilespmem:s7], [sflag:$0x1] =	stream.indirect.gather [hbm4b:s1+s6], $0x1, s0, s6, $0xb8;
	[tilespmem:$0x2E00] =	vst v63  }
0x103: {  	v1 =	vld.idx.msk [tilespmem:v1+s3+$0x0], $0xffff;
	_ =	sdelay $0x4  }
0x104: {  	v1 =	vadd.s32 $0xAAE60, v1  }
0x105: {  	[tilespmem:$0x1080] =	vst v1;
	v1 =	vld [tilespmem:$0x1FF90];
	_ =	sdelay $0x7  }
0x106: {  	v1 =	vld.idx.msk [tilespmem:v1+s3+$0x0], $0xffff;
	_ =	sdelay $0x4  }
0x107: {  	v1 =	vadd.s32 $0xAAE60, v1  }
0x108: {  	[tilespmem:$0x1090] =	vst v1;
	v1 =	vld [tilespmem:$0x1FFA0];
	_ =	sdelay $0x7  }
0x109: {  	v1 =	vld.idx.msk [tilespmem:v1+s3+$0x0], $0xffff;
	_ =	sdelay $0x4  }
0x10a: {  	v1 =	vadd.s32 $0xAAE60, v1  }
0x10b: {  	[tilespmem:$0x10A0] =	vst v1;
	v1 =	vld [tilespmem:$0x1FFB0];
	_ =	sdelay $0x7  }
0x10c: {  	v1 =	vld.idx.msk [tilespmem:v1+s3+$0x0], $0xffff;
	_ =	sdelay $0x4  }
0x10d: {  	v1 =	vadd.s32 $0xAAE60, v1  }
0x10e: {  	[tilespmem:$0x10B0] =	vst v1;
	v1 =	vld [tilespmem:$0x1FFC0];
	_ =	sdelay $0x7  }
0x10f: {  	v1 =	vld.idx.msk [tilespmem:v1+s3+$0x0], $0xffff;
	_ =	sdelay $0x4  }
0x110: {  	v1 =	vadd.s32 $0xAAE60, v1  }
0x111: {  	[tilespmem:$0x10C0] =	vst v1;
	v1 =	vld [tilespmem:$0x1FFD0];
	_ =	sdelay $0x7  }
0x112: {  	v1 =	vld.idx.msk [tilespmem:v1+s3+$0x0], $0xffff;
	_ =	sdelay $0x4  }
0x113: {  	v1 =	vadd.s32 $0xAAE60, v1  }
0x114: {  	[tilespmem:$0x10D0] =	vst v1;
	v1 =	vld [tilespmem:$0x1FFE0];
	_ =	sdelay $0x7  }
0x115: {  	v1 =	vld.idx.msk [tilespmem:v1+s3+$0x0], $0xffff;
	_ =	sdelay $0x4  }
0x116: {  	v1 =	vadd.s32 $0xAAE60, v1  }
0x117: {  	[tilespmem:$0x10E0] =	vst v1;
	v1 =	vld [tilespmem:$0x1FFF0];
	_ =	sdelay $0x7  }
0x118: {  	v1 =	vld.idx.msk [tilespmem:v1+s3+$0x0], $0xffff;
	_ =	sdelay $0x2  }
0x119: {  	v2 =	vadd.s32 $0x8, v0;
	_ =	sdelay $0x1  }
0x11a: {  	s0 =	rddreg [dreg:$0x17];
	v1 =	vadd.s32 $0xAAE60, v1  }
0x11b: {  	s7 =	rddreg [dreg:$0x18];
	[tilespmem:$0x10F0] =	vst v1  }
0x11c: {  	[tilespmem:s7], [sflag:$0x1] =	stream.indirect.gather [hbm4b:s1+s6], $0x1, s0, s6, $0xb8;
	[tilespmem:$0x2E00] =	vst v63  }
0x11d: {  	v1 =	vld.idx.msk [tilespmem:v2+s3+$0x0], $0xffff;
	_ =	sdelay $0x1  }
0x11e: {  	v2 =	vadd.s32 $0x1A8, v0;
	_ =	sdelay $0x2  }
0x11f: {  	v1 =	vadd.s32 $0xC3500, v1  }
0x120: {  	[tilespmem:$0x1100] =	vst v1  }
0x121: {  	v1 =	vld.idx.msk [tilespmem:v2+s3+$0x0], $0xffff;
	_ =	sdelay $0x1  }
0x122: {  	v2 =	vadd.s32 $0x348, v0;
	_ =	sdelay $0x2  }
0x123: {  	v1 =	vadd.s32 $0xC3500, v1  }
0x124: {  	[tilespmem:$0x1110] =	vst v1  }
0x125: {  	v1 =	vld.idx.msk [tilespmem:v2+s3+$0x0], $0xffff;
	_ =	sdelay $0x1  }
0x126: {  	v2 =	vadd.s32 $0x4E8, v0;
	_ =	sdelay $0x2  }
0x127: {  	v1 =	vadd.s32 $0xC3500, v1  }
0x128: {  	[tilespmem:$0x1120] =	vst v1  }
0x129: {  	v1 =	vld.idx.msk [tilespmem:v2+s3+$0x0], $0xffff;
	_ =	sdelay $0x1  }
0x12a: {  	v2 =	vadd.s32 $0x688, v0;
	_ =	sdelay $0x2  }
0x12b: {  	v1 =	vadd.s32 $0xC3500, v1  }
0x12c: {  	[tilespmem:$0x1130] =	vst v1  }
0x12d: {  	v1 =	vld.idx.msk [tilespmem:v2+s3+$0x0], $0xffff;
	_ =	sdelay $0x1  }
0x12e: {  	v2 =	vadd.s32 $0x828, v0;
	_ =	sdelay $0x2  }
0x12f: {  	v1 =	vadd.s32 $0xC3500, v1  }
0x130: {  	[tilespmem:$0x1140] =	vst v1  }
0x131: {  	v1 =	vld.idx.msk [tilespmem:v2+s3+$0x0], $0xffff;
	_ =	sdelay $0x1  }
0x132: {  	v2 =	vadd.s32 $0x9C8, v0;
	_ =	sdelay $0x2  }
0x133: {  	v1 =	vadd.s32 $0xC3500, v1  }
0x134: {  	[tilespmem:$0x1150] =	vst v1  }
0x135: {  	v1 =	vld.idx.msk [tilespmem:v2+s3+$0x0], $0xffff;
	_ =	sdelay $0x1  }
0x136: {  	v2 =	vadd.s32 $0xB68, v0;
	_ =	sdelay $0x2  }
0x137: {  	v1 =	vadd.s32 $0xC3500, v1  }
0x138: {  	[tilespmem:$0x1160] =	vst v1  }
0x139: {  	v1 =	vld.idx.msk [tilespmem:v2+s3+$0x0], $0xffff;
	_ =	sdelay $0x2  }
0x13a: {  	v2 =	vadd.s32 $0x9, v0;
	_ =	sdelay $0x1  }
0x13b: {  	s0 =	rddreg [dreg:$0x19];
	v1 =	vadd.s32 $0xC3500, v1  }
0x13c: {  	s7 =	rddreg [dreg:$0x1a];
	[tilespmem:$0x1170] =	vst v1  }
0x13d: {  	[tilespmem:s7], [sflag:$0x1] =	stream.indirect.gather [hbm4b:s1+s6], $0x1, s0, s6, $0xb8;
	[tilespmem:$0x2E00] =	vst v63  }
0x13e: {  	v1 =	vld.idx.msk [tilespmem:v2+s3+$0x0], $0xffff;
	_ =	sdelay $0x1  }
0x13f: {  	v2 =	vadd.s32 $0x1A9, v0;
	_ =	sdelay $0x2  }
0x140: {  	v1 =	vadd.s32 $0xDBBA0, v1  }
0x141: {  	[tilespmem:$0x1180] =	vst v1  }
0x142: {  	v1 =	vld.idx.msk [tilespmem:v2+s3+$0x0], $0xffff;
	_ =	sdelay $0x1  }
0x143: {  	v2 =	vadd.s32 $0x349, v0;
	_ =	sdelay $0x2  }
0x144: {  	v1 =	vadd.s32 $0xDBBA0, v1  }
0x145: {  	[tilespmem:$0x1190] =	vst v1  }
0x146: {  	v1 =	vld.idx.msk [tilespmem:v2+s3+$0x0], $0xffff;
	_ =	sdelay $0x1  }
0x147: {  	v2 =	vadd.s32 $0x4E9, v0;
	_ =	sdelay $0x2  }
0x148: {  	v1 =	vadd.s32 $0xDBBA0, v1  }
0x149: {  	[tilespmem:$0x11A0] =	vst v1  }
0x14a: {  	v1 =	vld.idx.msk [tilespmem:v2+s3+$0x0], $0xffff;
	_ =	sdelay $0x1  }
0x14b: {  	v2 =	vadd.s32 $0x689, v0;
	_ =	sdelay $0x2  }
0x14c: {  	v1 =	vadd.s32 $0xDBBA0, v1  }
0x14d: {  	[tilespmem:$0x11B0] =	vst v1  }
0x14e: {  	v1 =	vld.idx.msk [tilespmem:v2+s3+$0x0], $0xffff;
	_ =	sdelay $0x1  }
0x14f: {  	v2 =	vadd.s32 $0x829, v0;
	_ =	sdelay $0x2  }
0x150: {  	v1 =	vadd.s32 $0xDBBA0, v1  }
0x151: {  	[tilespmem:$0x11C0] =	vst v1  }
0x152: {  	v1 =	vld.idx.msk [tilespmem:v2+s3+$0x0], $0xffff;
	_ =	sdelay $0x1  }
0x153: {  	v2 =	vadd.s32 $0x9C9, v0;
	_ =	sdelay $0x2  }
0x154: {  	v1 =	vadd.s32 $0xDBBA0, v1  }
0x155: {  	[tilespmem:$0x11D0] =	vst v1  }
0x156: {  	v1 =	vld.idx.msk [tilespmem:v2+s3+$0x0], $0xffff;
	_ =	sdelay $0x1  }
0x157: {  	v2 =	vadd.s32 $0xB69, v0;
	_ =	sdelay $0x2  }
0x158: {  	v1 =	vadd.s32 $0xDBBA0, v1  }
0x159: {  	[tilespmem:$0x11E0] =	vst v1  }
0x15a: {  	v1 =	vld.idx.msk [tilespmem:v2+s3+$0x0], $0xffff;
	_ =	sdelay $0x2  }
0x15b: {  	v2 =	vadd.s32 $0xA, v0;
	_ =	sdelay $0x1  }
0x15c: {  	s0 =	rddreg [dreg:$0x1b];
	v1 =	vadd.s32 $0xDBBA0, v1  }
0x15d: {  	s7 =	rddreg [dreg:$0x1c];
	[tilespmem:$0x11F0] =	vst v1  }
0x15e: {  	[tilespmem:s7], [sflag:$0x1] =	stream.indirect.gather [hbm4b:s1+s6], $0x1, s0, s6, $0xb8;
	[tilespmem:$0x2E00] =	vst v63  }
0x15f: {  	v1 =	vld.idx.msk [tilespmem:v2+s3+$0x0], $0xffff;
	_ =	sdelay $0x1  }
0x160: {  	v2 =	vadd.s32 $0x1AA, v0;
	_ =	sdelay $0x2  }
0x161: {  	v1 =	vadd.s32 $0xF4240, v1  }
0x162: {  	[tilespmem:$0x1200] =	vst v1  }
0x163: {  	v1 =	vld.idx.msk [tilespmem:v2+s3+$0x0], $0xffff;
	_ =	sdelay $0x1  }
0x164: {  	v2 =	vadd.s32 $0x34A, v0;
	_ =	sdelay $0x2  }
0x165: {  	v1 =	vadd.s32 $0xF4240, v1  }
0x166: {  	[tilespmem:$0x1210] =	vst v1  }
0x167: {  	v1 =	vld.idx.msk [tilespmem:v2+s3+$0x0], $0xffff;
	_ =	sdelay $0x1  }
0x168: {  	v2 =	vadd.s32 $0x4EA, v0;
	_ =	sdelay $0x2  }
0x169: {  	v1 =	vadd.s32 $0xF4240, v1  }
0x16a: {  	[tilespmem:$0x1220] =	vst v1  }
0x16b: {  	v1 =	vld.idx.msk [tilespmem:v2+s3+$0x0], $0xffff;
	_ =	sdelay $0x1  }
0x16c: {  	v2 =	vadd.s32 $0x68A, v0;
	_ =	sdelay $0x2  }
0x16d: {  	v1 =	vadd.s32 $0xF4240, v1  }
0x16e: {  	[tilespmem:$0x1230] =	vst v1  }
0x16f: {  	v1 =	vld.idx.msk [tilespmem:v2+s3+$0x0], $0xffff;
	_ =	sdelay $0x1  }
0x170: {  	v2 =	vadd.s32 $0x82A, v0;
	_ =	sdelay $0x2  }
0x171: {  	v1 =	vadd.s32 $0xF4240, v1  }
0x172: {  	[tilespmem:$0x1240] =	vst v1  }
0x173: {  	v1 =	vld.idx.msk [tilespmem:v2+s3+$0x0], $0xffff;
	_ =	sdelay $0x1  }
0x174: {  	v2 =	vadd.s32 $0x9CA, v0;
	_ =	sdelay $0x2  }
0x175: {  	v1 =	vadd.s32 $0xF4240, v1  }
0x176: {  	[tilespmem:$0x1250] =	vst v1  }
0x177: {  	v1 =	vld.idx.msk [tilespmem:v2+s3+$0x0], $0xffff;
	_ =	sdelay $0x1  }
0x178: {  	v2 =	vadd.s32 $0xB6A, v0;
	_ =	sdelay $0x2  }
0x179: {  	v1 =	vadd.s32 $0xF4240, v1  }
0x17a: {  	[tilespmem:$0x1260] =	vst v1  }
0x17b: {  	v1 =	vld.idx.msk [tilespmem:v2+s3+$0x0], $0xffff;
	_ =	sdelay $0x2  }
0x17c: {  	v2 =	vadd.s32 $0xB, v0;
	_ =	sdelay $0x1  }
0x17d: {  	s0 =	rddreg [dreg:$0x1d];
	v1 =	vadd.s32 $0xF4240, v1  }
0x17e: {  	s7 =	rddreg [dreg:$0x1e];
	[tilespmem:$0x1270] =	vst v1  }
0x17f: {  	[tilespmem:s7], [sflag:$0x1] =	stream.indirect.gather [hbm4b:s1+s6], $0x1, s0, s6, $0xb8;
	[tilespmem:$0x2E00] =	vst v63  }
0x180: {  	v1 =	vld.idx.msk [tilespmem:v2+s3+$0x0], $0xffff;
	_ =	sdelay $0x1  }
0x181: {  	v2 =	vadd.s32 $0x1AB, v0;
	_ =	sdelay $0x2  }
0x182: {  	v1 =	vadd.s32 $0x10C8E0, v1  }
0x183: {  	[tilespmem:$0x1280] =	vst v1  }
0x184: {  	v1 =	vld.idx.msk [tilespmem:v2+s3+$0x0], $0xffff;
	_ =	sdelay $0x1  }
0x185: {  	v2 =	vadd.s32 $0x34B, v0;
	_ =	sdelay $0x2  }
0x186: {  	v1 =	vadd.s32 $0x10C8E0, v1  }
0x187: {  	[tilespmem:$0x1290] =	vst v1  }
0x188: {  	v1 =	vld.idx.msk [tilespmem:v2+s3+$0x0], $0xffff;
	_ =	sdelay $0x1  }
0x189: {  	v2 =	vadd.s32 $0x4EB, v0;
	_ =	sdelay $0x2  }
0x18a: {  	v1 =	vadd.s32 $0x10C8E0, v1  }
0x18b: {  	[tilespmem:$0x12A0] =	vst v1  }
0x18c: {  	v1 =	vld.idx.msk [tilespmem:v2+s3+$0x0], $0xffff;
	_ =	sdelay $0x1  }
0x18d: {  	v2 =	vadd.s32 $0x68B, v0;
	_ =	sdelay $0x2  }
0x18e: {  	v1 =	vadd.s32 $0x10C8E0, v1  }
0x18f: {  	[tilespmem:$0x12B0] =	vst v1  }
0x190: {  	v1 =	vld.idx.msk [tilespmem:v2+s3+$0x0], $0xffff;
	_ =	sdelay $0x1  }
0x191: {  	v2 =	vadd.s32 $0x82B, v0;
	_ =	sdelay $0x2  }
0x192: {  	v1 =	vadd.s32 $0x10C8E0, v1  }
0x193: {  	[tilespmem:$0x12C0] =	vst v1  }
0x194: {  	v1 =	vld.idx.msk [tilespmem:v2+s3+$0x0], $0xffff;
	_ =	sdelay $0x1  }
0x195: {  	v2 =	vadd.s32 $0x9CB, v0;
	_ =	sdelay $0x2  }
0x196: {  	v1 =	vadd.s32 $0x10C8E0, v1  }
0x197: {  	[tilespmem:$0x12D0] =	vst v1  }
0x198: {  	v1 =	vld.idx.msk [tilespmem:v2+s3+$0x0], $0xffff;
	_ =	sdelay $0x1  }
0x199: {  	v2 =	vadd.s32 $0xB6B, v0;
	_ =	sdelay $0x2  }
0x19a: {  	v1 =	vadd.s32 $0x10C8E0, v1  }
0x19b: {  	[tilespmem:$0x12E0] =	vst v1  }
0x19c: {  	v1 =	vld.idx.msk [tilespmem:v2+s3+$0x0], $0xffff;
	_ =	sdelay $0x2  }
0x19d: {  	v2 =	vadd.s32 $0xC, v0  }
0x19e: {  	s7 =	sld [smem:$0x7F8]  }
0x19f: {  	v1 =	vadd.s32 $0x10C8E0, v1  }
0x1a0: {  	s0 =	rddreg [dreg:$0x1f];
	[tilespmem:$0x12F0] =	vst v1  }
0x1a1: {  	[tilespmem:s7], [sflag:$0x1] =	stream.indirect.gather [hbm4b:s1+s6], $0x1, s0, s6, $0xb8;
	[tilespmem:$0x2E00] =	vst v63  }
0x1a2: {  	v1 =	vld.idx.msk [tilespmem:v2+s3+$0x0], $0xffff;
	_ =	sdelay $0x1  }
0x1a3: {  	v2 =	vadd.s32 $0x1AC, v0;
	_ =	sdelay $0x2  }
0x1a4: {  	v1 =	vadd.s32 $0x124F80, v1  }
0x1a5: {  	[tilespmem:$0x1300] =	vst v1  }
0x1a6: {  	v1 =	vld.idx.msk [tilespmem:v2+s3+$0x0], $0xffff;
	_ =	sdelay $0x1  }
0x1a7: {  	v2 =	vadd.s32 $0x34C, v0;
	_ =	sdelay $0x2  }
0x1a8: {  	v1 =	vadd.s32 $0x124F80, v1  }
0x1a9: {  	[tilespmem:$0x1310] =	vst v1  }
0x1aa: {  	v1 =	vld.idx.msk [tilespmem:v2+s3+$0x0], $0xffff;
	_ =	sdelay $0x1  }
0x1ab: {  	v2 =	vadd.s32 $0x4EC, v0;
	_ =	sdelay $0x2  }
0x1ac: {  	v1 =	vadd.s32 $0x124F80, v1  }
0x1ad: {  	[tilespmem:$0x1320] =	vst v1  }
0x1ae: {  	v1 =	vld.idx.msk [tilespmem:v2+s3+$0x0], $0xffff;
	_ =	sdelay $0x1  }
0x1af: {  	v2 =	vadd.s32 $0x68C, v0;
	_ =	sdelay $0x2  }
0x1b0: {  	v1 =	vadd.s32 $0x124F80, v1  }
0x1b1: {  	[tilespmem:$0x1330] =	vst v1  }
0x1b2: {  	v1 =	vld.idx.msk [tilespmem:v2+s3+$0x0], $0xffff;
	_ =	sdelay $0x1  }
0x1b3: {  	v2 =	vadd.s32 $0x82C, v0;
	_ =	sdelay $0x2  }
0x1b4: {  	v1 =	vadd.s32 $0x124F80, v1  }
0x1b5: {  	[tilespmem:$0x1340] =	vst v1  }
0x1b6: {  	v1 =	vld.idx.msk [tilespmem:v2+s3+$0x0], $0xffff;
	_ =	sdelay $0x1  }
0x1b7: {  	v2 =	vadd.s32 $0x9CC, v0;
	_ =	sdelay $0x2  }
0x1b8: {  	v1 =	vadd.s32 $0x124F80, v1  }
0x1b9: {  	[tilespmem:$0x1350] =	vst v1  }
0x1ba: {  	v1 =	vld.idx.msk [tilespmem:v2+s3+$0x0], $0xffff;
	_ =	sdelay $0x1  }
0x1bb: {  	v2 =	vadd.s32 $0xB6C, v0;
	_ =	sdelay $0x2  }
0x1bc: {  	v1 =	vadd.s32 $0x124F80, v1  }
0x1bd: {  	[tilespmem:$0x1360] =	vst v1  }
0x1be: {  	v1 =	vld.idx.msk [tilespmem:v2+s3+$0x0], $0xffff;
	_ =	sdelay $0x2  }
0x1bf: {  	s0 =	sld [smem:$0x7F9];
	v2 =	vadd.s32 $0xD, v0  }
0x1c0: {  	s7 =	sld [smem:$0x7FA]  }
0x1c1: {  	v1 =	vadd.s32 $0x124F80, v1  }
0x1c2: {  	[tilespmem:$0x1370] =	vst v1  }
0x1c3: {  	[tilespmem:s7], [sflag:$0x1] =	stream.indirect.gather [hbm4b:s1+s6], $0x1, s0, s6, $0xb8;
	[tilespmem:$0x2E00] =	vst v63  }
0x1c4: {  	v1 =	vld.idx.msk [tilespmem:v2+s3+$0x0], $0xffff;
	_ =	sdelay $0x1  }
0x1c5: {  	v2 =	vadd.s32 $0x1AD, v0;
	_ =	sdelay $0x2  }
0x1c6: {  	v1 =	vadd.s32 $0x13D620, v1  }
0x1c7: {  	[tilespmem:$0x1380] =	vst v1  }
0x1c8: {  	v1 =	vld.idx.msk [tilespmem:v2+s3+$0x0], $0xffff;
	_ =	sdelay $0x1  }
0x1c9: {  	v2 =	vadd.s32 $0x34D, v0;
	_ =	sdelay $0x2  }
0x1ca: {  	v1 =	vadd.s32 $0x13D620, v1  }
0x1cb: {  	[tilespmem:$0x1390] =	vst v1  }
0x1cc: {  	v1 =	vld.idx.msk [tilespmem:v2+s3+$0x0], $0xffff;
	_ =	sdelay $0x1  }
0x1cd: {  	v2 =	vadd.s32 $0x4ED, v0;
	_ =	sdelay $0x2  }
0x1ce: {  	v1 =	vadd.s32 $0x13D620, v1  }
0x1cf: {  	[tilespmem:$0x13A0] =	vst v1  }
0x1d0: {  	v1 =	vld.idx.msk [tilespmem:v2+s3+$0x0], $0xffff;
	_ =	sdelay $0x1  }
0x1d1: {  	v2 =	vadd.s32 $0x68D, v0;
	_ =	sdelay $0x2  }
0x1d2: {  	v1 =	vadd.s32 $0x13D620, v1  }
0x1d3: {  	[tilespmem:$0x13B0] =	vst v1  }
0x1d4: {  	v1 =	vld.idx.msk [tilespmem:v2+s3+$0x0], $0xffff;
	_ =	sdelay $0x1  }
0x1d5: {  	v2 =	vadd.s32 $0x82D, v0;
	_ =	sdelay $0x2  }
0x1d6: {  	v1 =	vadd.s32 $0x13D620, v1  }
0x1d7: {  	[tilespmem:$0x13C0] =	vst v1  }
0x1d8: {  	v1 =	vld.idx.msk [tilespmem:v2+s3+$0x0], $0xffff;
	_ =	sdelay $0x1  }
0x1d9: {  	v2 =	vadd.s32 $0x9CD, v0;
	_ =	sdelay $0x2  }
0x1da: {  	v1 =	vadd.s32 $0x13D620, v1  }
0x1db: {  	[tilespmem:$0x13D0] =	vst v1  }
0x1dc: {  	v1 =	vld.idx.msk [tilespmem:v2+s3+$0x0], $0xffff;
	_ =	sdelay $0x1  }
0x1dd: {  	v2 =	vadd.s32 $0xB6D, v0;
	_ =	sdelay $0x2  }
0x1de: {  	v1 =	vadd.s32 $0x13D620, v1  }
0x1df: {  	[tilespmem:$0x13E0] =	vst v1  }
0x1e0: {  	v1 =	vld.idx.msk [tilespmem:v2+s3+$0x0], $0xffff;
	_ =	sdelay $0x2  }
0x1e1: {  	s0 =	sld [smem:$0x7FB];
	v2 =	vadd.s32 $0xE, v0  }
0x1e2: {  	s7 =	sld [smem:$0x7FC]  }
0x1e3: {  	v1 =	vadd.s32 $0x13D620, v1  }
0x1e4: {  	[tilespmem:$0x13F0] =	vst v1  }
0x1e5: {  	[tilespmem:s7], [sflag:$0x1] =	stream.indirect.gather [hbm4b:s1+s6], $0x1, s0, s6, $0xb8;
	[tilespmem:$0x2E00] =	vst v63  }
0x1e6: {  	v1 =	vld.idx.msk [tilespmem:v2+s3+$0x0], $0xffff;
	_ =	sdelay $0x1  }
0x1e7: {  	v2 =	vadd.s32 $0x1AE, v0;
	_ =	sdelay $0x2  }
0x1e8: {  	v1 =	vadd.s32 $0x155CC0, v1  }
0x1e9: {  	[tilespmem:$0x1400] =	vst v1  }
0x1ea: {  	v1 =	vld.idx.msk [tilespmem:v2+s3+$0x0], $0xffff;
	_ =	sdelay $0x1  }
0x1eb: {  	v2 =	vadd.s32 $0x34E, v0;
	_ =	sdelay $0x2  }
0x1ec: {  	v1 =	vadd.s32 $0x155CC0, v1  }
0x1ed: {  	[tilespmem:$0x1410] =	vst v1  }
0x1ee: {  	v1 =	vld.idx.msk [tilespmem:v2+s3+$0x0], $0xffff;
	_ =	sdelay $0x1  }
0x1ef: {  	v2 =	vadd.s32 $0x4EE, v0;
	_ =	sdelay $0x2  }
0x1f0: {  	v1 =	vadd.s32 $0x155CC0, v1  }
0x1f1: {  	[tilespmem:$0x1420] =	vst v1  }
0x1f2: {  	v1 =	vld.idx.msk [tilespmem:v2+s3+$0x0], $0xffff;
	_ =	sdelay $0x1  }
0x1f3: {  	v2 =	vadd.s32 $0x68E, v0;
	_ =	sdelay $0x2  }
0x1f4: {  	v1 =	vadd.s32 $0x155CC0, v1  }
0x1f5: {  	[tilespmem:$0x1430] =	vst v1  }
0x1f6: {  	v1 =	vld.idx.msk [tilespmem:v2+s3+$0x0], $0xffff;
	_ =	sdelay $0x1  }
0x1f7: {  	v2 =	vadd.s32 $0x82E, v0;
	_ =	sdelay $0x2  }
0x1f8: {  	v1 =	vadd.s32 $0x155CC0, v1  }
0x1f9: {  	[tilespmem:$0x1440] =	vst v1  }
0x1fa: {  	v1 =	vld.idx.msk [tilespmem:v2+s3+$0x0], $0xffff;
	_ =	sdelay $0x1  }
0x1fb: {  	v2 =	vadd.s32 $0x9CE, v0;
	_ =	sdelay $0x2  }
0x1fc: {  	v1 =	vadd.s32 $0x155CC0, v1  }
0x1fd: {  	[tilespmem:$0x1450] =	vst v1  }
0x1fe: {  	v1 =	vld.idx.msk [tilespmem:v2+s3+$0x0], $0xffff;
	_ =	sdelay $0x1  }
0x1ff: {  	v2 =	vadd.s32 $0xB6E, v0;
	_ =	sdelay $0x2  }
0x200: {  	v1 =	vadd.s32 $0x155CC0, v1  }
0x201: {  	[tilespmem:$0x1460] =	vst v1  }
0x202: {  	v1 =	vld.idx.msk [tilespmem:v2+s3+$0x0], $0xffff;
	_ =	sdelay $0x2  }
0x203: {  	v2 =	vadd.s32 $0xF, v0  }
0x204: {  	s0 =	sld [smem:$0x7FD]  }
0x205: {  	v1 =	vadd.s32 $0x155CC0, v1  }
0x206: {  	s7 =	simm.s32 $0x2400;
	[tilespmem:$0x1470] =	vst v1  }
0x207: {  	[tilespmem:s7], [sflag:$0x1] =	stream.indirect.gather [hbm4b:s1+s6], $0x1, s0, s6, $0xb8;
	[tilespmem:$0x2E00] =	vst v63  }
0x208: {  	v1 =	vld.idx.msk [tilespmem:v2+s3+$0x0], $0xffff;
	_ =	sdelay $0x1  }
0x209: {  	v2 =	vadd.s32 $0x1AF, v0;
	_ =	sdelay $0x2  }
0x20a: {  	v1 =	vadd.s32 $0x16E360, v1  }
0x20b: {  	[tilespmem:$0x1480] =	vst v1  }
0x20c: {  	v1 =	vld.idx.msk [tilespmem:v2+s3+$0x0], $0xffff;
	_ =	sdelay $0x1  }
0x20d: {  	v2 =	vadd.s32 $0x34F, v0;
	_ =	sdelay $0x2  }
0x20e: {  	v1 =	vadd.s32 $0x16E360, v1  }
0x20f: {  	[tilespmem:$0x1490] =	vst v1  }
0x210: {  	v1 =	vld.idx.msk [tilespmem:v2+s3+$0x0], $0xffff;
	_ =	sdelay $0x1  }
0x211: {  	v2 =	vadd.s32 $0x4EF, v0;
	_ =	sdelay $0x2  }
0x212: {  	v1 =	vadd.s32 $0x16E360, v1  }
0x213: {  	[tilespmem:$0x14A0] =	vst v1  }
0x214: {  	v1 =	vld.idx.msk [tilespmem:v2+s3+$0x0], $0xffff;
	_ =	sdelay $0x1  }
0x215: {  	v2 =	vadd.s32 $0x68F, v0;
	_ =	sdelay $0x2  }
0x216: {  	v1 =	vadd.s32 $0x16E360, v1  }
0x217: {  	[tilespmem:$0x14B0] =	vst v1  }
0x218: {  	v1 =	vld.idx.msk [tilespmem:v2+s3+$0x0], $0xffff;
	_ =	sdelay $0x1  }
0x219: {  	v2 =	vadd.s32 $0x82F, v0;
	_ =	sdelay $0x2  }
0x21a: {  	v1 =	vadd.s32 $0x16E360, v1  }
0x21b: {  	[tilespmem:$0x14C0] =	vst v1  }
0x21c: {  	v1 =	vld.idx.msk [tilespmem:v2+s3+$0x0], $0xffff;
	_ =	sdelay $0x1  }
0x21d: {  	v2 =	vadd.s32 $0x9CF, v0;
	_ =	sdelay $0x2  }
0x21e: {  	v1 =	vadd.s32 $0x16E360, v1  }
0x21f: {  	[tilespmem:$0x14D0] =	vst v1  }
0x220: {  	v1 =	vld.idx.msk [tilespmem:v2+s3+$0x0], $0xffff;
	_ =	sdelay $0x1  }
0x221: {  	v2 =	vadd.s32 $0xB6F, v0;
	_ =	sdelay $0x2  }
0x222: {  	v1 =	vadd.s32 $0x16E360, v1  }
0x223: {  	[tilespmem:$0x14E0] =	vst v1  }
0x224: {  	v1 =	vld.idx.msk [tilespmem:v2+s3+$0x0], $0xffff;
	_ =	sdelay $0x2  }
0x225: {  	v2 =	vadd.s32 $0x10, v0;
	_ =	sdelay $0x1  }
0x226: {  	v1 =	vadd.s32 $0x16E360, v1  }
0x227: {  	[tilespmem:$0x14F0] =	vst v1  }
0x228: {  	[tilespmem:s9], [sflag:$0x1] =	stream.indirect.gather [hbm4b:s1+s6], $0x1, s8, s6, $0xb8;
	[tilespmem:$0x2E00] =	vst v63  }
0x229: {  	v1 =	vld.idx.msk [tilespmem:v2+s3+$0x0], $0xffff;
	_ =	sdelay $0x1  }
0x22a: {  	v2 =	vadd.s32 $0x1B0, v0;
	_ =	sdelay $0x2  }
0x22b: {  	v1 =	vadd.s32 $0x186A00, v1  }
0x22c: {  	[tilespmem:$0x1500] =	vst v1  }
0x22d: {  	v1 =	vld.idx.msk [tilespmem:v2+s3+$0x0], $0xffff;
	_ =	sdelay $0x1  }
0x22e: {  	v2 =	vadd.s32 $0x350, v0;
	_ =	sdelay $0x2  }
0x22f: {  	v1 =	vadd.s32 $0x186A00, v1  }
0x230: {  	[tilespmem:$0x1510] =	vst v1  }
0x231: {  	v1 =	vld.idx.msk [tilespmem:v2+s3+$0x0], $0xffff;
	_ =	sdelay $0x1  }
0x232: {  	v2 =	vadd.s32 $0x4F0, v0;
	_ =	sdelay $0x2  }
0x233: {  	v1 =	vadd.s32 $0x186A00, v1  }
0x234: {  	[tilespmem:$0x1520] =	vst v1  }
0x235: {  	v1 =	vld.idx.msk [tilespmem:v2+s3+$0x0], $0xffff;
	_ =	sdelay $0x1  }
0x236: {  	v2 =	vadd.s32 $0x690, v0;
	_ =	sdelay $0x2  }
0x237: {  	v1 =	vadd.s32 $0x186A00, v1  }
0x238: {  	[tilespmem:$0x1530] =	vst v1  }
0x239: {  	v1 =	vld.idx.msk [tilespmem:v2+s3+$0x0], $0xffff;
	_ =	sdelay $0x1  }
0x23a: {  	v2 =	vadd.s32 $0x830, v0;
	_ =	sdelay $0x2  }
0x23b: {  	v1 =	vadd.s32 $0x186A00, v1  }
0x23c: {  	[tilespmem:$0x1540] =	vst v1  }
0x23d: {  	v1 =	vld.idx.msk [tilespmem:v2+s3+$0x0], $0xffff;
	_ =	sdelay $0x1  }
0x23e: {  	v2 =	vadd.s32 $0x9D0, v0;
	_ =	sdelay $0x2  }
0x23f: {  	v1 =	vadd.s32 $0x186A00, v1  }
0x240: {  	[tilespmem:$0x1550] =	vst v1  }
0x241: {  	v1 =	vld.idx.msk [tilespmem:v2+s3+$0x0], $0xffff;
	_ =	sdelay $0x1  }
0x242: {  	v2 =	vadd.s32 $0xB70, v0;
	_ =	sdelay $0x2  }
0x243: {  	v1 =	vadd.s32 $0x186A00, v1  }
0x244: {  	[tilespmem:$0x1560] =	vst v1  }
0x245: {  	v1 =	vld.idx.msk [tilespmem:v2+s3+$0x0], $0xffff;
	_ =	sdelay $0x2  }
0x246: {  	v2 =	vadd.s32 $0x11, v0;
	_ =	sdelay $0x1  }
0x247: {  	v1 =	vadd.s32 $0x186A00, v1  }
0x248: {  	[tilespmem:$0x1570] =	vst v1  }
0x249: {  	[tilespmem:s11], [sflag:$0x1] =	stream.indirect.gather [hbm4b:s1+s6], $0x1, s10, s6, $0xb8;
	[tilespmem:$0x2E00] =	vst v63  }
0x24a: {  	v1 =	vld.idx.msk [tilespmem:v2+s3+$0x0], $0xffff;
	_ =	sdelay $0x1  }
0x24b: {  	v2 =	vadd.s32 $0x1B1, v0;
	_ =	sdelay $0x2  }
0x24c: {  	v1 =	vadd.s32 $0x19F0A0, v1  }
0x24d: {  	[tilespmem:$0x1580] =	vst v1  }
0x24e: {  	v1 =	vld.idx.msk [tilespmem:v2+s3+$0x0], $0xffff;
	_ =	sdelay $0x1  }
0x24f: {  	v2 =	vadd.s32 $0x351, v0;
	_ =	sdelay $0x2  }
0x250: {  	v1 =	vadd.s32 $0x19F0A0, v1  }
0x251: {  	[tilespmem:$0x1590] =	vst v1  }
0x252: {  	v1 =	vld.idx.msk [tilespmem:v2+s3+$0x0], $0xffff;
	_ =	sdelay $0x1  }
0x253: {  	v2 =	vadd.s32 $0x4F1, v0;
	_ =	sdelay $0x2  }
0x254: {  	v1 =	vadd.s32 $0x19F0A0, v1  }
0x255: {  	[tilespmem:$0x15A0] =	vst v1  }
0x256: {  	v1 =	vld.idx.msk [tilespmem:v2+s3+$0x0], $0xffff;
	_ =	sdelay $0x1  }
0x257: {  	v2 =	vadd.s32 $0x691, v0;
	_ =	sdelay $0x2  }
0x258: {  	v1 =	vadd.s32 $0x19F0A0, v1  }
0x259: {  	[tilespmem:$0x15B0] =	vst v1  }
0x25a: {  	v1 =	vld.idx.msk [tilespmem:v2+s3+$0x0], $0xffff;
	_ =	sdelay $0x1  }
0x25b: {  	v2 =	vadd.s32 $0x831, v0;
	_ =	sdelay $0x2  }
0x25c: {  	v1 =	vadd.s32 $0x19F0A0, v1  }
0x25d: {  	[tilespmem:$0x15C0] =	vst v1  }
0x25e: {  	v1 =	vld.idx.msk [tilespmem:v2+s3+$0x0], $0xffff;
	_ =	sdelay $0x1  }
0x25f: {  	v2 =	vadd.s32 $0x9D1, v0;
	_ =	sdelay $0x2  }
0x260: {  	v1 =	vadd.s32 $0x19F0A0, v1  }
0x261: {  	[tilespmem:$0x15D0] =	vst v1  }
0x262: {  	v1 =	vld.idx.msk [tilespmem:v2+s3+$0x0], $0xffff;
	_ =	sdelay $0x1  }
0x263: {  	v2 =	vadd.s32 $0xB71, v0;
	_ =	sdelay $0x2  }
0x264: {  	v1 =	vadd.s32 $0x19F0A0, v1  }
0x265: {  	[tilespmem:$0x15E0] =	vst v1  }
0x266: {  	v1 =	vld.idx.msk [tilespmem:v2+s3+$0x0], $0xffff;
	_ =	sdelay $0x2  }
0x267: {  	v2 =	vadd.s32 $0x12, v0;
	_ =	sdelay $0x1  }
0x268: {  	v1 =	vadd.s32 $0x19F0A0, v1  }
0x269: {  	[tilespmem:$0x15F0] =	vst v1  }
0x26a: {  	[tilespmem:s13], [sflag:$0x1] =	stream.indirect.gather [hbm4b:s1+s6], $0x1, s12, s6, $0xb8;
	[tilespmem:$0x2E00] =	vst v63  }
0x26b: {  	v1 =	vld.idx.msk [tilespmem:v2+s3+$0x0], $0xffff;
	_ =	sdelay $0x1  }
0x26c: {  	v2 =	vadd.s32 $0x1B2, v0;
	_ =	sdelay $0x2  }
0x26d: {  	v1 =	vadd.s32 $0x1B7740, v1  }
0x26e: {  	[tilespmem:$0x1600] =	vst v1  }
0x26f: {  	v1 =	vld.idx.msk [tilespmem:v2+s3+$0x0], $0xffff;
	_ =	sdelay $0x1  }
0x270: {  	v2 =	vadd.s32 $0x352, v0;
	_ =	sdelay $0x2  }
0x271: {  	v1 =	vadd.s32 $0x1B7740, v1  }
0x272: {  	[tilespmem:$0x1610] =	vst v1  }
0x273: {  	v1 =	vld.idx.msk [tilespmem:v2+s3+$0x0], $0xffff;
	_ =	sdelay $0x1  }
0x274: {  	v2 =	vadd.s32 $0x4F2, v0;
	_ =	sdelay $0x2  }
0x275: {  	v1 =	vadd.s32 $0x1B7740, v1  }
0x276: {  	[tilespmem:$0x1620] =	vst v1  }
0x277: {  	v1 =	vld.idx.msk [tilespmem:v2+s3+$0x0], $0xffff;
	_ =	sdelay $0x1  }
0x278: {  	v2 =	vadd.s32 $0x692, v0;
	_ =	sdelay $0x2  }
0x279: {  	v1 =	vadd.s32 $0x1B7740, v1  }
0x27a: {  	[tilespmem:$0x1630] =	vst v1  }
0x27b: {  	v1 =	vld.idx.msk [tilespmem:v2+s3+$0x0], $0xffff;
	_ =	sdelay $0x1  }
0x27c: {  	v2 =	vadd.s32 $0x832, v0;
	_ =	sdelay $0x2  }
0x27d: {  	v1 =	vadd.s32 $0x1B7740, v1  }
0x27e: {  	[tilespmem:$0x1640] =	vst v1  }
0x27f: {  	v1 =	vld.idx.msk [tilespmem:v2+s3+$0x0], $0xffff;
	_ =	sdelay $0x1  }
0x280: {  	v2 =	vadd.s32 $0x9D2, v0;
	_ =	sdelay $0x2  }
0x281: {  	v1 =	vadd.s32 $0x1B7740, v1  }
0x282: {  	[tilespmem:$0x1650] =	vst v1  }
0x283: {  	v1 =	vld.idx.msk [tilespmem:v2+s3+$0x0], $0xffff;
	_ =	sdelay $0x1  }
0x284: {  	v2 =	vadd.s32 $0xB72, v0;
	_ =	sdelay $0x2  }
0x285: {  	v1 =	vadd.s32 $0x1B7740, v1  }
0x286: {  	[tilespmem:$0x1660] =	vst v1  }
0x287: {  	v1 =	vld.idx.msk [tilespmem:v2+s3+$0x0], $0xffff;
	_ =	sdelay $0x2  }
0x288: {  	v2 =	vadd.s32 $0x13, v0;
	_ =	sdelay $0x1  }
0x289: {  	v1 =	vadd.s32 $0x1B7740, v1  }
0x28a: {  	[tilespmem:$0x1670] =	vst v1  }
0x28b: {  	[tilespmem:s15], [sflag:$0x1] =	stream.indirect.gather [hbm4b:s1+s6], $0x1, s14, s6, $0xb8;
	[tilespmem:$0x2E00] =	vst v63  }
0x28c: {  	v1 =	vld.idx.msk [tilespmem:v2+s3+$0x0], $0xffff;
	_ =	sdelay $0x1  }
0x28d: {  	v2 =	vadd.s32 $0x1B3, v0;
	_ =	sdelay $0x2  }
0x28e: {  	v1 =	vadd.s32 $0x1CFDE0, v1  }
0x28f: {  	[tilespmem:$0x1680] =	vst v1  }
0x290: {  	v1 =	vld.idx.msk [tilespmem:v2+s3+$0x0], $0xffff;
	_ =	sdelay $0x1  }
0x291: {  	v2 =	vadd.s32 $0x353, v0;
	_ =	sdelay $0x2  }
0x292: {  	v1 =	vadd.s32 $0x1CFDE0, v1  }
0x293: {  	[tilespmem:$0x1690] =	vst v1  }
0x294: {  	v1 =	vld.idx.msk [tilespmem:v2+s3+$0x0], $0xffff;
	_ =	sdelay $0x1  }
0x295: {  	v2 =	vadd.s32 $0x4F3, v0;
	_ =	sdelay $0x2  }
0x296: {  	v1 =	vadd.s32 $0x1CFDE0, v1  }
0x297: {  	[tilespmem:$0x16A0] =	vst v1  }
0x298: {  	v1 =	vld.idx.msk [tilespmem:v2+s3+$0x0], $0xffff;
	_ =	sdelay $0x1  }
0x299: {  	v2 =	vadd.s32 $0x693, v0;
	_ =	sdelay $0x2  }
0x29a: {  	v1 =	vadd.s32 $0x1CFDE0, v1  }
0x29b: {  	[tilespmem:$0x16B0] =	vst v1  }
0x29c: {  	v1 =	vld.idx.msk [tilespmem:v2+s3+$0x0], $0xffff;
	_ =	sdelay $0x1  }
0x29d: {  	v2 =	vadd.s32 $0x833, v0;
	_ =	sdelay $0x2  }
0x29e: {  	v1 =	vadd.s32 $0x1CFDE0, v1  }
0x29f: {  	[tilespmem:$0x16C0] =	vst v1  }
0x2a0: {  	v1 =	vld.idx.msk [tilespmem:v2+s3+$0x0], $0xffff;
	_ =	sdelay $0x1  }
0x2a1: {  	v2 =	vadd.s32 $0x9D3, v0;
	_ =	sdelay $0x2  }
0x2a2: {  	v1 =	vadd.s32 $0x1CFDE0, v1  }
0x2a3: {  	[tilespmem:$0x16D0] =	vst v1  }
0x2a4: {  	v1 =	vld.idx.msk [tilespmem:v2+s3+$0x0], $0xffff;
	_ =	sdelay $0x1  }
0x2a5: {  	v2 =	vadd.s32 $0xB73, v0;
	_ =	sdelay $0x2  }
0x2a6: {  	v1 =	vadd.s32 $0x1CFDE0, v1  }
0x2a7: {  	[tilespmem:$0x16E0] =	vst v1  }
0x2a8: {  	v1 =	vld.idx.msk [tilespmem:v2+s3+$0x0], $0xffff;
	_ =	sdelay $0x2  }
0x2a9: {  	v2 =	vadd.s32 $0x14, v0;
	_ =	sdelay $0x1  }
0x2aa: {  	v1 =	vadd.s32 $0x1CFDE0, v1  }
0x2ab: {  	[tilespmem:$0x16F0] =	vst v1  }
0x2ac: {  	[tilespmem:s17], [sflag:$0x1] =	stream.indirect.gather [hbm4b:s1+s6], $0x1, s16, s6, $0xb8;
	[tilespmem:$0x2E00] =	vst v63  }
0x2ad: {  	v1 =	vld.idx.msk [tilespmem:v2+s3+$0x0], $0xffff;
	_ =	sdelay $0x1  }
0x2ae: {  	v2 =	vadd.s32 $0x1B4, v0;
	_ =	sdelay $0x2  }
0x2af: {  	v1 =	vadd.s32 $0x1E8480, v1  }
0x2b0: {  	[tilespmem:$0x1700] =	vst v1  }
0x2b1: {  	v1 =	vld.idx.msk [tilespmem:v2+s3+$0x0], $0xffff;
	_ =	sdelay $0x1  }
0x2b2: {  	v2 =	vadd.s32 $0x354, v0;
	_ =	sdelay $0x2  }
0x2b3: {  	v1 =	vadd.s32 $0x1E8480, v1  }
0x2b4: {  	[tilespmem:$0x1710] =	vst v1  }
0x2b5: {  	v1 =	vld.idx.msk [tilespmem:v2+s3+$0x0], $0xffff;
	_ =	sdelay $0x1  }
0x2b6: {  	v2 =	vadd.s32 $0x4F4, v0;
	_ =	sdelay $0x2  }
0x2b7: {  	v1 =	vadd.s32 $0x1E8480, v1  }
0x2b8: {  	[tilespmem:$0x1720] =	vst v1  }
0x2b9: {  	v1 =	vld.idx.msk [tilespmem:v2+s3+$0x0], $0xffff;
	_ =	sdelay $0x1  }
0x2ba: {  	v2 =	vadd.s32 $0x694, v0;
	_ =	sdelay $0x2  }
0x2bb: {  	v1 =	vadd.s32 $0x1E8480, v1  }
0x2bc: {  	[tilespmem:$0x1730] =	vst v1  }
0x2bd: {  	v1 =	vld.idx.msk [tilespmem:v2+s3+$0x0], $0xffff;
	_ =	sdelay $0x1  }
0x2be: {  	v2 =	vadd.s32 $0x834, v0;
	_ =	sdelay $0x2  }
0x2bf: {  	v1 =	vadd.s32 $0x1E8480, v1  }
0x2c0: {  	[tilespmem:$0x1740] =	vst v1  }
0x2c1: {  	v1 =	vld.idx.msk [tilespmem:v2+s3+$0x0], $0xffff;
	_ =	sdelay $0x1  }
0x2c2: {  	v2 =	vadd.s32 $0x9D4, v0;
	_ =	sdelay $0x2  }
0x2c3: {  	v1 =	vadd.s32 $0x1E8480, v1  }
0x2c4: {  	[tilespmem:$0x1750] =	vst v1  }
0x2c5: {  	v1 =	vld.idx.msk [tilespmem:v2+s3+$0x0], $0xffff;
	_ =	sdelay $0x1  }
0x2c6: {  	v2 =	vadd.s32 $0xB74, v0;
	_ =	sdelay $0x2  }
0x2c7: {  	v1 =	vadd.s32 $0x1E8480, v1  }
0x2c8: {  	[tilespmem:$0x1760] =	vst v1  }
0x2c9: {  	v1 =	vld.idx.msk [tilespmem:v2+s3+$0x0], $0xffff;
	_ =	sdelay $0x2  }
0x2ca: {  	v2 =	vadd.s32 $0x15, v0;
	_ =	sdelay $0x1  }
0x2cb: {  	v1 =	vadd.s32 $0x1E8480, v1  }
0x2cc: {  	[tilespmem:$0x1770] =	vst v1  }
0x2cd: {  	[tilespmem:s19], [sflag:$0x1] =	stream.indirect.gather [hbm4b:s1+s6], $0x1, s18, s6, $0xb8;
	[tilespmem:$0x2E00] =	vst v63  }
0x2ce: {  	v1 =	vld.idx.msk [tilespmem:v2+s3+$0x0], $0xffff;
	_ =	sdelay $0x1  }
0x2cf: {  	v2 =	vadd.s32 $0x1B5, v0;
	_ =	sdelay $0x2  }
0x2d0: {  	v1 =	vadd.s32 $0x200B20, v1  }
0x2d1: {  	[tilespmem:$0x1780] =	vst v1  }
0x2d2: {  	v1 =	vld.idx.msk [tilespmem:v2+s3+$0x0], $0xffff;
	_ =	sdelay $0x1  }
0x2d3: {  	v2 =	vadd.s32 $0x355, v0;
	_ =	sdelay $0x2  }
0x2d4: {  	v1 =	vadd.s32 $0x200B20, v1  }
0x2d5: {  	[tilespmem:$0x1790] =	vst v1  }
0x2d6: {  	v1 =	vld.idx.msk [tilespmem:v2+s3+$0x0], $0xffff;
	_ =	sdelay $0x1  }
0x2d7: {  	v2 =	vadd.s32 $0x4F5, v0;
	_ =	sdelay $0x2  }
0x2d8: {  	v1 =	vadd.s32 $0x200B20, v1  }
0x2d9: {  	[tilespmem:$0x17A0] =	vst v1  }
0x2da: {  	v1 =	vld.idx.msk [tilespmem:v2+s3+$0x0], $0xffff;
	_ =	sdelay $0x1  }
0x2db: {  	v2 =	vadd.s32 $0x695, v0;
	_ =	sdelay $0x2  }
0x2dc: {  	v1 =	vadd.s32 $0x200B20, v1  }
0x2dd: {  	[tilespmem:$0x17B0] =	vst v1  }
0x2de: {  	v1 =	vld.idx.msk [tilespmem:v2+s3+$0x0], $0xffff;
	_ =	sdelay $0x1  }
0x2df: {  	v2 =	vadd.s32 $0x835, v0;
	_ =	sdelay $0x2  }
0x2e0: {  	v1 =	vadd.s32 $0x200B20, v1  }
0x2e1: {  	[tilespmem:$0x17C0] =	vst v1  }
0x2e2: {  	v1 =	vld.idx.msk [tilespmem:v2+s3+$0x0], $0xffff;
	_ =	sdelay $0x1  }
0x2e3: {  	v2 =	vadd.s32 $0x9D5, v0;
	_ =	sdelay $0x2  }
0x2e4: {  	v1 =	vadd.s32 $0x200B20, v1  }
0x2e5: {  	[tilespmem:$0x17D0] =	vst v1  }
0x2e6: {  	v1 =	vld.idx.msk [tilespmem:v2+s3+$0x0], $0xffff;
	_ =	sdelay $0x1  }
0x2e7: {  	v2 =	vadd.s32 $0xB75, v0;
	_ =	sdelay $0x2  }
0x2e8: {  	v1 =	vadd.s32 $0x200B20, v1  }
0x2e9: {  	[tilespmem:$0x17E0] =	vst v1  }
0x2ea: {  	v1 =	vld.idx.msk [tilespmem:v2+s3+$0x0], $0xffff;
	_ =	sdelay $0x2  }
0x2eb: {  	v2 =	vadd.s32 $0x16, v0;
	_ =	sdelay $0x1  }
0x2ec: {  	v1 =	vadd.s32 $0x200B20, v1  }
0x2ed: {  	[tilespmem:$0x17F0] =	vst v1  }
0x2ee: {  	[tilespmem:s21], [sflag:$0x1] =	stream.indirect.gather [hbm4b:s1+s6], $0x1, s20, s6, $0xb8;
	[tilespmem:$0x2E00] =	vst v63  }
0x2ef: {  	v1 =	vld.idx.msk [tilespmem:v2+s3+$0x0], $0xffff;
	_ =	sdelay $0x1  }
0x2f0: {  	v2 =	vadd.s32 $0x1B6, v0;
	_ =	sdelay $0x2  }
0x2f1: {  	v1 =	vadd.s32 $0x2191C0, v1  }
0x2f2: {  	[tilespmem:$0x1800] =	vst v1  }
0x2f3: {  	v1 =	vld.idx.msk [tilespmem:v2+s3+$0x0], $0xffff;
	_ =	sdelay $0x1  }
0x2f4: {  	v2 =	vadd.s32 $0x356, v0;
	_ =	sdelay $0x2  }
0x2f5: {  	v1 =	vadd.s32 $0x2191C0, v1  }
0x2f6: {  	[tilespmem:$0x1810] =	vst v1  }
0x2f7: {  	v1 =	vld.idx.msk [tilespmem:v2+s3+$0x0], $0xffff;
	_ =	sdelay $0x1  }
0x2f8: {  	v2 =	vadd.s32 $0x4F6, v0;
	_ =	sdelay $0x2  }
0x2f9: {  	v1 =	vadd.s32 $0x2191C0, v1  }
0x2fa: {  	[tilespmem:$0x1820] =	vst v1  }
0x2fb: {  	v1 =	vld.idx.msk [tilespmem:v2+s3+$0x0], $0xffff;
	_ =	sdelay $0x1  }
0x2fc: {  	v2 =	vadd.s32 $0x696, v0;
	_ =	sdelay $0x2  }
0x2fd: {  	v1 =	vadd.s32 $0x2191C0, v1  }
0x2fe: {  	[tilespmem:$0x1830] =	vst v1  }
0x2ff: {  	v1 =	vld.idx.msk [tilespmem:v2+s3+$0x0], $0xffff;
	_ =	sdelay $0x1  }
0x300: {  	v2 =	vadd.s32 $0x836, v0;
	_ =	sdelay $0x2  }
0x301: {  	v1 =	vadd.s32 $0x2191C0, v1  }
0x302: {  	[tilespmem:$0x1840] =	vst v1  }
0x303: {  	v1 =	vld.idx.msk [tilespmem:v2+s3+$0x0], $0xffff;
	_ =	sdelay $0x1  }
0x304: {  	v2 =	vadd.s32 $0x9D6, v0;
	_ =	sdelay $0x2  }
0x305: {  	v1 =	vadd.s32 $0x2191C0, v1  }
0x306: {  	[tilespmem:$0x1850] =	vst v1  }
0x307: {  	v1 =	vld.idx.msk [tilespmem:v2+s3+$0x0], $0xffff;
	_ =	sdelay $0x1  }
0x308: {  	v2 =	vadd.s32 $0xB76, v0;
	_ =	sdelay $0x2  }
0x309: {  	v1 =	vadd.s32 $0x2191C0, v1  }
0x30a: {  	[tilespmem:$0x1860] =	vst v1  }
0x30b: {  	v1 =	vld.idx.msk [tilespmem:v2+s3+$0x0], $0xffff;
	_ =	sdelay $0x2  }
0x30c: {  	v2 =	vadd.s32 $0x17, v0;
	_ =	sdelay $0x1  }
0x30d: {  	v1 =	vadd.s32 $0x2191C0, v1  }
0x30e: {  	[tilespmem:$0x1870] =	vst v1  }
0x30f: {  	[tilespmem:s23], [sflag:$0x1] =	stream.indirect.gather [hbm4b:s1+s6], $0x1, s22, s6, $0xb8;
	[tilespmem:$0x2E00] =	vst v63  }
0x310: {  	v1 =	vld.idx.msk [tilespmem:v2+s3+$0x0], $0xffff;
	_ =	sdelay $0x1  }
0x311: {  	v2 =	vadd.s32 $0x1B7, v0;
	_ =	sdelay $0x2  }
0x312: {  	v1 =	vadd.s32 $0x231860, v1  }
0x313: {  	[tilespmem:$0x1880] =	vst v1  }
0x314: {  	v1 =	vld.idx.msk [tilespmem:v2+s3+$0x0], $0xffff;
	_ =	sdelay $0x1  }
0x315: {  	v2 =	vadd.s32 $0x357, v0;
	_ =	sdelay $0x2  }
0x316: {  	v1 =	vadd.s32 $0x231860, v1  }
0x317: {  	[tilespmem:$0x1890] =	vst v1  }
0x318: {  	v1 =	vld.idx.msk [tilespmem:v2+s3+$0x0], $0xffff;
	_ =	sdelay $0x1  }
0x319: {  	v2 =	vadd.s32 $0x4F7, v0;
	_ =	sdelay $0x2  }
0x31a: {  	v1 =	vadd.s32 $0x231860, v1  }
0x31b: {  	[tilespmem:$0x18A0] =	vst v1  }
0x31c: {  	v1 =	vld.idx.msk [tilespmem:v2+s3+$0x0], $0xffff;
	_ =	sdelay $0x1  }
0x31d: {  	v2 =	vadd.s32 $0x697, v0;
	_ =	sdelay $0x2  }
0x31e: {  	v1 =	vadd.s32 $0x231860, v1  }
0x31f: {  	[tilespmem:$0x18B0] =	vst v1  }
0x320: {  	v1 =	vld.idx.msk [tilespmem:v2+s3+$0x0], $0xffff;
	_ =	sdelay $0x1  }
0x321: {  	v2 =	vadd.s32 $0x837, v0;
	_ =	sdelay $0x2  }
0x322: {  	v1 =	vadd.s32 $0x231860, v1  }
0x323: {  	[tilespmem:$0x18C0] =	vst v1  }
0x324: {  	v1 =	vld.idx.msk [tilespmem:v2+s3+$0x0], $0xffff;
	_ =	sdelay $0x1  }
0x325: {  	v2 =	vadd.s32 $0x9D7, v0;
	_ =	sdelay $0x2  }
0x326: {  	v1 =	vadd.s32 $0x231860, v1  }
0x327: {  	[tilespmem:$0x18D0] =	vst v1  }
0x328: {  	v1 =	vld.idx.msk [tilespmem:v2+s3+$0x0], $0xffff;
	_ =	sdelay $0x1  }
0x329: {  	v2 =	vadd.s32 $0xB77, v0;
	_ =	sdelay $0x2  }
0x32a: {  	v1 =	vadd.s32 $0x231860, v1  }
0x32b: {  	[tilespmem:$0x18E0] =	vst v1  }
0x32c: {  	v1 =	vld.idx.msk [tilespmem:v2+s3+$0x0], $0xffff;
	_ =	sdelay $0x2  }
0x32d: {  	v2 =	vadd.s32 $0x18, v0;
	_ =	sdelay $0x1  }
0x32e: {  	v1 =	vadd.s32 $0x231860, v1  }
0x32f: {  	[tilespmem:$0x18F0] =	vst v1  }
0x330: {  	[tilespmem:s25], [sflag:$0x1] =	stream.indirect.gather [hbm4b:s1+s6], $0x1, s24, s6, $0xb8;
	[tilespmem:$0x2E00] =	vst v63  }
0x331: {  	v1 =	vld.idx.msk [tilespmem:v2+s3+$0x0], $0xffff;
	_ =	sdelay $0x1  }
0x332: {  	v2 =	vadd.s32 $0x1B8, v0;
	_ =	sdelay $0x2  }
0x333: {  	v1 =	vadd.s32 $0x249F00, v1  }
0x334: {  	[tilespmem:$0x1900] =	vst v1  }
0x335: {  	v1 =	vld.idx.msk [tilespmem:v2+s3+$0x0], $0xffff;
	_ =	sdelay $0x1  }
0x336: {  	v2 =	vadd.s32 $0x358, v0;
	_ =	sdelay $0x2  }
0x337: {  	v1 =	vadd.s32 $0x249F00, v1  }
0x338: {  	[tilespmem:$0x1910] =	vst v1  }
0x339: {  	v1 =	vld.idx.msk [tilespmem:v2+s3+$0x0], $0xffff;
	_ =	sdelay $0x1  }
0x33a: {  	v2 =	vadd.s32 $0x4F8, v0;
	_ =	sdelay $0x2  }
0x33b: {  	v1 =	vadd.s32 $0x249F00, v1  }
0x33c: {  	[tilespmem:$0x1920] =	vst v1  }
0x33d: {  	v1 =	vld.idx.msk [tilespmem:v2+s3+$0x0], $0xffff;
	_ =	sdelay $0x1  }
0x33e: {  	v2 =	vadd.s32 $0x698, v0;
	_ =	sdelay $0x2  }
0x33f: {  	v1 =	vadd.s32 $0x249F00, v1  }
0x340: {  	[tilespmem:$0x1930] =	vst v1  }
0x341: {  	v1 =	vld.idx.msk [tilespmem:v2+s3+$0x0], $0xffff;
	_ =	sdelay $0x1  }
0x342: {  	v2 =	vadd.s32 $0x838, v0;
	_ =	sdelay $0x2  }
0x343: {  	v1 =	vadd.s32 $0x249F00, v1  }
0x344: {  	[tilespmem:$0x1940] =	vst v1  }
0x345: {  	v1 =	vld.idx.msk [tilespmem:v2+s3+$0x0], $0xffff;
	_ =	sdelay $0x1  }
0x346: {  	v2 =	vadd.s32 $0x9D8, v0;
	_ =	sdelay $0x2  }
0x347: {  	v1 =	vadd.s32 $0x249F00, v1  }
0x348: {  	[tilespmem:$0x1950] =	vst v1  }
0x349: {  	v1 =	vld.idx.msk [tilespmem:v2+s3+$0x0], $0xffff;
	_ =	sdelay $0x1  }
0x34a: {  	v2 =	vadd.s32 $0xB78, v0;
	_ =	sdelay $0x2  }
0x34b: {  	v1 =	vadd.s32 $0x249F00, v1  }
0x34c: {  	[tilespmem:$0x1960] =	vst v1  }
0x34d: {  	v1 =	vld.idx.msk [tilespmem:v2+s3+$0x0], $0xffff;
	_ =	sdelay $0x2  }
0x34e: {  	v2 =	vadd.s32 $0x19, v0;
	_ =	sdelay $0x1  }
0x34f: {  	v1 =	vadd.s32 $0x249F00, v1  }
0x350: {  	[tilespmem:$0x1970] =	vst v1  }
0x351: {  	[tilespmem:s28], [sflag:$0x1] =	stream.indirect.gather [hbm4b:s1+s6], $0x1, s26, s6, $0xb8;
	[tilespmem:$0x2E00] =	vst v63  }
0x352: {  	v1 =	vld.idx.msk [tilespmem:v2+s3+$0x0], $0xffff;
	_ =	sdelay $0x1  }
0x353: {  	v2 =	vadd.s32 $0x1B9, v0;
	_ =	sdelay $0x2  }
0x354: {  	v1 =	vadd.s32 $0x2625A0, v1  }
0x355: {  	[tilespmem:$0x1980] =	vst v1  }
0x356: {  	v1 =	vld.idx.msk [tilespmem:v2+s3+$0x0], $0xffff;
	_ =	sdelay $0x1  }
0x357: {  	v2 =	vadd.s32 $0x359, v0;
	_ =	sdelay $0x2  }
0x358: {  	v1 =	vadd.s32 $0x2625A0, v1  }
0x359: {  	[tilespmem:$0x1990] =	vst v1  }
0x35a: {  	v1 =	vld.idx.msk [tilespmem:v2+s3+$0x0], $0xffff;
	_ =	sdelay $0x1  }
0x35b: {  	v2 =	vadd.s32 $0x4F9, v0;
	_ =	sdelay $0x2  }
0x35c: {  	v1 =	vadd.s32 $0x2625A0, v1  }
0x35d: {  	[tilespmem:$0x19A0] =	vst v1  }
0x35e: {  	v1 =	vld.idx.msk [tilespmem:v2+s3+$0x0], $0xffff;
	_ =	sdelay $0x1  }
0x35f: {  	v2 =	vadd.s32 $0x699, v0;
	_ =	sdelay $0x2  }
0x360: {  	v1 =	vadd.s32 $0x2625A0, v1  }
0x361: {  	[tilespmem:$0x19B0] =	vst v1  }
0x362: {  	v1 =	vld.idx.msk [tilespmem:v2+s3+$0x0], $0xffff;
	_ =	sdelay $0x1  }
0x363: {  	v2 =	vadd.s32 $0x839, v0;
	_ =	sdelay $0x2  }
0x364: {  	v1 =	vadd.s32 $0x2625A0, v1  }
0x365: {  	[tilespmem:$0x19C0] =	vst v1  }
0x366: {  	v1 =	vld.idx.msk [tilespmem:v2+s3+$0x0], $0xffff;
	_ =	sdelay $0x1  }
0x367: {  	v2 =	vadd.s32 $0x9D9, v0;
	_ =	sdelay $0x2  }
0x368: {  	v1 =	vadd.s32 $0x2625A0, v1  }
0x369: {  	[tilespmem:$0x19D0] =	vst v1  }
0x36a: {  	v1 =	vld.idx.msk [tilespmem:v2+s3+$0x0], $0xffff;
	_ =	sdelay $0x1  }
0x36b: {  	v2 =	vadd.s32 $0xB79, v0;
	_ =	sdelay $0x2  }
0x36c: {  	v1 =	vadd.s32 $0x2625A0, v1  }
0x36d: {  	[tilespmem:$0x19E0] =	vst v1  }
0x36e: {  	v1 =	vld.idx.msk [tilespmem:v2+s3+$0x0], $0xffff;
	_ =	sdelay $0x4  }
0x36f: {  	v1 =	vadd.s32 $0x2625A0, v1  }
0x370: {  	[tilespmem:$0x19F0] =	vst v1  }
0x371: {  	[tilespmem:s30], [sflag:$0x1] =	stream.indirect.gather [hbm4b:s1+s6], $0x1, s29, s6, $0xb8;
	[tilespmem:$0x2E00] =	vst v63  }
0x372: {  	_ =	swait.ge [sflag:s31], $0x80  }
0x373: {  	[sflag:s31] =	ssyncset.done $0x0  }
0x374: {  	[sflag:s31] =	ssyncadd.s32 $0xFFFFFF80  }
0x375: {  	_ =	swait.ge [sflag:s31], $0x80  }
0x376: {  	[sflag:s31] =	ssyncset.done $0x0  }
0x377: {  	[sflag:s31] =	ssyncadd.s32 $0xFFFFFF80  }
0x378: {  	_ =	swait.ge [sflag:s31], $0x80  }
0x379: {  	[sflag:s31] =	ssyncset.done $0x0  }
0x37a: {  	[sflag:s31] =	ssyncadd.s32 $0xFFFFFF80  }
0x37b: {  	_ =	swait.ge [sflag:s31], $0x80  }
0x37c: {  	[sflag:s31] =	ssyncset.done $0x0  }
0x37d: {  	[sflag:s31] =	ssyncadd.s32 $0xFFFFFF80  }
0x37e: {  	_ =	swait.ge [sflag:s31], $0x80  }
0x37f: {  	[sflag:s31] =	ssyncset.done $0x0  }
0x380: {  	[sflag:s31] =	ssyncadd.s32 $0xFFFFFF80  }
0x381: {  	_ =	swait.ge [sflag:s31], $0x80  }
0x382: {  	[sflag:s31] =	ssyncset.done $0x0  }
0x383: {  	[sflag:s31] =	ssyncadd.s32 $0xFFFFFF80  }
0x384: {  	_ =	swait.ge [sflag:s31], $0x80  }
0x385: {  	[sflag:s31] =	ssyncset.done $0x0  }
0x386: {  	[sflag:s31] =	ssyncadd.s32 $0xFFFFFF80  }
0x387: {  	_ =	swait.ge [sflag:s31], $0x80  }
0x388: {  	[sflag:s31] =	ssyncset.done $0x0  }
0x389: {  	[sflag:s31] =	ssyncadd.s32 $0xFFFFFF80  }
0x38a: {  	_ =	swait.ge [sflag:s31], $0x80  }
0x38b: {  	[sflag:s31] =	ssyncset.done $0x0  }
0x38c: {  	[sflag:s31] =	ssyncadd.s32 $0xFFFFFF80  }
0x38d: {  	_ =	swait.ge [sflag:s31], $0x80  }
0x38e: {  	[sflag:s31] =	ssyncset.done $0x0  }
0x38f: {  	[sflag:s31] =	ssyncadd.s32 $0xFFFFFF80  }
0x390: {  	_ =	swait.ge [sflag:s31], $0x80  }
0x391: {  	[sflag:s31] =	ssyncset.done $0x0  }
0x392: {  	[sflag:s31] =	ssyncadd.s32 $0xFFFFFF80  }
0x393: {  	_ =	swait.ge [sflag:s31], $0x80  }
0x394: {  	[sflag:s31] =	ssyncset.done $0x0  }
0x395: {  	[sflag:s31] =	ssyncadd.s32 $0xFFFFFF80  }
0x396: {  	_ =	swait.ge [sflag:s31], $0x80  }
0x397: {  	[sflag:s31] =	ssyncset.done $0x0  }
0x398: {  	[sflag:s31] =	ssyncadd.s32 $0xFFFFFF80  }
0x399: {  	_ =	swait.ge [sflag:s31], $0x80  }
0x39a: {  	[sflag:s31] =	ssyncset.done $0x0  }
0x39b: {  	[sflag:s31] =	ssyncadd.s32 $0xFFFFFF80  }
0x39c: {  	_ =	swait.ge [sflag:s31], $0x80  }
0x39d: {  	[sflag:s31] =	ssyncset.done $0x0  }
0x39e: {  	[sflag:s31] =	ssyncadd.s32 $0xFFFFFF80  }
0x39f: {  	_ =	swait.ge [sflag:s31], $0x80  }
0x3a0: {  	[sflag:s31] =	ssyncset.done $0x0  }
0x3a1: {  	[sflag:s31] =	ssyncadd.s32 $0xFFFFFF80  }
0x3a2: {  	_ =	swait.ge [sflag:s31], $0x80  }
0x3a3: {  	[sflag:s31] =	ssyncset.done $0x0  }
0x3a4: {  	[sflag:s31] =	ssyncadd.s32 $0xFFFFFF80  }
0x3a5: {  	_ =	swait.ge [sflag:s31], $0x80  }
0x3a6: {  	[sflag:s31] =	ssyncset.done $0x0  }
0x3a7: {  	[sflag:s31] =	ssyncadd.s32 $0xFFFFFF80  }
0x3a8: {  	_ =	swait.ge [sflag:s31], $0x80  }
0x3a9: {  	[sflag:s31] =	ssyncset.done $0x0  }
0x3aa: {  	[sflag:s31] =	ssyncadd.s32 $0xFFFFFF80  }
0x3ab: {  	_ =	swait.ge [sflag:s31], $0x80  }
0x3ac: {  	[sflag:s31] =	ssyncset.done $0x0  }
0x3ad: {  	[sflag:s31] =	ssyncadd.s32 $0xFFFFFF80  }
0x3ae: {  	_ =	swait.ge [sflag:s31], $0x80  }
0x3af: {  	[sflag:s31] =	ssyncset.done $0x0  }
0x3b0: {  	[sflag:s31] =	ssyncadd.s32 $0xFFFFFF80  }
0x3b1: {  	_ =	swait.ge [sflag:s31], $0x80  }
0x3b2: {  	[sflag:s31] =	ssyncset.done $0x0  }
0x3b3: {  	[sflag:s31] =	ssyncadd.s32 $0xFFFFFF80  }
0x3b4: {  	_ =	swait.ge [sflag:s31], $0x80  }
0x3b5: {  	[sflag:s31] =	ssyncset.done $0x0  }
0x3b6: {  	[sflag:s31] =	ssyncadd.s32 $0xFFFFFF80  }
0x3b7: {  	_ =	swait.ge [sflag:s31], $0x80  }
0x3b8: {  	[sflag:s31] =	ssyncset.done $0x0  }
0x3b9: {  	[sflag:s31] =	ssyncadd.s32 $0xFFFFFF80  }
0x3ba: {  	_ =	swait.ge [sflag:s31], $0x80  }
0x3bb: {  	[sflag:s31] =	ssyncset.done $0x0  }
0x3bc: {  	[sflag:s31] =	ssyncadd.s32 $0xFFFFFF80  }
0x3bd: {  	_ =	swait.ge [sflag:s31], $0x80  }
0x3be: {  	[sflag:s31] =	ssyncset.done $0x0  }
0x3bf: {  	[sflag:s31] =	ssyncadd.s32 $0xFFFFFF80  }
0x3c0: {  	v2 =	vld [tilespmem:$0x2D80]  }
0x3c1: {  	v6 =	vld [tilespmem:$0x1D00]  }
0x3c2: {  	v7 =	vld [tilespmem:$0x1D80]  }
0x3c3: {  	v9 =	vld [tilespmem:$0x1E00]  }
0x3c4: {  	v10 =	vld [tilespmem:$0x1E80]  }
0x3c5: {  	v12 =	vld [tilespmem:$0x1F00]  }
0x3c6: {  	v13 =	vld [tilespmem:$0x1F80]  }
0x3c7: {  	v15 =	vld [tilespmem:$0x2000]  }
0x3c8: {  	v17 =	vld [tilespmem:$0x2080]  }
0x3c9: {  	v21 =	vld [tilespmem:$0x2100]  }
0x3ca: {  	v25 =	vld [tilespmem:$0x2180]  }
0x3cb: {  	v29 =	vld [tilespmem:$0x2200]  }
0x3cc: {  	v1 =	vld [tilespmem:$0x2780]  }
0x3cd: {  	v43 =	vld [tilespmem:$0x2280]  }
0x3ce: {  	v44 =	vld [tilespmem:$0x2300]  }
0x3cf: {  	v45 =	vld [tilespmem:$0x2380]  }
0x3d0: {  	v46 =	vld [tilespmem:$0x2400]  }
0x3d1: {  	[tilespmem:$0x1FAD0] =	vst v1;
	v1 =	vld [tilespmem:$0x2800]  }
0x3d2: {  	v47 =	vld [tilespmem:$0x2480]  }
0x3d3: {  	v48 =	vld [tilespmem:$0x2500]  }
0x3d4: {  	v49 =	vld [tilespmem:$0x2580]  }
0x3d5: {  	v42 =	vld [tilespmem:$0x2600]  }
0x3d6: {  	[tilespmem:$0x1FAE0] =	vst v1;
	v1 =	vld [tilespmem:$0x2880]  }
0x3d7: {  	v38 =	vld [tilespmem:$0x2680]  }
0x3d8: {  	v34 =	vld [tilespmem:$0x2700]  }
0x3d9: {  	v32 =	vld [tilespmem:$0x1D10]  }
0x3da: {  	v37 =	vld [tilespmem:$0x1D90]  }
0x3db: {  	[tilespmem:$0x1FAF0] =	vst v1;
	v1 =	vld [tilespmem:$0x2900]  }
0x3dc: {  	v40 =	vld [tilespmem:$0x1E10]  }
0x3dd: {  	v50 =	vld [tilespmem:$0x1E90]  }
0x3de: {  	v51 =	vld [tilespmem:$0x1F10]  }
0x3df: {  	v52 =	vld [tilespmem:$0x1F90]  }
0x3e0: {  	[tilespmem:$0x1FB00] =	vst v1;
	v1 =	vld [tilespmem:$0x2980]  }
0x3e1: {  	v53 =	vld [tilespmem:$0x2010]  }
0x3e2: {  	v54 =	vld [tilespmem:$0x2090]  }
0x3e3: {  	v55 =	vld [tilespmem:$0x2110]  }
0x3e4: {  	v56 =	vld [tilespmem:$0x2190]  }
0x3e5: {  	[tilespmem:$0x1FB10] =	vst v1;
	v1 =	vld [tilespmem:$0x2710]  }
0x3e6: {  	v57 =	vld [tilespmem:$0x2210]  }
0x3e7: {  	v58 =	vld [tilespmem:$0x2290]  }
0x3e8: {  	v59 =	vld [tilespmem:$0x2310]  }
0x3e9: {  	v60 =	vld [tilespmem:$0x2390]  }
0x3ea: {  	[tilespmem:$0x1FB20] =	vst v1;
	v1 =	vld [tilespmem:$0x2790]  }
0x3eb: {  	v61 =	vld [tilespmem:$0x2410]  }
0x3ec: {  	v62 =	vld [tilespmem:$0x2490]  }
0x3ed: {  	v63 =	vld [tilespmem:$0x2510]  }
0x3ee: {  	v41 =	vld [tilespmem:$0x2590]  }
0x3ef: {  	[tilespmem:$0x1FB30] =	vst v1;
	v1 =	vld [tilespmem:$0x2810]  }
0x3f0: {  	v36 =	vld [tilespmem:$0x2610]  }
0x3f1: {  	v33 =	vld [tilespmem:$0x2690]  }
0x3f2: {  	v3 =	vld [tilespmem:$0x1D20]  }
0x3f3: {  	v4 =	vld [tilespmem:$0x1DA0]  }
0x3f4: {  	[tilespmem:$0x1FB40] =	vst v1;
	v1 =	vld [tilespmem:$0x2890]  }
0x3f5: {  	v5 =	vld [tilespmem:$0x1E20]  }
0x3f6: {  	v8 =	vld [tilespmem:$0x1EA0]  }
0x3f7: {  	v11 =	vld [tilespmem:$0x1F20]  }
0x3f8: {  	v14 =	vld [tilespmem:$0x1FA0]  }
0x3f9: {  	[tilespmem:$0x1FB60] =	vst v1;
	v1 =	vld [tilespmem:$0x2910]  }
0x3fa: {  	v16 =	vld [tilespmem:$0x2020]  }
0x3fb: {  	v18 =	vld [tilespmem:$0x20A0];
	v32 =	vadd.f32 v32, v2  }
0x3fc: {  	v20 =	vld [tilespmem:$0x2120]  }
0x3fd: {  	v22 =	vld [tilespmem:$0x21A0];
	v32 =	vadd.f32 v37, v32  }
0x3fe: {  	[tilespmem:$0x1FB80] =	vst v1;
	v1 =	vld [tilespmem:$0x2990]  }
0x3ff: {  	v24 =	vld [tilespmem:$0x2220];
	v32 =	vadd.f32 v40, v32  }
0x400: {  	v26 =	vld [tilespmem:$0x22A0]  }
0x401: {  	v27 =	vld [tilespmem:$0x2320];
	v32 =	vadd.f32 v50, v32  }
0x402: {  	v28 =	vld [tilespmem:$0x23A0]  }
0x403: {  	v50 =	vadd.f32 v51, v32;
	[tilespmem:$0x1FBA0] =	vst v1;
	v1 =	vld [tilespmem:$0x25A0]  }
0x404: {  	v31 =	vld [tilespmem:$0x2420]  }
0x405: {  	v39 =	vld [tilespmem:$0x24A0];
	v50 =	vadd.f32 v52, v50  }
0x406: {  	v30 =	vld [tilespmem:$0x2820]  }
0x407: {  	v19 =	vld [tilespmem:$0x28A0];
	v50 =	vadd.f32 v53, v50  }
0x408: {  	[tilespmem:$0x1FB50] =	vst v1;
	v1 =	vld [tilespmem:$0x2620]  }
0x409: {  	v23 =	vld [tilespmem:$0x2920];
	v3 =	vadd.f32 v3, v2;
	v54 =	vadd.f32 v54, v50  }
0x40a: {  	v35 =	vld [tilespmem:$0x2520]  }
0x40b: {  	[tilespmem:$0x1FBD0] =	vst v30;
	v30 =	vld [tilespmem:$0x29A0];
	v3 =	vadd.f32 v4, v3;
	v4 =	vadd.f32 v55, v54  }
0x40c: {  	[tilespmem:$0x1FBE0] =	vst v19;
	v19 =	vld [tilespmem:$0x1FB0]  }
0x40d: {  	v4 =	vadd.f32 v56, v4;
	[tilespmem:$0x1FB70] =	vst v1;
	v1 =	vld [tilespmem:$0x26A0]  }
0x40e: {  	[tilespmem:$0x1FBF0] =	vst v23;
	v23 =	vld [tilespmem:$0x20B0]  }
0x40f: {  	v37 =	vld [tilespmem:$0x21B0];
	v4 =	vadd.f32 v57, v4  }
0x410: {  	v40 =	vld [tilespmem:$0x23B0]  }
0x411: {  	[tilespmem:$0x1FC00] =	vst v30;
	v30 =	vld [tilespmem:$0x22B0];
	v4 =	vadd.f32 v58, v4  }
0x412: {  	[tilespmem:$0x1FB90] =	vst v1;
	v1 =	vld [tilespmem:$0x2720]  }
0x413: {  	v32 =	vld [tilespmem:$0x24B0];
	v4 =	vadd.f32 v59, v4  }
0x414: {  	v52 =	vld [tilespmem:$0x2630]  }
0x415: {  	v50 =	vld [tilespmem:$0x2830];
	v4 =	vadd.f32 v60, v4  }
0x416: {  	v54 =	vld [tilespmem:$0x20C0]  }
0x417: {  	v4 =	vadd.f32 v61, v4;
	[tilespmem:$0x1FBB0] =	vst v1;
	v1 =	vld [tilespmem:$0x27A0]  }
0x418: {  	v55 =	vld [tilespmem:$0x1FAE0]  }
0x419: {  	v56 =	vld [tilespmem:$0x1FAF0];
	v4 =	vadd.f32 v62, v4  }
0x41a: {  	v57 =	vld [tilespmem:$0x1FB00]  }
0x41b: {  	v58 =	vld [tilespmem:$0x1FB10];
	v4 =	vadd.f32 v63, v4  }
0x41c: {  	v59 =	vld [tilespmem:$0x1FB20];
	[tilespmem:$0x1FBC0] =	vst v1;
	v1 =	vadd.f32 v6, v2  }
0x41d: {  	v61 =	vld [tilespmem:$0x1FB30];
	v4 =	vadd.f32 v41, v4  }
0x41e: {  	v1 =	vadd.f32 v7, v1;
	v7 =	vld [tilespmem:$0x1D30]  }
0x41f: {  	v4 =	vadd.f32 v36, v4;
	v36 =	vld [tilespmem:$0x1D50]  }
0x420: {  	v1 =	vadd.f32 v9, v1;
	v9 =	vld [tilespmem:$0x1DB0]  }
0x421: {  	v4 =	vadd.f32 v33, v4;
	v33 =	vld [tilespmem:$0x26C0]  }
0x422: {  	v6 =	vld [tilespmem:$0x1E30];
	v1 =	vadd.f32 v10, v1  }
0x423: {  	v10 =	vld [tilespmem:$0x1EB0];
	v7 =	vadd.f32 v7, v2  }
0x424: {  	v1 =	vadd.f32 v12, v1;
	v12 =	vld [tilespmem:$0x1F30]  }
0x425: {  	v7 =	vadd.f32 v9, v7;
	v9 =	vld [tilespmem:$0x22C0]  }
0x426: {  	v1 =	vadd.f32 v13, v1;
	v13 =	vld [tilespmem:$0x2030]  }
0x427: {  	v6 =	vadd.f32 v6, v7;
	v7 =	vld [tilespmem:$0x23C0]  }
0x428: {  	v1 =	vadd.f32 v15, v1;
	v15 =	vld [tilespmem:$0x2130]  }
0x429: {  	v6 =	vadd.f32 v10, v6;
	v10 =	vld [tilespmem:$0x24C0]  }
0x42a: {  	v1 =	vadd.f32 v17, v1;
	v17 =	vld [tilespmem:$0x2230]  }
0x42b: {  	v6 =	vadd.f32 v12, v6;
	v12 =	vld [tilespmem:$0x25C0]  }
0x42c: {  	v1 =	vadd.f32 v21, v1;
	v21 =	vld [tilespmem:$0x2330]  }
0x42d: {  	v19 =	vadd.f32 v19, v6;
	v6 =	vld [tilespmem:$0x2740]  }
0x42e: {  	v25 =	vadd.f32 v25, v1;
	v1 =	vld [tilespmem:$0x2430]  }
0x42f: {  	v13 =	vadd.f32 v13, v19;
	v19 =	vld [tilespmem:$0x2940]  }
0x430: {  	v51 =	vadd.f32 v29, v25;
	v29 =	vld [tilespmem:$0x2530]  }
0x431: {  	v25 =	vld [tilespmem:$0x25B0];
	v13 =	vadd.f32 v23, v13  }
0x432: {  	v43 =	vadd.f32 v43, v51;
	v51 =	vld [tilespmem:$0x26B0]  }
0x433: {  	v13 =	vadd.f32 v15, v13;
	v15 =	vadd.f32 v36, v2;
	v36 =	vld [tilespmem:$0x21D0]  }
0x434: {  	v53 =	vadd.f32 v44, v43;
	v44 =	vld [tilespmem:$0x2730]  }
0x435: {  	v43 =	vld [tilespmem:$0x27B0];
	v13 =	vadd.f32 v37, v13  }
0x436: {  	v53 =	vadd.f32 v45, v53;
	v45 =	vld [tilespmem:$0x28B0]  }
0x437: {  	v13 =	vadd.f32 v17, v13;
	v17 =	vld [tilespmem:$0x1ED0]  }
0x438: {  	v46 =	vadd.f32 v46, v53;
	v53 =	vadd.f32 v5, v3;
	v5 =	vld [tilespmem:$0x2930]  }
0x439: {  	v3 =	vld [tilespmem:$0x29B0]  }
0x43a: {  	v13 =	vadd.f32 v30, v13;
	v46 =	vadd.f32 v47, v46;
	v47 =	vld [tilespmem:$0x1D40]  }
0x43b: {  	v8 =	vadd.f32 v8, v53;
	v53 =	vld [tilespmem:$0x1DC0]  }
0x43c: {  	v13 =	vadd.f32 v21, v13;
	v21 =	vld [tilespmem:$0x27D0]  }
0x43d: {  	v8 =	vadd.f32 v11, v8;
	v11 =	vld [tilespmem:$0x1E40]  }
0x43e: {  	v46 =	vadd.f32 v48, v46;
	v48 =	vld [tilespmem:$0x1EC0]  }
0x43f: {  	v13 =	vadd.f32 v40, v13;
	v40 =	vld [tilespmem:$0x1EE0]  }
0x440: {  	v46 =	vadd.f32 v49, v46;
	v8 =	vadd.f32 v14, v8;
	v14 =	vld [tilespmem:$0x1F40]  }
0x441: {  	v49 =	vld [tilespmem:$0x1FC0];
	v1 =	vadd.f32 v1, v13  }
0x442: {  	v42 =	vadd.f32 v42, v46;
	v8 =	vadd.f32 v16, v8;
	v46 =	vld [tilespmem:$0x2040]  }
0x443: {  	v1 =	vadd.f32 v32, v1;
	v32 =	vld [tilespmem:$0x25E0]  }
0x444: {  	v8 =	vadd.f32 v18, v8;
	v18 =	vld [tilespmem:$0x2140]  }
0x445: {  	v60 =	vadd.f32 v38, v42;
	v38 =	vld [tilespmem:$0x21C0]  }
0x446: {  	v42 =	vld [tilespmem:$0x1FAD0]  }
0x447: {  	v1 =	vadd.f32 v29, v1;
	v29 =	vld [tilespmem:$0x21F0]  }
0x448: {  	v8 =	vadd.f32 v20, v8;
	v20 =	vld [tilespmem:$0x2240]  }
0x449: {  	v16 =	vadd.f32 v34, v60;
	v34 =	vld [tilespmem:$0x2640];
	v60 =	vadd.f32 v47, v2  }
0x44a: {  	v47 =	vld [tilespmem:$0x1FB50];
	v8 =	vadd.f32 v22, v8  }
0x44b: {  	v22 =	vadd.f32 v59, v4;
	v4 =	vld [tilespmem:$0x27C0];
	v62 =	vadd.f32 v53, v60  }
0x44c: {  	v53 =	vld [tilespmem:$0x1E50];
	v16 =	vadd.f32 v42, v16;
	v8 =	vadd.f32 v24, v8  }
0x44d: {  	v1 =	vadd.f32 v25, v1;
	v59 =	vld [tilespmem:$0x1FD0]  }
0x44e: {  	v60 =	vld [tilespmem:$0x1FB90];
	v16 =	vadd.f32 v55, v16;
	v8 =	vadd.f32 v26, v8  }
0x44f: {  	v42 =	vld [tilespmem:$0x2340];
	v1 =	vadd.f32 v52, v1  }
0x450: {  	v52 =	vld [tilespmem:$0x1DF0];
	v16 =	vadd.f32 v56, v16;
	v8 =	vadd.f32 v27, v8  }
0x451: {  	v24 =	vld [tilespmem:$0x2840];
	v11 =	vadd.f32 v11, v62  }
0x452: {  	v62 =	vld [tilespmem:$0x1FBA0];
	v16 =	vadd.f32 v57, v16;
	v8 =	vadd.f32 v28, v8  }
0x453: {  	v55 =	vld [tilespmem:$0x2440]  }
0x454: {  	v26 =	vld [tilespmem:$0x2540];
	v16 =	vadd.f32 v58, v16;
	v8 =	vadd.f32 v31, v8  }
0x455: {  	v11 =	vadd.f32 v48, v11;
	v48 =	vld [tilespmem:$0x22D0]  }
0x456: {  	v63 =	vsub.f32 $0.0e+00, v16;
	v8 =	vadd.f32 v39, v8;
	v39 =	vld [tilespmem:$0x1FB40]  }
0x457: {  	v56 =	vld [tilespmem:$0x1FB60]  }
0x458: {  	v27 =	vadd.f32 v61, v22;
	v22 =	vld [tilespmem:$0x28C0];
	v11 =	vadd.f32 v14, v11;
	v41 =	vmul.f32 $1.442695020e+00, v63  }
0x459: {  	v14 =	vld [tilespmem:$0x1F50]  }
0x45a: {  	v11 =	vadd.f32 v49, v11;
	v58 =	vld [tilespmem:$0x1FB80];
	(erf) = vpow2.f32 v41  }
0x45b: {  	v57 =	vld [tilespmem:$0x1FB70];
	v23 =	vadd.f32 v39, v27  }
0x45c: {  	v28 =	vld [tilespmem:$0x1DD0];
	v11 =	vadd.f32 v46, v11;
	v8 =	vadd.f32 v35, v8  }
0x45d: {  	v61 =	vld [tilespmem:$0x2050];
	v23 =	vadd.f32 v56, v23  }
0x45e: {  	v46 =	vld [tilespmem:$0x2250];
	v11 =	vadd.f32 v54, v11;
	v8 =	vadd.f32 v47, v8  }
0x45f: {  	v39 =	vld [tilespmem:$0x1FBB0];
	v23 =	vadd.f32 v58, v23  }
0x460: {  	v31 =	vld [tilespmem:$0x2270];
	v11 =	vadd.f32 v18, v11;
	v8 =	vadd.f32 v57, v8  }
0x461: {  	v41 =	vld [tilespmem:$0x1FBC0];
	v47 =	vadd.f32 v28, v15;
	v23 =	vadd.f32 v62, v23  }
0x462: {  	v16 =	vld [tilespmem:$0x29C0];
	v11 =	vadd.f32 v38, v11;
	v8 =	vadd.f32 v60, v8  }
0x463: {  	v13 =	vadd.f32 v53, v47;
	v56 =	vld [tilespmem:$0x1FBD0];
	v49 =	vpop (erf);
	v23 =	vsub.f32 $0.0e+00, v23  }
0x464: {  	v54 =	vld [tilespmem:$0x2450];
	v8 =	vadd.f32 v39, v8;
	v28 =	vadd.f32 $1.000000000e+00, v49  }
0x465: {  	v11 =	vadd.f32 v20, v11;
	v57 =	vld [tilespmem:$0x1FBE0];
	v23 =	vmul.f32 $1.442695020e+00, v23  }
0x466: {  	v63 =	vld [tilespmem:$0x20D0];
	v13 =	vadd.f32 v17, v13;
	v8 =	vadd.f32 v41, v8;
	(erf) = vrcp.f32 v28  }
0x467: {  	v9 =	vadd.f32 v9, v11;
	v58 =	vld [tilespmem:$0x1FBF0];
	(erf) = vpow2.f32 v23  }
0x468: {  	v35 =	vld [tilespmem:$0x2150];
	v13 =	vadd.f32 v14, v13;
	v8 =	vadd.f32 v56, v8  }
0x469: {  	v60 =	vld [tilespmem:$0x1FC00];
	v9 =	vadd.f32 v42, v9  }
0x46a: {  	v13 =	vadd.f32 v59, v13;
	v59 =	vld [tilespmem:$0x1D60];
	v8 =	vadd.f32 v57, v8  }
0x46b: {  	v18 =	vld [tilespmem:$0x2350];
	v7 =	vadd.f32 v7, v9  }
0x46c: {  	v27 =	vld [tilespmem:$0x2750];
	v13 =	vadd.f32 v61, v13;
	v8 =	vadd.f32 v58, v8  }
0x46d: {  	v62 =	vld [tilespmem:$0x1DE0];
	v61 =	vadd.f32 v51, v1;
	v7 =	vadd.f32 v55, v7  }
0x46e: {  	v53 =	vld [tilespmem:$0x23D0];
	v13 =	vadd.f32 v63, v13;
	v8 =	vadd.f32 v60, v8  }
0x46f: {  	v28 =	vadd.f32 v44, v61;
	v63 =	vld [tilespmem:$0x1E60];
	v25 =	vadd.f32 v59, v2;
	v1 =	vpop (erf)  }
0x470: {  	v20 =	vld [tilespmem:$0x2550];
	v13 =	vadd.f32 v35, v13;
	v8 =	vsub.f32 $0.0e+00, v8;
	v38 =	vpop (erf)  }
0x471: {  	v47 =	vld [tilespmem:$0x29D0];
	v7 =	vadd.f32 v10, v7;
	v30 =	vadd.f32 $1.000000000e+00, v38  }
0x472: {  	v17 =	vld [tilespmem:$0x24D0];
	v9 =	vadd.f32 v62, v25;
	v13 =	vadd.f32 v36, v13;
	v8 =	vmul.f32 $1.442695020e+00, v8  }
0x473: {  	v42 =	vld [tilespmem:$0x1F60];
	v28 =	vadd.f32 v43, v28;
	v7 =	vadd.f32 v26, v7;
	(erf) = vrcp.f32 v30  }
0x474: {  	v11 =	vld [tilespmem:$0x2650];
	v9 =	vadd.f32 v63, v9;
	v43 =	vadd.f32 v46, v13;
	(erf) = vpow2.f32 v8  }
0x475: {  	v28 =	vadd.f32 v50, v28;
	v7 =	vadd.f32 v12, v7;
	v46 =	vld [tilespmem:$0x1FE0]  }
0x476: {  	v50 =	vld [tilespmem:$0x1D70];
	v9 =	vadd.f32 v40, v9;
	v8 =	vadd.f32 v48, v43  }
0x477: {  	v49 =	vld [tilespmem:$0x2060];
	v7 =	vadd.f32 v34, v7;
	v48 =	vadd.f32 v45, v28  }
0x478: {  	v14 =	vld [tilespmem:$0x25D0];
	v9 =	vadd.f32 v42, v9;
	v8 =	vadd.f32 v18, v8  }
0x479: {  	v51 =	vld [tilespmem:$0x20E0];
	v7 =	vadd.f32 v33, v7;
	v5 =	vadd.f32 v5, v48  }
0x47a: {  	v56 =	vld [tilespmem:$0x21E0];
	v9 =	vadd.f32 v46, v9;
	v8 =	vadd.f32 v53, v8  }
0x47b: {  	v2 =	vadd.f32 v50, v2;
	v5 =	vadd.f32 v3, v5;
	v53 =	vld [tilespmem:$0x2160]  }
0x47c: {  	v9 =	vadd.f32 v49, v9;
	v8 =	vadd.f32 v54, v8;
	v54 =	vld [tilespmem:$0x1E70];
	v3 =	vpop (erf)  }
0x47d: {  	v57 =	vld [tilespmem:$0x1EF0];
	v6 =	vadd.f32 v6, v7;
	v5 =	vsub.f32 $0.0e+00, v5;
	v55 =	vpop (erf)  }
0x47e: {  	v23 =	vld [tilespmem:$0x26D0];
	v9 =	vadd.f32 v51, v9;
	v28 =	vadd.f32 $1.000000000e+00, v55  }
0x47f: {  	v58 =	vld [tilespmem:$0x2260];
	v2 =	vadd.f32 v52, v2;
	v8 =	vadd.f32 v17, v8;
	v5 =	vmul.f32 $1.442695020e+00, v5  }
0x480: {  	v60 =	vld [tilespmem:$0x1F70];
	v4 =	vadd.f32 v4, v6;
	v59 =	vadd.f32 v53, v9;
	(erf) = vrcp.f32 v28  }
0x481: {  	v62 =	vld [tilespmem:$0x22E0];
	v61 =	vadd.f32 v20, v8;
	v2 =	vadd.f32 v54, v2;
	(erf) = vpow2.f32 v5  }
0x482: {  	v63 =	vld [tilespmem:$0x1FF0];
	v4 =	vadd.f32 v24, v4;
	v6 =	vadd.f32 v56, v59  }
0x483: {  	v17 =	vld [tilespmem:$0x2360];
	v5 =	vadd.f32 v14, v61;
	v2 =	vadd.f32 v57, v2  }
0x484: {  	v4 =	vadd.f32 v22, v4;
	v18 =	vld [tilespmem:$0x2070];
	v6 =	vadd.f32 v58, v6  }
0x485: {  	v20 =	vld [tilespmem:$0x23E0];
	v5 =	vadd.f32 v11, v5;
	v2 =	vadd.f32 v60, v2  }
0x486: {  	v22 =	vld [tilespmem:$0x20F0];
	v4 =	vadd.f32 v19, v4;
	v6 =	vadd.f32 v62, v6  }
0x487: {  	v5 =	vadd.f32 v23, v5;
	v2 =	vadd.f32 v63, v2;
	v23 =	vld [tilespmem:$0x2460]  }
0x488: {  	v24 =	vld [tilespmem:$0x2170];
	v4 =	vadd.f32 v16, v4;
	v6 =	vadd.f32 v17, v6  }
0x489: {  	v5 =	vadd.f32 v27, v5;
	v27 =	vld [tilespmem:$0x24E0];
	v2 =	vadd.f32 v18, v2;
	v26 =	vpop (erf)  }
0x48a: {  	v39 =	vld [tilespmem:$0x2850];
	v4 =	vsub.f32 $0.0e+00, v4;
	v6 =	vadd.f32 v20, v6;
	v28 =	vpop (erf)  }
0x48b: {  	v30 =	vld [tilespmem:$0x2560];
	v2 =	vadd.f32 v22, v2;
	v12 =	vadd.f32 $1.000000000e+00, v28  }
0x48c: {  	v41 =	vld [tilespmem:$0x28D0];
	v4 =	vmul.f32 $1.442695020e+00, v4;
	v6 =	vadd.f32 v23, v6  }
0x48d: {  	v44 =	vld [tilespmem:$0x2950];
	v5 =	vadd.f32 v21, v5;
	v2 =	vadd.f32 v24, v2;
	(erf) = vrcp.f32 v12  }
0x48e: {  	v34 =	vld [tilespmem:$0x22F0];
	v33 =	vadd.f32 v27, v6;
	(erf) = vpow2.f32 v4  }
0x48f: {  	v35 =	vld [tilespmem:$0x2660];
	v5 =	vadd.f32 v39, v5;
	v2 =	vadd.f32 v29, v2  }
0x490: {  	v36 =	vld [tilespmem:$0x2370];
	v4 =	vadd.f32 v30, v33  }
0x491: {  	v37 =	vld [tilespmem:$0x26E0];
	v5 =	vadd.f32 v41, v5;
	v2 =	vadd.f32 v31, v2  }
0x492: {  	v38 =	vld [tilespmem:$0x23F0];
	v4 =	vadd.f32 v32, v4  }
0x493: {  	v39 =	vld [tilespmem:$0x2760];
	v5 =	vadd.f32 v44, v5;
	v2 =	vadd.f32 v34, v2  }
0x494: {  	v40 =	vld [tilespmem:$0x2470];
	v4 =	vadd.f32 v35, v4  }
0x495: {  	v41 =	vld [tilespmem:$0x27E0];
	v5 =	vadd.f32 v47, v5;
	v2 =	vadd.f32 v36, v2  }
0x496: {  	v43 =	vld [tilespmem:$0x24F0];
	v4 =	vadd.f32 v37, v4;
	v42 =	vpop (erf)  }
0x497: {  	v45 =	vld [tilespmem:$0x2860];
	v5 =	vsub.f32 $0.0e+00, v5;
	v2 =	vadd.f32 v38, v2;
	v44 =	vpop (erf)  }
0x498: {  	v46 =	vld [tilespmem:$0x2570];
	v4 =	vadd.f32 v39, v4;
	v10 =	vadd.f32 $1.000000000e+00, v44  }
0x499: {  	v47 =	vld [tilespmem:$0x28E0];
	v5 =	vmul.f32 $1.442695020e+00, v5;
	v2 =	vadd.f32 v40, v2  }
0x49a: {  	v48 =	vld [tilespmem:$0x25F0];
	v4 =	vadd.f32 v41, v4;
	(erf) = vrcp.f32 v10  }
0x49b: {  	v49 =	vld [tilespmem:$0x2960];
	v2 =	vadd.f32 v43, v2;
	(erf) = vpow2.f32 v5  }
0x49c: {  	v50 =	vld [tilespmem:$0x2670];
	v4 =	vadd.f32 v45, v4  }
0x49d: {  	v51 =	vld [tilespmem:$0x29E0];
	v2 =	vadd.f32 v46, v2  }
0x49e: {  	v52 =	vld [tilespmem:$0x26F0];
	v4 =	vadd.f32 v47, v4  }
0x49f: {  	v2 =	vadd.f32 v48, v2  }
0x4a0: {  	v53 =	vld [tilespmem:$0x2770];
	v4 =	vadd.f32 v49, v4  }
0x4a1: {  	v2 =	vadd.f32 v50, v2  }
0x4a2: {  	v54 =	vld [tilespmem:$0x27F0];
	v4 =	vadd.f32 v51, v4  }
0x4a3: {  	v2 =	vadd.f32 v52, v2;
	v55 =	vpop (erf)  }
0x4a4: {  	v57 =	vld [tilespmem:$0x2870];
	v4 =	vsub.f32 $0.0e+00, v4;
	v56 =	vpop (erf)  }
0x4a5: {  	v2 =	vadd.f32 v53, v2;
	v6 =	vadd.f32 $1.000000000e+00, v56  }
0x4a6: {  	v58 =	vld [tilespmem:$0x28F0];
	v4 =	vmul.f32 $1.442695020e+00, v4  }
0x4a7: {  	v2 =	vadd.f32 v54, v2;
	(erf) = vrcp.f32 v6  }
0x4a8: {  	v59 =	vld [tilespmem:$0x2970];
	(erf) = vpow2.f32 v4  }
0x4a9: {  	v2 =	vadd.f32 v57, v2  }
0x4aa: {  	v60 =	vld [tilespmem:$0x29F0]  }
0x4ab: {  	v2 =	vadd.f32 v58, v2;
	_ =	sdelay $0x1  }
0x4ac: {  	v2 =	vadd.f32 v59, v2;
	_ =	sdelay $0x1  }
0x4ad: {  	v2 =	vadd.f32 v60, v2  }
0x4ae: {  	v61 =	vpop (erf)  }
0x4af: {  	v2 =	vsub.f32 $0.0e+00, v2;
	v62 =	vpop (erf)  }
0x4b0: {  	v5 =	vadd.f32 $1.000000000e+00, v62  }
0x4b1: {  	v2 =	vmul.f32 $1.442695020e+00, v2  }
0x4b2: {  	(erf) = vrcp.f32 v5  }
0x4b3: {  	(erf) = vpow2.f32 v2;
	_ =	sdelay $0x7  }
0x4b4: {  	v2 =	vpop (erf)  }
0x4b5: {  	v63 =	vpop (erf)  }
0x4b6: {  	v5 =	vadd.f32 $1.000000000e+00, v63;
	_ =	sdelay $0x1  }
0x4b7: {  	(erf) = vrcp.f32 v5;
	_ =	sdelay $0x2  }
0x4b8: {  	[tilespmem:$0x2D00] =	vst v1  }
0x4b9: {  	[tilespmem:$0x2D10] =	vst v3  }
0x4ba: {  	[tilespmem:$0x2D20] =	vst v26  }
0x4bb: {  	[tilespmem:$0x2D30] =	vst v42  }
0x4bc: {  	[tilespmem:$0x2D40] =	vst v55  }
0x4bd: {  	[tilespmem:$0x2D50] =	vst v61  }
0x4be: {  	p0 =	sne.s32 s4, $0x1;
	[tilespmem:$0x2D60] =	vst v2;
	v1 =	vpop (erf)  }
.Ltmp0:
0x4bf: {  	s7 =	rddreg [dreg:$0x7];
	[tilespmem:$0x2D70] =	vst v1;
	(pc) =	sbr.rel @p0 .LBB2_1-.Ltmp0, $4  }
0x4c0: {  	[hbm4b:s7+s3] =	stream.linear.scatter [tilespmem:s2], [sflag:$0x2], $0x80, $0x38;
	[tilespmem:$0x2E00] =	vst v63  }
0x4c1: {  	_ =	swait.ge [sflag:s5], $0x80  }
0x4c2: {  	[sflag:s5] =	ssyncset.done $0x0  }
0x4c3: {  	s4 =	sadd.s32 $0xFFFFFFFF, s4;
	[sflag:s5] =	ssyncadd.s32 $0xFFFFFF80  }
0x4c4: {  	_ =	sfence.sel $0x180000  }
0x4c5: {  	[bflag:$0x0] =	sbarrier.arrive $0xFFFF  }
0x4c6: {  	_ =	strace $0x90000047  }
0x4c7: {  	s0 =	stileid.u32;
	[bflag:$0x2] =	sbarrier.arrive $0xFFFF  }
0x4c8: {  	p0 =	sne.s32 s0, $0x0;
	s0 =	rddreg [dreg:$0x4]  }
0x4c9: {  	s0 =	sadd.s32 @!p0 $0x100000, s0  }
0x4ca: {  	[sflag:s0] =	ssyncadd.tile.s32 @!p0 $0x1;
	_ =	shalt  }
.Lfunc_end2:
_tile_overlayer_lowered:
.L_overlay_start_2:
0x4cb: {  	(tag) =	ssettag $0x2  }
0x4cc: {  	s0 =	rddreg [dreg:$0x0];
	s2 =	stileid.u32  }
0x4cd: {  	s1 =	rddreg [dreg:$0x1];
	p0 =	sne.s32 s2, $0x0  }
0x4ce: {  	s3 =	rddreg [dreg:$0x2];
	[bflag:$0x3] =	sbarrier.arrive $0xFFFF;
	s2 =	simm.s32 @!p0 $0x1C02  }
0x4cf: {  	[timem:s3], [sflag:s2] =	dma.local @!p0 [hbm:s0], s1  }
0x4d0: {  	s0 =	simm.s32 @!p0 $0x2  }
0x4d1: {  	_ =	swait.ge @!p0 [sflag:s0], s1  }
0x4d2: {  	s1 =	ssub.s32 @!p0 $0x0, s1;
	[sflag:s0] =	ssyncset.done @!p0 $0x0  }
0x4d3: {  	[sflag:s0] =	ssyncadd.s32 @!p0 s1  }
0x4d4: {  	[bflag:$0x3] =	sbarrier.arrive $0xFFFF  }
0x4d5: {  	_ =	shalt  }

</sc_bundles>
